<compile_context>
chip_gen: v7x
topology: tpu7x:2x2x1
jax: 0.10.2.dev20260603
libtpu: 0.0.44.dev20260713+nightly
codegen_flags: <defaults>
</compile_context>

<pallas_src>
import functools

import jax
import jax.numpy as jnp
from jax.experimental import pallas as pl
from jax.experimental.pallas import tpu as pltpu
from jax.experimental.pallas import tpu_sc as plsc

_NUM_OLD = 500000
_D = 64
_L = 16
_NT = 32
_C = 128


def _iota():
    return jax.lax.broadcasted_iota(jnp.int32, (_L,), 0)


def kernel(x, old_W, new_W):
    B = x.shape[0]
    PT = B // _NT
    NG = PT // _L
    LIST = PT + _C + _L
    mesh = plsc.VectorSubcoreMesh(core_axis_name="core", subcore_axis_name="subcore")

    @functools.partial(
        pl.kernel,
        out_type=jax.ShapeDtypeStruct((B, _D), jnp.float32),
        mesh=mesh,
        scratch_types=[
            pltpu.VMEM((PT,), jnp.int32),
            pltpu.VMEM((LIST,), jnp.int32),
            pltpu.VMEM((LIST,), jnp.int32),
            pltpu.VMEM((2, _C), jnp.int32),
            pltpu.VMEM((2, _C), jnp.int32),
            pltpu.VMEM((2, _C, _D), jnp.float32),
            pltpu.SMEM((8,), jnp.int32),
            pltpu.SemaphoreType.DMA,
            pltpu.SemaphoreType.DMA,
            pltpu.SemaphoreType.DMA,
            pltpu.SemaphoreType.DMA,
        ],
        compiler_params=pltpu.CompilerParams(
            use_tc_tiling_on_sc=False, needs_layout_passes=False),
    )
    def run(x_hbm, oldw_hbm, neww_hbm, o_hbm,
            idx_ref, po_ref, pn_ref, srow_ref, spos_ref, rows_ref, cnt_ref,
            sg0, sg1, ss0, ss1):
        wid = jax.lax.axis_index("subcore") * 2 + jax.lax.axis_index("core")
        base = wid * PT
        sem_g = (sg0, sg1)
        sem_s = (ss0, ss1)

        pltpu.sync_copy(x_hbm.at[pl.ds(base, PT)], idx_ref)

        cnt_ref[0] = 0
        cnt_ref[1] = 0

        @pl.loop(0, NG)
        def _filter(g):
            v = idx_ref[pl.ds(g * _L, _L)]
            pos16 = _iota() + g * _L
            m = v < _NUM_OLD
            mi = m.astype(jnp.int32)
            incl = plsc.cumsum(mi)
            co = cnt_ref[0]
            plsc.store_scatter(po_ref, [incl - mi + co], pos16, mask=m)
            cnt_ref[0] = co + incl[_L - 1]
            ni = 1 - mi
            incl2 = plsc.cumsum(ni)
            cn = cnt_ref[1]
            plsc.store_scatter(pn_ref, [incl2 - ni + cn], pos16, mask=~m)
            cnt_ref[1] = cn + incl2[_L - 1]

        for s in range(2):
            lst = po_ref if s == 0 else pn_ref
            n = cnt_ref[s]

            @pl.when(n > 0)
            def _pad():
                last = plsc.load_gather(lst, [jnp.full((_L,), n - 1, jnp.int32)])
                for k in range(_C // _L):
                    plsc.store_scatter(lst, [_iota() + (n + k * _L)], last)

        def sweep(lst, table, row_off, which):
            def stage(c, par):
                o = c * _C
                for k in range(_C // _L):
                    ii = _iota() + (o + k * _L)
                    pv = plsc.load_gather(lst, [ii])
                    xv = plsc.load_gather(idx_ref, [pv])
                    srow_ref[par, pl.ds(k * _L, _L)] = xv - row_off
                    spos_ref[par, pl.ds(k * _L, _L)] = pv + base

            def g_copy(par):
                return pltpu.make_async_copy(
                    table.at[srow_ref.at[par]], rows_ref.at[par], sem_g[par])

            def s_copy(par):
                return pltpu.make_async_copy(
                    rows_ref.at[par], o_hbm.at[spos_ref.at[par]], sem_s[par])

            nch = (cnt_ref[which] + (_C - 1)) // _C

            @pl.when(nch > 0)
            def _go():
                stage(0, 0)
                g_copy(0).start()

                def body(c, _):
                    def step(par):
                        @pl.when(c >= 2)
                        def _():
                            s_copy(par).wait()
                        stage(c, par)
                        g_copy(par).start()
                        g_copy(1 - par).wait()
                        s_copy(1 - par).start()

                    @pl.when(c % 2 == 0)
                    def _():
                        step(0)

                    @pl.when(c % 2 == 1)
                    def _():
                        step(1)

                    return 0

                jax.lax.fori_loop(1, nch, body, 0)

                def fin(lp):
                    g_copy(lp).wait()
                    s_copy(lp).start()
                    @pl.when(nch >= 2)
                    def _():
                        s_copy(1 - lp).wait()
                    s_copy(lp).wait()

                lp = (nch - 1) % 2

                @pl.when(lp == 0)
                def _():
                    fin(0)

                @pl.when(lp == 1)
                def _():
                    fin(1)

        sweep(po_ref, oldw_hbm, 0, 0)
        plsc.subcore_barrier()
        sweep(pn_ref, neww_hbm, _NUM_OLD, 1)

    return run(x, old_W, new_W)

# --- scband reference (transcript-rebuilt; emitter-appended) ---
"""Pipeline reference for scband-embedding-wrapper-mask-22943715295249 (READ-ONLY COPY).

The authoritative reference and input builder live on the scoring server;
editing this copy changes nothing except your own understanding.
"""

import jax, jax.numpy as jnp
import numpy as np

NUM_OLD = 500000
NUM_TOTAL = 1000000
EMBED_DIM = 64
N_IDX = 819200


def setup_inputs(seed: int = 0) -> dict:
    key = jax.random.key(seed)
    k1, k2, k3 = jax.random.split(key, 3)
    x = jax.random.randint(k1, (N_IDX,), 0, NUM_TOTAL, dtype=jnp.int32)
    old_W = jax.random.normal(k2, (NUM_OLD, EMBED_DIM), dtype=jnp.float32)
    new_W = jax.random.normal(k3, (NUM_TOTAL - NUM_OLD, EMBED_DIM), dtype=jnp.float32)
    return {"x": x, "old_W": old_W, "new_W": new_W}


def reference(x, old_W, new_W):
    # Faithful translation of EmbeddingWrapperMask.forward:
    #   old_x_mask = x < num_old; new_x_mask = x >= num_old
    #   output[old_x_mask] = old_embedding(x[old_x_mask])
    #   output[new_x_mask] = new_embedding(x[new_x_mask] - num_old)
    # The masks partition the index set, so a per-row select over the two
    # gathered tables is exactly equivalent (jit-friendly, static shapes).
    old_mask = x < NUM_OLD
    safe_old = jnp.where(old_mask, x, 0)
    safe_new = jnp.where(~old_mask, x - NUM_OLD, 0)
    gathered_old = jnp.take(old_W, safe_old, axis=0)
    gathered_new = jnp.take(new_W, safe_new, axis=0)
    output = jnp.where(old_mask[:, None], gathered_old, gathered_new)
    return output

if __name__ == "__main__":
    import jax
    _d = setup_inputs()
    print(jax.jit(kernel)(*tuple(_d.values())))

</pallas_src>

<mosaic_0001>
#map = affine_map<(d0, d1) -> (0)>
#map1 = affine_map<(d0, d1) -> (0, 0)>
module attributes {stable_mosaic.version = 14 : i64} {
  func.func @run(%arg0: i32, %arg1: i32, %arg2: memref<819200xi32, #tpu.memory_space<hbm>>, %arg3: memref<500000x64xf32, #tpu.memory_space<hbm>>, %arg4: memref<500000x64xf32, #tpu.memory_space<hbm>>, %arg5: memref<819200x64xf32, #tpu.memory_space<hbm>>, %arg6: memref<25600xi32, #tpu.memory_space<vmem>>, %arg7: memref<25744xi32, #tpu.memory_space<vmem>>, %arg8: memref<25744xi32, #tpu.memory_space<vmem>>, %arg9: memref<2x128xi32, #tpu.memory_space<vmem>>, %arg10: memref<2x128xi32, #tpu.memory_space<vmem>>, %arg11: memref<2x128x64xf32, #tpu.memory_space<vmem>>, %arg12: memref<8xi32, #tpu.memory_space<smem>>, %arg13: memref<!tpu.dma_semaphore, #tpu.memory_space<semaphore_mem>>, %arg14: memref<!tpu.dma_semaphore, #tpu.memory_space<semaphore_mem>>, %arg15: memref<!tpu.dma_semaphore, #tpu.memory_space<semaphore_mem>>, %arg16: memref<!tpu.dma_semaphore, #tpu.memory_space<semaphore_mem>>) attributes {dimension_semantics = [#tpu.dimension_semantics<core_parallel>, #tpu.dimension_semantics<subcore_parallel>], iteration_bounds = array<i64: 2, 16>, scalar_prefetch = 0 : i64, scratch_operands = 11 : i64, tpu.core_type = #tpu.core_type<sc_vector_subcore>, window_params = [{transform_indices = #map}, {transform_indices = #map1}, {transform_indices = #map1}, {transform_indices = #map1}]} {
    %mul3A = arith.constant 2 : i32
    %mul3A_0 = arith.muli %arg1, %mul3A : i32
    %add3A = arith.addi %mul3A_0, %arg0 : i32
    %mul3A_1 = arith.constant 25600 : i32
    %mul3A_2 = arith.muli %add3A, %mul3A_1 : i32
    "tpu.region"() ({
      %run_scoped3A = tpu.sem_alloc : memref<!tpu.dma_semaphore, #tpu.memory_space<semaphore_mem>>
      %dma_start3A = tpu.memref_slice %arg2[%mul3A_2] : memref<819200xi32, #tpu.memory_space<hbm>> -> memref<25600xi32, #tpu.memory_space<hbm>>
      %dma_start3A_86 = tpu.memref_slice %arg2[%mul3A_2] : memref<819200xi32, #tpu.memory_space<hbm>> -> memref<25600xi32, #tpu.memory_space<hbm>>
      tpu.enqueue_dma source(%dma_start3A_86 : memref<25600xi32, #tpu.memory_space<hbm>>) target(%arg6 : memref<25600xi32, #tpu.memory_space<vmem>>) target_semaphore(%run_scoped3A : memref<!tpu.dma_semaphore, #tpu.memory_space<semaphore_mem>>)
      %dma_wait3A = tpu.memref_slice %arg2[%mul3A_2] : memref<819200xi32, #tpu.memory_space<hbm>> -> memref<25600xi32, #tpu.memory_space<hbm>>
      %dma_wait3A_87 = tpu.memref_slice %arg2[%mul3A_2] : memref<819200xi32, #tpu.memory_space<hbm>> -> memref<25600xi32, #tpu.memory_space<hbm>>
      tpu.wait_dma2 semaphore(%run_scoped3A : memref<!tpu.dma_semaphore, #tpu.memory_space<semaphore_mem>>) src(%dma_wait3A_87 : memref<25600xi32, #tpu.memory_space<hbm>>) dst(%arg6 : memref<25600xi32, #tpu.memory_space<vmem>>)
      tpu.yield
    }) : () -> ()
    %swap3A = arith.constant 0 : i32
    %swap3A_3 = arith.constant 0 : i32
    %swap3A_4 = arith.index_cast %swap3A_3 : i32 to index
    %swap3A_5 = memref.load %arg12[%swap3A_4] : memref<8xi32, #tpu.memory_space<smem>>
    memref.store %swap3A, %arg12[%swap3A_4] : memref<8xi32, #tpu.memory_space<smem>>
    %swap3A_6 = arith.constant 0 : i32
    %swap3A_7 = arith.constant 1 : i32
    %swap3A_8 = arith.index_cast %swap3A_7 : i32 to index
    %swap3A_9 = memref.load %arg12[%swap3A_8] : memref<8xi32, #tpu.memory_space<smem>>
    memref.store %swap3A_6, %arg12[%swap3A_8] : memref<8xi32, #tpu.memory_space<smem>>
    %scan3A = arith.constant 0 : i32
    %scan3A_10 = arith.constant 1600 : i32
    %scan3A_11 = arith.addi %scan3A, %scan3A_10 : i32
    %scan3A_12 = arith.constant 1 : i32
    scf.for %scan3A_86 = %scan3A to %scan3A_11 step %scan3A_12  : i32 {
      %mul3A_87 = arith.constant 1 : i32
      %mul3A_88 = arith.muli %scan3A_86, %mul3A_87 : i32
      %add3A_89 = arith.constant 0 : i32
      %add3A_90 = arith.addi %add3A_89, %mul3A_88 : i32
      %mul3A_91 = arith.constant 16 : i32
      %mul3A_92 = arith.muli %add3A_90, %mul3A_91 : i32
      %get3A_93 = arith.index_cast %mul3A_92 : i32 to index
      %get3A_94 = tpu.vector_load %arg6[%get3A_93] {strides = array<i32>} : memref<25600xi32, #tpu.memory_space<vmem>>, vector<16xi32>,
      %iota3A = tpu.iota {dimensions = array<i32: 0>} : vector<16xi32>
      %mul3A_95 = arith.constant 16 : i32
      %mul3A_96 = arith.muli %add3A_90, %mul3A_95 : i32
      %add3A_97 = vector.broadcast %mul3A_96 : i32 to vector<16xi32>
      %add3A_98 = arith.addi %iota3A, %add3A_97 : vector<16xi32>
      %lt3A = arith.constant 500000 : i32
      %lt3A_99 = vector.broadcast %lt3A : i32 to vector<16xi32>
      %lt3A_100 = arith.cmpi slt, %get3A_94, %lt3A_99 : vector<16xi32>
      %convert_element_type3A_101 = arith.extui %lt3A_100 : vector<16xi1> to vector<16xi32>
      %broadcast_in_dim3A = arith.constant true
      %broadcast_in_dim3A_102 = vector.broadcast %broadcast_in_dim3A : i1 to vector<16xi1>
      %masked_cumsum3A = tpu.scan <sum>, %convert_element_type3A_101 masked %broadcast_in_dim3A_102 : vector<16xi32>, vector<16xi1> -> vector<16xi32>
      %get3A_103 = arith.constant 0 : i32
      %get3A_104 = arith.index_cast %get3A_103 : i32 to index
      %get3A_105 = memref.load %arg12[%get3A_104] : memref<8xi32, #tpu.memory_space<smem>>
      %sub3A_106 = arith.subi %masked_cumsum3A, %convert_element_type3A_101 : vector<16xi32>
      %add3A_107 = vector.broadcast %get3A_105 : i32 to vector<16xi32>
      %add3A_108 = arith.addi %sub3A_106, %add3A_107 : vector<16xi32>
      tpu.vector_store_idx %arg7[%add3A_108], %add3A_98 masked %lt3A_100 : memref<25744xi32, #tpu.memory_space<vmem>>[vector<16xi32>], vector<16xi32>, vector<16xi1>
      %slice3A = vector.extract_strided_slice %masked_cumsum3A {offsets = [15], sizes = [1], strides = [1]} : vector<16xi32> to vector<1xi32>
      %squeeze3A = vector.extract %slice3A[0] : i32 from vector<1xi32>
      %add3A_109 = arith.addi %get3A_105, %squeeze3A : i32
      %swap3A_110 = arith.constant 0 : i32
      %swap3A_111 = arith.index_cast %swap3A_110 : i32 to index
      %swap3A_112 = memref.load %arg12[%swap3A_111] : memref<8xi32, #tpu.memory_space<smem>>
      memref.store %add3A_109, %arg12[%swap3A_111] : memref<8xi32, #tpu.memory_space<smem>>
      %sub3A_113 = arith.constant 1 : i32
      %sub3A_114 = vector.broadcast %sub3A_113 : i32 to vector<16xi32>
      %sub3A_115 = arith.subi %sub3A_114, %convert_element_type3A_101 : vector<16xi32>
      %broadcast_in_dim3A_116 = arith.constant true
      %broadcast_in_dim3A_117 = vector.broadcast %broadcast_in_dim3A_116 : i1 to vector<16xi1>
      %masked_cumsum3A_118 = tpu.scan <sum>, %sub3A_115 masked %broadcast_in_dim3A_117 : vector<16xi32>, vector<16xi1> -> vector<16xi32>
      %get3A_119 = arith.constant 1 : i32
      %get3A_120 = arith.index_cast %get3A_119 : i32 to index
      %get3A_121 = memref.load %arg12[%get3A_120] : memref<8xi32, #tpu.memory_space<smem>>
      %sub3A_122 = arith.subi %masked_cumsum3A_118, %sub3A_115 : vector<16xi32>
      %add3A_123 = vector.broadcast %get3A_121 : i32 to vector<16xi32>
      %add3A_124 = arith.addi %sub3A_122, %add3A_123 : vector<16xi32>
      %not3A = arith.constant dense<true> : vector<16xi1>
      %not3A_125 = arith.xori %lt3A_100, %not3A : vector<16xi1>
      tpu.vector_store_idx %arg8[%add3A_124], %add3A_98 masked %not3A_125 : memref<25744xi32, #tpu.memory_space<vmem>>[vector<16xi32>], vector<16xi32>, vector<16xi1>
      %slice3A_126 = vector.extract_strided_slice %masked_cumsum3A_118 {offsets = [15], sizes = [1], strides = [1]} : vector<16xi32> to vector<1xi32>
      %squeeze3A_127 = vector.extract %slice3A_126[0] : i32 from vector<1xi32>
      %add3A_128 = arith.addi %get3A_121, %squeeze3A_127 : i32
      %swap3A_129 = arith.constant 1 : i32
      %swap3A_130 = arith.index_cast %swap3A_129 : i32 to index
      %swap3A_131 = memref.load %arg12[%swap3A_130] : memref<8xi32, #tpu.memory_space<smem>>
      memref.store %add3A_128, %arg12[%swap3A_130] : memref<8xi32, #tpu.memory_space<smem>>
    }
    %scan3A_13 = arith.constant 1600 : i32
    %get3A = arith.constant 0 : i32
    %get3A_14 = arith.index_cast %get3A : i32 to index
    %get3A_15 = memref.load %arg12[%get3A_14] : memref<8xi32, #tpu.memory_space<smem>>
    %gt3A = arith.constant 0 : i32
    %gt3A_16 = arith.cmpi sgt, %get3A_15, %gt3A : i32
    %convert_element_type3A = arith.extui %gt3A_16 : i1 to i32
    %cond3A = arith.constant 0 : i32
    %cond3A_17 = arith.cmpi ne, %convert_element_type3A, %cond3A : i32
    scf.if %cond3A_17 {
      %sub3A_86 = arith.constant 1 : i32
      %sub3A_87 = arith.subi %get3A_15, %sub3A_86 : i32
      %broadcast_in_dim3A = vector.broadcast %sub3A_87 : i32 to vector<16xi32>
      %gather3A = tpu.vector_load_idx %arg7[%broadcast_in_dim3A] : memref<25744xi32, #tpu.memory_space<vmem>>[vector<16xi32>], vector<16xi32>,
      %iota3A = tpu.iota {dimensions = array<i32: 0>} : vector<16xi32>
      %add3A_88 = arith.constant 0 : i32
      %add3A_89 = arith.addi %get3A_15, %add3A_88 : i32
      %add3A_90 = vector.broadcast %add3A_89 : i32 to vector<16xi32>
      %add3A_91 = arith.addi %iota3A, %add3A_90 : vector<16xi32>
      tpu.vector_store_idx %arg7[%add3A_91], %gather3A : memref<25744xi32, #tpu.memory_space<vmem>>[vector<16xi32>], vector<16xi32>,
      %iota3A_92 = tpu.iota {dimensions = array<i32: 0>} : vector<16xi32>
      %add3A_93 = arith.constant 16 : i32
      %add3A_94 = arith.addi %get3A_15, %add3A_93 : i32
      %add3A_95 = vector.broadcast %add3A_94 : i32 to vector<16xi32>
      %add3A_96 = arith.addi %iota3A_92, %add3A_95 : vector<16xi32>
      tpu.vector_store_idx %arg7[%add3A_96], %gather3A : memref<25744xi32, #tpu.memory_space<vmem>>[vector<16xi32>], vector<16xi32>,
      %iota3A_97 = tpu.iota {dimensions = array<i32: 0>} : vector<16xi32>
      %add3A_98 = arith.constant 32 : i32
      %add3A_99 = arith.addi %get3A_15, %add3A_98 : i32
      %add3A_100 = vector.broadcast %add3A_99 : i32 to vector<16xi32>
      %add3A_101 = arith.addi %iota3A_97, %add3A_100 : vector<16xi32>
      tpu.vector_store_idx %arg7[%add3A_101], %gather3A : memref<25744xi32, #tpu.memory_space<vmem>>[vector<16xi32>], vector<16xi32>,
      %iota3A_102 = tpu.iota {dimensions = array<i32: 0>} : vector<16xi32>
      %add3A_103 = arith.constant 48 : i32
      %add3A_104 = arith.addi %get3A_15, %add3A_103 : i32
      %add3A_105 = vector.broadcast %add3A_104 : i32 to vector<16xi32>
      %add3A_106 = arith.addi %iota3A_102, %add3A_105 : vector<16xi32>
      tpu.vector_store_idx %arg7[%add3A_106], %gather3A : memref<25744xi32, #tpu.memory_space<vmem>>[vector<16xi32>], vector<16xi32>,
      %iota3A_107 = tpu.iota {dimensions = array<i32: 0>} : vector<16xi32>
      %add3A_108 = arith.constant 64 : i32
      %add3A_109 = arith.addi %get3A_15, %add3A_108 : i32
      %add3A_110 = vector.broadcast %add3A_109 : i32 to vector<16xi32>
      %add3A_111 = arith.addi %iota3A_107, %add3A_110 : vector<16xi32>
      tpu.vector_store_idx %arg7[%add3A_111], %gather3A : memref<25744xi32, #tpu.memory_space<vmem>>[vector<16xi32>], vector<16xi32>,
      %iota3A_112 = tpu.iota {dimensions = array<i32: 0>} : vector<16xi32>
      %add3A_113 = arith.constant 80 : i32
      %add3A_114 = arith.addi %get3A_15, %add3A_113 : i32
      %add3A_115 = vector.broadcast %add3A_114 : i32 to vector<16xi32>
      %add3A_116 = arith.addi %iota3A_112, %add3A_115 : vector<16xi32>
      tpu.vector_store_idx %arg7[%add3A_116], %gather3A : memref<25744xi32, #tpu.memory_space<vmem>>[vector<16xi32>], vector<16xi32>,
      %iota3A_117 = tpu.iota {dimensions = array<i32: 0>} : vector<16xi32>
      %add3A_118 = arith.constant 96 : i32
      %add3A_119 = arith.addi %get3A_15, %add3A_118 : i32
      %add3A_120 = vector.broadcast %add3A_119 : i32 to vector<16xi32>
      %add3A_121 = arith.addi %iota3A_117, %add3A_120 : vector<16xi32>
      tpu.vector_store_idx %arg7[%add3A_121], %gather3A : memref<25744xi32, #tpu.memory_space<vmem>>[vector<16xi32>], vector<16xi32>,
      %iota3A_122 = tpu.iota {dimensions = array<i32: 0>} : vector<16xi32>
      %add3A_123 = arith.constant 112 : i32
      %add3A_124 = arith.addi %get3A_15, %add3A_123 : i32
      %add3A_125 = vector.broadcast %add3A_124 : i32 to vector<16xi32>
      %add3A_126 = arith.addi %iota3A_122, %add3A_125 : vector<16xi32>
      tpu.vector_store_idx %arg7[%add3A_126], %gather3A : memref<25744xi32, #tpu.memory_space<vmem>>[vector<16xi32>], vector<16xi32>,
    } else {
    }
    %get3A_18 = arith.constant 1 : i32
    %get3A_19 = arith.index_cast %get3A_18 : i32 to index
    %get3A_20 = memref.load %arg12[%get3A_19] : memref<8xi32, #tpu.memory_space<smem>>
    %gt3A_21 = arith.constant 0 : i32
    %gt3A_22 = arith.cmpi sgt, %get3A_20, %gt3A_21 : i32
    %convert_element_type3A_23 = arith.extui %gt3A_22 : i1 to i32
    %cond3A_24 = arith.constant 0 : i32
    %cond3A_25 = arith.cmpi ne, %convert_element_type3A_23, %cond3A_24 : i32
    scf.if %cond3A_25 {
      %sub3A_86 = arith.constant 1 : i32
      %sub3A_87 = arith.subi %get3A_20, %sub3A_86 : i32
      %broadcast_in_dim3A = vector.broadcast %sub3A_87 : i32 to vector<16xi32>
      %gather3A = tpu.vector_load_idx %arg8[%broadcast_in_dim3A] : memref<25744xi32, #tpu.memory_space<vmem>>[vector<16xi32>], vector<16xi32>,
      %iota3A = tpu.iota {dimensions = array<i32: 0>} : vector<16xi32>
      %add3A_88 = arith.constant 0 : i32
      %add3A_89 = arith.addi %get3A_20, %add3A_88 : i32
      %add3A_90 = vector.broadcast %add3A_89 : i32 to vector<16xi32>
      %add3A_91 = arith.addi %iota3A, %add3A_90 : vector<16xi32>
      tpu.vector_store_idx %arg8[%add3A_91], %gather3A : memref<25744xi32, #tpu.memory_space<vmem>>[vector<16xi32>], vector<16xi32>,
      %iota3A_92 = tpu.iota {dimensions = array<i32: 0>} : vector<16xi32>
      %add3A_93 = arith.constant 16 : i32
      %add3A_94 = arith.addi %get3A_20, %add3A_93 : i32
      %add3A_95 = vector.broadcast %add3A_94 : i32 to vector<16xi32>
      %add3A_96 = arith.addi %iota3A_92, %add3A_95 : vector<16xi32>
      tpu.vector_store_idx %arg8[%add3A_96], %gather3A : memref<25744xi32, #tpu.memory_space<vmem>>[vector<16xi32>], vector<16xi32>,
      %iota3A_97 = tpu.iota {dimensions = array<i32: 0>} : vector<16xi32>
      %add3A_98 = arith.constant 32 : i32
      %add3A_99 = arith.addi %get3A_20, %add3A_98 : i32
      %add3A_100 = vector.broadcast %add3A_99 : i32 to vector<16xi32>
      %add3A_101 = arith.addi %iota3A_97, %add3A_100 : vector<16xi32>
      tpu.vector_store_idx %arg8[%add3A_101], %gather3A : memref<25744xi32, #tpu.memory_space<vmem>>[vector<16xi32>], vector<16xi32>,
      %iota3A_102 = tpu.iota {dimensions = array<i32: 0>} : vector<16xi32>
      %add3A_103 = arith.constant 48 : i32
      %add3A_104 = arith.addi %get3A_20, %add3A_103 : i32
      %add3A_105 = vector.broadcast %add3A_104 : i32 to vector<16xi32>
      %add3A_106 = arith.addi %iota3A_102, %add3A_105 : vector<16xi32>
      tpu.vector_store_idx %arg8[%add3A_106], %gather3A : memref<25744xi32, #tpu.memory_space<vmem>>[vector<16xi32>], vector<16xi32>,
      %iota3A_107 = tpu.iota {dimensions = array<i32: 0>} : vector<16xi32>
      %add3A_108 = arith.constant 64 : i32
      %add3A_109 = arith.addi %get3A_20, %add3A_108 : i32
      %add3A_110 = vector.broadcast %add3A_109 : i32 to vector<16xi32>
      %add3A_111 = arith.addi %iota3A_107, %add3A_110 : vector<16xi32>
      tpu.vector_store_idx %arg8[%add3A_111], %gather3A : memref<25744xi32, #tpu.memory_space<vmem>>[vector<16xi32>], vector<16xi32>,
      %iota3A_112 = tpu.iota {dimensions = array<i32: 0>} : vector<16xi32>
      %add3A_113 = arith.constant 80 : i32
      %add3A_114 = arith.addi %get3A_20, %add3A_113 : i32
      %add3A_115 = vector.broadcast %add3A_114 : i32 to vector<16xi32>
      %add3A_116 = arith.addi %iota3A_112, %add3A_115 : vector<16xi32>
      tpu.vector_store_idx %arg8[%add3A_116], %gather3A : memref<25744xi32, #tpu.memory_space<vmem>>[vector<16xi32>], vector<16xi32>,
      %iota3A_117 = tpu.iota {dimensions = array<i32: 0>} : vector<16xi32>
      %add3A_118 = arith.constant 96 : i32
      %add3A_119 = arith.addi %get3A_20, %add3A_118 : i32
      %add3A_120 = vector.broadcast %add3A_119 : i32 to vector<16xi32>
      %add3A_121 = arith.addi %iota3A_117, %add3A_120 : vector<16xi32>
      tpu.vector_store_idx %arg8[%add3A_121], %gather3A : memref<25744xi32, #tpu.memory_space<vmem>>[vector<16xi32>], vector<16xi32>,
      %iota3A_122 = tpu.iota {dimensions = array<i32: 0>} : vector<16xi32>
      %add3A_123 = arith.constant 112 : i32
      %add3A_124 = arith.addi %get3A_20, %add3A_123 : i32
      %add3A_125 = vector.broadcast %add3A_124 : i32 to vector<16xi32>
      %add3A_126 = arith.addi %iota3A_122, %add3A_125 : vector<16xi32>
      tpu.vector_store_idx %arg8[%add3A_126], %gather3A : memref<25744xi32, #tpu.memory_space<vmem>>[vector<16xi32>], vector<16xi32>,
    } else {
    }
    %get3A_26 = arith.constant 0 : i32
    %get3A_27 = arith.index_cast %get3A_26 : i32 to index
    %get3A_28 = memref.load %arg12[%get3A_27] : memref<8xi32, #tpu.memory_space<smem>>
    %add3A_29 = arith.constant 127 : i32
    %add3A_30 = arith.addi %get3A_28, %add3A_29 : i32
    %jit3A = arith.constant 128 : i32
    %div3A = arith.divsi %add3A_30, %jit3A : i32
    %sign3A = arith.constant 0 : i32
    %sign3A_31 = arith.cmpi sgt, %add3A_30, %sign3A : i32
    %sign3A_32 = arith.extui %sign3A_31 : i1 to i32
    %sign3A_33 = arith.constant 0 : i32
    %sign3A_34 = arith.cmpi slt, %add3A_30, %sign3A_33 : i32
    %sign3A_35 = arith.extui %sign3A_34 : i1 to i32
    %sign3A_36 = arith.subi %sign3A_32, %sign3A_35 : i32
    %sign3A_37 = arith.constant 0 : i32
    %sign3A_38 = arith.cmpi sgt, %jit3A, %sign3A_37 : i32
    %sign3A_39 = arith.extui %sign3A_38 : i1 to i32
    %sign3A_40 = arith.constant 0 : i32
    %sign3A_41 = arith.cmpi slt, %jit3A, %sign3A_40 : i32
    %sign3A_42 = arith.extui %sign3A_41 : i1 to i32
    %sign3A_43 = arith.subi %sign3A_39, %sign3A_42 : i32
    %ne3A = arith.cmpi ne, %sign3A_36, %sign3A_43 : i32
    %rem3A = arith.remsi %add3A_30, %jit3A : i32
    %ne3A_44 = arith.constant 0 : i32
    %ne3A_45 = arith.cmpi ne, %rem3A, %ne3A_44 : i32
    %and3A = arith.andi %ne3A, %ne3A_45 : i1
    %sub3A = arith.constant 1 : i32
    %sub3A_46 = arith.subi %div3A, %sub3A : i32
    %select_n3A = arith.select %and3A, %sub3A_46, %div3A : i32
    %gt3A_47 = arith.constant 0 : i32
    %gt3A_48 = arith.cmpi sgt, %select_n3A, %gt3A_47 : i32
    %convert_element_type3A_49 = arith.extui %gt3A_48 : i1 to i32
    %cond3A_50 = arith.constant 0 : i32
    %cond3A_51 = arith.cmpi ne, %convert_element_type3A_49, %cond3A_50 : i32
    scf.if %cond3A_51 {
      %iota3A = tpu.iota {dimensions = array<i32: 0>} : vector<16xi32>
      %add3A_86 = arith.constant 0 : i32
      %add3A_87 = vector.broadcast %add3A_86 : i32 to vector<16xi32>
      %add3A_88 = arith.addi %iota3A, %add3A_87 : vector<16xi32>
      %gather3A = tpu.vector_load_idx %arg7[%add3A_88] : memref<25744xi32, #tpu.memory_space<vmem>>[vector<16xi32>], vector<16xi32>,
      %gather3A_89 = tpu.vector_load_idx %arg6[%gather3A] : memref<25600xi32, #tpu.memory_space<vmem>>[vector<16xi32>], vector<16xi32>,
      %sub3A_90 = arith.constant 0 : i32
      %sub3A_91 = vector.broadcast %sub3A_90 : i32 to vector<16xi32>
      %sub3A_92 = arith.subi %gather3A_89, %sub3A_91 : vector<16xi32>
      %swap3A_93 = arith.constant 0 : i32
      %swap3A_94 = arith.index_cast %swap3A_93 : i32 to index
      %swap3A_95 = arith.constant 0 : index
      %swap3A_96 = tpu.vector_load %arg9[%swap3A_94, %swap3A_95] {strides = array<i32>} : memref<2x128xi32, #tpu.memory_space<vmem>>, vector<16xi32>,
      tpu.vector_store %arg9[%swap3A_94, %swap3A_95], %sub3A_92 {strides = array<i32>} : memref<2x128xi32, #tpu.memory_space<vmem>>, vector<16xi32>,
      %add3A_97 = vector.broadcast %mul3A_2 : i32 to vector<16xi32>
      %add3A_98 = arith.addi %gather3A, %add3A_97 : vector<16xi32>
      %swap3A_99 = arith.constant 0 : i32
      %swap3A_100 = arith.index_cast %swap3A_99 : i32 to index
      %swap3A_101 = arith.constant 0 : index
      %swap3A_102 = tpu.vector_load %arg10[%swap3A_100, %swap3A_101] {strides = array<i32>} : memref<2x128xi32, #tpu.memory_space<vmem>>, vector<16xi32>,
      tpu.vector_store %arg10[%swap3A_100, %swap3A_101], %add3A_98 {strides = array<i32>} : memref<2x128xi32, #tpu.memory_space<vmem>>, vector<16xi32>,
      %iota3A_103 = tpu.iota {dimensions = array<i32: 0>} : vector<16xi32>
      %add3A_104 = arith.constant 16 : i32
      %add3A_105 = vector.broadcast %add3A_104 : i32 to vector<16xi32>
      %add3A_106 = arith.addi %iota3A_103, %add3A_105 : vector<16xi32>
      %gather3A_107 = tpu.vector_load_idx %arg7[%add3A_106] : memref<25744xi32, #tpu.memory_space<vmem>>[vector<16xi32>], vector<16xi32>,
      %gather3A_108 = tpu.vector_load_idx %arg6[%gather3A_107] : memref<25600xi32, #tpu.memory_space<vmem>>[vector<16xi32>], vector<16xi32>,
      %sub3A_109 = arith.constant 0 : i32
      %sub3A_110 = vector.broadcast %sub3A_109 : i32 to vector<16xi32>
      %sub3A_111 = arith.subi %gather3A_108, %sub3A_110 : vector<16xi32>
      %swap3A_112 = arith.constant 0 : i32
      %swap3A_113 = arith.index_cast %swap3A_112 : i32 to index
      %swap3A_114 = arith.constant 16 : index
      %swap3A_115 = tpu.vector_load %arg9[%swap3A_113, %swap3A_114] {strides = array<i32>} : memref<2x128xi32, #tpu.memory_space<vmem>>, vector<16xi32>,
      tpu.vector_store %arg9[%swap3A_113, %swap3A_114], %sub3A_111 {strides = array<i32>} : memref<2x128xi32, #tpu.memory_space<vmem>>, vector<16xi32>,
      %add3A_116 = vector.broadcast %mul3A_2 : i32 to vector<16xi32>
      %add3A_117 = arith.addi %gather3A_107, %add3A_116 : vector<16xi32>
      %swap3A_118 = arith.constant 0 : i32
      %swap3A_119 = arith.index_cast %swap3A_118 : i32 to index
      %swap3A_120 = arith.constant 16 : index
      %swap3A_121 = tpu.vector_load %arg10[%swap3A_119, %swap3A_120] {strides = array<i32>} : memref<2x128xi32, #tpu.memory_space<vmem>>, vector<16xi32>,
      tpu.vector_store %arg10[%swap3A_119, %swap3A_120], %add3A_117 {strides = array<i32>} : memref<2x128xi32, #tpu.memory_space<vmem>>, vector<16xi32>,
      %iota3A_122 = tpu.iota {dimensions = array<i32: 0>} : vector<16xi32>
      %add3A_123 = arith.constant 32 : i32
      %add3A_124 = vector.broadcast %add3A_123 : i32 to vector<16xi32>
      %add3A_125 = arith.addi %iota3A_122, %add3A_124 : vector<16xi32>
      %gather3A_126 = tpu.vector_load_idx %arg7[%add3A_125] : memref<25744xi32, #tpu.memory_space<vmem>>[vector<16xi32>], vector<16xi32>,
      %gather3A_127 = tpu.vector_load_idx %arg6[%gather3A_126] : memref<25600xi32, #tpu.memory_space<vmem>>[vector<16xi32>], vector<16xi32>,
      %sub3A_128 = arith.constant 0 : i32
      %sub3A_129 = vector.broadcast %sub3A_128 : i32 to vector<16xi32>
      %sub3A_130 = arith.subi %gather3A_127, %sub3A_129 : vector<16xi32>
      %swap3A_131 = arith.constant 0 : i32
      %swap3A_132 = arith.index_cast %swap3A_131 : i32 to index
      %swap3A_133 = arith.constant 32 : index
      %swap3A_134 = tpu.vector_load %arg9[%swap3A_132, %swap3A_133] {strides = array<i32>} : memref<2x128xi32, #tpu.memory_space<vmem>>, vector<16xi32>,
      tpu.vector_store %arg9[%swap3A_132, %swap3A_133], %sub3A_130 {strides = array<i32>} : memref<2x128xi32, #tpu.memory_space<vmem>>, vector<16xi32>,
      %add3A_135 = vector.broadcast %mul3A_2 : i32 to vector<16xi32>
      %add3A_136 = arith.addi %gather3A_126, %add3A_135 : vector<16xi32>
      %swap3A_137 = arith.constant 0 : i32
      %swap3A_138 = arith.index_cast %swap3A_137 : i32 to index
      %swap3A_139 = arith.constant 32 : index
      %swap3A_140 = tpu.vector_load %arg10[%swap3A_138, %swap3A_139] {strides = array<i32>} : memref<2x128xi32, #tpu.memory_space<vmem>>, vector<16xi32>,
      tpu.vector_store %arg10[%swap3A_138, %swap3A_139], %add3A_136 {strides = array<i32>} : memref<2x128xi32, #tpu.memory_space<vmem>>, vector<16xi32>,
      %iota3A_141 = tpu.iota {dimensions = array<i32: 0>} : vector<16xi32>
      %add3A_142 = arith.constant 48 : i32
      %add3A_143 = vector.broadcast %add3A_142 : i32 to vector<16xi32>
      %add3A_144 = arith.addi %iota3A_141, %add3A_143 : vector<16xi32>
      %gather3A_145 = tpu.vector_load_idx %arg7[%add3A_144] : memref<25744xi32, #tpu.memory_space<vmem>>[vector<16xi32>], vector<16xi32>,
      %gather3A_146 = tpu.vector_load_idx %arg6[%gather3A_145] : memref<25600xi32, #tpu.memory_space<vmem>>[vector<16xi32>], vector<16xi32>,
      %sub3A_147 = arith.constant 0 : i32
      %sub3A_148 = vector.broadcast %sub3A_147 : i32 to vector<16xi32>
      %sub3A_149 = arith.subi %gather3A_146, %sub3A_148 : vector<16xi32>
      %swap3A_150 = arith.constant 0 : i32
      %swap3A_151 = arith.index_cast %swap3A_150 : i32 to index
      %swap3A_152 = arith.constant 48 : index
      %swap3A_153 = tpu.vector_load %arg9[%swap3A_151, %swap3A_152] {strides = array<i32>} : memref<2x128xi32, #tpu.memory_space<vmem>>, vector<16xi32>,
      tpu.vector_store %arg9[%swap3A_151, %swap3A_152], %sub3A_149 {strides = array<i32>} : memref<2x128xi32, #tpu.memory_space<vmem>>, vector<16xi32>,
      %add3A_154 = vector.broadcast %mul3A_2 : i32 to vector<16xi32>
      %add3A_155 = arith.addi %gather3A_145, %add3A_154 : vector<16xi32>
      %swap3A_156 = arith.constant 0 : i32
      %swap3A_157 = arith.index_cast %swap3A_156 : i32 to index
      %swap3A_158 = arith.constant 48 : index
      %swap3A_159 = tpu.vector_load %arg10[%swap3A_157, %swap3A_158] {strides = array<i32>} : memref<2x128xi32, #tpu.memory_space<vmem>>, vector<16xi32>,
      tpu.vector_store %arg10[%swap3A_157, %swap3A_158], %add3A_155 {strides = array<i32>} : memref<2x128xi32, #tpu.memory_space<vmem>>, vector<16xi32>,
      %iota3A_160 = tpu.iota {dimensions = array<i32: 0>} : vector<16xi32>
      %add3A_161 = arith.constant 64 : i32
      %add3A_162 = vector.broadcast %add3A_161 : i32 to vector<16xi32>
      %add3A_163 = arith.addi %iota3A_160, %add3A_162 : vector<16xi32>
      %gather3A_164 = tpu.vector_load_idx %arg7[%add3A_163] : memref<25744xi32, #tpu.memory_space<vmem>>[vector<16xi32>], vector<16xi32>,
      %gather3A_165 = tpu.vector_load_idx %arg6[%gather3A_164] : memref<25600xi32, #tpu.memory_space<vmem>>[vector<16xi32>], vector<16xi32>,
      %sub3A_166 = arith.constant 0 : i32
      %sub3A_167 = vector.broadcast %sub3A_166 : i32 to vector<16xi32>
      %sub3A_168 = arith.subi %gather3A_165, %sub3A_167 : vector<16xi32>
      %swap3A_169 = arith.constant 0 : i32
      %swap3A_170 = arith.index_cast %swap3A_169 : i32 to index
      %swap3A_171 = arith.constant 64 : index
      %swap3A_172 = tpu.vector_load %arg9[%swap3A_170, %swap3A_171] {strides = array<i32>} : memref<2x128xi32, #tpu.memory_space<vmem>>, vector<16xi32>,
      tpu.vector_store %arg9[%swap3A_170, %swap3A_171], %sub3A_168 {strides = array<i32>} : memref<2x128xi32, #tpu.memory_space<vmem>>, vector<16xi32>,
      %add3A_173 = vector.broadcast %mul3A_2 : i32 to vector<16xi32>
      %add3A_174 = arith.addi %gather3A_164, %add3A_173 : vector<16xi32>
      %swap3A_175 = arith.constant 0 : i32
      %swap3A_176 = arith.index_cast %swap3A_175 : i32 to index
      %swap3A_177 = arith.constant 64 : index
      %swap3A_178 = tpu.vector_load %arg10[%swap3A_176, %swap3A_177] {strides = array<i32>} : memref<2x128xi32, #tpu.memory_space<vmem>>, vector<16xi32>,
      tpu.vector_store %arg10[%swap3A_176, %swap3A_177], %add3A_174 {strides = array<i32>} : memref<2x128xi32, #tpu.memory_space<vmem>>, vector<16xi32>,
      %iota3A_179 = tpu.iota {dimensions = array<i32: 0>} : vector<16xi32>
      %add3A_180 = arith.constant 80 : i32
      %add3A_181 = vector.broadcast %add3A_180 : i32 to vector<16xi32>
      %add3A_182 = arith.addi %iota3A_179, %add3A_181 : vector<16xi32>
      %gather3A_183 = tpu.vector_load_idx %arg7[%add3A_182] : memref<25744xi32, #tpu.memory_space<vmem>>[vector<16xi32>], vector<16xi32>,
      %gather3A_184 = tpu.vector_load_idx %arg6[%gather3A_183] : memref<25600xi32, #tpu.memory_space<vmem>>[vector<16xi32>], vector<16xi32>,
      %sub3A_185 = arith.constant 0 : i32
      %sub3A_186 = vector.broadcast %sub3A_185 : i32 to vector<16xi32>
      %sub3A_187 = arith.subi %gather3A_184, %sub3A_186 : vector<16xi32>
      %swap3A_188 = arith.constant 0 : i32
      %swap3A_189 = arith.index_cast %swap3A_188 : i32 to index
      %swap3A_190 = arith.constant 80 : index
      %swap3A_191 = tpu.vector_load %arg9[%swap3A_189, %swap3A_190] {strides = array<i32>} : memref<2x128xi32, #tpu.memory_space<vmem>>, vector<16xi32>,
      tpu.vector_store %arg9[%swap3A_189, %swap3A_190], %sub3A_187 {strides = array<i32>} : memref<2x128xi32, #tpu.memory_space<vmem>>, vector<16xi32>,
      %add3A_192 = vector.broadcast %mul3A_2 : i32 to vector<16xi32>
      %add3A_193 = arith.addi %gather3A_183, %add3A_192 : vector<16xi32>
      %swap3A_194 = arith.constant 0 : i32
      %swap3A_195 = arith.index_cast %swap3A_194 : i32 to index
      %swap3A_196 = arith.constant 80 : index
      %swap3A_197 = tpu.vector_load %arg10[%swap3A_195, %swap3A_196] {strides = array<i32>} : memref<2x128xi32, #tpu.memory_space<vmem>>, vector<16xi32>,
      tpu.vector_store %arg10[%swap3A_195, %swap3A_196], %add3A_193 {strides = array<i32>} : memref<2x128xi32, #tpu.memory_space<vmem>>, vector<16xi32>,
      %iota3A_198 = tpu.iota {dimensions = array<i32: 0>} : vector<16xi32>
      %add3A_199 = arith.constant 96 : i32
      %add3A_200 = vector.broadcast %add3A_199 : i32 to vector<16xi32>
      %add3A_201 = arith.addi %iota3A_198, %add3A_200 : vector<16xi32>
      %gather3A_202 = tpu.vector_load_idx %arg7[%add3A_201] : memref<25744xi32, #tpu.memory_space<vmem>>[vector<16xi32>], vector<16xi32>,
      %gather3A_203 = tpu.vector_load_idx %arg6[%gather3A_202] : memref<25600xi32, #tpu.memory_space<vmem>>[vector<16xi32>], vector<16xi32>,
      %sub3A_204 = arith.constant 0 : i32
      %sub3A_205 = vector.broadcast %sub3A_204 : i32 to vector<16xi32>
      %sub3A_206 = arith.subi %gather3A_203, %sub3A_205 : vector<16xi32>
      %swap3A_207 = arith.constant 0 : i32
      %swap3A_208 = arith.index_cast %swap3A_207 : i32 to index
      %swap3A_209 = arith.constant 96 : index
      %swap3A_210 = tpu.vector_load %arg9[%swap3A_208, %swap3A_209] {strides = array<i32>} : memref<2x128xi32, #tpu.memory_space<vmem>>, vector<16xi32>,
      tpu.vector_store %arg9[%swap3A_208, %swap3A_209], %sub3A_206 {strides = array<i32>} : memref<2x128xi32, #tpu.memory_space<vmem>>, vector<16xi32>,
      %add3A_211 = vector.broadcast %mul3A_2 : i32 to vector<16xi32>
      %add3A_212 = arith.addi %gather3A_202, %add3A_211 : vector<16xi32>
      %swap3A_213 = arith.constant 0 : i32
      %swap3A_214 = arith.index_cast %swap3A_213 : i32 to index
      %swap3A_215 = arith.constant 96 : index
      %swap3A_216 = tpu.vector_load %arg10[%swap3A_214, %swap3A_215] {strides = array<i32>} : memref<2x128xi32, #tpu.memory_space<vmem>>, vector<16xi32>,
      tpu.vector_store %arg10[%swap3A_214, %swap3A_215], %add3A_212 {strides = array<i32>} : memref<2x128xi32, #tpu.memory_space<vmem>>, vector<16xi32>,
      %iota3A_217 = tpu.iota {dimensions = array<i32: 0>} : vector<16xi32>
      %add3A_218 = arith.constant 112 : i32
      %add3A_219 = vector.broadcast %add3A_218 : i32 to vector<16xi32>
      %add3A_220 = arith.addi %iota3A_217, %add3A_219 : vector<16xi32>
      %gather3A_221 = tpu.vector_load_idx %arg7[%add3A_220] : memref<25744xi32, #tpu.memory_space<vmem>>[vector<16xi32>], vector<16xi32>,
      %gather3A_222 = tpu.vector_load_idx %arg6[%gather3A_221] : memref<25600xi32, #tpu.memory_space<vmem>>[vector<16xi32>], vector<16xi32>,
      %sub3A_223 = arith.constant 0 : i32
      %sub3A_224 = vector.broadcast %sub3A_223 : i32 to vector<16xi32>
      %sub3A_225 = arith.subi %gather3A_222, %sub3A_224 : vector<16xi32>
      %swap3A_226 = arith.constant 0 : i32
      %swap3A_227 = arith.index_cast %swap3A_226 : i32 to index
      %swap3A_228 = arith.constant 112 : index
      %swap3A_229 = tpu.vector_load %arg9[%swap3A_227, %swap3A_228] {strides = array<i32>} : memref<2x128xi32, #tpu.memory_space<vmem>>, vector<16xi32>,
      tpu.vector_store %arg9[%swap3A_227, %swap3A_228], %sub3A_225 {strides = array<i32>} : memref<2x128xi32, #tpu.memory_space<vmem>>, vector<16xi32>,
      %add3A_230 = vector.broadcast %mul3A_2 : i32 to vector<16xi32>
      %add3A_231 = arith.addi %gather3A_221, %add3A_230 : vector<16xi32>
      %swap3A_232 = arith.constant 0 : i32
      %swap3A_233 = arith.index_cast %swap3A_232 : i32 to index
      %swap3A_234 = arith.constant 112 : index
      %swap3A_235 = tpu.vector_load %arg10[%swap3A_233, %swap3A_234] {strides = array<i32>} : memref<2x128xi32, #tpu.memory_space<vmem>>, vector<16xi32>,
      tpu.vector_store %arg10[%swap3A_233, %swap3A_234], %add3A_231 {strides = array<i32>} : memref<2x128xi32, #tpu.memory_space<vmem>>, vector<16xi32>,
      %dma_start3A = arith.constant 0 : i32
      %dma_start3A_236 = arith.constant 0 : i32
      %dma_start3A_237 = arith.constant 0 : i32
      %dma_start3A_238 = arith.constant 0 : i32
      %dma_start3A_239 = tpu.memref_slice %arg11[%dma_start3A_236, %dma_start3A_237, %dma_start3A_238] : memref<2x128x64xf32, #tpu.memory_space<vmem>> -> memref<1x128x64xf32, #tpu.memory_space<vmem>>
      %dma_start3A_240 = tpu.memref_squeeze %dma_start3A_239 : memref<1x128x64xf32, #tpu.memory_space<vmem>> -> memref<128x64xf32, #tpu.memory_space<vmem>>
      %dma_start3A_241 = arith.constant 0 : i32
      %dma_start3A_242 = tpu.memref_slice %arg9[%dma_start3A, %dma_start3A_241] : memref<2x128xi32, #tpu.memory_space<vmem>> -> memref<1x128xi32, #tpu.memory_space<vmem>>
      %dma_start3A_243 = tpu.memref_squeeze %dma_start3A_242 : memref<1x128xi32, #tpu.memory_space<vmem>> -> memref<128xi32, #tpu.memory_space<vmem>>
      %dma_start3A_244 = arith.constant 0 : i32
      %dma_start3A_245 = arith.constant 0 : i32
      %dma_start3A_246 = tpu.memref_slice %arg3[%dma_start3A_244, %dma_start3A_245] : memref<500000x64xf32, #tpu.memory_space<hbm>> -> memref<500000x64xf32, #tpu.memory_space<hbm>>
      tpu.enqueue_indirect_dma source(%dma_start3A_246 : memref<500000x64xf32, #tpu.memory_space<hbm>>) target(%dma_start3A_240 : memref<128x64xf32, #tpu.memory_space<vmem>>) offsets(%dma_start3A_243 : memref<128xi32, #tpu.memory_space<vmem>>) semaphore(%arg13 : memref<!tpu.dma_semaphore, #tpu.memory_space<semaphore_mem>>)
      %while3A = arith.constant 1 : i32
      %while3A_247 = arith.constant 0 : i32
      %while3A_248 = arith.subi %select_n3A, %while3A : i32
      %while3A_249 = arith.addi %while3A, %while3A_248 : i32
      %while3A_250 = arith.constant 1 : i32
      %while3A_251 = arith.divsi %while3A_248, %while3A_250 : i32
      %while3A_252 = arith.muli %while3A_251, %while3A_250 : i32
      %while3A_253 = arith.addi %while3A, %while3A_252 : i32
      %while3A_254 = arith.constant 1 : i32
      %while3A_255 = scf.for %while3A_284 = %while3A to %while3A_253 step %while3A_254 iter_args(%while3A_285 = %while3A_247) -> (i32)  : i32 {
        %jit3A_286 = arith.constant 2 : i32
        %eq3A_287 = arith.constant 0 : i32
        %eq3A_288 = arith.cmpi eq, %jit3A_286, %eq3A_287 : i32
        %jit3A_289 = arith.constant 1 : i32
        %select_n3A_290 = arith.select %eq3A_288, %jit3A_289, %jit3A_286 : i32
        %rem3A_291 = arith.remsi %while3A_284, %select_n3A_290 : i32
        %ne3A_292 = arith.constant 0 : i32
        %ne3A_293 = arith.cmpi ne, %rem3A_291, %ne3A_292 : i32
        %lt3A_294 = arith.constant 0 : i32
        %lt3A_295 = arith.cmpi slt, %rem3A_291, %lt3A_294 : i32
        %lt3A_296 = arith.constant 0 : i32
        %lt3A_297 = arith.cmpi slt, %select_n3A_290, %lt3A_296 : i32
        %ne3A_298 = arith.xori %lt3A_295, %lt3A_297 : i1
        %and3A_299 = arith.andi %ne3A_298, %ne3A_293 : i1
        %add3A_300 = arith.addi %rem3A_291, %select_n3A_290 : i32
        %select_n3A_301 = arith.select %and3A_299, %add3A_300, %rem3A_291 : i32
        %eq3A_302 = arith.constant 0 : i32
        %eq3A_303 = arith.cmpi eq, %select_n3A_301, %eq3A_302 : i32
        %convert_element_type3A_304 = arith.extui %eq3A_303 : i1 to i32
        %cond3A_305 = arith.constant 0 : i32
        %cond3A_306 = arith.cmpi ne, %convert_element_type3A_304, %cond3A_305 : i32
        scf.if %cond3A_306 {
          %ge3A = arith.constant 2 : i32
          %ge3A_329 = arith.cmpi sge, %while3A_284, %ge3A : i32
          %convert_element_type3A_330 = arith.extui %ge3A_329 : i1 to i32
          %cond3A_331 = arith.constant 0 : i32
          %cond3A_332 = arith.cmpi ne, %convert_element_type3A_330, %cond3A_331 : i32
          scf.if %cond3A_332 {
            %dma_wait3A_530 = arith.constant 0 : i32
            %dma_wait3A_531 = arith.constant 0 : i32
            %dma_wait3A_532 = arith.constant 0 : i32
            %dma_wait3A_533 = arith.constant 0 : i32
            %dma_wait3A_534 = tpu.memref_slice %arg11[%dma_wait3A_530, %dma_wait3A_532, %dma_wait3A_533] : memref<2x128x64xf32, #tpu.memory_space<vmem>> -> memref<1x128x64xf32, #tpu.memory_space<vmem>>
            %dma_wait3A_535 = tpu.memref_squeeze %dma_wait3A_534 : memref<1x128x64xf32, #tpu.memory_space<vmem>> -> memref<128x64xf32, #tpu.memory_space<vmem>>
            %dma_wait3A_536 = arith.constant 0 : i32
            %dma_wait3A_537 = tpu.memref_slice %arg10[%dma_wait3A_531, %dma_wait3A_536] : memref<2x128xi32, #tpu.memory_space<vmem>> -> memref<1x128xi32, #tpu.memory_space<vmem>>
            %dma_wait3A_538 = tpu.memref_squeeze %dma_wait3A_537 : memref<1x128xi32, #tpu.memory_space<vmem>> -> memref<128xi32, #tpu.memory_space<vmem>>
            %dma_wait3A_539 = arith.constant 0 : i32
            %dma_wait3A_540 = arith.constant 0 : i32
            %dma_wait3A_541 = tpu.memref_slice %arg5[%dma_wait3A_539, %dma_wait3A_540] : memref<819200x64xf32, #tpu.memory_space<hbm>> -> memref<819200x64xf32, #tpu.memory_space<hbm>>
            tpu.wait_indirect_dma semaphore(%arg15 : memref<!tpu.dma_semaphore, #tpu.memory_space<semaphore_mem>>) src(%dma_wait3A_535 : memref<128x64xf32, #tpu.memory_space<vmem>>) dst(%dma_wait3A_541 : memref<819200x64xf32, #tpu.memory_space<hbm>>)
          } else {
          }
          %mul3A_333 = arith.constant 128 : i32
          %mul3A_334 = arith.muli %while3A_284, %mul3A_333 : i32
          %iota3A_335 = tpu.iota {dimensions = array<i32: 0>} : vector<16xi32>
          %add3A_336 = arith.constant 0 : i32
          %add3A_337 = arith.addi %mul3A_334, %add3A_336 : i32
          %add3A_338 = vector.broadcast %add3A_337 : i32 to vector<16xi32>
          %add3A_339 = arith.addi %iota3A_335, %add3A_338 : vector<16xi32>
          %gather3A_340 = tpu.vector_load_idx %arg7[%add3A_339] : memref<25744xi32, #tpu.memory_space<vmem>>[vector<16xi32>], vector<16xi32>,
          %gather3A_341 = tpu.vector_load_idx %arg6[%gather3A_340] : memref<25600xi32, #tpu.memory_space<vmem>>[vector<16xi32>], vector<16xi32>,
          %sub3A_342 = arith.constant 0 : i32
          %sub3A_343 = vector.broadcast %sub3A_342 : i32 to vector<16xi32>
          %sub3A_344 = arith.subi %gather3A_341, %sub3A_343 : vector<16xi32>
          %swap3A_345 = arith.constant 0 : i32
          %swap3A_346 = arith.index_cast %swap3A_345 : i32 to index
          %swap3A_347 = arith.constant 0 : index
          %swap3A_348 = tpu.vector_load %arg9[%swap3A_346, %swap3A_347] {strides = array<i32>} : memref<2x128xi32, #tpu.memory_space<vmem>>, vector<16xi32>,
          tpu.vector_store %arg9[%swap3A_346, %swap3A_347], %sub3A_344 {strides = array<i32>} : memref<2x128xi32, #tpu.memory_space<vmem>>, vector<16xi32>,
          %add3A_349 = vector.broadcast %mul3A_2 : i32 to vector<16xi32>
          %add3A_350 = arith.addi %gather3A_340, %add3A_349 : vector<16xi32>
          %swap3A_351 = arith.constant 0 : i32
          %swap3A_352 = arith.index_cast %swap3A_351 : i32 to index
          %swap3A_353 = arith.constant 0 : index
          %swap3A_354 = tpu.vector_load %arg10[%swap3A_352, %swap3A_353] {strides = array<i32>} : memref<2x128xi32, #tpu.memory_space<vmem>>, vector<16xi32>,
          tpu.vector_store %arg10[%swap3A_352, %swap3A_353], %add3A_350 {strides = array<i32>} : memref<2x128xi32, #tpu.memory_space<vmem>>, vector<16xi32>,
          %iota3A_355 = tpu.iota {dimensions = array<i32: 0>} : vector<16xi32>
          %add3A_356 = arith.constant 16 : i32
          %add3A_357 = arith.addi %mul3A_334, %add3A_356 : i32
          %add3A_358 = vector.broadcast %add3A_357 : i32 to vector<16xi32>
          %add3A_359 = arith.addi %iota3A_355, %add3A_358 : vector<16xi32>
          %gather3A_360 = tpu.vector_load_idx %arg7[%add3A_359] : memref<25744xi32, #tpu.memory_space<vmem>>[vector<16xi32>], vector<16xi32>,
          %gather3A_361 = tpu.vector_load_idx %arg6[%gather3A_360] : memref<25600xi32, #tpu.memory_space<vmem>>[vector<16xi32>], vector<16xi32>,
          %sub3A_362 = arith.constant 0 : i32
          %sub3A_363 = vector.broadcast %sub3A_362 : i32 to vector<16xi32>
          %sub3A_364 = arith.subi %gather3A_361, %sub3A_363 : vector<16xi32>
          %swap3A_365 = arith.constant 0 : i32
          %swap3A_366 = arith.index_cast %swap3A_365 : i32 to index
          %swap3A_367 = arith.constant 16 : index
          %swap3A_368 = tpu.vector_load %arg9[%swap3A_366, %swap3A_367] {strides = array<i32>} : memref<2x128xi32, #tpu.memory_space<vmem>>, vector<16xi32>,
          tpu.vector_store %arg9[%swap3A_366, %swap3A_367], %sub3A_364 {strides = array<i32>} : memref<2x128xi32, #tpu.memory_space<vmem>>, vector<16xi32>,
          %add3A_369 = vector.broadcast %mul3A_2 : i32 to vector<16xi32>
          %add3A_370 = arith.addi %gather3A_360, %add3A_369 : vector<16xi32>
          %swap3A_371 = arith.constant 0 : i32
          %swap3A_372 = arith.index_cast %swap3A_371 : i32 to index
          %swap3A_373 = arith.constant 16 : index
          %swap3A_374 = tpu.vector_load %arg10[%swap3A_372, %swap3A_373] {strides = array<i32>} : memref<2x128xi32, #tpu.memory_space<vmem>>, vector<16xi32>,
          tpu.vector_store %arg10[%swap3A_372, %swap3A_373], %add3A_370 {strides = array<i32>} : memref<2x128xi32, #tpu.memory_space<vmem>>, vector<16xi32>,
          %iota3A_375 = tpu.iota {dimensions = array<i32: 0>} : vector<16xi32>
          %add3A_376 = arith.constant 32 : i32
          %add3A_377 = arith.addi %mul3A_334, %add3A_376 : i32
          %add3A_378 = vector.broadcast %add3A_377 : i32 to vector<16xi32>
          %add3A_379 = arith.addi %iota3A_375, %add3A_378 : vector<16xi32>
          %gather3A_380 = tpu.vector_load_idx %arg7[%add3A_379] : memref<25744xi32, #tpu.memory_space<vmem>>[vector<16xi32>], vector<16xi32>,
          %gather3A_381 = tpu.vector_load_idx %arg6[%gather3A_380] : memref<25600xi32, #tpu.memory_space<vmem>>[vector<16xi32>], vector<16xi32>,
          %sub3A_382 = arith.constant 0 : i32
          %sub3A_383 = vector.broadcast %sub3A_382 : i32 to vector<16xi32>
          %sub3A_384 = arith.subi %gather3A_381, %sub3A_383 : vector<16xi32>
          %swap3A_385 = arith.constant 0 : i32
          %swap3A_386 = arith.index_cast %swap3A_385 : i32 to index
          %swap3A_387 = arith.constant 32 : index
          %swap3A_388 = tpu.vector_load %arg9[%swap3A_386, %swap3A_387] {strides = array<i32>} : memref<2x128xi32, #tpu.memory_space<vmem>>, vector<16xi32>,
          tpu.vector_store %arg9[%swap3A_386, %swap3A_387], %sub3A_384 {strides = array<i32>} : memref<2x128xi32, #tpu.memory_space<vmem>>, vector<16xi32>,
          %add3A_389 = vector.broadcast %mul3A_2 : i32 to vector<16xi32>
          %add3A_390 = arith.addi %gather3A_380, %add3A_389 : vector<16xi32>
          %swap3A_391 = arith.constant 0 : i32
          %swap3A_392 = arith.index_cast %swap3A_391 : i32 to index
          %swap3A_393 = arith.constant 32 : index
          %swap3A_394 = tpu.vector_load %arg10[%swap3A_392, %swap3A_393] {strides = array<i32>} : memref<2x128xi32, #tpu.memory_space<vmem>>, vector<16xi32>,
          tpu.vector_store %arg10[%swap3A_392, %swap3A_393], %add3A_390 {strides = array<i32>} : memref<2x128xi32, #tpu.memory_space<vmem>>, vector<16xi32>,
          %iota3A_395 = tpu.iota {dimensions = array<i32: 0>} : vector<16xi32>
          %add3A_396 = arith.constant 48 : i32
          %add3A_397 = arith.addi %mul3A_334, %add3A_396 : i32
          %add3A_398 = vector.broadcast %add3A_397 : i32 to vector<16xi32>
          %add3A_399 = arith.addi %iota3A_395, %add3A_398 : vector<16xi32>
          %gather3A_400 = tpu.vector_load_idx %arg7[%add3A_399] : memref<25744xi32, #tpu.memory_space<vmem>>[vector<16xi32>], vector<16xi32>,
          %gather3A_401 = tpu.vector_load_idx %arg6[%gather3A_400] : memref<25600xi32, #tpu.memory_space<vmem>>[vector<16xi32>], vector<16xi32>,
          %sub3A_402 = arith.constant 0 : i32
          %sub3A_403 = vector.broadcast %sub3A_402 : i32 to vector<16xi32>
          %sub3A_404 = arith.subi %gather3A_401, %sub3A_403 : vector<16xi32>
          %swap3A_405 = arith.constant 0 : i32
          %swap3A_406 = arith.index_cast %swap3A_405 : i32 to index
          %swap3A_407 = arith.constant 48 : index
          %swap3A_408 = tpu.vector_load %arg9[%swap3A_406, %swap3A_407] {strides = array<i32>} : memref<2x128xi32, #tpu.memory_space<vmem>>, vector<16xi32>,
          tpu.vector_store %arg9[%swap3A_406, %swap3A_407], %sub3A_404 {strides = array<i32>} : memref<2x128xi32, #tpu.memory_space<vmem>>, vector<16xi32>,
          %add3A_409 = vector.broadcast %mul3A_2 : i32 to vector<16xi32>
          %add3A_410 = arith.addi %gather3A_400, %add3A_409 : vector<16xi32>
          %swap3A_411 = arith.constant 0 : i32
          %swap3A_412 = arith.index_cast %swap3A_411 : i32 to index
          %swap3A_413 = arith.constant 48 : index
          %swap3A_414 = tpu.vector_load %arg10[%swap3A_412, %swap3A_413] {strides = array<i32>} : memref<2x128xi32, #tpu.memory_space<vmem>>, vector<16xi32>,
          tpu.vector_store %arg10[%swap3A_412, %swap3A_413], %add3A_410 {strides = array<i32>} : memref<2x128xi32, #tpu.memory_space<vmem>>, vector<16xi32>,
          %iota3A_415 = tpu.iota {dimensions = array<i32: 0>} : vector<16xi32>
          %add3A_416 = arith.constant 64 : i32
          %add3A_417 = arith.addi %mul3A_334, %add3A_416 : i32
          %add3A_418 = vector.broadcast %add3A_417 : i32 to vector<16xi32>
          %add3A_419 = arith.addi %iota3A_415, %add3A_418 : vector<16xi32>
          %gather3A_420 = tpu.vector_load_idx %arg7[%add3A_419] : memref<25744xi32, #tpu.memory_space<vmem>>[vector<16xi32>], vector<16xi32>,
          %gather3A_421 = tpu.vector_load_idx %arg6[%gather3A_420] : memref<25600xi32, #tpu.memory_space<vmem>>[vector<16xi32>], vector<16xi32>,
          %sub3A_422 = arith.constant 0 : i32
          %sub3A_423 = vector.broadcast %sub3A_422 : i32 to vector<16xi32>
          %sub3A_424 = arith.subi %gather3A_421, %sub3A_423 : vector<16xi32>
          %swap3A_425 = arith.constant 0 : i32
          %swap3A_426 = arith.index_cast %swap3A_425 : i32 to index
          %swap3A_427 = arith.constant 64 : index
          %swap3A_428 = tpu.vector_load %arg9[%swap3A_426, %swap3A_427] {strides = array<i32>} : memref<2x128xi32, #tpu.memory_space<vmem>>, vector<16xi32>,
          tpu.vector_store %arg9[%swap3A_426, %swap3A_427], %sub3A_424 {strides = array<i32>} : memref<2x128xi32, #tpu.memory_space<vmem>>, vector<16xi32>,
          %add3A_429 = vector.broadcast %mul3A_2 : i32 to vector<16xi32>
          %add3A_430 = arith.addi %gather3A_420, %add3A_429 : vector<16xi32>
          %swap3A_431 = arith.constant 0 : i32
          %swap3A_432 = arith.index_cast %swap3A_431 : i32 to index
          %swap3A_433 = arith.constant 64 : index
          %swap3A_434 = tpu.vector_load %arg10[%swap3A_432, %swap3A_433] {strides = array<i32>} : memref<2x128xi32, #tpu.memory_space<vmem>>, vector<16xi32>,
          tpu.vector_store %arg10[%swap3A_432, %swap3A_433], %add3A_430 {strides = array<i32>} : memref<2x128xi32, #tpu.memory_space<vmem>>, vector<16xi32>,
          %iota3A_435 = tpu.iota {dimensions = array<i32: 0>} : vector<16xi32>
          %add3A_436 = arith.constant 80 : i32
          %add3A_437 = arith.addi %mul3A_334, %add3A_436 : i32
          %add3A_438 = vector.broadcast %add3A_437 : i32 to vector<16xi32>
          %add3A_439 = arith.addi %iota3A_435, %add3A_438 : vector<16xi32>
          %gather3A_440 = tpu.vector_load_idx %arg7[%add3A_439] : memref<25744xi32, #tpu.memory_space<vmem>>[vector<16xi32>], vector<16xi32>,
          %gather3A_441 = tpu.vector_load_idx %arg6[%gather3A_440] : memref<25600xi32, #tpu.memory_space<vmem>>[vector<16xi32>], vector<16xi32>,
          %sub3A_442 = arith.constant 0 : i32
          %sub3A_443 = vector.broadcast %sub3A_442 : i32 to vector<16xi32>
          %sub3A_444 = arith.subi %gather3A_441, %sub3A_443 : vector<16xi32>
          %swap3A_445 = arith.constant 0 : i32
          %swap3A_446 = arith.index_cast %swap3A_445 : i32 to index
          %swap3A_447 = arith.constant 80 : index
          %swap3A_448 = tpu.vector_load %arg9[%swap3A_446, %swap3A_447] {strides = array<i32>} : memref<2x128xi32, #tpu.memory_space<vmem>>, vector<16xi32>,
          tpu.vector_store %arg9[%swap3A_446, %swap3A_447], %sub3A_444 {strides = array<i32>} : memref<2x128xi32, #tpu.memory_space<vmem>>, vector<16xi32>,
          %add3A_449 = vector.broadcast %mul3A_2 : i32 to vector<16xi32>
          %add3A_450 = arith.addi %gather3A_440, %add3A_449 : vector<16xi32>
          %swap3A_451 = arith.constant 0 : i32
          %swap3A_452 = arith.index_cast %swap3A_451 : i32 to index
          %swap3A_453 = arith.constant 80 : index
          %swap3A_454 = tpu.vector_load %arg10[%swap3A_452, %swap3A_453] {strides = array<i32>} : memref<2x128xi32, #tpu.memory_space<vmem>>, vector<16xi32>,
          tpu.vector_store %arg10[%swap3A_452, %swap3A_453], %add3A_450 {strides = array<i32>} : memref<2x128xi32, #tpu.memory_space<vmem>>, vector<16xi32>,
          %iota3A_455 = tpu.iota {dimensions = array<i32: 0>} : vector<16xi32>
          %add3A_456 = arith.constant 96 : i32
          %add3A_457 = arith.addi %mul3A_334, %add3A_456 : i32
          %add3A_458 = vector.broadcast %add3A_457 : i32 to vector<16xi32>
          %add3A_459 = arith.addi %iota3A_455, %add3A_458 : vector<16xi32>
          %gather3A_460 = tpu.vector_load_idx %arg7[%add3A_459] : memref<25744xi32, #tpu.memory_space<vmem>>[vector<16xi32>], vector<16xi32>,
          %gather3A_461 = tpu.vector_load_idx %arg6[%gather3A_460] : memref<25600xi32, #tpu.memory_space<vmem>>[vector<16xi32>], vector<16xi32>,
          %sub3A_462 = arith.constant 0 : i32
          %sub3A_463 = vector.broadcast %sub3A_462 : i32 to vector<16xi32>
          %sub3A_464 = arith.subi %gather3A_461, %sub3A_463 : vector<16xi32>
          %swap3A_465 = arith.constant 0 : i32
          %swap3A_466 = arith.index_cast %swap3A_465 : i32 to index
          %swap3A_467 = arith.constant 96 : index
          %swap3A_468 = tpu.vector_load %arg9[%swap3A_466, %swap3A_467] {strides = array<i32>} : memref<2x128xi32, #tpu.memory_space<vmem>>, vector<16xi32>,
          tpu.vector_store %arg9[%swap3A_466, %swap3A_467], %sub3A_464 {strides = array<i32>} : memref<2x128xi32, #tpu.memory_space<vmem>>, vector<16xi32>,
          %add3A_469 = vector.broadcast %mul3A_2 : i32 to vector<16xi32>
          %add3A_470 = arith.addi %gather3A_460, %add3A_469 : vector<16xi32>
          %swap3A_471 = arith.constant 0 : i32
          %swap3A_472 = arith.index_cast %swap3A_471 : i32 to index
          %swap3A_473 = arith.constant 96 : index
          %swap3A_474 = tpu.vector_load %arg10[%swap3A_472, %swap3A_473] {strides = array<i32>} : memref<2x128xi32, #tpu.memory_space<vmem>>, vector<16xi32>,
          tpu.vector_store %arg10[%swap3A_472, %swap3A_473], %add3A_470 {strides = array<i32>} : memref<2x128xi32, #tpu.memory_space<vmem>>, vector<16xi32>,
          %iota3A_475 = tpu.iota {dimensions = array<i32: 0>} : vector<16xi32>
          %add3A_476 = arith.constant 112 : i32
          %add3A_477 = arith.addi %mul3A_334, %add3A_476 : i32
          %add3A_478 = vector.broadcast %add3A_477 : i32 to vector<16xi32>
          %add3A_479 = arith.addi %iota3A_475, %add3A_478 : vector<16xi32>
          %gather3A_480 = tpu.vector_load_idx %arg7[%add3A_479] : memref<25744xi32, #tpu.memory_space<vmem>>[vector<16xi32>], vector<16xi32>,
          %gather3A_481 = tpu.vector_load_idx %arg6[%gather3A_480] : memref<25600xi32, #tpu.memory_space<vmem>>[vector<16xi32>], vector<16xi32>,
          %sub3A_482 = arith.constant 0 : i32
          %sub3A_483 = vector.broadcast %sub3A_482 : i32 to vector<16xi32>
          %sub3A_484 = arith.subi %gather3A_481, %sub3A_483 : vector<16xi32>
          %swap3A_485 = arith.constant 0 : i32
          %swap3A_486 = arith.index_cast %swap3A_485 : i32 to index
          %swap3A_487 = arith.constant 112 : index
          %swap3A_488 = tpu.vector_load %arg9[%swap3A_486, %swap3A_487] {strides = array<i32>} : memref<2x128xi32, #tpu.memory_space<vmem>>, vector<16xi32>,
          tpu.vector_store %arg9[%swap3A_486, %swap3A_487], %sub3A_484 {strides = array<i32>} : memref<2x128xi32, #tpu.memory_space<vmem>>, vector<16xi32>,
          %add3A_489 = vector.broadcast %mul3A_2 : i32 to vector<16xi32>
          %add3A_490 = arith.addi %gather3A_480, %add3A_489 : vector<16xi32>
          %swap3A_491 = arith.constant 0 : i32
          %swap3A_492 = arith.index_cast %swap3A_491 : i32 to index
          %swap3A_493 = arith.constant 112 : index
          %swap3A_494 = tpu.vector_load %arg10[%swap3A_492, %swap3A_493] {strides = array<i32>} : memref<2x128xi32, #tpu.memory_space<vmem>>, vector<16xi32>,
          tpu.vector_store %arg10[%swap3A_492, %swap3A_493], %add3A_490 {strides = array<i32>} : memref<2x128xi32, #tpu.memory_space<vmem>>, vector<16xi32>,
          %dma_start3A_495 = arith.constant 0 : i32
          %dma_start3A_496 = arith.constant 0 : i32
          %dma_start3A_497 = arith.constant 0 : i32
          %dma_start3A_498 = arith.constant 0 : i32
          %dma_start3A_499 = tpu.memref_slice %arg11[%dma_start3A_496, %dma_start3A_497, %dma_start3A_498] : memref<2x128x64xf32, #tpu.memory_space<vmem>> -> memref<1x128x64xf32, #tpu.memory_space<vmem>>
          %dma_start3A_500 = tpu.memref_squeeze %dma_start3A_499 : memref<1x128x64xf32, #tpu.memory_space<vmem>> -> memref<128x64xf32, #tpu.memory_space<vmem>>
          %dma_start3A_501 = arith.constant 0 : i32
          %dma_start3A_502 = tpu.memref_slice %arg9[%dma_start3A_495, %dma_start3A_501] : memref<2x128xi32, #tpu.memory_space<vmem>> -> memref<1x128xi32, #tpu.memory_space<vmem>>
          %dma_start3A_503 = tpu.memref_squeeze %dma_start3A_502 : memref<1x128xi32, #tpu.memory_space<vmem>> -> memref<128xi32, #tpu.memory_space<vmem>>
          %dma_start3A_504 = arith.constant 0 : i32
          %dma_start3A_505 = arith.constant 0 : i32
          %dma_start3A_506 = tpu.memref_slice %arg3[%dma_start3A_504, %dma_start3A_505] : memref<500000x64xf32, #tpu.memory_space<hbm>> -> memref<500000x64xf32, #tpu.memory_space<hbm>>
          tpu.enqueue_indirect_dma source(%dma_start3A_506 : memref<500000x64xf32, #tpu.memory_space<hbm>>) target(%dma_start3A_500 : memref<128x64xf32, #tpu.memory_space<vmem>>) offsets(%dma_start3A_503 : memref<128xi32, #tpu.memory_space<vmem>>) semaphore(%arg13 : memref<!tpu.dma_semaphore, #tpu.memory_space<semaphore_mem>>)
          %dma_wait3A = arith.constant 1 : i32
          %dma_wait3A_507 = arith.constant 1 : i32
          %dma_wait3A_508 = arith.constant 0 : i32
          %dma_wait3A_509 = arith.constant 0 : i32
          %dma_wait3A_510 = tpu.memref_slice %arg11[%dma_wait3A_507, %dma_wait3A_508, %dma_wait3A_509] : memref<2x128x64xf32, #tpu.memory_space<vmem>> -> memref<1x128x64xf32, #tpu.memory_space<vmem>>
          %dma_wait3A_511 = tpu.memref_squeeze %dma_wait3A_510 : memref<1x128x64xf32, #tpu.memory_space<vmem>> -> memref<128x64xf32, #tpu.memory_space<vmem>>
          %dma_wait3A_512 = arith.constant 0 : i32
          %dma_wait3A_513 = tpu.memref_slice %arg9[%dma_wait3A, %dma_wait3A_512] : memref<2x128xi32, #tpu.memory_space<vmem>> -> memref<1x128xi32, #tpu.memory_space<vmem>>
          %dma_wait3A_514 = tpu.memref_squeeze %dma_wait3A_513 : memref<1x128xi32, #tpu.memory_space<vmem>> -> memref<128xi32, #tpu.memory_space<vmem>>
          %dma_wait3A_515 = arith.constant 0 : i32
          %dma_wait3A_516 = arith.constant 0 : i32
          %dma_wait3A_517 = tpu.memref_slice %arg3[%dma_wait3A_515, %dma_wait3A_516] : memref<500000x64xf32, #tpu.memory_space<hbm>> -> memref<500000x64xf32, #tpu.memory_space<hbm>>
          tpu.wait_indirect_dma semaphore(%arg14 : memref<!tpu.dma_semaphore, #tpu.memory_space<semaphore_mem>>) src(%dma_wait3A_517 : memref<500000x64xf32, #tpu.memory_space<hbm>>) dst(%dma_wait3A_511 : memref<128x64xf32, #tpu.memory_space<vmem>>)
          %dma_start3A_518 = arith.constant 1 : i32
          %dma_start3A_519 = arith.constant 1 : i32
          %dma_start3A_520 = arith.constant 0 : i32
          %dma_start3A_521 = arith.constant 0 : i32
          %dma_start3A_522 = tpu.memref_slice %arg11[%dma_start3A_518, %dma_start3A_520, %dma_start3A_521] : memref<2x128x64xf32, #tpu.memory_space<vmem>> -> memref<1x128x64xf32, #tpu.memory_space<vmem>>
          %dma_start3A_523 = tpu.memref_squeeze %dma_start3A_522 : memref<1x128x64xf32, #tpu.memory_space<vmem>> -> memref<128x64xf32, #tpu.memory_space<vmem>>
          %dma_start3A_524 = arith.constant 0 : i32
          %dma_start3A_525 = tpu.memref_slice %arg10[%dma_start3A_519, %dma_start3A_524] : memref<2x128xi32, #tpu.memory_space<vmem>> -> memref<1x128xi32, #tpu.memory_space<vmem>>
          %dma_start3A_526 = tpu.memref_squeeze %dma_start3A_525 : memref<1x128xi32, #tpu.memory_space<vmem>> -> memref<128xi32, #tpu.memory_space<vmem>>
          %dma_start3A_527 = arith.constant 0 : i32
          %dma_start3A_528 = arith.constant 0 : i32
          %dma_start3A_529 = tpu.memref_slice %arg5[%dma_start3A_527, %dma_start3A_528] : memref<819200x64xf32, #tpu.memory_space<hbm>> -> memref<819200x64xf32, #tpu.memory_space<hbm>>
          tpu.enqueue_indirect_dma source(%dma_start3A_523 : memref<128x64xf32, #tpu.memory_space<vmem>>) target(%dma_start3A_529 : memref<819200x64xf32, #tpu.memory_space<hbm>>) offsets(%dma_start3A_526 : memref<128xi32, #tpu.memory_space<vmem>>) semaphore(%arg16 : memref<!tpu.dma_semaphore, #tpu.memory_space<semaphore_mem>>)
        } else {
        }
        %jit3A_307 = arith.constant 2 : i32
        %eq3A_308 = arith.constant 0 : i32
        %eq3A_309 = arith.cmpi eq, %jit3A_307, %eq3A_308 : i32
        %jit3A_310 = arith.constant 1 : i32
        %select_n3A_311 = arith.select %eq3A_309, %jit3A_310, %jit3A_307 : i32
        %rem3A_312 = arith.remsi %while3A_284, %select_n3A_311 : i32
        %ne3A_313 = arith.constant 0 : i32
        %ne3A_314 = arith.cmpi ne, %rem3A_312, %ne3A_313 : i32
        %lt3A_315 = arith.constant 0 : i32
        %lt3A_316 = arith.cmpi slt, %rem3A_312, %lt3A_315 : i32
        %lt3A_317 = arith.constant 0 : i32
        %lt3A_318 = arith.cmpi slt, %select_n3A_311, %lt3A_317 : i32
        %ne3A_319 = arith.xori %lt3A_316, %lt3A_318 : i1
        %and3A_320 = arith.andi %ne3A_319, %ne3A_314 : i1
        %add3A_321 = arith.addi %rem3A_312, %select_n3A_311 : i32
        %select_n3A_322 = arith.select %and3A_320, %add3A_321, %rem3A_312 : i32
        %eq3A_323 = arith.constant 1 : i32
        %eq3A_324 = arith.cmpi eq, %select_n3A_322, %eq3A_323 : i32
        %convert_element_type3A_325 = arith.extui %eq3A_324 : i1 to i32
        %cond3A_326 = arith.constant 0 : i32
        %cond3A_327 = arith.cmpi ne, %convert_element_type3A_325, %cond3A_326 : i32
        scf.if %cond3A_327 {
          %ge3A = arith.constant 2 : i32
          %ge3A_329 = arith.cmpi sge, %while3A_284, %ge3A : i32
          %convert_element_type3A_330 = arith.extui %ge3A_329 : i1 to i32
          %cond3A_331 = arith.constant 0 : i32
          %cond3A_332 = arith.cmpi ne, %convert_element_type3A_330, %cond3A_331 : i32
          scf.if %cond3A_332 {
            %dma_wait3A_530 = arith.constant 1 : i32
            %dma_wait3A_531 = arith.constant 1 : i32
            %dma_wait3A_532 = arith.constant 0 : i32
            %dma_wait3A_533 = arith.constant 0 : i32
            %dma_wait3A_534 = tpu.memref_slice %arg11[%dma_wait3A_530, %dma_wait3A_532, %dma_wait3A_533] : memref<2x128x64xf32, #tpu.memory_space<vmem>> -> memref<1x128x64xf32, #tpu.memory_space<vmem>>
            %dma_wait3A_535 = tpu.memref_squeeze %dma_wait3A_534 : memref<1x128x64xf32, #tpu.memory_space<vmem>> -> memref<128x64xf32, #tpu.memory_space<vmem>>
            %dma_wait3A_536 = arith.constant 0 : i32
            %dma_wait3A_537 = tpu.memref_slice %arg10[%dma_wait3A_531, %dma_wait3A_536] : memref<2x128xi32, #tpu.memory_space<vmem>> -> memref<1x128xi32, #tpu.memory_space<vmem>>
            %dma_wait3A_538 = tpu.memref_squeeze %dma_wait3A_537 : memref<1x128xi32, #tpu.memory_space<vmem>> -> memref<128xi32, #tpu.memory_space<vmem>>
            %dma_wait3A_539 = arith.constant 0 : i32
            %dma_wait3A_540 = arith.constant 0 : i32
            %dma_wait3A_541 = tpu.memref_slice %arg5[%dma_wait3A_539, %dma_wait3A_540] : memref<819200x64xf32, #tpu.memory_space<hbm>> -> memref<819200x64xf32, #tpu.memory_space<hbm>>
            tpu.wait_indirect_dma semaphore(%arg16 : memref<!tpu.dma_semaphore, #tpu.memory_space<semaphore_mem>>) src(%dma_wait3A_535 : memref<128x64xf32, #tpu.memory_space<vmem>>) dst(%dma_wait3A_541 : memref<819200x64xf32, #tpu.memory_space<hbm>>)
          } else {
          }
          %mul3A_333 = arith.constant 128 : i32
          %mul3A_334 = arith.muli %while3A_284, %mul3A_333 : i32
          %iota3A_335 = tpu.iota {dimensions = array<i32: 0>} : vector<16xi32>
          %add3A_336 = arith.constant 0 : i32
          %add3A_337 = arith.addi %mul3A_334, %add3A_336 : i32
          %add3A_338 = vector.broadcast %add3A_337 : i32 to vector<16xi32>
          %add3A_339 = arith.addi %iota3A_335, %add3A_338 : vector<16xi32>
          %gather3A_340 = tpu.vector_load_idx %arg7[%add3A_339] : memref<25744xi32, #tpu.memory_space<vmem>>[vector<16xi32>], vector<16xi32>,
          %gather3A_341 = tpu.vector_load_idx %arg6[%gather3A_340] : memref<25600xi32, #tpu.memory_space<vmem>>[vector<16xi32>], vector<16xi32>,
          %sub3A_342 = arith.constant 0 : i32
          %sub3A_343 = vector.broadcast %sub3A_342 : i32 to vector<16xi32>
          %sub3A_344 = arith.subi %gather3A_341, %sub3A_343 : vector<16xi32>
          %swap3A_345 = arith.constant 1 : i32
          %swap3A_346 = arith.index_cast %swap3A_345 : i32 to index
          %swap3A_347 = arith.constant 0 : index
          %swap3A_348 = tpu.vector_load %arg9[%swap3A_346, %swap3A_347] {strides = array<i32>} : memref<2x128xi32, #tpu.memory_space<vmem>>, vector<16xi32>,
          tpu.vector_store %arg9[%swap3A_346, %swap3A_347], %sub3A_344 {strides = array<i32>} : memref<2x128xi32, #tpu.memory_space<vmem>>, vector<16xi32>,
          %add3A_349 = vector.broadcast %mul3A_2 : i32 to vector<16xi32>
          %add3A_350 = arith.addi %gather3A_340, %add3A_349 : vector<16xi32>
          %swap3A_351 = arith.constant 1 : i32
          %swap3A_352 = arith.index_cast %swap3A_351 : i32 to index
          %swap3A_353 = arith.constant 0 : index
          %swap3A_354 = tpu.vector_load %arg10[%swap3A_352, %swap3A_353] {strides = array<i32>} : memref<2x128xi32, #tpu.memory_space<vmem>>, vector<16xi32>,
          tpu.vector_store %arg10[%swap3A_352, %swap3A_353], %add3A_350 {strides = array<i32>} : memref<2x128xi32, #tpu.memory_space<vmem>>, vector<16xi32>,
          %iota3A_355 = tpu.iota {dimensions = array<i32: 0>} : vector<16xi32>
          %add3A_356 = arith.constant 16 : i32
          %add3A_357 = arith.addi %mul3A_334, %add3A_356 : i32
          %add3A_358 = vector.broadcast %add3A_357 : i32 to vector<16xi32>
          %add3A_359 = arith.addi %iota3A_355, %add3A_358 : vector<16xi32>
          %gather3A_360 = tpu.vector_load_idx %arg7[%add3A_359] : memref<25744xi32, #tpu.memory_space<vmem>>[vector<16xi32>], vector<16xi32>,
          %gather3A_361 = tpu.vector_load_idx %arg6[%gather3A_360] : memref<25600xi32, #tpu.memory_space<vmem>>[vector<16xi32>], vector<16xi32>,
          %sub3A_362 = arith.constant 0 : i32
          %sub3A_363 = vector.broadcast %sub3A_362 : i32 to vector<16xi32>
          %sub3A_364 = arith.subi %gather3A_361, %sub3A_363 : vector<16xi32>
          %swap3A_365 = arith.constant 1 : i32
          %swap3A_366 = arith.index_cast %swap3A_365 : i32 to index
          %swap3A_367 = arith.constant 16 : index
          %swap3A_368 = tpu.vector_load %arg9[%swap3A_366, %swap3A_367] {strides = array<i32>} : memref<2x128xi32, #tpu.memory_space<vmem>>, vector<16xi32>,
          tpu.vector_store %arg9[%swap3A_366, %swap3A_367], %sub3A_364 {strides = array<i32>} : memref<2x128xi32, #tpu.memory_space<vmem>>, vector<16xi32>,
          %add3A_369 = vector.broadcast %mul3A_2 : i32 to vector<16xi32>
          %add3A_370 = arith.addi %gather3A_360, %add3A_369 : vector<16xi32>
          %swap3A_371 = arith.constant 1 : i32
          %swap3A_372 = arith.index_cast %swap3A_371 : i32 to index
          %swap3A_373 = arith.constant 16 : index
          %swap3A_374 = tpu.vector_load %arg10[%swap3A_372, %swap3A_373] {strides = array<i32>} : memref<2x128xi32, #tpu.memory_space<vmem>>, vector<16xi32>,
          tpu.vector_store %arg10[%swap3A_372, %swap3A_373], %add3A_370 {strides = array<i32>} : memref<2x128xi32, #tpu.memory_space<vmem>>, vector<16xi32>,
          %iota3A_375 = tpu.iota {dimensions = array<i32: 0>} : vector<16xi32>
          %add3A_376 = arith.constant 32 : i32
          %add3A_377 = arith.addi %mul3A_334, %add3A_376 : i32
          %add3A_378 = vector.broadcast %add3A_377 : i32 to vector<16xi32>
          %add3A_379 = arith.addi %iota3A_375, %add3A_378 : vector<16xi32>
          %gather3A_380 = tpu.vector_load_idx %arg7[%add3A_379] : memref<25744xi32, #tpu.memory_space<vmem>>[vector<16xi32>], vector<16xi32>,
          %gather3A_381 = tpu.vector_load_idx %arg6[%gather3A_380] : memref<25600xi32, #tpu.memory_space<vmem>>[vector<16xi32>], vector<16xi32>,
          %sub3A_382 = arith.constant 0 : i32
          %sub3A_383 = vector.broadcast %sub3A_382 : i32 to vector<16xi32>
          %sub3A_384 = arith.subi %gather3A_381, %sub3A_383 : vector<16xi32>
          %swap3A_385 = arith.constant 1 : i32
          %swap3A_386 = arith.index_cast %swap3A_385 : i32 to index
          %swap3A_387 = arith.constant 32 : index
          %swap3A_388 = tpu.vector_load %arg9[%swap3A_386, %swap3A_387] {strides = array<i32>} : memref<2x128xi32, #tpu.memory_space<vmem>>, vector<16xi32>,
          tpu.vector_store %arg9[%swap3A_386, %swap3A_387], %sub3A_384 {strides = array<i32>} : memref<2x128xi32, #tpu.memory_space<vmem>>, vector<16xi32>,
          %add3A_389 = vector.broadcast %mul3A_2 : i32 to vector<16xi32>
          %add3A_390 = arith.addi %gather3A_380, %add3A_389 : vector<16xi32>
          %swap3A_391 = arith.constant 1 : i32
          %swap3A_392 = arith.index_cast %swap3A_391 : i32 to index
          %swap3A_393 = arith.constant 32 : index
          %swap3A_394 = tpu.vector_load %arg10[%swap3A_392, %swap3A_393] {strides = array<i32>} : memref<2x128xi32, #tpu.memory_space<vmem>>, vector<16xi32>,
          tpu.vector_store %arg10[%swap3A_392, %swap3A_393], %add3A_390 {strides = array<i32>} : memref<2x128xi32, #tpu.memory_space<vmem>>, vector<16xi32>,
          %iota3A_395 = tpu.iota {dimensions = array<i32: 0>} : vector<16xi32>
          %add3A_396 = arith.constant 48 : i32
          %add3A_397 = arith.addi %mul3A_334, %add3A_396 : i32
          %add3A_398 = vector.broadcast %add3A_397 : i32 to vector<16xi32>
          %add3A_399 = arith.addi %iota3A_395, %add3A_398 : vector<16xi32>
          %gather3A_400 = tpu.vector_load_idx %arg7[%add3A_399] : memref<25744xi32, #tpu.memory_space<vmem>>[vector<16xi32>], vector<16xi32>,
          %gather3A_401 = tpu.vector_load_idx %arg6[%gather3A_400] : memref<25600xi32, #tpu.memory_space<vmem>>[vector<16xi32>], vector<16xi32>,
          %sub3A_402 = arith.constant 0 : i32
          %sub3A_403 = vector.broadcast %sub3A_402 : i32 to vector<16xi32>
          %sub3A_404 = arith.subi %gather3A_401, %sub3A_403 : vector<16xi32>
          %swap3A_405 = arith.constant 1 : i32
          %swap3A_406 = arith.index_cast %swap3A_405 : i32 to index
          %swap3A_407 = arith.constant 48 : index
          %swap3A_408 = tpu.vector_load %arg9[%swap3A_406, %swap3A_407] {strides = array<i32>} : memref<2x128xi32, #tpu.memory_space<vmem>>, vector<16xi32>,
          tpu.vector_store %arg9[%swap3A_406, %swap3A_407], %sub3A_404 {strides = array<i32>} : memref<2x128xi32, #tpu.memory_space<vmem>>, vector<16xi32>,
          %add3A_409 = vector.broadcast %mul3A_2 : i32 to vector<16xi32>
          %add3A_410 = arith.addi %gather3A_400, %add3A_409 : vector<16xi32>
          %swap3A_411 = arith.constant 1 : i32
          %swap3A_412 = arith.index_cast %swap3A_411 : i32 to index
          %swap3A_413 = arith.constant 48 : index
          %swap3A_414 = tpu.vector_load %arg10[%swap3A_412, %swap3A_413] {strides = array<i32>} : memref<2x128xi32, #tpu.memory_space<vmem>>, vector<16xi32>,
          tpu.vector_store %arg10[%swap3A_412, %swap3A_413], %add3A_410 {strides = array<i32>} : memref<2x128xi32, #tpu.memory_space<vmem>>, vector<16xi32>,
          %iota3A_415 = tpu.iota {dimensions = array<i32: 0>} : vector<16xi32>
          %add3A_416 = arith.constant 64 : i32
          %add3A_417 = arith.addi %mul3A_334, %add3A_416 : i32
          %add3A_418 = vector.broadcast %add3A_417 : i32 to vector<16xi32>
          %add3A_419 = arith.addi %iota3A_415, %add3A_418 : vector<16xi32>
          %gather3A_420 = tpu.vector_load_idx %arg7[%add3A_419] : memref<25744xi32, #tpu.memory_space<vmem>>[vector<16xi32>], vector<16xi32>,
          %gather3A_421 = tpu.vector_load_idx %arg6[%gather3A_420] : memref<25600xi32, #tpu.memory_space<vmem>>[vector<16xi32>], vector<16xi32>,
          %sub3A_422 = arith.constant 0 : i32
          %sub3A_423 = vector.broadcast %sub3A_422 : i32 to vector<16xi32>
          %sub3A_424 = arith.subi %gather3A_421, %sub3A_423 : vector<16xi32>
          %swap3A_425 = arith.constant 1 : i32
          %swap3A_426 = arith.index_cast %swap3A_425 : i32 to index
          %swap3A_427 = arith.constant 64 : index
          %swap3A_428 = tpu.vector_load %arg9[%swap3A_426, %swap3A_427] {strides = array<i32>} : memref<2x128xi32, #tpu.memory_space<vmem>>, vector<16xi32>,
          tpu.vector_store %arg9[%swap3A_426, %swap3A_427], %sub3A_424 {strides = array<i32>} : memref<2x128xi32, #tpu.memory_space<vmem>>, vector<16xi32>,
          %add3A_429 = vector.broadcast %mul3A_2 : i32 to vector<16xi32>
          %add3A_430 = arith.addi %gather3A_420, %add3A_429 : vector<16xi32>
          %swap3A_431 = arith.constant 1 : i32
          %swap3A_432 = arith.index_cast %swap3A_431 : i32 to index
          %swap3A_433 = arith.constant 64 : index
          %swap3A_434 = tpu.vector_load %arg10[%swap3A_432, %swap3A_433] {strides = array<i32>} : memref<2x128xi32, #tpu.memory_space<vmem>>, vector<16xi32>,
          tpu.vector_store %arg10[%swap3A_432, %swap3A_433], %add3A_430 {strides = array<i32>} : memref<2x128xi32, #tpu.memory_space<vmem>>, vector<16xi32>,
          %iota3A_435 = tpu.iota {dimensions = array<i32: 0>} : vector<16xi32>
          %add3A_436 = arith.constant 80 : i32
          %add3A_437 = arith.addi %mul3A_334, %add3A_436 : i32
          %add3A_438 = vector.broadcast %add3A_437 : i32 to vector<16xi32>
          %add3A_439 = arith.addi %iota3A_435, %add3A_438 : vector<16xi32>
          %gather3A_440 = tpu.vector_load_idx %arg7[%add3A_439] : memref<25744xi32, #tpu.memory_space<vmem>>[vector<16xi32>], vector<16xi32>,
          %gather3A_441 = tpu.vector_load_idx %arg6[%gather3A_440] : memref<25600xi32, #tpu.memory_space<vmem>>[vector<16xi32>], vector<16xi32>,
          %sub3A_442 = arith.constant 0 : i32
          %sub3A_443 = vector.broadcast %sub3A_442 : i32 to vector<16xi32>
          %sub3A_444 = arith.subi %gather3A_441, %sub3A_443 : vector<16xi32>
          %swap3A_445 = arith.constant 1 : i32
          %swap3A_446 = arith.index_cast %swap3A_445 : i32 to index
          %swap3A_447 = arith.constant 80 : index
          %swap3A_448 = tpu.vector_load %arg9[%swap3A_446, %swap3A_447] {strides = array<i32>} : memref<2x128xi32, #tpu.memory_space<vmem>>, vector<16xi32>,
          tpu.vector_store %arg9[%swap3A_446, %swap3A_447], %sub3A_444 {strides = array<i32>} : memref<2x128xi32, #tpu.memory_space<vmem>>, vector<16xi32>,
          %add3A_449 = vector.broadcast %mul3A_2 : i32 to vector<16xi32>
          %add3A_450 = arith.addi %gather3A_440, %add3A_449 : vector<16xi32>
          %swap3A_451 = arith.constant 1 : i32
          %swap3A_452 = arith.index_cast %swap3A_451 : i32 to index
          %swap3A_453 = arith.constant 80 : index
          %swap3A_454 = tpu.vector_load %arg10[%swap3A_452, %swap3A_453] {strides = array<i32>} : memref<2x128xi32, #tpu.memory_space<vmem>>, vector<16xi32>,
          tpu.vector_store %arg10[%swap3A_452, %swap3A_453], %add3A_450 {strides = array<i32>} : memref<2x128xi32, #tpu.memory_space<vmem>>, vector<16xi32>,
          %iota3A_455 = tpu.iota {dimensions = array<i32: 0>} : vector<16xi32>
          %add3A_456 = arith.constant 96 : i32
          %add3A_457 = arith.addi %mul3A_334, %add3A_456 : i32
          %add3A_458 = vector.broadcast %add3A_457 : i32 to vector<16xi32>
          %add3A_459 = arith.addi %iota3A_455, %add3A_458 : vector<16xi32>
          %gather3A_460 = tpu.vector_load_idx %arg7[%add3A_459] : memref<25744xi32, #tpu.memory_space<vmem>>[vector<16xi32>], vector<16xi32>,
          %gather3A_461 = tpu.vector_load_idx %arg6[%gather3A_460] : memref<25600xi32, #tpu.memory_space<vmem>>[vector<16xi32>], vector<16xi32>,
          %sub3A_462 = arith.constant 0 : i32
          %sub3A_463 = vector.broadcast %sub3A_462 : i32 to vector<16xi32>
          %sub3A_464 = arith.subi %gather3A_461, %sub3A_463 : vector<16xi32>
          %swap3A_465 = arith.constant 1 : i32
          %swap3A_466 = arith.index_cast %swap3A_465 : i32 to index
          %swap3A_467 = arith.constant 96 : index
          %swap3A_468 = tpu.vector_load %arg9[%swap3A_466, %swap3A_467] {strides = array<i32>} : memref<2x128xi32, #tpu.memory_space<vmem>>, vector<16xi32>,
          tpu.vector_store %arg9[%swap3A_466, %swap3A_467], %sub3A_464 {strides = array<i32>} : memref<2x128xi32, #tpu.memory_space<vmem>>, vector<16xi32>,
          %add3A_469 = vector.broadcast %mul3A_2 : i32 to vector<16xi32>
          %add3A_470 = arith.addi %gather3A_460, %add3A_469 : vector<16xi32>
          %swap3A_471 = arith.constant 1 : i32
          %swap3A_472 = arith.index_cast %swap3A_471 : i32 to index
          %swap3A_473 = arith.constant 96 : index
          %swap3A_474 = tpu.vector_load %arg10[%swap3A_472, %swap3A_473] {strides = array<i32>} : memref<2x128xi32, #tpu.memory_space<vmem>>, vector<16xi32>,
          tpu.vector_store %arg10[%swap3A_472, %swap3A_473], %add3A_470 {strides = array<i32>} : memref<2x128xi32, #tpu.memory_space<vmem>>, vector<16xi32>,
          %iota3A_475 = tpu.iota {dimensions = array<i32: 0>} : vector<16xi32>
          %add3A_476 = arith.constant 112 : i32
          %add3A_477 = arith.addi %mul3A_334, %add3A_476 : i32
          %add3A_478 = vector.broadcast %add3A_477 : i32 to vector<16xi32>
          %add3A_479 = arith.addi %iota3A_475, %add3A_478 : vector<16xi32>
          %gather3A_480 = tpu.vector_load_idx %arg7[%add3A_479] : memref<25744xi32, #tpu.memory_space<vmem>>[vector<16xi32>], vector<16xi32>,
          %gather3A_481 = tpu.vector_load_idx %arg6[%gather3A_480] : memref<25600xi32, #tpu.memory_space<vmem>>[vector<16xi32>], vector<16xi32>,
          %sub3A_482 = arith.constant 0 : i32
          %sub3A_483 = vector.broadcast %sub3A_482 : i32 to vector<16xi32>
          %sub3A_484 = arith.subi %gather3A_481, %sub3A_483 : vector<16xi32>
          %swap3A_485 = arith.constant 1 : i32
          %swap3A_486 = arith.index_cast %swap3A_485 : i32 to index
          %swap3A_487 = arith.constant 112 : index
          %swap3A_488 = tpu.vector_load %arg9[%swap3A_486, %swap3A_487] {strides = array<i32>} : memref<2x128xi32, #tpu.memory_space<vmem>>, vector<16xi32>,
          tpu.vector_store %arg9[%swap3A_486, %swap3A_487], %sub3A_484 {strides = array<i32>} : memref<2x128xi32, #tpu.memory_space<vmem>>, vector<16xi32>,
          %add3A_489 = vector.broadcast %mul3A_2 : i32 to vector<16xi32>
          %add3A_490 = arith.addi %gather3A_480, %add3A_489 : vector<16xi32>
          %swap3A_491 = arith.constant 1 : i32
          %swap3A_492 = arith.index_cast %swap3A_491 : i32 to index
          %swap3A_493 = arith.constant 112 : index
          %swap3A_494 = tpu.vector_load %arg10[%swap3A_492, %swap3A_493] {strides = array<i32>} : memref<2x128xi32, #tpu.memory_space<vmem>>, vector<16xi32>,
          tpu.vector_store %arg10[%swap3A_492, %swap3A_493], %add3A_490 {strides = array<i32>} : memref<2x128xi32, #tpu.memory_space<vmem>>, vector<16xi32>,
          %dma_start3A_495 = arith.constant 1 : i32
          %dma_start3A_496 = arith.constant 1 : i32
          %dma_start3A_497 = arith.constant 0 : i32
          %dma_start3A_498 = arith.constant 0 : i32
          %dma_start3A_499 = tpu.memref_slice %arg11[%dma_start3A_496, %dma_start3A_497, %dma_start3A_498] : memref<2x128x64xf32, #tpu.memory_space<vmem>> -> memref<1x128x64xf32, #tpu.memory_space<vmem>>
          %dma_start3A_500 = tpu.memref_squeeze %dma_start3A_499 : memref<1x128x64xf32, #tpu.memory_space<vmem>> -> memref<128x64xf32, #tpu.memory_space<vmem>>
          %dma_start3A_501 = arith.constant 0 : i32
          %dma_start3A_502 = tpu.memref_slice %arg9[%dma_start3A_495, %dma_start3A_501] : memref<2x128xi32, #tpu.memory_space<vmem>> -> memref<1x128xi32, #tpu.memory_space<vmem>>
          %dma_start3A_503 = tpu.memref_squeeze %dma_start3A_502 : memref<1x128xi32, #tpu.memory_space<vmem>> -> memref<128xi32, #tpu.memory_space<vmem>>
          %dma_start3A_504 = arith.constant 0 : i32
          %dma_start3A_505 = arith.constant 0 : i32
          %dma_start3A_506 = tpu.memref_slice %arg3[%dma_start3A_504, %dma_start3A_505] : memref<500000x64xf32, #tpu.memory_space<hbm>> -> memref<500000x64xf32, #tpu.memory_space<hbm>>
          tpu.enqueue_indirect_dma source(%dma_start3A_506 : memref<500000x64xf32, #tpu.memory_space<hbm>>) target(%dma_start3A_500 : memref<128x64xf32, #tpu.memory_space<vmem>>) offsets(%dma_start3A_503 : memref<128xi32, #tpu.memory_space<vmem>>) semaphore(%arg14 : memref<!tpu.dma_semaphore, #tpu.memory_space<semaphore_mem>>)
          %dma_wait3A = arith.constant 0 : i32
          %dma_wait3A_507 = arith.constant 0 : i32
          %dma_wait3A_508 = arith.constant 0 : i32
          %dma_wait3A_509 = arith.constant 0 : i32
          %dma_wait3A_510 = tpu.memref_slice %arg11[%dma_wait3A_507, %dma_wait3A_508, %dma_wait3A_509] : memref<2x128x64xf32, #tpu.memory_space<vmem>> -> memref<1x128x64xf32, #tpu.memory_space<vmem>>
          %dma_wait3A_511 = tpu.memref_squeeze %dma_wait3A_510 : memref<1x128x64xf32, #tpu.memory_space<vmem>> -> memref<128x64xf32, #tpu.memory_space<vmem>>
          %dma_wait3A_512 = arith.constant 0 : i32
          %dma_wait3A_513 = tpu.memref_slice %arg9[%dma_wait3A, %dma_wait3A_512] : memref<2x128xi32, #tpu.memory_space<vmem>> -> memref<1x128xi32, #tpu.memory_space<vmem>>
          %dma_wait3A_514 = tpu.memref_squeeze %dma_wait3A_513 : memref<1x128xi32, #tpu.memory_space<vmem>> -> memref<128xi32, #tpu.memory_space<vmem>>
          %dma_wait3A_515 = arith.constant 0 : i32
          %dma_wait3A_516 = arith.constant 0 : i32
          %dma_wait3A_517 = tpu.memref_slice %arg3[%dma_wait3A_515, %dma_wait3A_516] : memref<500000x64xf32, #tpu.memory_space<hbm>> -> memref<500000x64xf32, #tpu.memory_space<hbm>>
          tpu.wait_indirect_dma semaphore(%arg13 : memref<!tpu.dma_semaphore, #tpu.memory_space<semaphore_mem>>) src(%dma_wait3A_517 : memref<500000x64xf32, #tpu.memory_space<hbm>>) dst(%dma_wait3A_511 : memref<128x64xf32, #tpu.memory_space<vmem>>)
          %dma_start3A_518 = arith.constant 0 : i32
          %dma_start3A_519 = arith.constant 0 : i32
          %dma_start3A_520 = arith.constant 0 : i32
          %dma_start3A_521 = arith.constant 0 : i32
          %dma_start3A_522 = tpu.memref_slice %arg11[%dma_start3A_518, %dma_start3A_520, %dma_start3A_521] : memref<2x128x64xf32, #tpu.memory_space<vmem>> -> memref<1x128x64xf32, #tpu.memory_space<vmem>>
          %dma_start3A_523 = tpu.memref_squeeze %dma_start3A_522 : memref<1x128x64xf32, #tpu.memory_space<vmem>> -> memref<128x64xf32, #tpu.memory_space<vmem>>
          %dma_start3A_524 = arith.constant 0 : i32
          %dma_start3A_525 = tpu.memref_slice %arg10[%dma_start3A_519, %dma_start3A_524] : memref<2x128xi32, #tpu.memory_space<vmem>> -> memref<1x128xi32, #tpu.memory_space<vmem>>
          %dma_start3A_526 = tpu.memref_squeeze %dma_start3A_525 : memref<1x128xi32, #tpu.memory_space<vmem>> -> memref<128xi32, #tpu.memory_space<vmem>>
          %dma_start3A_527 = arith.constant 0 : i32
          %dma_start3A_528 = arith.constant 0 : i32
          %dma_start3A_529 = tpu.memref_slice %arg5[%dma_start3A_527, %dma_start3A_528] : memref<819200x64xf32, #tpu.memory_space<hbm>> -> memref<819200x64xf32, #tpu.memory_space<hbm>>
          tpu.enqueue_indirect_dma source(%dma_start3A_523 : memref<128x64xf32, #tpu.memory_space<vmem>>) target(%dma_start3A_529 : memref<819200x64xf32, #tpu.memory_space<hbm>>) offsets(%dma_start3A_526 : memref<128xi32, #tpu.memory_space<vmem>>) semaphore(%arg15 : memref<!tpu.dma_semaphore, #tpu.memory_space<semaphore_mem>>)
        } else {
        }
        %while3A_328 = arith.constant 0 : i32
        scf.yield %while3A_328 : i32
      }
      %while3A_256 = arith.constant 1 : i32
      %while3A_257 = scf.for %while3A_284 = %while3A_253 to %while3A_249 step %while3A_256 iter_args(%while3A_285 = %while3A_255) -> (i32)  : i32 {
        %jit3A_286 = arith.constant 2 : i32
        %eq3A_287 = arith.constant 0 : i32
        %eq3A_288 = arith.cmpi eq, %jit3A_286, %eq3A_287 : i32
        %jit3A_289 = arith.constant 1 : i32
        %select_n3A_290 = arith.select %eq3A_288, %jit3A_289, %jit3A_286 : i32
        %rem3A_291 = arith.remsi %while3A_284, %select_n3A_290 : i32
        %ne3A_292 = arith.constant 0 : i32
        %ne3A_293 = arith.cmpi ne, %rem3A_291, %ne3A_292 : i32
        %lt3A_294 = arith.constant 0 : i32
        %lt3A_295 = arith.cmpi slt, %rem3A_291, %lt3A_294 : i32
        %lt3A_296 = arith.constant 0 : i32
        %lt3A_297 = arith.cmpi slt, %select_n3A_290, %lt3A_296 : i32
        %ne3A_298 = arith.xori %lt3A_295, %lt3A_297 : i1
        %and3A_299 = arith.andi %ne3A_298, %ne3A_293 : i1
        %add3A_300 = arith.addi %rem3A_291, %select_n3A_290 : i32
        %select_n3A_301 = arith.select %and3A_299, %add3A_300, %rem3A_291 : i32
        %eq3A_302 = arith.constant 0 : i32
        %eq3A_303 = arith.cmpi eq, %select_n3A_301, %eq3A_302 : i32
        %convert_element_type3A_304 = arith.extui %eq3A_303 : i1 to i32
        %cond3A_305 = arith.constant 0 : i32
        %cond3A_306 = arith.cmpi ne, %convert_element_type3A_304, %cond3A_305 : i32
        scf.if %cond3A_306 {
          %ge3A = arith.constant 2 : i32
          %ge3A_329 = arith.cmpi sge, %while3A_284, %ge3A : i32
          %convert_element_type3A_330 = arith.extui %ge3A_329 : i1 to i32
          %cond3A_331 = arith.constant 0 : i32
          %cond3A_332 = arith.cmpi ne, %convert_element_type3A_330, %cond3A_331 : i32
          scf.if %cond3A_332 {
            %dma_wait3A_530 = arith.constant 0 : i32
            %dma_wait3A_531 = arith.constant 0 : i32
            %dma_wait3A_532 = arith.constant 0 : i32
            %dma_wait3A_533 = arith.constant 0 : i32
            %dma_wait3A_534 = tpu.memref_slice %arg11[%dma_wait3A_530, %dma_wait3A_532, %dma_wait3A_533] : memref<2x128x64xf32, #tpu.memory_space<vmem>> -> memref<1x128x64xf32, #tpu.memory_space<vmem>>
            %dma_wait3A_535 = tpu.memref_squeeze %dma_wait3A_534 : memref<1x128x64xf32, #tpu.memory_space<vmem>> -> memref<128x64xf32, #tpu.memory_space<vmem>>
            %dma_wait3A_536 = arith.constant 0 : i32
            %dma_wait3A_537 = tpu.memref_slice %arg10[%dma_wait3A_531, %dma_wait3A_536] : memref<2x128xi32, #tpu.memory_space<vmem>> -> memref<1x128xi32, #tpu.memory_space<vmem>>
            %dma_wait3A_538 = tpu.memref_squeeze %dma_wait3A_537 : memref<1x128xi32, #tpu.memory_space<vmem>> -> memref<128xi32, #tpu.memory_space<vmem>>
            %dma_wait3A_539 = arith.constant 0 : i32
            %dma_wait3A_540 = arith.constant 0 : i32
            %dma_wait3A_541 = tpu.memref_slice %arg5[%dma_wait3A_539, %dma_wait3A_540] : memref<819200x64xf32, #tpu.memory_space<hbm>> -> memref<819200x64xf32, #tpu.memory_space<hbm>>
            tpu.wait_indirect_dma semaphore(%arg15 : memref<!tpu.dma_semaphore, #tpu.memory_space<semaphore_mem>>) src(%dma_wait3A_535 : memref<128x64xf32, #tpu.memory_space<vmem>>) dst(%dma_wait3A_541 : memref<819200x64xf32, #tpu.memory_space<hbm>>)
          } else {
          }
          %mul3A_333 = arith.constant 128 : i32
          %mul3A_334 = arith.muli %while3A_284, %mul3A_333 : i32
          %iota3A_335 = tpu.iota {dimensions = array<i32: 0>} : vector<16xi32>
          %add3A_336 = arith.constant 0 : i32
          %add3A_337 = arith.addi %mul3A_334, %add3A_336 : i32
          %add3A_338 = vector.broadcast %add3A_337 : i32 to vector<16xi32>
          %add3A_339 = arith.addi %iota3A_335, %add3A_338 : vector<16xi32>
          %gather3A_340 = tpu.vector_load_idx %arg7[%add3A_339] : memref<25744xi32, #tpu.memory_space<vmem>>[vector<16xi32>], vector<16xi32>,
          %gather3A_341 = tpu.vector_load_idx %arg6[%gather3A_340] : memref<25600xi32, #tpu.memory_space<vmem>>[vector<16xi32>], vector<16xi32>,
          %sub3A_342 = arith.constant 0 : i32
          %sub3A_343 = vector.broadcast %sub3A_342 : i32 to vector<16xi32>
          %sub3A_344 = arith.subi %gather3A_341, %sub3A_343 : vector<16xi32>
          %swap3A_345 = arith.constant 0 : i32
          %swap3A_346 = arith.index_cast %swap3A_345 : i32 to index
          %swap3A_347 = arith.constant 0 : index
          %swap3A_348 = tpu.vector_load %arg9[%swap3A_346, %swap3A_347] {strides = array<i32>} : memref<2x128xi32, #tpu.memory_space<vmem>>, vector<16xi32>,
          tpu.vector_store %arg9[%swap3A_346, %swap3A_347], %sub3A_344 {strides = array<i32>} : memref<2x128xi32, #tpu.memory_space<vmem>>, vector<16xi32>,
          %add3A_349 = vector.broadcast %mul3A_2 : i32 to vector<16xi32>
          %add3A_350 = arith.addi %gather3A_340, %add3A_349 : vector<16xi32>
          %swap3A_351 = arith.constant 0 : i32
          %swap3A_352 = arith.index_cast %swap3A_351 : i32 to index
          %swap3A_353 = arith.constant 0 : index
          %swap3A_354 = tpu.vector_load %arg10[%swap3A_352, %swap3A_353] {strides = array<i32>} : memref<2x128xi32, #tpu.memory_space<vmem>>, vector<16xi32>,
          tpu.vector_store %arg10[%swap3A_352, %swap3A_353], %add3A_350 {strides = array<i32>} : memref<2x128xi32, #tpu.memory_space<vmem>>, vector<16xi32>,
          %iota3A_355 = tpu.iota {dimensions = array<i32: 0>} : vector<16xi32>
          %add3A_356 = arith.constant 16 : i32
          %add3A_357 = arith.addi %mul3A_334, %add3A_356 : i32
          %add3A_358 = vector.broadcast %add3A_357 : i32 to vector<16xi32>
          %add3A_359 = arith.addi %iota3A_355, %add3A_358 : vector<16xi32>
          %gather3A_360 = tpu.vector_load_idx %arg7[%add3A_359] : memref<25744xi32, #tpu.memory_space<vmem>>[vector<16xi32>], vector<16xi32>,
          %gather3A_361 = tpu.vector_load_idx %arg6[%gather3A_360] : memref<25600xi32, #tpu.memory_space<vmem>>[vector<16xi32>], vector<16xi32>,
          %sub3A_362 = arith.constant 0 : i32
          %sub3A_363 = vector.broadcast %sub3A_362 : i32 to vector<16xi32>
          %sub3A_364 = arith.subi %gather3A_361, %sub3A_363 : vector<16xi32>
          %swap3A_365 = arith.constant 0 : i32
          %swap3A_366 = arith.index_cast %swap3A_365 : i32 to index
          %swap3A_367 = arith.constant 16 : index
          %swap3A_368 = tpu.vector_load %arg9[%swap3A_366, %swap3A_367] {strides = array<i32>} : memref<2x128xi32, #tpu.memory_space<vmem>>, vector<16xi32>,
          tpu.vector_store %arg9[%swap3A_366, %swap3A_367], %sub3A_364 {strides = array<i32>} : memref<2x128xi32, #tpu.memory_space<vmem>>, vector<16xi32>,
          %add3A_369 = vector.broadcast %mul3A_2 : i32 to vector<16xi32>
          %add3A_370 = arith.addi %gather3A_360, %add3A_369 : vector<16xi32>
          %swap3A_371 = arith.constant 0 : i32
          %swap3A_372 = arith.index_cast %swap3A_371 : i32 to index
          %swap3A_373 = arith.constant 16 : index
          %swap3A_374 = tpu.vector_load %arg10[%swap3A_372, %swap3A_373] {strides = array<i32>} : memref<2x128xi32, #tpu.memory_space<vmem>>, vector<16xi32>,
          tpu.vector_store %arg10[%swap3A_372, %swap3A_373], %add3A_370 {strides = array<i32>} : memref<2x128xi32, #tpu.memory_space<vmem>>, vector<16xi32>,
          %iota3A_375 = tpu.iota {dimensions = array<i32: 0>} : vector<16xi32>
          %add3A_376 = arith.constant 32 : i32
          %add3A_377 = arith.addi %mul3A_334, %add3A_376 : i32
          %add3A_378 = vector.broadcast %add3A_377 : i32 to vector<16xi32>
          %add3A_379 = arith.addi %iota3A_375, %add3A_378 : vector<16xi32>
          %gather3A_380 = tpu.vector_load_idx %arg7[%add3A_379] : memref<25744xi32, #tpu.memory_space<vmem>>[vector<16xi32>], vector<16xi32>,
          %gather3A_381 = tpu.vector_load_idx %arg6[%gather3A_380] : memref<25600xi32, #tpu.memory_space<vmem>>[vector<16xi32>], vector<16xi32>,
          %sub3A_382 = arith.constant 0 : i32
          %sub3A_383 = vector.broadcast %sub3A_382 : i32 to vector<16xi32>
          %sub3A_384 = arith.subi %gather3A_381, %sub3A_383 : vector<16xi32>
          %swap3A_385 = arith.constant 0 : i32
          %swap3A_386 = arith.index_cast %swap3A_385 : i32 to index
          %swap3A_387 = arith.constant 32 : index
          %swap3A_388 = tpu.vector_load %arg9[%swap3A_386, %swap3A_387] {strides = array<i32>} : memref<2x128xi32, #tpu.memory_space<vmem>>, vector<16xi32>,
          tpu.vector_store %arg9[%swap3A_386, %swap3A_387], %sub3A_384 {strides = array<i32>} : memref<2x128xi32, #tpu.memory_space<vmem>>, vector<16xi32>,
          %add3A_389 = vector.broadcast %mul3A_2 : i32 to vector<16xi32>
          %add3A_390 = arith.addi %gather3A_380, %add3A_389 : vector<16xi32>
          %swap3A_391 = arith.constant 0 : i32
          %swap3A_392 = arith.index_cast %swap3A_391 : i32 to index
          %swap3A_393 = arith.constant 32 : index
          %swap3A_394 = tpu.vector_load %arg10[%swap3A_392, %swap3A_393] {strides = array<i32>} : memref<2x128xi32, #tpu.memory_space<vmem>>, vector<16xi32>,
          tpu.vector_store %arg10[%swap3A_392, %swap3A_393], %add3A_390 {strides = array<i32>} : memref<2x128xi32, #tpu.memory_space<vmem>>, vector<16xi32>,
          %iota3A_395 = tpu.iota {dimensions = array<i32: 0>} : vector<16xi32>
          %add3A_396 = arith.constant 48 : i32
          %add3A_397 = arith.addi %mul3A_334, %add3A_396 : i32
          %add3A_398 = vector.broadcast %add3A_397 : i32 to vector<16xi32>
          %add3A_399 = arith.addi %iota3A_395, %add3A_398 : vector<16xi32>
          %gather3A_400 = tpu.vector_load_idx %arg7[%add3A_399] : memref<25744xi32, #tpu.memory_space<vmem>>[vector<16xi32>], vector<16xi32>,
          %gather3A_401 = tpu.vector_load_idx %arg6[%gather3A_400] : memref<25600xi32, #tpu.memory_space<vmem>>[vector<16xi32>], vector<16xi32>,
          %sub3A_402 = arith.constant 0 : i32
          %sub3A_403 = vector.broadcast %sub3A_402 : i32 to vector<16xi32>
          %sub3A_404 = arith.subi %gather3A_401, %sub3A_403 : vector<16xi32>
          %swap3A_405 = arith.constant 0 : i32
          %swap3A_406 = arith.index_cast %swap3A_405 : i32 to index
          %swap3A_407 = arith.constant 48 : index
          %swap3A_408 = tpu.vector_load %arg9[%swap3A_406, %swap3A_407] {strides = array<i32>} : memref<2x128xi32, #tpu.memory_space<vmem>>, vector<16xi32>,
          tpu.vector_store %arg9[%swap3A_406, %swap3A_407], %sub3A_404 {strides = array<i32>} : memref<2x128xi32, #tpu.memory_space<vmem>>, vector<16xi32>,
          %add3A_409 = vector.broadcast %mul3A_2 : i32 to vector<16xi32>
          %add3A_410 = arith.addi %gather3A_400, %add3A_409 : vector<16xi32>
          %swap3A_411 = arith.constant 0 : i32
          %swap3A_412 = arith.index_cast %swap3A_411 : i32 to index
          %swap3A_413 = arith.constant 48 : index
          %swap3A_414 = tpu.vector_load %arg10[%swap3A_412, %swap3A_413] {strides = array<i32>} : memref<2x128xi32, #tpu.memory_space<vmem>>, vector<16xi32>,
          tpu.vector_store %arg10[%swap3A_412, %swap3A_413], %add3A_410 {strides = array<i32>} : memref<2x128xi32, #tpu.memory_space<vmem>>, vector<16xi32>,
          %iota3A_415 = tpu.iota {dimensions = array<i32: 0>} : vector<16xi32>
          %add3A_416 = arith.constant 64 : i32
          %add3A_417 = arith.addi %mul3A_334, %add3A_416 : i32
          %add3A_418 = vector.broadcast %add3A_417 : i32 to vector<16xi32>
          %add3A_419 = arith.addi %iota3A_415, %add3A_418 : vector<16xi32>
          %gather3A_420 = tpu.vector_load_idx %arg7[%add3A_419] : memref<25744xi32, #tpu.memory_space<vmem>>[vector<16xi32>], vector<16xi32>,
          %gather3A_421 = tpu.vector_load_idx %arg6[%gather3A_420] : memref<25600xi32, #tpu.memory_space<vmem>>[vector<16xi32>], vector<16xi32>,
          %sub3A_422 = arith.constant 0 : i32
          %sub3A_423 = vector.broadcast %sub3A_422 : i32 to vector<16xi32>
          %sub3A_424 = arith.subi %gather3A_421, %sub3A_423 : vector<16xi32>
          %swap3A_425 = arith.constant 0 : i32
          %swap3A_426 = arith.index_cast %swap3A_425 : i32 to index
          %swap3A_427 = arith.constant 64 : index
          %swap3A_428 = tpu.vector_load %arg9[%swap3A_426, %swap3A_427] {strides = array<i32>} : memref<2x128xi32, #tpu.memory_space<vmem>>, vector<16xi32>,
          tpu.vector_store %arg9[%swap3A_426, %swap3A_427], %sub3A_424 {strides = array<i32>} : memref<2x128xi32, #tpu.memory_space<vmem>>, vector<16xi32>,
          %add3A_429 = vector.broadcast %mul3A_2 : i32 to vector<16xi32>
          %add3A_430 = arith.addi %gather3A_420, %add3A_429 : vector<16xi32>
          %swap3A_431 = arith.constant 0 : i32
          %swap3A_432 = arith.index_cast %swap3A_431 : i32 to index
          %swap3A_433 = arith.constant 64 : index
          %swap3A_434 = tpu.vector_load %arg10[%swap3A_432, %swap3A_433] {strides = array<i32>} : memref<2x128xi32, #tpu.memory_space<vmem>>, vector<16xi32>,
          tpu.vector_store %arg10[%swap3A_432, %swap3A_433], %add3A_430 {strides = array<i32>} : memref<2x128xi32, #tpu.memory_space<vmem>>, vector<16xi32>,
          %iota3A_435 = tpu.iota {dimensions = array<i32: 0>} : vector<16xi32>
          %add3A_436 = arith.constant 80 : i32
          %add3A_437 = arith.addi %mul3A_334, %add3A_436 : i32
          %add3A_438 = vector.broadcast %add3A_437 : i32 to vector<16xi32>
          %add3A_439 = arith.addi %iota3A_435, %add3A_438 : vector<16xi32>
          %gather3A_440 = tpu.vector_load_idx %arg7[%add3A_439] : memref<25744xi32, #tpu.memory_space<vmem>>[vector<16xi32>], vector<16xi32>,
          %gather3A_441 = tpu.vector_load_idx %arg6[%gather3A_440] : memref<25600xi32, #tpu.memory_space<vmem>>[vector<16xi32>], vector<16xi32>,
          %sub3A_442 = arith.constant 0 : i32
          %sub3A_443 = vector.broadcast %sub3A_442 : i32 to vector<16xi32>
          %sub3A_444 = arith.subi %gather3A_441, %sub3A_443 : vector<16xi32>
          %swap3A_445 = arith.constant 0 : i32
          %swap3A_446 = arith.index_cast %swap3A_445 : i32 to index
          %swap3A_447 = arith.constant 80 : index
          %swap3A_448 = tpu.vector_load %arg9[%swap3A_446, %swap3A_447] {strides = array<i32>} : memref<2x128xi32, #tpu.memory_space<vmem>>, vector<16xi32>,
          tpu.vector_store %arg9[%swap3A_446, %swap3A_447], %sub3A_444 {strides = array<i32>} : memref<2x128xi32, #tpu.memory_space<vmem>>, vector<16xi32>,
          %add3A_449 = vector.broadcast %mul3A_2 : i32 to vector<16xi32>
          %add3A_450 = arith.addi %gather3A_440, %add3A_449 : vector<16xi32>
          %swap3A_451 = arith.constant 0 : i32
          %swap3A_452 = arith.index_cast %swap3A_451 : i32 to index
          %swap3A_453 = arith.constant 80 : index
          %swap3A_454 = tpu.vector_load %arg10[%swap3A_452, %swap3A_453] {strides = array<i32>} : memref<2x128xi32, #tpu.memory_space<vmem>>, vector<16xi32>,
          tpu.vector_store %arg10[%swap3A_452, %swap3A_453], %add3A_450 {strides = array<i32>} : memref<2x128xi32, #tpu.memory_space<vmem>>, vector<16xi32>,
          %iota3A_455 = tpu.iota {dimensions = array<i32: 0>} : vector<16xi32>
          %add3A_456 = arith.constant 96 : i32
          %add3A_457 = arith.addi %mul3A_334, %add3A_456 : i32
          %add3A_458 = vector.broadcast %add3A_457 : i32 to vector<16xi32>
          %add3A_459 = arith.addi %iota3A_455, %add3A_458 : vector<16xi32>
          %gather3A_460 = tpu.vector_load_idx %arg7[%add3A_459] : memref<25744xi32, #tpu.memory_space<vmem>>[vector<16xi32>], vector<16xi32>,
          %gather3A_461 = tpu.vector_load_idx %arg6[%gather3A_460] : memref<25600xi32, #tpu.memory_space<vmem>>[vector<16xi32>], vector<16xi32>,
          %sub3A_462 = arith.constant 0 : i32
          %sub3A_463 = vector.broadcast %sub3A_462 : i32 to vector<16xi32>
          %sub3A_464 = arith.subi %gather3A_461, %sub3A_463 : vector<16xi32>
          %swap3A_465 = arith.constant 0 : i32
          %swap3A_466 = arith.index_cast %swap3A_465 : i32 to index
          %swap3A_467 = arith.constant 96 : index
          %swap3A_468 = tpu.vector_load %arg9[%swap3A_466, %swap3A_467] {strides = array<i32>} : memref<2x128xi32, #tpu.memory_space<vmem>>, vector<16xi32>,
          tpu.vector_store %arg9[%swap3A_466, %swap3A_467], %sub3A_464 {strides = array<i32>} : memref<2x128xi32, #tpu.memory_space<vmem>>, vector<16xi32>,
          %add3A_469 = vector.broadcast %mul3A_2 : i32 to vector<16xi32>
          %add3A_470 = arith.addi %gather3A_460, %add3A_469 : vector<16xi32>
          %swap3A_471 = arith.constant 0 : i32
          %swap3A_472 = arith.index_cast %swap3A_471 : i32 to index
          %swap3A_473 = arith.constant 96 : index
          %swap3A_474 = tpu.vector_load %arg10[%swap3A_472, %swap3A_473] {strides = array<i32>} : memref<2x128xi32, #tpu.memory_space<vmem>>, vector<16xi32>,
          tpu.vector_store %arg10[%swap3A_472, %swap3A_473], %add3A_470 {strides = array<i32>} : memref<2x128xi32, #tpu.memory_space<vmem>>, vector<16xi32>,
          %iota3A_475 = tpu.iota {dimensions = array<i32: 0>} : vector<16xi32>
          %add3A_476 = arith.constant 112 : i32
          %add3A_477 = arith.addi %mul3A_334, %add3A_476 : i32
          %add3A_478 = vector.broadcast %add3A_477 : i32 to vector<16xi32>
          %add3A_479 = arith.addi %iota3A_475, %add3A_478 : vector<16xi32>
          %gather3A_480 = tpu.vector_load_idx %arg7[%add3A_479] : memref<25744xi32, #tpu.memory_space<vmem>>[vector<16xi32>], vector<16xi32>,
          %gather3A_481 = tpu.vector_load_idx %arg6[%gather3A_480] : memref<25600xi32, #tpu.memory_space<vmem>>[vector<16xi32>], vector<16xi32>,
          %sub3A_482 = arith.constant 0 : i32
          %sub3A_483 = vector.broadcast %sub3A_482 : i32 to vector<16xi32>
          %sub3A_484 = arith.subi %gather3A_481, %sub3A_483 : vector<16xi32>
          %swap3A_485 = arith.constant 0 : i32
          %swap3A_486 = arith.index_cast %swap3A_485 : i32 to index
          %swap3A_487 = arith.constant 112 : index
          %swap3A_488 = tpu.vector_load %arg9[%swap3A_486, %swap3A_487] {strides = array<i32>} : memref<2x128xi32, #tpu.memory_space<vmem>>, vector<16xi32>,
          tpu.vector_store %arg9[%swap3A_486, %swap3A_487], %sub3A_484 {strides = array<i32>} : memref<2x128xi32, #tpu.memory_space<vmem>>, vector<16xi32>,
          %add3A_489 = vector.broadcast %mul3A_2 : i32 to vector<16xi32>
          %add3A_490 = arith.addi %gather3A_480, %add3A_489 : vector<16xi32>
          %swap3A_491 = arith.constant 0 : i32
          %swap3A_492 = arith.index_cast %swap3A_491 : i32 to index
          %swap3A_493 = arith.constant 112 : index
          %swap3A_494 = tpu.vector_load %arg10[%swap3A_492, %swap3A_493] {strides = array<i32>} : memref<2x128xi32, #tpu.memory_space<vmem>>, vector<16xi32>,
          tpu.vector_store %arg10[%swap3A_492, %swap3A_493], %add3A_490 {strides = array<i32>} : memref<2x128xi32, #tpu.memory_space<vmem>>, vector<16xi32>,
          %dma_start3A_495 = arith.constant 0 : i32
          %dma_start3A_496 = arith.constant 0 : i32
          %dma_start3A_497 = arith.constant 0 : i32
          %dma_start3A_498 = arith.constant 0 : i32
          %dma_start3A_499 = tpu.memref_slice %arg11[%dma_start3A_496, %dma_start3A_497, %dma_start3A_498] : memref<2x128x64xf32, #tpu.memory_space<vmem>> -> memref<1x128x64xf32, #tpu.memory_space<vmem>>
          %dma_start3A_500 = tpu.memref_squeeze %dma_start3A_499 : memref<1x128x64xf32, #tpu.memory_space<vmem>> -> memref<128x64xf32, #tpu.memory_space<vmem>>
          %dma_start3A_501 = arith.constant 0 : i32
          %dma_start3A_502 = tpu.memref_slice %arg9[%dma_start3A_495, %dma_start3A_501] : memref<2x128xi32, #tpu.memory_space<vmem>> -> memref<1x128xi32, #tpu.memory_space<vmem>>
          %dma_start3A_503 = tpu.memref_squeeze %dma_start3A_502 : memref<1x128xi32, #tpu.memory_space<vmem>> -> memref<128xi32, #tpu.memory_space<vmem>>
          %dma_start3A_504 = arith.constant 0 : i32
          %dma_start3A_505 = arith.constant 0 : i32
          %dma_start3A_506 = tpu.memref_slice %arg3[%dma_start3A_504, %dma_start3A_505] : memref<500000x64xf32, #tpu.memory_space<hbm>> -> memref<500000x64xf32, #tpu.memory_space<hbm>>
          tpu.enqueue_indirect_dma source(%dma_start3A_506 : memref<500000x64xf32, #tpu.memory_space<hbm>>) target(%dma_start3A_500 : memref<128x64xf32, #tpu.memory_space<vmem>>) offsets(%dma_start3A_503 : memref<128xi32, #tpu.memory_space<vmem>>) semaphore(%arg13 : memref<!tpu.dma_semaphore, #tpu.memory_space<semaphore_mem>>)
          %dma_wait3A = arith.constant 1 : i32
          %dma_wait3A_507 = arith.constant 1 : i32
          %dma_wait3A_508 = arith.constant 0 : i32
          %dma_wait3A_509 = arith.constant 0 : i32
          %dma_wait3A_510 = tpu.memref_slice %arg11[%dma_wait3A_507, %dma_wait3A_508, %dma_wait3A_509] : memref<2x128x64xf32, #tpu.memory_space<vmem>> -> memref<1x128x64xf32, #tpu.memory_space<vmem>>
          %dma_wait3A_511 = tpu.memref_squeeze %dma_wait3A_510 : memref<1x128x64xf32, #tpu.memory_space<vmem>> -> memref<128x64xf32, #tpu.memory_space<vmem>>
          %dma_wait3A_512 = arith.constant 0 : i32
          %dma_wait3A_513 = tpu.memref_slice %arg9[%dma_wait3A, %dma_wait3A_512] : memref<2x128xi32, #tpu.memory_space<vmem>> -> memref<1x128xi32, #tpu.memory_space<vmem>>
          %dma_wait3A_514 = tpu.memref_squeeze %dma_wait3A_513 : memref<1x128xi32, #tpu.memory_space<vmem>> -> memref<128xi32, #tpu.memory_space<vmem>>
          %dma_wait3A_515 = arith.constant 0 : i32
          %dma_wait3A_516 = arith.constant 0 : i32
          %dma_wait3A_517 = tpu.memref_slice %arg3[%dma_wait3A_515, %dma_wait3A_516] : memref<500000x64xf32, #tpu.memory_space<hbm>> -> memref<500000x64xf32, #tpu.memory_space<hbm>>
          tpu.wait_indirect_dma semaphore(%arg14 : memref<!tpu.dma_semaphore, #tpu.memory_space<semaphore_mem>>) src(%dma_wait3A_517 : memref<500000x64xf32, #tpu.memory_space<hbm>>) dst(%dma_wait3A_511 : memref<128x64xf32, #tpu.memory_space<vmem>>)
          %dma_start3A_518 = arith.constant 1 : i32
          %dma_start3A_519 = arith.constant 1 : i32
          %dma_start3A_520 = arith.constant 0 : i32
          %dma_start3A_521 = arith.constant 0 : i32
          %dma_start3A_522 = tpu.memref_slice %arg11[%dma_start3A_518, %dma_start3A_520, %dma_start3A_521] : memref<2x128x64xf32, #tpu.memory_space<vmem>> -> memref<1x128x64xf32, #tpu.memory_space<vmem>>
          %dma_start3A_523 = tpu.memref_squeeze %dma_start3A_522 : memref<1x128x64xf32, #tpu.memory_space<vmem>> -> memref<128x64xf32, #tpu.memory_space<vmem>>
          %dma_start3A_524 = arith.constant 0 : i32
          %dma_start3A_525 = tpu.memref_slice %arg10[%dma_start3A_519, %dma_start3A_524] : memref<2x128xi32, #tpu.memory_space<vmem>> -> memref<1x128xi32, #tpu.memory_space<vmem>>
          %dma_start3A_526 = tpu.memref_squeeze %dma_start3A_525 : memref<1x128xi32, #tpu.memory_space<vmem>> -> memref<128xi32, #tpu.memory_space<vmem>>
          %dma_start3A_527 = arith.constant 0 : i32
          %dma_start3A_528 = arith.constant 0 : i32
          %dma_start3A_529 = tpu.memref_slice %arg5[%dma_start3A_527, %dma_start3A_528] : memref<819200x64xf32, #tpu.memory_space<hbm>> -> memref<819200x64xf32, #tpu.memory_space<hbm>>
          tpu.enqueue_indirect_dma source(%dma_start3A_523 : memref<128x64xf32, #tpu.memory_space<vmem>>) target(%dma_start3A_529 : memref<819200x64xf32, #tpu.memory_space<hbm>>) offsets(%dma_start3A_526 : memref<128xi32, #tpu.memory_space<vmem>>) semaphore(%arg16 : memref<!tpu.dma_semaphore, #tpu.memory_space<semaphore_mem>>)
        } else {
        }
        %jit3A_307 = arith.constant 2 : i32
        %eq3A_308 = arith.constant 0 : i32
        %eq3A_309 = arith.cmpi eq, %jit3A_307, %eq3A_308 : i32
        %jit3A_310 = arith.constant 1 : i32
        %select_n3A_311 = arith.select %eq3A_309, %jit3A_310, %jit3A_307 : i32
        %rem3A_312 = arith.remsi %while3A_284, %select_n3A_311 : i32
        %ne3A_313 = arith.constant 0 : i32
        %ne3A_314 = arith.cmpi ne, %rem3A_312, %ne3A_313 : i32
        %lt3A_315 = arith.constant 0 : i32
        %lt3A_316 = arith.cmpi slt, %rem3A_312, %lt3A_315 : i32
        %lt3A_317 = arith.constant 0 : i32
        %lt3A_318 = arith.cmpi slt, %select_n3A_311, %lt3A_317 : i32
        %ne3A_319 = arith.xori %lt3A_316, %lt3A_318 : i1
        %and3A_320 = arith.andi %ne3A_319, %ne3A_314 : i1
        %add3A_321 = arith.addi %rem3A_312, %select_n3A_311 : i32
        %select_n3A_322 = arith.select %and3A_320, %add3A_321, %rem3A_312 : i32
        %eq3A_323 = arith.constant 1 : i32
        %eq3A_324 = arith.cmpi eq, %select_n3A_322, %eq3A_323 : i32
        %convert_element_type3A_325 = arith.extui %eq3A_324 : i1 to i32
        %cond3A_326 = arith.constant 0 : i32
        %cond3A_327 = arith.cmpi ne, %convert_element_type3A_325, %cond3A_326 : i32
        scf.if %cond3A_327 {
          %ge3A = arith.constant 2 : i32
          %ge3A_329 = arith.cmpi sge, %while3A_284, %ge3A : i32
          %convert_element_type3A_330 = arith.extui %ge3A_329 : i1 to i32
          %cond3A_331 = arith.constant 0 : i32
          %cond3A_332 = arith.cmpi ne, %convert_element_type3A_330, %cond3A_331 : i32
          scf.if %cond3A_332 {
            %dma_wait3A_530 = arith.constant 1 : i32
            %dma_wait3A_531 = arith.constant 1 : i32
            %dma_wait3A_532 = arith.constant 0 : i32
            %dma_wait3A_533 = arith.constant 0 : i32
            %dma_wait3A_534 = tpu.memref_slice %arg11[%dma_wait3A_530, %dma_wait3A_532, %dma_wait3A_533] : memref<2x128x64xf32, #tpu.memory_space<vmem>> -> memref<1x128x64xf32, #tpu.memory_space<vmem>>
            %dma_wait3A_535 = tpu.memref_squeeze %dma_wait3A_534 : memref<1x128x64xf32, #tpu.memory_space<vmem>> -> memref<128x64xf32, #tpu.memory_space<vmem>>
            %dma_wait3A_536 = arith.constant 0 : i32
            %dma_wait3A_537 = tpu.memref_slice %arg10[%dma_wait3A_531, %dma_wait3A_536] : memref<2x128xi32, #tpu.memory_space<vmem>> -> memref<1x128xi32, #tpu.memory_space<vmem>>
            %dma_wait3A_538 = tpu.memref_squeeze %dma_wait3A_537 : memref<1x128xi32, #tpu.memory_space<vmem>> -> memref<128xi32, #tpu.memory_space<vmem>>
            %dma_wait3A_539 = arith.constant 0 : i32
            %dma_wait3A_540 = arith.constant 0 : i32
            %dma_wait3A_541 = tpu.memref_slice %arg5[%dma_wait3A_539, %dma_wait3A_540] : memref<819200x64xf32, #tpu.memory_space<hbm>> -> memref<819200x64xf32, #tpu.memory_space<hbm>>
            tpu.wait_indirect_dma semaphore(%arg16 : memref<!tpu.dma_semaphore, #tpu.memory_space<semaphore_mem>>) src(%dma_wait3A_535 : memref<128x64xf32, #tpu.memory_space<vmem>>) dst(%dma_wait3A_541 : memref<819200x64xf32, #tpu.memory_space<hbm>>)
          } else {
          }
          %mul3A_333 = arith.constant 128 : i32
          %mul3A_334 = arith.muli %while3A_284, %mul3A_333 : i32
          %iota3A_335 = tpu.iota {dimensions = array<i32: 0>} : vector<16xi32>
          %add3A_336 = arith.constant 0 : i32
          %add3A_337 = arith.addi %mul3A_334, %add3A_336 : i32
          %add3A_338 = vector.broadcast %add3A_337 : i32 to vector<16xi32>
          %add3A_339 = arith.addi %iota3A_335, %add3A_338 : vector<16xi32>
          %gather3A_340 = tpu.vector_load_idx %arg7[%add3A_339] : memref<25744xi32, #tpu.memory_space<vmem>>[vector<16xi32>], vector<16xi32>,
          %gather3A_341 = tpu.vector_load_idx %arg6[%gather3A_340] : memref<25600xi32, #tpu.memory_space<vmem>>[vector<16xi32>], vector<16xi32>,
          %sub3A_342 = arith.constant 0 : i32
          %sub3A_343 = vector.broadcast %sub3A_342 : i32 to vector<16xi32>
          %sub3A_344 = arith.subi %gather3A_341, %sub3A_343 : vector<16xi32>
          %swap3A_345 = arith.constant 1 : i32
          %swap3A_346 = arith.index_cast %swap3A_345 : i32 to index
          %swap3A_347 = arith.constant 0 : index
          %swap3A_348 = tpu.vector_load %arg9[%swap3A_346, %swap3A_347] {strides = array<i32>} : memref<2x128xi32, #tpu.memory_space<vmem>>, vector<16xi32>,
          tpu.vector_store %arg9[%swap3A_346, %swap3A_347], %sub3A_344 {strides = array<i32>} : memref<2x128xi32, #tpu.memory_space<vmem>>, vector<16xi32>,
          %add3A_349 = vector.broadcast %mul3A_2 : i32 to vector<16xi32>
          %add3A_350 = arith.addi %gather3A_340, %add3A_349 : vector<16xi32>
          %swap3A_351 = arith.constant 1 : i32
          %swap3A_352 = arith.index_cast %swap3A_351 : i32 to index
          %swap3A_353 = arith.constant 0 : index
          %swap3A_354 = tpu.vector_load %arg10[%swap3A_352, %swap3A_353] {strides = array<i32>} : memref<2x128xi32, #tpu.memory_space<vmem>>, vector<16xi32>,
          tpu.vector_store %arg10[%swap3A_352, %swap3A_353], %add3A_350 {strides = array<i32>} : memref<2x128xi32, #tpu.memory_space<vmem>>, vector<16xi32>,
          %iota3A_355 = tpu.iota {dimensions = array<i32: 0>} : vector<16xi32>
          %add3A_356 = arith.constant 16 : i32
          %add3A_357 = arith.addi %mul3A_334, %add3A_356 : i32
          %add3A_358 = vector.broadcast %add3A_357 : i32 to vector<16xi32>
          %add3A_359 = arith.addi %iota3A_355, %add3A_358 : vector<16xi32>
          %gather3A_360 = tpu.vector_load_idx %arg7[%add3A_359] : memref<25744xi32, #tpu.memory_space<vmem>>[vector<16xi32>], vector<16xi32>,
          %gather3A_361 = tpu.vector_load_idx %arg6[%gather3A_360] : memref<25600xi32, #tpu.memory_space<vmem>>[vector<16xi32>], vector<16xi32>,
          %sub3A_362 = arith.constant 0 : i32
          %sub3A_363 = vector.broadcast %sub3A_362 : i32 to vector<16xi32>
          %sub3A_364 = arith.subi %gather3A_361, %sub3A_363 : vector<16xi32>
          %swap3A_365 = arith.constant 1 : i32
          %swap3A_366 = arith.index_cast %swap3A_365 : i32 to index
          %swap3A_367 = arith.constant 16 : index
          %swap3A_368 = tpu.vector_load %arg9[%swap3A_366, %swap3A_367] {strides = array<i32>} : memref<2x128xi32, #tpu.memory_space<vmem>>, vector<16xi32>,
          tpu.vector_store %arg9[%swap3A_366, %swap3A_367], %sub3A_364 {strides = array<i32>} : memref<2x128xi32, #tpu.memory_space<vmem>>, vector<16xi32>,
          %add3A_369 = vector.broadcast %mul3A_2 : i32 to vector<16xi32>
          %add3A_370 = arith.addi %gather3A_360, %add3A_369 : vector<16xi32>
          %swap3A_371 = arith.constant 1 : i32
          %swap3A_372 = arith.index_cast %swap3A_371 : i32 to index
          %swap3A_373 = arith.constant 16 : index
          %swap3A_374 = tpu.vector_load %arg10[%swap3A_372, %swap3A_373] {strides = array<i32>} : memref<2x128xi32, #tpu.memory_space<vmem>>, vector<16xi32>,
          tpu.vector_store %arg10[%swap3A_372, %swap3A_373], %add3A_370 {strides = array<i32>} : memref<2x128xi32, #tpu.memory_space<vmem>>, vector<16xi32>,
          %iota3A_375 = tpu.iota {dimensions = array<i32: 0>} : vector<16xi32>
          %add3A_376 = arith.constant 32 : i32
          %add3A_377 = arith.addi %mul3A_334, %add3A_376 : i32
          %add3A_378 = vector.broadcast %add3A_377 : i32 to vector<16xi32>
          %add3A_379 = arith.addi %iota3A_375, %add3A_378 : vector<16xi32>
          %gather3A_380 = tpu.vector_load_idx %arg7[%add3A_379] : memref<25744xi32, #tpu.memory_space<vmem>>[vector<16xi32>], vector<16xi32>,
          %gather3A_381 = tpu.vector_load_idx %arg6[%gather3A_380] : memref<25600xi32, #tpu.memory_space<vmem>>[vector<16xi32>], vector<16xi32>,
          %sub3A_382 = arith.constant 0 : i32
          %sub3A_383 = vector.broadcast %sub3A_382 : i32 to vector<16xi32>
          %sub3A_384 = arith.subi %gather3A_381, %sub3A_383 : vector<16xi32>
          %swap3A_385 = arith.constant 1 : i32
          %swap3A_386 = arith.index_cast %swap3A_385 : i32 to index
          %swap3A_387 = arith.constant 32 : index
          %swap3A_388 = tpu.vector_load %arg9[%swap3A_386, %swap3A_387] {strides = array<i32>} : memref<2x128xi32, #tpu.memory_space<vmem>>, vector<16xi32>,
          tpu.vector_store %arg9[%swap3A_386, %swap3A_387], %sub3A_384 {strides = array<i32>} : memref<2x128xi32, #tpu.memory_space<vmem>>, vector<16xi32>,
          %add3A_389 = vector.broadcast %mul3A_2 : i32 to vector<16xi32>
          %add3A_390 = arith.addi %gather3A_380, %add3A_389 : vector<16xi32>
          %swap3A_391 = arith.constant 1 : i32
          %swap3A_392 = arith.index_cast %swap3A_391 : i32 to index
          %swap3A_393 = arith.constant 32 : index
          %swap3A_394 = tpu.vector_load %arg10[%swap3A_392, %swap3A_393] {strides = array<i32>} : memref<2x128xi32, #tpu.memory_space<vmem>>, vector<16xi32>,
          tpu.vector_store %arg10[%swap3A_392, %swap3A_393], %add3A_390 {strides = array<i32>} : memref<2x128xi32, #tpu.memory_space<vmem>>, vector<16xi32>,
          %iota3A_395 = tpu.iota {dimensions = array<i32: 0>} : vector<16xi32>
          %add3A_396 = arith.constant 48 : i32
          %add3A_397 = arith.addi %mul3A_334, %add3A_396 : i32
          %add3A_398 = vector.broadcast %add3A_397 : i32 to vector<16xi32>
          %add3A_399 = arith.addi %iota3A_395, %add3A_398 : vector<16xi32>
          %gather3A_400 = tpu.vector_load_idx %arg7[%add3A_399] : memref<25744xi32, #tpu.memory_space<vmem>>[vector<16xi32>], vector<16xi32>,
          %gather3A_401 = tpu.vector_load_idx %arg6[%gather3A_400] : memref<25600xi32, #tpu.memory_space<vmem>>[vector<16xi32>], vector<16xi32>,
          %sub3A_402 = arith.constant 0 : i32
          %sub3A_403 = vector.broadcast %sub3A_402 : i32 to vector<16xi32>
          %sub3A_404 = arith.subi %gather3A_401, %sub3A_403 : vector<16xi32>
          %swap3A_405 = arith.constant 1 : i32
          %swap3A_406 = arith.index_cast %swap3A_405 : i32 to index
          %swap3A_407 = arith.constant 48 : index
          %swap3A_408 = tpu.vector_load %arg9[%swap3A_406, %swap3A_407] {strides = array<i32>} : memref<2x128xi32, #tpu.memory_space<vmem>>, vector<16xi32>,
          tpu.vector_store %arg9[%swap3A_406, %swap3A_407], %sub3A_404 {strides = array<i32>} : memref<2x128xi32, #tpu.memory_space<vmem>>, vector<16xi32>,
          %add3A_409 = vector.broadcast %mul3A_2 : i32 to vector<16xi32>
          %add3A_410 = arith.addi %gather3A_400, %add3A_409 : vector<16xi32>
          %swap3A_411 = arith.constant 1 : i32
          %swap3A_412 = arith.index_cast %swap3A_411 : i32 to index
          %swap3A_413 = arith.constant 48 : index
          %swap3A_414 = tpu.vector_load %arg10[%swap3A_412, %swap3A_413] {strides = array<i32>} : memref<2x128xi32, #tpu.memory_space<vmem>>, vector<16xi32>,
          tpu.vector_store %arg10[%swap3A_412, %swap3A_413], %add3A_410 {strides = array<i32>} : memref<2x128xi32, #tpu.memory_space<vmem>>, vector<16xi32>,
          %iota3A_415 = tpu.iota {dimensions = array<i32: 0>} : vector<16xi32>
          %add3A_416 = arith.constant 64 : i32
          %add3A_417 = arith.addi %mul3A_334, %add3A_416 : i32
          %add3A_418 = vector.broadcast %add3A_417 : i32 to vector<16xi32>
          %add3A_419 = arith.addi %iota3A_415, %add3A_418 : vector<16xi32>
          %gather3A_420 = tpu.vector_load_idx %arg7[%add3A_419] : memref<25744xi32, #tpu.memory_space<vmem>>[vector<16xi32>], vector<16xi32>,
          %gather3A_421 = tpu.vector_load_idx %arg6[%gather3A_420] : memref<25600xi32, #tpu.memory_space<vmem>>[vector<16xi32>], vector<16xi32>,
          %sub3A_422 = arith.constant 0 : i32
          %sub3A_423 = vector.broadcast %sub3A_422 : i32 to vector<16xi32>
          %sub3A_424 = arith.subi %gather3A_421, %sub3A_423 : vector<16xi32>
          %swap3A_425 = arith.constant 1 : i32
          %swap3A_426 = arith.index_cast %swap3A_425 : i32 to index
          %swap3A_427 = arith.constant 64 : index
          %swap3A_428 = tpu.vector_load %arg9[%swap3A_426, %swap3A_427] {strides = array<i32>} : memref<2x128xi32, #tpu.memory_space<vmem>>, vector<16xi32>,
          tpu.vector_store %arg9[%swap3A_426, %swap3A_427], %sub3A_424 {strides = array<i32>} : memref<2x128xi32, #tpu.memory_space<vmem>>, vector<16xi32>,
          %add3A_429 = vector.broadcast %mul3A_2 : i32 to vector<16xi32>
          %add3A_430 = arith.addi %gather3A_420, %add3A_429 : vector<16xi32>
          %swap3A_431 = arith.constant 1 : i32
          %swap3A_432 = arith.index_cast %swap3A_431 : i32 to index
          %swap3A_433 = arith.constant 64 : index
          %swap3A_434 = tpu.vector_load %arg10[%swap3A_432, %swap3A_433] {strides = array<i32>} : memref<2x128xi32, #tpu.memory_space<vmem>>, vector<16xi32>,
          tpu.vector_store %arg10[%swap3A_432, %swap3A_433], %add3A_430 {strides = array<i32>} : memref<2x128xi32, #tpu.memory_space<vmem>>, vector<16xi32>,
          %iota3A_435 = tpu.iota {dimensions = array<i32: 0>} : vector<16xi32>
          %add3A_436 = arith.constant 80 : i32
          %add3A_437 = arith.addi %mul3A_334, %add3A_436 : i32
          %add3A_438 = vector.broadcast %add3A_437 : i32 to vector<16xi32>
          %add3A_439 = arith.addi %iota3A_435, %add3A_438 : vector<16xi32>
          %gather3A_440 = tpu.vector_load_idx %arg7[%add3A_439] : memref<25744xi32, #tpu.memory_space<vmem>>[vector<16xi32>], vector<16xi32>,
          %gather3A_441 = tpu.vector_load_idx %arg6[%gather3A_440] : memref<25600xi32, #tpu.memory_space<vmem>>[vector<16xi32>], vector<16xi32>,
          %sub3A_442 = arith.constant 0 : i32
          %sub3A_443 = vector.broadcast %sub3A_442 : i32 to vector<16xi32>
          %sub3A_444 = arith.subi %gather3A_441, %sub3A_443 : vector<16xi32>
          %swap3A_445 = arith.constant 1 : i32
          %swap3A_446 = arith.index_cast %swap3A_445 : i32 to index
          %swap3A_447 = arith.constant 80 : index
          %swap3A_448 = tpu.vector_load %arg9[%swap3A_446, %swap3A_447] {strides = array<i32>} : memref<2x128xi32, #tpu.memory_space<vmem>>, vector<16xi32>,
          tpu.vector_store %arg9[%swap3A_446, %swap3A_447], %sub3A_444 {strides = array<i32>} : memref<2x128xi32, #tpu.memory_space<vmem>>, vector<16xi32>,
          %add3A_449 = vector.broadcast %mul3A_2 : i32 to vector<16xi32>
          %add3A_450 = arith.addi %gather3A_440, %add3A_449 : vector<16xi32>
          %swap3A_451 = arith.constant 1 : i32
          %swap3A_452 = arith.index_cast %swap3A_451 : i32 to index
          %swap3A_453 = arith.constant 80 : index
          %swap3A_454 = tpu.vector_load %arg10[%swap3A_452, %swap3A_453] {strides = array<i32>} : memref<2x128xi32, #tpu.memory_space<vmem>>, vector<16xi32>,
          tpu.vector_store %arg10[%swap3A_452, %swap3A_453], %add3A_450 {strides = array<i32>} : memref<2x128xi32, #tpu.memory_space<vmem>>, vector<16xi32>,
          %iota3A_455 = tpu.iota {dimensions = array<i32: 0>} : vector<16xi32>
          %add3A_456 = arith.constant 96 : i32
          %add3A_457 = arith.addi %mul3A_334, %add3A_456 : i32
          %add3A_458 = vector.broadcast %add3A_457 : i32 to vector<16xi32>
          %add3A_459 = arith.addi %iota3A_455, %add3A_458 : vector<16xi32>
          %gather3A_460 = tpu.vector_load_idx %arg7[%add3A_459] : memref<25744xi32, #tpu.memory_space<vmem>>[vector<16xi32>], vector<16xi32>,
          %gather3A_461 = tpu.vector_load_idx %arg6[%gather3A_460] : memref<25600xi32, #tpu.memory_space<vmem>>[vector<16xi32>], vector<16xi32>,
          %sub3A_462 = arith.constant 0 : i32
          %sub3A_463 = vector.broadcast %sub3A_462 : i32 to vector<16xi32>
          %sub3A_464 = arith.subi %gather3A_461, %sub3A_463 : vector<16xi32>
          %swap3A_465 = arith.constant 1 : i32
          %swap3A_466 = arith.index_cast %swap3A_465 : i32 to index
          %swap3A_467 = arith.constant 96 : index
          %swap3A_468 = tpu.vector_load %arg9[%swap3A_466, %swap3A_467] {strides = array<i32>} : memref<2x128xi32, #tpu.memory_space<vmem>>, vector<16xi32>,
          tpu.vector_store %arg9[%swap3A_466, %swap3A_467], %sub3A_464 {strides = array<i32>} : memref<2x128xi32, #tpu.memory_space<vmem>>, vector<16xi32>,
          %add3A_469 = vector.broadcast %mul3A_2 : i32 to vector<16xi32>
          %add3A_470 = arith.addi %gather3A_460, %add3A_469 : vector<16xi32>
          %swap3A_471 = arith.constant 1 : i32
          %swap3A_472 = arith.index_cast %swap3A_471 : i32 to index
          %swap3A_473 = arith.constant 96 : index
          %swap3A_474 = tpu.vector_load %arg10[%swap3A_472, %swap3A_473] {strides = array<i32>} : memref<2x128xi32, #tpu.memory_space<vmem>>, vector<16xi32>,
          tpu.vector_store %arg10[%swap3A_472, %swap3A_473], %add3A_470 {strides = array<i32>} : memref<2x128xi32, #tpu.memory_space<vmem>>, vector<16xi32>,
          %iota3A_475 = tpu.iota {dimensions = array<i32: 0>} : vector<16xi32>
          %add3A_476 = arith.constant 112 : i32
          %add3A_477 = arith.addi %mul3A_334, %add3A_476 : i32
          %add3A_478 = vector.broadcast %add3A_477 : i32 to vector<16xi32>
          %add3A_479 = arith.addi %iota3A_475, %add3A_478 : vector<16xi32>
          %gather3A_480 = tpu.vector_load_idx %arg7[%add3A_479] : memref<25744xi32, #tpu.memory_space<vmem>>[vector<16xi32>], vector<16xi32>,
          %gather3A_481 = tpu.vector_load_idx %arg6[%gather3A_480] : memref<25600xi32, #tpu.memory_space<vmem>>[vector<16xi32>], vector<16xi32>,
          %sub3A_482 = arith.constant 0 : i32
          %sub3A_483 = vector.broadcast %sub3A_482 : i32 to vector<16xi32>
          %sub3A_484 = arith.subi %gather3A_481, %sub3A_483 : vector<16xi32>
          %swap3A_485 = arith.constant 1 : i32
          %swap3A_486 = arith.index_cast %swap3A_485 : i32 to index
          %swap3A_487 = arith.constant 112 : index
          %swap3A_488 = tpu.vector_load %arg9[%swap3A_486, %swap3A_487] {strides = array<i32>} : memref<2x128xi32, #tpu.memory_space<vmem>>, vector<16xi32>,
          tpu.vector_store %arg9[%swap3A_486, %swap3A_487], %sub3A_484 {strides = array<i32>} : memref<2x128xi32, #tpu.memory_space<vmem>>, vector<16xi32>,
          %add3A_489 = vector.broadcast %mul3A_2 : i32 to vector<16xi32>
          %add3A_490 = arith.addi %gather3A_480, %add3A_489 : vector<16xi32>
          %swap3A_491 = arith.constant 1 : i32
          %swap3A_492 = arith.index_cast %swap3A_491 : i32 to index
          %swap3A_493 = arith.constant 112 : index
          %swap3A_494 = tpu.vector_load %arg10[%swap3A_492, %swap3A_493] {strides = array<i32>} : memref<2x128xi32, #tpu.memory_space<vmem>>, vector<16xi32>,
          tpu.vector_store %arg10[%swap3A_492, %swap3A_493], %add3A_490 {strides = array<i32>} : memref<2x128xi32, #tpu.memory_space<vmem>>, vector<16xi32>,
          %dma_start3A_495 = arith.constant 1 : i32
          %dma_start3A_496 = arith.constant 1 : i32
          %dma_start3A_497 = arith.constant 0 : i32
          %dma_start3A_498 = arith.constant 0 : i32
          %dma_start3A_499 = tpu.memref_slice %arg11[%dma_start3A_496, %dma_start3A_497, %dma_start3A_498] : memref<2x128x64xf32, #tpu.memory_space<vmem>> -> memref<1x128x64xf32, #tpu.memory_space<vmem>>
          %dma_start3A_500 = tpu.memref_squeeze %dma_start3A_499 : memref<1x128x64xf32, #tpu.memory_space<vmem>> -> memref<128x64xf32, #tpu.memory_space<vmem>>
          %dma_start3A_501 = arith.constant 0 : i32
          %dma_start3A_502 = tpu.memref_slice %arg9[%dma_start3A_495, %dma_start3A_501] : memref<2x128xi32, #tpu.memory_space<vmem>> -> memref<1x128xi32, #tpu.memory_space<vmem>>
          %dma_start3A_503 = tpu.memref_squeeze %dma_start3A_502 : memref<1x128xi32, #tpu.memory_space<vmem>> -> memref<128xi32, #tpu.memory_space<vmem>>
          %dma_start3A_504 = arith.constant 0 : i32
          %dma_start3A_505 = arith.constant 0 : i32
          %dma_start3A_506 = tpu.memref_slice %arg3[%dma_start3A_504, %dma_start3A_505] : memref<500000x64xf32, #tpu.memory_space<hbm>> -> memref<500000x64xf32, #tpu.memory_space<hbm>>
          tpu.enqueue_indirect_dma source(%dma_start3A_506 : memref<500000x64xf32, #tpu.memory_space<hbm>>) target(%dma_start3A_500 : memref<128x64xf32, #tpu.memory_space<vmem>>) offsets(%dma_start3A_503 : memref<128xi32, #tpu.memory_space<vmem>>) semaphore(%arg14 : memref<!tpu.dma_semaphore, #tpu.memory_space<semaphore_mem>>)
          %dma_wait3A = arith.constant 0 : i32
          %dma_wait3A_507 = arith.constant 0 : i32
          %dma_wait3A_508 = arith.constant 0 : i32
          %dma_wait3A_509 = arith.constant 0 : i32
          %dma_wait3A_510 = tpu.memref_slice %arg11[%dma_wait3A_507, %dma_wait3A_508, %dma_wait3A_509] : memref<2x128x64xf32, #tpu.memory_space<vmem>> -> memref<1x128x64xf32, #tpu.memory_space<vmem>>
          %dma_wait3A_511 = tpu.memref_squeeze %dma_wait3A_510 : memref<1x128x64xf32, #tpu.memory_space<vmem>> -> memref<128x64xf32, #tpu.memory_space<vmem>>
          %dma_wait3A_512 = arith.constant 0 : i32
          %dma_wait3A_513 = tpu.memref_slice %arg9[%dma_wait3A, %dma_wait3A_512] : memref<2x128xi32, #tpu.memory_space<vmem>> -> memref<1x128xi32, #tpu.memory_space<vmem>>
          %dma_wait3A_514 = tpu.memref_squeeze %dma_wait3A_513 : memref<1x128xi32, #tpu.memory_space<vmem>> -> memref<128xi32, #tpu.memory_space<vmem>>
          %dma_wait3A_515 = arith.constant 0 : i32
          %dma_wait3A_516 = arith.constant 0 : i32
          %dma_wait3A_517 = tpu.memref_slice %arg3[%dma_wait3A_515, %dma_wait3A_516] : memref<500000x64xf32, #tpu.memory_space<hbm>> -> memref<500000x64xf32, #tpu.memory_space<hbm>>
          tpu.wait_indirect_dma semaphore(%arg13 : memref<!tpu.dma_semaphore, #tpu.memory_space<semaphore_mem>>) src(%dma_wait3A_517 : memref<500000x64xf32, #tpu.memory_space<hbm>>) dst(%dma_wait3A_511 : memref<128x64xf32, #tpu.memory_space<vmem>>)
          %dma_start3A_518 = arith.constant 0 : i32
          %dma_start3A_519 = arith.constant 0 : i32
          %dma_start3A_520 = arith.constant 0 : i32
          %dma_start3A_521 = arith.constant 0 : i32
          %dma_start3A_522 = tpu.memref_slice %arg11[%dma_start3A_518, %dma_start3A_520, %dma_start3A_521] : memref<2x128x64xf32, #tpu.memory_space<vmem>> -> memref<1x128x64xf32, #tpu.memory_space<vmem>>
          %dma_start3A_523 = tpu.memref_squeeze %dma_start3A_522 : memref<1x128x64xf32, #tpu.memory_space<vmem>> -> memref<128x64xf32, #tpu.memory_space<vmem>>
          %dma_start3A_524 = arith.constant 0 : i32
          %dma_start3A_525 = tpu.memref_slice %arg10[%dma_start3A_519, %dma_start3A_524] : memref<2x128xi32, #tpu.memory_space<vmem>> -> memref<1x128xi32, #tpu.memory_space<vmem>>
          %dma_start3A_526 = tpu.memref_squeeze %dma_start3A_525 : memref<1x128xi32, #tpu.memory_space<vmem>> -> memref<128xi32, #tpu.memory_space<vmem>>
          %dma_start3A_527 = arith.constant 0 : i32
          %dma_start3A_528 = arith.constant 0 : i32
          %dma_start3A_529 = tpu.memref_slice %arg5[%dma_start3A_527, %dma_start3A_528] : memref<819200x64xf32, #tpu.memory_space<hbm>> -> memref<819200x64xf32, #tpu.memory_space<hbm>>
          tpu.enqueue_indirect_dma source(%dma_start3A_523 : memref<128x64xf32, #tpu.memory_space<vmem>>) target(%dma_start3A_529 : memref<819200x64xf32, #tpu.memory_space<hbm>>) offsets(%dma_start3A_526 : memref<128xi32, #tpu.memory_space<vmem>>) semaphore(%arg15 : memref<!tpu.dma_semaphore, #tpu.memory_space<semaphore_mem>>)
        } else {
        }
        %while3A_328 = arith.constant 0 : i32
        scf.yield %while3A_328 : i32
      }
      %sub3A_258 = arith.constant 1 : i32
      %sub3A_259 = arith.subi %select_n3A, %sub3A_258 : i32
      %jit3A_260 = arith.constant 2 : i32
      %eq3A = arith.constant 0 : i32
      %eq3A_261 = arith.cmpi eq, %jit3A_260, %eq3A : i32
      %jit3A_262 = arith.constant 1 : i32
      %select_n3A_263 = arith.select %eq3A_261, %jit3A_262, %jit3A_260 : i32
      %rem3A_264 = arith.remsi %sub3A_259, %select_n3A_263 : i32
      %ne3A_265 = arith.constant 0 : i32
      %ne3A_266 = arith.cmpi ne, %rem3A_264, %ne3A_265 : i32
      %lt3A = arith.constant 0 : i32
      %lt3A_267 = arith.cmpi slt, %rem3A_264, %lt3A : i32
      %lt3A_268 = arith.constant 0 : i32
      %lt3A_269 = arith.cmpi slt, %select_n3A_263, %lt3A_268 : i32
      %ne3A_270 = arith.xori %lt3A_267, %lt3A_269 : i1
      %and3A_271 = arith.andi %ne3A_270, %ne3A_266 : i1
      %add3A_272 = arith.addi %rem3A_264, %select_n3A_263 : i32
      %select_n3A_273 = arith.select %and3A_271, %add3A_272, %rem3A_264 : i32
      %eq3A_274 = arith.constant 0 : i32
      %eq3A_275 = arith.cmpi eq, %select_n3A_273, %eq3A_274 : i32
      %convert_element_type3A_276 = arith.extui %eq3A_275 : i1 to i32
      %cond3A_277 = arith.constant 0 : i32
      %cond3A_278 = arith.cmpi ne, %convert_element_type3A_276, %cond3A_277 : i32
      scf.if %cond3A_278 {
        %dma_wait3A = arith.constant 0 : i32
        %dma_wait3A_284 = arith.constant 0 : i32
        %dma_wait3A_285 = arith.constant 0 : i32
        %dma_wait3A_286 = arith.constant 0 : i32
        %dma_wait3A_287 = tpu.memref_slice %arg11[%dma_wait3A_284, %dma_wait3A_285, %dma_wait3A_286] : memref<2x128x64xf32, #tpu.memory_space<vmem>> -> memref<1x128x64xf32, #tpu.memory_space<vmem>>
        %dma_wait3A_288 = tpu.memref_squeeze %dma_wait3A_287 : memref<1x128x64xf32, #tpu.memory_space<vmem>> -> memref<128x64xf32, #tpu.memory_space<vmem>>
        %dma_wait3A_289 = arith.constant 0 : i32
        %dma_wait3A_290 = tpu.memref_slice %arg9[%dma_wait3A, %dma_wait3A_289] : memref<2x128xi32, #tpu.memory_space<vmem>> -> memref<1x128xi32, #tpu.memory_space<vmem>>
        %dma_wait3A_291 = tpu.memref_squeeze %dma_wait3A_290 : memref<1x128xi32, #tpu.memory_space<vmem>> -> memref<128xi32, #tpu.memory_space<vmem>>
        %dma_wait3A_292 = arith.constant 0 : i32
        %dma_wait3A_293 = arith.constant 0 : i32
        %dma_wait3A_294 = tpu.memref_slice %arg3[%dma_wait3A_292, %dma_wait3A_293] : memref<500000x64xf32, #tpu.memory_space<hbm>> -> memref<500000x64xf32, #tpu.memory_space<hbm>>
        tpu.wait_indirect_dma semaphore(%arg13 : memref<!tpu.dma_semaphore, #tpu.memory_space<semaphore_mem>>) src(%dma_wait3A_294 : memref<500000x64xf32, #tpu.memory_space<hbm>>) dst(%dma_wait3A_288 : memref<128x64xf32, #tpu.memory_space<vmem>>)
        %dma_start3A_295 = arith.constant 0 : i32
        %dma_start3A_296 = arith.constant 0 : i32
        %dma_start3A_297 = arith.constant 0 : i32
        %dma_start3A_298 = arith.constant 0 : i32
        %dma_start3A_299 = tpu.memref_slice %arg11[%dma_start3A_295, %dma_start3A_297, %dma_start3A_298] : memref<2x128x64xf32, #tpu.memory_space<vmem>> -> memref<1x128x64xf32, #tpu.memory_space<vmem>>
        %dma_start3A_300 = tpu.memref_squeeze %dma_start3A_299 : memref<1x128x64xf32, #tpu.memory_space<vmem>> -> memref<128x64xf32, #tpu.memory_space<vmem>>
        %dma_start3A_301 = arith.constant 0 : i32
        %dma_start3A_302 = tpu.memref_slice %arg10[%dma_start3A_296, %dma_start3A_301] : memref<2x128xi32, #tpu.memory_space<vmem>> -> memref<1x128xi32, #tpu.memory_space<vmem>>
        %dma_start3A_303 = tpu.memref_squeeze %dma_start3A_302 : memref<1x128xi32, #tpu.memory_space<vmem>> -> memref<128xi32, #tpu.memory_space<vmem>>
        %dma_start3A_304 = arith.constant 0 : i32
        %dma_start3A_305 = arith.constant 0 : i32
        %dma_start3A_306 = tpu.memref_slice %arg5[%dma_start3A_304, %dma_start3A_305] : memref<819200x64xf32, #tpu.memory_space<hbm>> -> memref<819200x64xf32, #tpu.memory_space<hbm>>
        tpu.enqueue_indirect_dma source(%dma_start3A_300 : memref<128x64xf32, #tpu.memory_space<vmem>>) target(%dma_start3A_306 : memref<819200x64xf32, #tpu.memory_space<hbm>>) offsets(%dma_start3A_303 : memref<128xi32, #tpu.memory_space<vmem>>) semaphore(%arg15 : memref<!tpu.dma_semaphore, #tpu.memory_space<semaphore_mem>>)
        %ge3A = arith.constant 2 : i32
        %ge3A_307 = arith.cmpi sge, %select_n3A, %ge3A : i32
        %convert_element_type3A_308 = arith.extui %ge3A_307 : i1 to i32
        %cond3A_309 = arith.constant 0 : i32
        %cond3A_310 = arith.cmpi ne, %convert_element_type3A_308, %cond3A_309 : i32
        scf.if %cond3A_310 {
          %dma_wait3A_323 = arith.constant 1 : i32
          %dma_wait3A_324 = arith.constant 1 : i32
          %dma_wait3A_325 = arith.constant 0 : i32
          %dma_wait3A_326 = arith.constant 0 : i32
          %dma_wait3A_327 = tpu.memref_slice %arg11[%dma_wait3A_323, %dma_wait3A_325, %dma_wait3A_326] : memref<2x128x64xf32, #tpu.memory_space<vmem>> -> memref<1x128x64xf32, #tpu.memory_space<vmem>>
          %dma_wait3A_328 = tpu.memref_squeeze %dma_wait3A_327 : memref<1x128x64xf32, #tpu.memory_space<vmem>> -> memref<128x64xf32, #tpu.memory_space<vmem>>
          %dma_wait3A_329 = arith.constant 0 : i32
          %dma_wait3A_330 = tpu.memref_slice %arg10[%dma_wait3A_324, %dma_wait3A_329] : memref<2x128xi32, #tpu.memory_space<vmem>> -> memref<1x128xi32, #tpu.memory_space<vmem>>
          %dma_wait3A_331 = tpu.memref_squeeze %dma_wait3A_330 : memref<1x128xi32, #tpu.memory_space<vmem>> -> memref<128xi32, #tpu.memory_space<vmem>>
          %dma_wait3A_332 = arith.constant 0 : i32
          %dma_wait3A_333 = arith.constant 0 : i32
          %dma_wait3A_334 = tpu.memref_slice %arg5[%dma_wait3A_332, %dma_wait3A_333] : memref<819200x64xf32, #tpu.memory_space<hbm>> -> memref<819200x64xf32, #tpu.memory_space<hbm>>
          tpu.wait_indirect_dma semaphore(%arg16 : memref<!tpu.dma_semaphore, #tpu.memory_space<semaphore_mem>>) src(%dma_wait3A_328 : memref<128x64xf32, #tpu.memory_space<vmem>>) dst(%dma_wait3A_334 : memref<819200x64xf32, #tpu.memory_space<hbm>>)
        } else {
        }
        %dma_wait3A_311 = arith.constant 0 : i32
        %dma_wait3A_312 = arith.constant 0 : i32
        %dma_wait3A_313 = arith.constant 0 : i32
        %dma_wait3A_314 = arith.constant 0 : i32
        %dma_wait3A_315 = tpu.memref_slice %arg11[%dma_wait3A_311, %dma_wait3A_313, %dma_wait3A_314] : memref<2x128x64xf32, #tpu.memory_space<vmem>> -> memref<1x128x64xf32, #tpu.memory_space<vmem>>
        %dma_wait3A_316 = tpu.memref_squeeze %dma_wait3A_315 : memref<1x128x64xf32, #tpu.memory_space<vmem>> -> memref<128x64xf32, #tpu.memory_space<vmem>>
        %dma_wait3A_317 = arith.constant 0 : i32
        %dma_wait3A_318 = tpu.memref_slice %arg10[%dma_wait3A_312, %dma_wait3A_317] : memref<2x128xi32, #tpu.memory_space<vmem>> -> memref<1x128xi32, #tpu.memory_space<vmem>>
        %dma_wait3A_319 = tpu.memref_squeeze %dma_wait3A_318 : memref<1x128xi32, #tpu.memory_space<vmem>> -> memref<128xi32, #tpu.memory_space<vmem>>
        %dma_wait3A_320 = arith.constant 0 : i32
        %dma_wait3A_321 = arith.constant 0 : i32
        %dma_wait3A_322 = tpu.memref_slice %arg5[%dma_wait3A_320, %dma_wait3A_321] : memref<819200x64xf32, #tpu.memory_space<hbm>> -> memref<819200x64xf32, #tpu.memory_space<hbm>>
        tpu.wait_indirect_dma semaphore(%arg15 : memref<!tpu.dma_semaphore, #tpu.memory_space<semaphore_mem>>) src(%dma_wait3A_316 : memref<128x64xf32, #tpu.memory_space<vmem>>) dst(%dma_wait3A_322 : memref<819200x64xf32, #tpu.memory_space<hbm>>)
      } else {
      }
      %eq3A_279 = arith.constant 1 : i32
      %eq3A_280 = arith.cmpi eq, %select_n3A_273, %eq3A_279 : i32
      %convert_element_type3A_281 = arith.extui %eq3A_280 : i1 to i32
      %cond3A_282 = arith.constant 0 : i32
      %cond3A_283 = arith.cmpi ne, %convert_element_type3A_281, %cond3A_282 : i32
      scf.if %cond3A_283 {
        %dma_wait3A = arith.constant 1 : i32
        %dma_wait3A_284 = arith.constant 1 : i32
        %dma_wait3A_285 = arith.constant 0 : i32
        %dma_wait3A_286 = arith.constant 0 : i32
        %dma_wait3A_287 = tpu.memref_slice %arg11[%dma_wait3A_284, %dma_wait3A_285, %dma_wait3A_286] : memref<2x128x64xf32, #tpu.memory_space<vmem>> -> memref<1x128x64xf32, #tpu.memory_space<vmem>>
        %dma_wait3A_288 = tpu.memref_squeeze %dma_wait3A_287 : memref<1x128x64xf32, #tpu.memory_space<vmem>> -> memref<128x64xf32, #tpu.memory_space<vmem>>
        %dma_wait3A_289 = arith.constant 0 : i32
        %dma_wait3A_290 = tpu.memref_slice %arg9[%dma_wait3A, %dma_wait3A_289] : memref<2x128xi32, #tpu.memory_space<vmem>> -> memref<1x128xi32, #tpu.memory_space<vmem>>
        %dma_wait3A_291 = tpu.memref_squeeze %dma_wait3A_290 : memref<1x128xi32, #tpu.memory_space<vmem>> -> memref<128xi32, #tpu.memory_space<vmem>>
        %dma_wait3A_292 = arith.constant 0 : i32
        %dma_wait3A_293 = arith.constant 0 : i32
        %dma_wait3A_294 = tpu.memref_slice %arg3[%dma_wait3A_292, %dma_wait3A_293] : memref<500000x64xf32, #tpu.memory_space<hbm>> -> memref<500000x64xf32, #tpu.memory_space<hbm>>
        tpu.wait_indirect_dma semaphore(%arg14 : memref<!tpu.dma_semaphore, #tpu.memory_space<semaphore_mem>>) src(%dma_wait3A_294 : memref<500000x64xf32, #tpu.memory_space<hbm>>) dst(%dma_wait3A_288 : memref<128x64xf32, #tpu.memory_space<vmem>>)
        %dma_start3A_295 = arith.constant 1 : i32
        %dma_start3A_296 = arith.constant 1 : i32
        %dma_start3A_297 = arith.constant 0 : i32
        %dma_start3A_298 = arith.constant 0 : i32
        %dma_start3A_299 = tpu.memref_slice %arg11[%dma_start3A_295, %dma_start3A_297, %dma_start3A_298] : memref<2x128x64xf32, #tpu.memory_space<vmem>> -> memref<1x128x64xf32, #tpu.memory_space<vmem>>
        %dma_start3A_300 = tpu.memref_squeeze %dma_start3A_299 : memref<1x128x64xf32, #tpu.memory_space<vmem>> -> memref<128x64xf32, #tpu.memory_space<vmem>>
        %dma_start3A_301 = arith.constant 0 : i32
        %dma_start3A_302 = tpu.memref_slice %arg10[%dma_start3A_296, %dma_start3A_301] : memref<2x128xi32, #tpu.memory_space<vmem>> -> memref<1x128xi32, #tpu.memory_space<vmem>>
        %dma_start3A_303 = tpu.memref_squeeze %dma_start3A_302 : memref<1x128xi32, #tpu.memory_space<vmem>> -> memref<128xi32, #tpu.memory_space<vmem>>
        %dma_start3A_304 = arith.constant 0 : i32
        %dma_start3A_305 = arith.constant 0 : i32
        %dma_start3A_306 = tpu.memref_slice %arg5[%dma_start3A_304, %dma_start3A_305] : memref<819200x64xf32, #tpu.memory_space<hbm>> -> memref<819200x64xf32, #tpu.memory_space<hbm>>
        tpu.enqueue_indirect_dma source(%dma_start3A_300 : memref<128x64xf32, #tpu.memory_space<vmem>>) target(%dma_start3A_306 : memref<819200x64xf32, #tpu.memory_space<hbm>>) offsets(%dma_start3A_303 : memref<128xi32, #tpu.memory_space<vmem>>) semaphore(%arg16 : memref<!tpu.dma_semaphore, #tpu.memory_space<semaphore_mem>>)
        %ge3A = arith.constant 2 : i32
        %ge3A_307 = arith.cmpi sge, %select_n3A, %ge3A : i32
        %convert_element_type3A_308 = arith.extui %ge3A_307 : i1 to i32
        %cond3A_309 = arith.constant 0 : i32
        %cond3A_310 = arith.cmpi ne, %convert_element_type3A_308, %cond3A_309 : i32
        scf.if %cond3A_310 {
          %dma_wait3A_323 = arith.constant 0 : i32
          %dma_wait3A_324 = arith.constant 0 : i32
          %dma_wait3A_325 = arith.constant 0 : i32
          %dma_wait3A_326 = arith.constant 0 : i32
          %dma_wait3A_327 = tpu.memref_slice %arg11[%dma_wait3A_323, %dma_wait3A_325, %dma_wait3A_326] : memref<2x128x64xf32, #tpu.memory_space<vmem>> -> memref<1x128x64xf32, #tpu.memory_space<vmem>>
          %dma_wait3A_328 = tpu.memref_squeeze %dma_wait3A_327 : memref<1x128x64xf32, #tpu.memory_space<vmem>> -> memref<128x64xf32, #tpu.memory_space<vmem>>
          %dma_wait3A_329 = arith.constant 0 : i32
          %dma_wait3A_330 = tpu.memref_slice %arg10[%dma_wait3A_324, %dma_wait3A_329] : memref<2x128xi32, #tpu.memory_space<vmem>> -> memref<1x128xi32, #tpu.memory_space<vmem>>
          %dma_wait3A_331 = tpu.memref_squeeze %dma_wait3A_330 : memref<1x128xi32, #tpu.memory_space<vmem>> -> memref<128xi32, #tpu.memory_space<vmem>>
          %dma_wait3A_332 = arith.constant 0 : i32
          %dma_wait3A_333 = arith.constant 0 : i32
          %dma_wait3A_334 = tpu.memref_slice %arg5[%dma_wait3A_332, %dma_wait3A_333] : memref<819200x64xf32, #tpu.memory_space<hbm>> -> memref<819200x64xf32, #tpu.memory_space<hbm>>
          tpu.wait_indirect_dma semaphore(%arg15 : memref<!tpu.dma_semaphore, #tpu.memory_space<semaphore_mem>>) src(%dma_wait3A_328 : memref<128x64xf32, #tpu.memory_space<vmem>>) dst(%dma_wait3A_334 : memref<819200x64xf32, #tpu.memory_space<hbm>>)
        } else {
        }
        %dma_wait3A_311 = arith.constant 1 : i32
        %dma_wait3A_312 = arith.constant 1 : i32
        %dma_wait3A_313 = arith.constant 0 : i32
        %dma_wait3A_314 = arith.constant 0 : i32
        %dma_wait3A_315 = tpu.memref_slice %arg11[%dma_wait3A_311, %dma_wait3A_313, %dma_wait3A_314] : memref<2x128x64xf32, #tpu.memory_space<vmem>> -> memref<1x128x64xf32, #tpu.memory_space<vmem>>
        %dma_wait3A_316 = tpu.memref_squeeze %dma_wait3A_315 : memref<1x128x64xf32, #tpu.memory_space<vmem>> -> memref<128x64xf32, #tpu.memory_space<vmem>>
        %dma_wait3A_317 = arith.constant 0 : i32
        %dma_wait3A_318 = tpu.memref_slice %arg10[%dma_wait3A_312, %dma_wait3A_317] : memref<2x128xi32, #tpu.memory_space<vmem>> -> memref<1x128xi32, #tpu.memory_space<vmem>>
        %dma_wait3A_319 = tpu.memref_squeeze %dma_wait3A_318 : memref<1x128xi32, #tpu.memory_space<vmem>> -> memref<128xi32, #tpu.memory_space<vmem>>
        %dma_wait3A_320 = arith.constant 0 : i32
        %dma_wait3A_321 = arith.constant 0 : i32
        %dma_wait3A_322 = tpu.memref_slice %arg5[%dma_wait3A_320, %dma_wait3A_321] : memref<819200x64xf32, #tpu.memory_space<hbm>> -> memref<819200x64xf32, #tpu.memory_space<hbm>>
        tpu.wait_indirect_dma semaphore(%arg16 : memref<!tpu.dma_semaphore, #tpu.memory_space<semaphore_mem>>) src(%dma_wait3A_316 : memref<128x64xf32, #tpu.memory_space<vmem>>) dst(%dma_wait3A_322 : memref<819200x64xf32, #tpu.memory_space<hbm>>)
      } else {
      }
    } else {
    }
    %barrier3A = arith.constant 0 : index
    tpu.barrier barrier_id(%barrier3A)
    %get3A_52 = arith.constant 1 : i32
    %get3A_53 = arith.index_cast %get3A_52 : i32 to index
    %get3A_54 = memref.load %arg12[%get3A_53] : memref<8xi32, #tpu.memory_space<smem>>
    %add3A_55 = arith.constant 127 : i32
    %add3A_56 = arith.addi %get3A_54, %add3A_55 : i32
    %jit3A_57 = arith.constant 128 : i32
    %div3A_58 = arith.divsi %add3A_56, %jit3A_57 : i32
    %sign3A_59 = arith.constant 0 : i32
    %sign3A_60 = arith.cmpi sgt, %add3A_56, %sign3A_59 : i32
    %sign3A_61 = arith.extui %sign3A_60 : i1 to i32
    %sign3A_62 = arith.constant 0 : i32
    %sign3A_63 = arith.cmpi slt, %add3A_56, %sign3A_62 : i32
    %sign3A_64 = arith.extui %sign3A_63 : i1 to i32
    %sign3A_65 = arith.subi %sign3A_61, %sign3A_64 : i32
    %sign3A_66 = arith.constant 0 : i32
    %sign3A_67 = arith.cmpi sgt, %jit3A_57, %sign3A_66 : i32
    %sign3A_68 = arith.extui %sign3A_67 : i1 to i32
    %sign3A_69 = arith.constant 0 : i32
    %sign3A_70 = arith.cmpi slt, %jit3A_57, %sign3A_69 : i32
    %sign3A_71 = arith.extui %sign3A_70 : i1 to i32
    %sign3A_72 = arith.subi %sign3A_68, %sign3A_71 : i32
    %ne3A_73 = arith.cmpi ne, %sign3A_65, %sign3A_72 : i32
    %rem3A_74 = arith.remsi %add3A_56, %jit3A_57 : i32
    %ne3A_75 = arith.constant 0 : i32
    %ne3A_76 = arith.cmpi ne, %rem3A_74, %ne3A_75 : i32
    %and3A_77 = arith.andi %ne3A_73, %ne3A_76 : i1
    %sub3A_78 = arith.constant 1 : i32
    %sub3A_79 = arith.subi %div3A_58, %sub3A_78 : i32
    %select_n3A_80 = arith.select %and3A_77, %sub3A_79, %div3A_58 : i32
    %gt3A_81 = arith.constant 0 : i32
    %gt3A_82 = arith.cmpi sgt, %select_n3A_80, %gt3A_81 : i32
    %convert_element_type3A_83 = arith.extui %gt3A_82 : i1 to i32
    %cond3A_84 = arith.constant 0 : i32
    %cond3A_85 = arith.cmpi ne, %convert_element_type3A_83, %cond3A_84 : i32
    scf.if %cond3A_85 {
      %iota3A = tpu.iota {dimensions = array<i32: 0>} : vector<16xi32>
      %add3A_86 = arith.constant 0 : i32
      %add3A_87 = vector.broadcast %add3A_86 : i32 to vector<16xi32>
      %add3A_88 = arith.addi %iota3A, %add3A_87 : vector<16xi32>
      %gather3A = tpu.vector_load_idx %arg8[%add3A_88] : memref<25744xi32, #tpu.memory_space<vmem>>[vector<16xi32>], vector<16xi32>,
      %gather3A_89 = tpu.vector_load_idx %arg6[%gather3A] : memref<25600xi32, #tpu.memory_space<vmem>>[vector<16xi32>], vector<16xi32>,
      %sub3A_90 = arith.constant 500000 : i32
      %sub3A_91 = vector.broadcast %sub3A_90 : i32 to vector<16xi32>
      %sub3A_92 = arith.subi %gather3A_89, %sub3A_91 : vector<16xi32>
      %swap3A_93 = arith.constant 0 : i32
      %swap3A_94 = arith.index_cast %swap3A_93 : i32 to index
      %swap3A_95 = arith.constant 0 : index
      %swap3A_96 = tpu.vector_load %arg9[%swap3A_94, %swap3A_95] {strides = array<i32>} : memref<2x128xi32, #tpu.memory_space<vmem>>, vector<16xi32>,
      tpu.vector_store %arg9[%swap3A_94, %swap3A_95], %sub3A_92 {strides = array<i32>} : memref<2x128xi32, #tpu.memory_space<vmem>>, vector<16xi32>,
      %add3A_97 = vector.broadcast %mul3A_2 : i32 to vector<16xi32>
      %add3A_98 = arith.addi %gather3A, %add3A_97 : vector<16xi32>
      %swap3A_99 = arith.constant 0 : i32
      %swap3A_100 = arith.index_cast %swap3A_99 : i32 to index
      %swap3A_101 = arith.constant 0 : index
      %swap3A_102 = tpu.vector_load %arg10[%swap3A_100, %swap3A_101] {strides = array<i32>} : memref<2x128xi32, #tpu.memory_space<vmem>>, vector<16xi32>,
      tpu.vector_store %arg10[%swap3A_100, %swap3A_101], %add3A_98 {strides = array<i32>} : memref<2x128xi32, #tpu.memory_space<vmem>>, vector<16xi32>,
      %iota3A_103 = tpu.iota {dimensions = array<i32: 0>} : vector<16xi32>
      %add3A_104 = arith.constant 16 : i32
      %add3A_105 = vector.broadcast %add3A_104 : i32 to vector<16xi32>
      %add3A_106 = arith.addi %iota3A_103, %add3A_105 : vector<16xi32>
      %gather3A_107 = tpu.vector_load_idx %arg8[%add3A_106] : memref<25744xi32, #tpu.memory_space<vmem>>[vector<16xi32>], vector<16xi32>,
      %gather3A_108 = tpu.vector_load_idx %arg6[%gather3A_107] : memref<25600xi32, #tpu.memory_space<vmem>>[vector<16xi32>], vector<16xi32>,
      %sub3A_109 = arith.constant 500000 : i32
      %sub3A_110 = vector.broadcast %sub3A_109 : i32 to vector<16xi32>
      %sub3A_111 = arith.subi %gather3A_108, %sub3A_110 : vector<16xi32>
      %swap3A_112 = arith.constant 0 : i32
      %swap3A_113 = arith.index_cast %swap3A_112 : i32 to index
      %swap3A_114 = arith.constant 16 : index
      %swap3A_115 = tpu.vector_load %arg9[%swap3A_113, %swap3A_114] {strides = array<i32>} : memref<2x128xi32, #tpu.memory_space<vmem>>, vector<16xi32>,
      tpu.vector_store %arg9[%swap3A_113, %swap3A_114], %sub3A_111 {strides = array<i32>} : memref<2x128xi32, #tpu.memory_space<vmem>>, vector<16xi32>,
      %add3A_116 = vector.broadcast %mul3A_2 : i32 to vector<16xi32>
      %add3A_117 = arith.addi %gather3A_107, %add3A_116 : vector<16xi32>
      %swap3A_118 = arith.constant 0 : i32
      %swap3A_119 = arith.index_cast %swap3A_118 : i32 to index
      %swap3A_120 = arith.constant 16 : index
      %swap3A_121 = tpu.vector_load %arg10[%swap3A_119, %swap3A_120] {strides = array<i32>} : memref<2x128xi32, #tpu.memory_space<vmem>>, vector<16xi32>,
      tpu.vector_store %arg10[%swap3A_119, %swap3A_120], %add3A_117 {strides = array<i32>} : memref<2x128xi32, #tpu.memory_space<vmem>>, vector<16xi32>,
      %iota3A_122 = tpu.iota {dimensions = array<i32: 0>} : vector<16xi32>
      %add3A_123 = arith.constant 32 : i32
      %add3A_124 = vector.broadcast %add3A_123 : i32 to vector<16xi32>
      %add3A_125 = arith.addi %iota3A_122, %add3A_124 : vector<16xi32>
      %gather3A_126 = tpu.vector_load_idx %arg8[%add3A_125] : memref<25744xi32, #tpu.memory_space<vmem>>[vector<16xi32>], vector<16xi32>,
      %gather3A_127 = tpu.vector_load_idx %arg6[%gather3A_126] : memref<25600xi32, #tpu.memory_space<vmem>>[vector<16xi32>], vector<16xi32>,
      %sub3A_128 = arith.constant 500000 : i32
      %sub3A_129 = vector.broadcast %sub3A_128 : i32 to vector<16xi32>
      %sub3A_130 = arith.subi %gather3A_127, %sub3A_129 : vector<16xi32>
      %swap3A_131 = arith.constant 0 : i32
      %swap3A_132 = arith.index_cast %swap3A_131 : i32 to index
      %swap3A_133 = arith.constant 32 : index
      %swap3A_134 = tpu.vector_load %arg9[%swap3A_132, %swap3A_133] {strides = array<i32>} : memref<2x128xi32, #tpu.memory_space<vmem>>, vector<16xi32>,
      tpu.vector_store %arg9[%swap3A_132, %swap3A_133], %sub3A_130 {strides = array<i32>} : memref<2x128xi32, #tpu.memory_space<vmem>>, vector<16xi32>,
      %add3A_135 = vector.broadcast %mul3A_2 : i32 to vector<16xi32>
      %add3A_136 = arith.addi %gather3A_126, %add3A_135 : vector<16xi32>
      %swap3A_137 = arith.constant 0 : i32
      %swap3A_138 = arith.index_cast %swap3A_137 : i32 to index
      %swap3A_139 = arith.constant 32 : index
      %swap3A_140 = tpu.vector_load %arg10[%swap3A_138, %swap3A_139] {strides = array<i32>} : memref<2x128xi32, #tpu.memory_space<vmem>>, vector<16xi32>,
      tpu.vector_store %arg10[%swap3A_138, %swap3A_139], %add3A_136 {strides = array<i32>} : memref<2x128xi32, #tpu.memory_space<vmem>>, vector<16xi32>,
      %iota3A_141 = tpu.iota {dimensions = array<i32: 0>} : vector<16xi32>
      %add3A_142 = arith.constant 48 : i32
      %add3A_143 = vector.broadcast %add3A_142 : i32 to vector<16xi32>
      %add3A_144 = arith.addi %iota3A_141, %add3A_143 : vector<16xi32>
      %gather3A_145 = tpu.vector_load_idx %arg8[%add3A_144] : memref<25744xi32, #tpu.memory_space<vmem>>[vector<16xi32>], vector<16xi32>,
      %gather3A_146 = tpu.vector_load_idx %arg6[%gather3A_145] : memref<25600xi32, #tpu.memory_space<vmem>>[vector<16xi32>], vector<16xi32>,
      %sub3A_147 = arith.constant 500000 : i32
      %sub3A_148 = vector.broadcast %sub3A_147 : i32 to vector<16xi32>
      %sub3A_149 = arith.subi %gather3A_146, %sub3A_148 : vector<16xi32>
      %swap3A_150 = arith.constant 0 : i32
      %swap3A_151 = arith.index_cast %swap3A_150 : i32 to index
      %swap3A_152 = arith.constant 48 : index
      %swap3A_153 = tpu.vector_load %arg9[%swap3A_151, %swap3A_152] {strides = array<i32>} : memref<2x128xi32, #tpu.memory_space<vmem>>, vector<16xi32>,
      tpu.vector_store %arg9[%swap3A_151, %swap3A_152], %sub3A_149 {strides = array<i32>} : memref<2x128xi32, #tpu.memory_space<vmem>>, vector<16xi32>,
      %add3A_154 = vector.broadcast %mul3A_2 : i32 to vector<16xi32>
      %add3A_155 = arith.addi %gather3A_145, %add3A_154 : vector<16xi32>
      %swap3A_156 = arith.constant 0 : i32
      %swap3A_157 = arith.index_cast %swap3A_156 : i32 to index
      %swap3A_158 = arith.constant 48 : index
      %swap3A_159 = tpu.vector_load %arg10[%swap3A_157, %swap3A_158] {strides = array<i32>} : memref<2x128xi32, #tpu.memory_space<vmem>>, vector<16xi32>,
      tpu.vector_store %arg10[%swap3A_157, %swap3A_158], %add3A_155 {strides = array<i32>} : memref<2x128xi32, #tpu.memory_space<vmem>>, vector<16xi32>,
      %iota3A_160 = tpu.iota {dimensions = array<i32: 0>} : vector<16xi32>
      %add3A_161 = arith.constant 64 : i32
      %add3A_162 = vector.broadcast %add3A_161 : i32 to vector<16xi32>
      %add3A_163 = arith.addi %iota3A_160, %add3A_162 : vector<16xi32>
      %gather3A_164 = tpu.vector_load_idx %arg8[%add3A_163] : memref<25744xi32, #tpu.memory_space<vmem>>[vector<16xi32>], vector<16xi32>,
      %gather3A_165 = tpu.vector_load_idx %arg6[%gather3A_164] : memref<25600xi32, #tpu.memory_space<vmem>>[vector<16xi32>], vector<16xi32>,
      %sub3A_166 = arith.constant 500000 : i32
      %sub3A_167 = vector.broadcast %sub3A_166 : i32 to vector<16xi32>
      %sub3A_168 = arith.subi %gather3A_165, %sub3A_167 : vector<16xi32>
      %swap3A_169 = arith.constant 0 : i32
      %swap3A_170 = arith.index_cast %swap3A_169 : i32 to index
      %swap3A_171 = arith.constant 64 : index
      %swap3A_172 = tpu.vector_load %arg9[%swap3A_170, %swap3A_171] {strides = array<i32>} : memref<2x128xi32, #tpu.memory_space<vmem>>, vector<16xi32>,
      tpu.vector_store %arg9[%swap3A_170, %swap3A_171], %sub3A_168 {strides = array<i32>} : memref<2x128xi32, #tpu.memory_space<vmem>>, vector<16xi32>,
      %add3A_173 = vector.broadcast %mul3A_2 : i32 to vector<16xi32>
      %add3A_174 = arith.addi %gather3A_164, %add3A_173 : vector<16xi32>
      %swap3A_175 = arith.constant 0 : i32
      %swap3A_176 = arith.index_cast %swap3A_175 : i32 to index
      %swap3A_177 = arith.constant 64 : index
      %swap3A_178 = tpu.vector_load %arg10[%swap3A_176, %swap3A_177] {strides = array<i32>} : memref<2x128xi32, #tpu.memory_space<vmem>>, vector<16xi32>,
      tpu.vector_store %arg10[%swap3A_176, %swap3A_177], %add3A_174 {strides = array<i32>} : memref<2x128xi32, #tpu.memory_space<vmem>>, vector<16xi32>,
      %iota3A_179 = tpu.iota {dimensions = array<i32: 0>} : vector<16xi32>
      %add3A_180 = arith.constant 80 : i32
      %add3A_181 = vector.broadcast %add3A_180 : i32 to vector<16xi32>
      %add3A_182 = arith.addi %iota3A_179, %add3A_181 : vector<16xi32>
      %gather3A_183 = tpu.vector_load_idx %arg8[%add3A_182] : memref<25744xi32, #tpu.memory_space<vmem>>[vector<16xi32>], vector<16xi32>,
      %gather3A_184 = tpu.vector_load_idx %arg6[%gather3A_183] : memref<25600xi32, #tpu.memory_space<vmem>>[vector<16xi32>], vector<16xi32>,
      %sub3A_185 = arith.constant 500000 : i32
      %sub3A_186 = vector.broadcast %sub3A_185 : i32 to vector<16xi32>
      %sub3A_187 = arith.subi %gather3A_184, %sub3A_186 : vector<16xi32>
      %swap3A_188 = arith.constant 0 : i32
      %swap3A_189 = arith.index_cast %swap3A_188 : i32 to index
      %swap3A_190 = arith.constant 80 : index
      %swap3A_191 = tpu.vector_load %arg9[%swap3A_189, %swap3A_190] {strides = array<i32>} : memref<2x128xi32, #tpu.memory_space<vmem>>, vector<16xi32>,
      tpu.vector_store %arg9[%swap3A_189, %swap3A_190], %sub3A_187 {strides = array<i32>} : memref<2x128xi32, #tpu.memory_space<vmem>>, vector<16xi32>,
      %add3A_192 = vector.broadcast %mul3A_2 : i32 to vector<16xi32>
      %add3A_193 = arith.addi %gather3A_183, %add3A_192 : vector<16xi32>
      %swap3A_194 = arith.constant 0 : i32
      %swap3A_195 = arith.index_cast %swap3A_194 : i32 to index
      %swap3A_196 = arith.constant 80 : index
      %swap3A_197 = tpu.vector_load %arg10[%swap3A_195, %swap3A_196] {strides = array<i32>} : memref<2x128xi32, #tpu.memory_space<vmem>>, vector<16xi32>,
      tpu.vector_store %arg10[%swap3A_195, %swap3A_196], %add3A_193 {strides = array<i32>} : memref<2x128xi32, #tpu.memory_space<vmem>>, vector<16xi32>,
      %iota3A_198 = tpu.iota {dimensions = array<i32: 0>} : vector<16xi32>
      %add3A_199 = arith.constant 96 : i32
      %add3A_200 = vector.broadcast %add3A_199 : i32 to vector<16xi32>
      %add3A_201 = arith.addi %iota3A_198, %add3A_200 : vector<16xi32>
      %gather3A_202 = tpu.vector_load_idx %arg8[%add3A_201] : memref<25744xi32, #tpu.memory_space<vmem>>[vector<16xi32>], vector<16xi32>,
      %gather3A_203 = tpu.vector_load_idx %arg6[%gather3A_202] : memref<25600xi32, #tpu.memory_space<vmem>>[vector<16xi32>], vector<16xi32>,
      %sub3A_204 = arith.constant 500000 : i32
      %sub3A_205 = vector.broadcast %sub3A_204 : i32 to vector<16xi32>
      %sub3A_206 = arith.subi %gather3A_203, %sub3A_205 : vector<16xi32>
      %swap3A_207 = arith.constant 0 : i32
      %swap3A_208 = arith.index_cast %swap3A_207 : i32 to index
      %swap3A_209 = arith.constant 96 : index
      %swap3A_210 = tpu.vector_load %arg9[%swap3A_208, %swap3A_209] {strides = array<i32>} : memref<2x128xi32, #tpu.memory_space<vmem>>, vector<16xi32>,
      tpu.vector_store %arg9[%swap3A_208, %swap3A_209], %sub3A_206 {strides = array<i32>} : memref<2x128xi32, #tpu.memory_space<vmem>>, vector<16xi32>,
      %add3A_211 = vector.broadcast %mul3A_2 : i32 to vector<16xi32>
      %add3A_212 = arith.addi %gather3A_202, %add3A_211 : vector<16xi32>
      %swap3A_213 = arith.constant 0 : i32
      %swap3A_214 = arith.index_cast %swap3A_213 : i32 to index
      %swap3A_215 = arith.constant 96 : index
      %swap3A_216 = tpu.vector_load %arg10[%swap3A_214, %swap3A_215] {strides = array<i32>} : memref<2x128xi32, #tpu.memory_space<vmem>>, vector<16xi32>,
      tpu.vector_store %arg10[%swap3A_214, %swap3A_215], %add3A_212 {strides = array<i32>} : memref<2x128xi32, #tpu.memory_space<vmem>>, vector<16xi32>,
      %iota3A_217 = tpu.iota {dimensions = array<i32: 0>} : vector<16xi32>
      %add3A_218 = arith.constant 112 : i32
      %add3A_219 = vector.broadcast %add3A_218 : i32 to vector<16xi32>
      %add3A_220 = arith.addi %iota3A_217, %add3A_219 : vector<16xi32>
      %gather3A_221 = tpu.vector_load_idx %arg8[%add3A_220] : memref<25744xi32, #tpu.memory_space<vmem>>[vector<16xi32>], vector<16xi32>,
      %gather3A_222 = tpu.vector_load_idx %arg6[%gather3A_221] : memref<25600xi32, #tpu.memory_space<vmem>>[vector<16xi32>], vector<16xi32>,
      %sub3A_223 = arith.constant 500000 : i32
      %sub3A_224 = vector.broadcast %sub3A_223 : i32 to vector<16xi32>
      %sub3A_225 = arith.subi %gather3A_222, %sub3A_224 : vector<16xi32>
      %swap3A_226 = arith.constant 0 : i32
      %swap3A_227 = arith.index_cast %swap3A_226 : i32 to index
      %swap3A_228 = arith.constant 112 : index
      %swap3A_229 = tpu.vector_load %arg9[%swap3A_227, %swap3A_228] {strides = array<i32>} : memref<2x128xi32, #tpu.memory_space<vmem>>, vector<16xi32>,
      tpu.vector_store %arg9[%swap3A_227, %swap3A_228], %sub3A_225 {strides = array<i32>} : memref<2x128xi32, #tpu.memory_space<vmem>>, vector<16xi32>,
      %add3A_230 = vector.broadcast %mul3A_2 : i32 to vector<16xi32>
      %add3A_231 = arith.addi %gather3A_221, %add3A_230 : vector<16xi32>
      %swap3A_232 = arith.constant 0 : i32
      %swap3A_233 = arith.index_cast %swap3A_232 : i32 to index
      %swap3A_234 = arith.constant 112 : index
      %swap3A_235 = tpu.vector_load %arg10[%swap3A_233, %swap3A_234] {strides = array<i32>} : memref<2x128xi32, #tpu.memory_space<vmem>>, vector<16xi32>,
      tpu.vector_store %arg10[%swap3A_233, %swap3A_234], %add3A_231 {strides = array<i32>} : memref<2x128xi32, #tpu.memory_space<vmem>>, vector<16xi32>,
      %dma_start3A = arith.constant 0 : i32
      %dma_start3A_236 = arith.constant 0 : i32
      %dma_start3A_237 = arith.constant 0 : i32
      %dma_start3A_238 = arith.constant 0 : i32
      %dma_start3A_239 = tpu.memref_slice %arg11[%dma_start3A_236, %dma_start3A_237, %dma_start3A_238] : memref<2x128x64xf32, #tpu.memory_space<vmem>> -> memref<1x128x64xf32, #tpu.memory_space<vmem>>
      %dma_start3A_240 = tpu.memref_squeeze %dma_start3A_239 : memref<1x128x64xf32, #tpu.memory_space<vmem>> -> memref<128x64xf32, #tpu.memory_space<vmem>>
      %dma_start3A_241 = arith.constant 0 : i32
      %dma_start3A_242 = tpu.memref_slice %arg9[%dma_start3A, %dma_start3A_241] : memref<2x128xi32, #tpu.memory_space<vmem>> -> memref<1x128xi32, #tpu.memory_space<vmem>>
      %dma_start3A_243 = tpu.memref_squeeze %dma_start3A_242 : memref<1x128xi32, #tpu.memory_space<vmem>> -> memref<128xi32, #tpu.memory_space<vmem>>
      %dma_start3A_244 = arith.constant 0 : i32
      %dma_start3A_245 = arith.constant 0 : i32
      %dma_start3A_246 = tpu.memref_slice %arg4[%dma_start3A_244, %dma_start3A_245] : memref<500000x64xf32, #tpu.memory_space<hbm>> -> memref<500000x64xf32, #tpu.memory_space<hbm>>
      tpu.enqueue_indirect_dma source(%dma_start3A_246 : memref<500000x64xf32, #tpu.memory_space<hbm>>) target(%dma_start3A_240 : memref<128x64xf32, #tpu.memory_space<vmem>>) offsets(%dma_start3A_243 : memref<128xi32, #tpu.memory_space<vmem>>) semaphore(%arg13 : memref<!tpu.dma_semaphore, #tpu.memory_space<semaphore_mem>>)
      %while3A = arith.constant 1 : i32
      %while3A_247 = arith.constant 0 : i32
      %while3A_248 = arith.subi %select_n3A_80, %while3A : i32
      %while3A_249 = arith.addi %while3A, %while3A_248 : i32
      %while3A_250 = arith.constant 1 : i32
      %while3A_251 = arith.divsi %while3A_248, %while3A_250 : i32
      %while3A_252 = arith.muli %while3A_251, %while3A_250 : i32
      %while3A_253 = arith.addi %while3A, %while3A_252 : i32
      %while3A_254 = arith.constant 1 : i32
      %while3A_255 = scf.for %while3A_284 = %while3A to %while3A_253 step %while3A_254 iter_args(%while3A_285 = %while3A_247) -> (i32)  : i32 {
        %jit3A_286 = arith.constant 2 : i32
        %eq3A_287 = arith.constant 0 : i32
        %eq3A_288 = arith.cmpi eq, %jit3A_286, %eq3A_287 : i32
        %jit3A_289 = arith.constant 1 : i32
        %select_n3A_290 = arith.select %eq3A_288, %jit3A_289, %jit3A_286 : i32
        %rem3A_291 = arith.remsi %while3A_284, %select_n3A_290 : i32
        %ne3A_292 = arith.constant 0 : i32
        %ne3A_293 = arith.cmpi ne, %rem3A_291, %ne3A_292 : i32
        %lt3A_294 = arith.constant 0 : i32
        %lt3A_295 = arith.cmpi slt, %rem3A_291, %lt3A_294 : i32
        %lt3A_296 = arith.constant 0 : i32
        %lt3A_297 = arith.cmpi slt, %select_n3A_290, %lt3A_296 : i32
        %ne3A_298 = arith.xori %lt3A_295, %lt3A_297 : i1
        %and3A_299 = arith.andi %ne3A_298, %ne3A_293 : i1
        %add3A_300 = arith.addi %rem3A_291, %select_n3A_290 : i32
        %select_n3A_301 = arith.select %and3A_299, %add3A_300, %rem3A_291 : i32
        %eq3A_302 = arith.constant 0 : i32
        %eq3A_303 = arith.cmpi eq, %select_n3A_301, %eq3A_302 : i32
        %convert_element_type3A_304 = arith.extui %eq3A_303 : i1 to i32
        %cond3A_305 = arith.constant 0 : i32
        %cond3A_306 = arith.cmpi ne, %convert_element_type3A_304, %cond3A_305 : i32
        scf.if %cond3A_306 {
          %ge3A = arith.constant 2 : i32
          %ge3A_329 = arith.cmpi sge, %while3A_284, %ge3A : i32
          %convert_element_type3A_330 = arith.extui %ge3A_329 : i1 to i32
          %cond3A_331 = arith.constant 0 : i32
          %cond3A_332 = arith.cmpi ne, %convert_element_type3A_330, %cond3A_331 : i32
          scf.if %cond3A_332 {
            %dma_wait3A_530 = arith.constant 0 : i32
            %dma_wait3A_531 = arith.constant 0 : i32
            %dma_wait3A_532 = arith.constant 0 : i32
            %dma_wait3A_533 = arith.constant 0 : i32
            %dma_wait3A_534 = tpu.memref_slice %arg11[%dma_wait3A_530, %dma_wait3A_532, %dma_wait3A_533] : memref<2x128x64xf32, #tpu.memory_space<vmem>> -> memref<1x128x64xf32, #tpu.memory_space<vmem>>
            %dma_wait3A_535 = tpu.memref_squeeze %dma_wait3A_534 : memref<1x128x64xf32, #tpu.memory_space<vmem>> -> memref<128x64xf32, #tpu.memory_space<vmem>>
            %dma_wait3A_536 = arith.constant 0 : i32
            %dma_wait3A_537 = tpu.memref_slice %arg10[%dma_wait3A_531, %dma_wait3A_536] : memref<2x128xi32, #tpu.memory_space<vmem>> -> memref<1x128xi32, #tpu.memory_space<vmem>>
            %dma_wait3A_538 = tpu.memref_squeeze %dma_wait3A_537 : memref<1x128xi32, #tpu.memory_space<vmem>> -> memref<128xi32, #tpu.memory_space<vmem>>
            %dma_wait3A_539 = arith.constant 0 : i32
            %dma_wait3A_540 = arith.constant 0 : i32
            %dma_wait3A_541 = tpu.memref_slice %arg5[%dma_wait3A_539, %dma_wait3A_540] : memref<819200x64xf32, #tpu.memory_space<hbm>> -> memref<819200x64xf32, #tpu.memory_space<hbm>>
            tpu.wait_indirect_dma semaphore(%arg15 : memref<!tpu.dma_semaphore, #tpu.memory_space<semaphore_mem>>) src(%dma_wait3A_535 : memref<128x64xf32, #tpu.memory_space<vmem>>) dst(%dma_wait3A_541 : memref<819200x64xf32, #tpu.memory_space<hbm>>)
          } else {
          }
          %mul3A_333 = arith.constant 128 : i32
          %mul3A_334 = arith.muli %while3A_284, %mul3A_333 : i32
          %iota3A_335 = tpu.iota {dimensions = array<i32: 0>} : vector<16xi32>
          %add3A_336 = arith.constant 0 : i32
          %add3A_337 = arith.addi %mul3A_334, %add3A_336 : i32
          %add3A_338 = vector.broadcast %add3A_337 : i32 to vector<16xi32>
          %add3A_339 = arith.addi %iota3A_335, %add3A_338 : vector<16xi32>
          %gather3A_340 = tpu.vector_load_idx %arg8[%add3A_339] : memref<25744xi32, #tpu.memory_space<vmem>>[vector<16xi32>], vector<16xi32>,
          %gather3A_341 = tpu.vector_load_idx %arg6[%gather3A_340] : memref<25600xi32, #tpu.memory_space<vmem>>[vector<16xi32>], vector<16xi32>,
          %sub3A_342 = arith.constant 500000 : i32
          %sub3A_343 = vector.broadcast %sub3A_342 : i32 to vector<16xi32>
          %sub3A_344 = arith.subi %gather3A_341, %sub3A_343 : vector<16xi32>
          %swap3A_345 = arith.constant 0 : i32
          %swap3A_346 = arith.index_cast %swap3A_345 : i32 to index
          %swap3A_347 = arith.constant 0 : index
          %swap3A_348 = tpu.vector_load %arg9[%swap3A_346, %swap3A_347] {strides = array<i32>} : memref<2x128xi32, #tpu.memory_space<vmem>>, vector<16xi32>,
          tpu.vector_store %arg9[%swap3A_346, %swap3A_347], %sub3A_344 {strides = array<i32>} : memref<2x128xi32, #tpu.memory_space<vmem>>, vector<16xi32>,
          %add3A_349 = vector.broadcast %mul3A_2 : i32 to vector<16xi32>
          %add3A_350 = arith.addi %gather3A_340, %add3A_349 : vector<16xi32>
          %swap3A_351 = arith.constant 0 : i32
          %swap3A_352 = arith.index_cast %swap3A_351 : i32 to index
          %swap3A_353 = arith.constant 0 : index
          %swap3A_354 = tpu.vector_load %arg10[%swap3A_352, %swap3A_353] {strides = array<i32>} : memref<2x128xi32, #tpu.memory_space<vmem>>, vector<16xi32>,
          tpu.vector_store %arg10[%swap3A_352, %swap3A_353], %add3A_350 {strides = array<i32>} : memref<2x128xi32, #tpu.memory_space<vmem>>, vector<16xi32>,
          %iota3A_355 = tpu.iota {dimensions = array<i32: 0>} : vector<16xi32>
          %add3A_356 = arith.constant 16 : i32
          %add3A_357 = arith.addi %mul3A_334, %add3A_356 : i32
          %add3A_358 = vector.broadcast %add3A_357 : i32 to vector<16xi32>
          %add3A_359 = arith.addi %iota3A_355, %add3A_358 : vector<16xi32>
          %gather3A_360 = tpu.vector_load_idx %arg8[%add3A_359] : memref<25744xi32, #tpu.memory_space<vmem>>[vector<16xi32>], vector<16xi32>,
          %gather3A_361 = tpu.vector_load_idx %arg6[%gather3A_360] : memref<25600xi32, #tpu.memory_space<vmem>>[vector<16xi32>], vector<16xi32>,
          %sub3A_362 = arith.constant 500000 : i32
          %sub3A_363 = vector.broadcast %sub3A_362 : i32 to vector<16xi32>
          %sub3A_364 = arith.subi %gather3A_361, %sub3A_363 : vector<16xi32>
          %swap3A_365 = arith.constant 0 : i32
          %swap3A_366 = arith.index_cast %swap3A_365 : i32 to index
          %swap3A_367 = arith.constant 16 : index
          %swap3A_368 = tpu.vector_load %arg9[%swap3A_366, %swap3A_367] {strides = array<i32>} : memref<2x128xi32, #tpu.memory_space<vmem>>, vector<16xi32>,
          tpu.vector_store %arg9[%swap3A_366, %swap3A_367], %sub3A_364 {strides = array<i32>} : memref<2x128xi32, #tpu.memory_space<vmem>>, vector<16xi32>,
          %add3A_369 = vector.broadcast %mul3A_2 : i32 to vector<16xi32>
          %add3A_370 = arith.addi %gather3A_360, %add3A_369 : vector<16xi32>
          %swap3A_371 = arith.constant 0 : i32
          %swap3A_372 = arith.index_cast %swap3A_371 : i32 to index
          %swap3A_373 = arith.constant 16 : index
          %swap3A_374 = tpu.vector_load %arg10[%swap3A_372, %swap3A_373] {strides = array<i32>} : memref<2x128xi32, #tpu.memory_space<vmem>>, vector<16xi32>,
          tpu.vector_store %arg10[%swap3A_372, %swap3A_373], %add3A_370 {strides = array<i32>} : memref<2x128xi32, #tpu.memory_space<vmem>>, vector<16xi32>,
          %iota3A_375 = tpu.iota {dimensions = array<i32: 0>} : vector<16xi32>
          %add3A_376 = arith.constant 32 : i32
          %add3A_377 = arith.addi %mul3A_334, %add3A_376 : i32
          %add3A_378 = vector.broadcast %add3A_377 : i32 to vector<16xi32>
          %add3A_379 = arith.addi %iota3A_375, %add3A_378 : vector<16xi32>
          %gather3A_380 = tpu.vector_load_idx %arg8[%add3A_379] : memref<25744xi32, #tpu.memory_space<vmem>>[vector<16xi32>], vector<16xi32>,
          %gather3A_381 = tpu.vector_load_idx %arg6[%gather3A_380] : memref<25600xi32, #tpu.memory_space<vmem>>[vector<16xi32>], vector<16xi32>,
          %sub3A_382 = arith.constant 500000 : i32
          %sub3A_383 = vector.broadcast %sub3A_382 : i32 to vector<16xi32>
          %sub3A_384 = arith.subi %gather3A_381, %sub3A_383 : vector<16xi32>
          %swap3A_385 = arith.constant 0 : i32
          %swap3A_386 = arith.index_cast %swap3A_385 : i32 to index
          %swap3A_387 = arith.constant 32 : index
          %swap3A_388 = tpu.vector_load %arg9[%swap3A_386, %swap3A_387] {strides = array<i32>} : memref<2x128xi32, #tpu.memory_space<vmem>>, vector<16xi32>,
          tpu.vector_store %arg9[%swap3A_386, %swap3A_387], %sub3A_384 {strides = array<i32>} : memref<2x128xi32, #tpu.memory_space<vmem>>, vector<16xi32>,
          %add3A_389 = vector.broadcast %mul3A_2 : i32 to vector<16xi32>
          %add3A_390 = arith.addi %gather3A_380, %add3A_389 : vector<16xi32>
          %swap3A_391 = arith.constant 0 : i32
          %swap3A_392 = arith.index_cast %swap3A_391 : i32 to index
          %swap3A_393 = arith.constant 32 : index
          %swap3A_394 = tpu.vector_load %arg10[%swap3A_392, %swap3A_393] {strides = array<i32>} : memref<2x128xi32, #tpu.memory_space<vmem>>, vector<16xi32>,
          tpu.vector_store %arg10[%swap3A_392, %swap3A_393], %add3A_390 {strides = array<i32>} : memref<2x128xi32, #tpu.memory_space<vmem>>, vector<16xi32>,
          %iota3A_395 = tpu.iota {dimensions = array<i32: 0>} : vector<16xi32>
          %add3A_396 = arith.constant 48 : i32
          %add3A_397 = arith.addi %mul3A_334, %add3A_396 : i32
          %add3A_398 = vector.broadcast %add3A_397 : i32 to vector<16xi32>
          %add3A_399 = arith.addi %iota3A_395, %add3A_398 : vector<16xi32>
          %gather3A_400 = tpu.vector_load_idx %arg8[%add3A_399] : memref<25744xi32, #tpu.memory_space<vmem>>[vector<16xi32>], vector<16xi32>,
          %gather3A_401 = tpu.vector_load_idx %arg6[%gather3A_400] : memref<25600xi32, #tpu.memory_space<vmem>>[vector<16xi32>], vector<16xi32>,
          %sub3A_402 = arith.constant 500000 : i32
          %sub3A_403 = vector.broadcast %sub3A_402 : i32 to vector<16xi32>
          %sub3A_404 = arith.subi %gather3A_401, %sub3A_403 : vector<16xi32>
          %swap3A_405 = arith.constant 0 : i32
          %swap3A_406 = arith.index_cast %swap3A_405 : i32 to index
          %swap3A_407 = arith.constant 48 : index
          %swap3A_408 = tpu.vector_load %arg9[%swap3A_406, %swap3A_407] {strides = array<i32>} : memref<2x128xi32, #tpu.memory_space<vmem>>, vector<16xi32>,
          tpu.vector_store %arg9[%swap3A_406, %swap3A_407], %sub3A_404 {strides = array<i32>} : memref<2x128xi32, #tpu.memory_space<vmem>>, vector<16xi32>,
          %add3A_409 = vector.broadcast %mul3A_2 : i32 to vector<16xi32>
          %add3A_410 = arith.addi %gather3A_400, %add3A_409 : vector<16xi32>
          %swap3A_411 = arith.constant 0 : i32
          %swap3A_412 = arith.index_cast %swap3A_411 : i32 to index
          %swap3A_413 = arith.constant 48 : index
          %swap3A_414 = tpu.vector_load %arg10[%swap3A_412, %swap3A_413] {strides = array<i32>} : memref<2x128xi32, #tpu.memory_space<vmem>>, vector<16xi32>,
          tpu.vector_store %arg10[%swap3A_412, %swap3A_413], %add3A_410 {strides = array<i32>} : memref<2x128xi32, #tpu.memory_space<vmem>>, vector<16xi32>,
          %iota3A_415 = tpu.iota {dimensions = array<i32: 0>} : vector<16xi32>
          %add3A_416 = arith.constant 64 : i32
          %add3A_417 = arith.addi %mul3A_334, %add3A_416 : i32
          %add3A_418 = vector.broadcast %add3A_417 : i32 to vector<16xi32>
          %add3A_419 = arith.addi %iota3A_415, %add3A_418 : vector<16xi32>
          %gather3A_420 = tpu.vector_load_idx %arg8[%add3A_419] : memref<25744xi32, #tpu.memory_space<vmem>>[vector<16xi32>], vector<16xi32>,
          %gather3A_421 = tpu.vector_load_idx %arg6[%gather3A_420] : memref<25600xi32, #tpu.memory_space<vmem>>[vector<16xi32>], vector<16xi32>,
          %sub3A_422 = arith.constant 500000 : i32
          %sub3A_423 = vector.broadcast %sub3A_422 : i32 to vector<16xi32>
          %sub3A_424 = arith.subi %gather3A_421, %sub3A_423 : vector<16xi32>
          %swap3A_425 = arith.constant 0 : i32
          %swap3A_426 = arith.index_cast %swap3A_425 : i32 to index
          %swap3A_427 = arith.constant 64 : index
          %swap3A_428 = tpu.vector_load %arg9[%swap3A_426, %swap3A_427] {strides = array<i32>} : memref<2x128xi32, #tpu.memory_space<vmem>>, vector<16xi32>,
          tpu.vector_store %arg9[%swap3A_426, %swap3A_427], %sub3A_424 {strides = array<i32>} : memref<2x128xi32, #tpu.memory_space<vmem>>, vector<16xi32>,
          %add3A_429 = vector.broadcast %mul3A_2 : i32 to vector<16xi32>
          %add3A_430 = arith.addi %gather3A_420, %add3A_429 : vector<16xi32>
          %swap3A_431 = arith.constant 0 : i32
          %swap3A_432 = arith.index_cast %swap3A_431 : i32 to index
          %swap3A_433 = arith.constant 64 : index
          %swap3A_434 = tpu.vector_load %arg10[%swap3A_432, %swap3A_433] {strides = array<i32>} : memref<2x128xi32, #tpu.memory_space<vmem>>, vector<16xi32>,
          tpu.vector_store %arg10[%swap3A_432, %swap3A_433], %add3A_430 {strides = array<i32>} : memref<2x128xi32, #tpu.memory_space<vmem>>, vector<16xi32>,
          %iota3A_435 = tpu.iota {dimensions = array<i32: 0>} : vector<16xi32>
          %add3A_436 = arith.constant 80 : i32
          %add3A_437 = arith.addi %mul3A_334, %add3A_436 : i32
          %add3A_438 = vector.broadcast %add3A_437 : i32 to vector<16xi32>
          %add3A_439 = arith.addi %iota3A_435, %add3A_438 : vector<16xi32>
          %gather3A_440 = tpu.vector_load_idx %arg8[%add3A_439] : memref<25744xi32, #tpu.memory_space<vmem>>[vector<16xi32>], vector<16xi32>,
          %gather3A_441 = tpu.vector_load_idx %arg6[%gather3A_440] : memref<25600xi32, #tpu.memory_space<vmem>>[vector<16xi32>], vector<16xi32>,
          %sub3A_442 = arith.constant 500000 : i32
          %sub3A_443 = vector.broadcast %sub3A_442 : i32 to vector<16xi32>
          %sub3A_444 = arith.subi %gather3A_441, %sub3A_443 : vector<16xi32>
          %swap3A_445 = arith.constant 0 : i32
          %swap3A_446 = arith.index_cast %swap3A_445 : i32 to index
          %swap3A_447 = arith.constant 80 : index
          %swap3A_448 = tpu.vector_load %arg9[%swap3A_446, %swap3A_447] {strides = array<i32>} : memref<2x128xi32, #tpu.memory_space<vmem>>, vector<16xi32>,
          tpu.vector_store %arg9[%swap3A_446, %swap3A_447], %sub3A_444 {strides = array<i32>} : memref<2x128xi32, #tpu.memory_space<vmem>>, vector<16xi32>,
          %add3A_449 = vector.broadcast %mul3A_2 : i32 to vector<16xi32>
          %add3A_450 = arith.addi %gather3A_440, %add3A_449 : vector<16xi32>
          %swap3A_451 = arith.constant 0 : i32
          %swap3A_452 = arith.index_cast %swap3A_451 : i32 to index
          %swap3A_453 = arith.constant 80 : index
          %swap3A_454 = tpu.vector_load %arg10[%swap3A_452, %swap3A_453] {strides = array<i32>} : memref<2x128xi32, #tpu.memory_space<vmem>>, vector<16xi32>,
          tpu.vector_store %arg10[%swap3A_452, %swap3A_453], %add3A_450 {strides = array<i32>} : memref<2x128xi32, #tpu.memory_space<vmem>>, vector<16xi32>,
          %iota3A_455 = tpu.iota {dimensions = array<i32: 0>} : vector<16xi32>
          %add3A_456 = arith.constant 96 : i32
          %add3A_457 = arith.addi %mul3A_334, %add3A_456 : i32
          %add3A_458 = vector.broadcast %add3A_457 : i32 to vector<16xi32>
          %add3A_459 = arith.addi %iota3A_455, %add3A_458 : vector<16xi32>
          %gather3A_460 = tpu.vector_load_idx %arg8[%add3A_459] : memref<25744xi32, #tpu.memory_space<vmem>>[vector<16xi32>], vector<16xi32>,
          %gather3A_461 = tpu.vector_load_idx %arg6[%gather3A_460] : memref<25600xi32, #tpu.memory_space<vmem>>[vector<16xi32>], vector<16xi32>,
          %sub3A_462 = arith.constant 500000 : i32
          %sub3A_463 = vector.broadcast %sub3A_462 : i32 to vector<16xi32>
          %sub3A_464 = arith.subi %gather3A_461, %sub3A_463 : vector<16xi32>
          %swap3A_465 = arith.constant 0 : i32
          %swap3A_466 = arith.index_cast %swap3A_465 : i32 to index
          %swap3A_467 = arith.constant 96 : index
          %swap3A_468 = tpu.vector_load %arg9[%swap3A_466, %swap3A_467] {strides = array<i32>} : memref<2x128xi32, #tpu.memory_space<vmem>>, vector<16xi32>,
          tpu.vector_store %arg9[%swap3A_466, %swap3A_467], %sub3A_464 {strides = array<i32>} : memref<2x128xi32, #tpu.memory_space<vmem>>, vector<16xi32>,
          %add3A_469 = vector.broadcast %mul3A_2 : i32 to vector<16xi32>
          %add3A_470 = arith.addi %gather3A_460, %add3A_469 : vector<16xi32>
          %swap3A_471 = arith.constant 0 : i32
          %swap3A_472 = arith.index_cast %swap3A_471 : i32 to index
          %swap3A_473 = arith.constant 96 : index
          %swap3A_474 = tpu.vector_load %arg10[%swap3A_472, %swap3A_473] {strides = array<i32>} : memref<2x128xi32, #tpu.memory_space<vmem>>, vector<16xi32>,
          tpu.vector_store %arg10[%swap3A_472, %swap3A_473], %add3A_470 {strides = array<i32>} : memref<2x128xi32, #tpu.memory_space<vmem>>, vector<16xi32>,
          %iota3A_475 = tpu.iota {dimensions = array<i32: 0>} : vector<16xi32>
          %add3A_476 = arith.constant 112 : i32
          %add3A_477 = arith.addi %mul3A_334, %add3A_476 : i32
          %add3A_478 = vector.broadcast %add3A_477 : i32 to vector<16xi32>
          %add3A_479 = arith.addi %iota3A_475, %add3A_478 : vector<16xi32>
          %gather3A_480 = tpu.vector_load_idx %arg8[%add3A_479] : memref<25744xi32, #tpu.memory_space<vmem>>[vector<16xi32>], vector<16xi32>,
          %gather3A_481 = tpu.vector_load_idx %arg6[%gather3A_480] : memref<25600xi32, #tpu.memory_space<vmem>>[vector<16xi32>], vector<16xi32>,
          %sub3A_482 = arith.constant 500000 : i32
          %sub3A_483 = vector.broadcast %sub3A_482 : i32 to vector<16xi32>
          %sub3A_484 = arith.subi %gather3A_481, %sub3A_483 : vector<16xi32>
          %swap3A_485 = arith.constant 0 : i32
          %swap3A_486 = arith.index_cast %swap3A_485 : i32 to index
          %swap3A_487 = arith.constant 112 : index
          %swap3A_488 = tpu.vector_load %arg9[%swap3A_486, %swap3A_487] {strides = array<i32>} : memref<2x128xi32, #tpu.memory_space<vmem>>, vector<16xi32>,
          tpu.vector_store %arg9[%swap3A_486, %swap3A_487], %sub3A_484 {strides = array<i32>} : memref<2x128xi32, #tpu.memory_space<vmem>>, vector<16xi32>,
          %add3A_489 = vector.broadcast %mul3A_2 : i32 to vector<16xi32>
          %add3A_490 = arith.addi %gather3A_480, %add3A_489 : vector<16xi32>
          %swap3A_491 = arith.constant 0 : i32
          %swap3A_492 = arith.index_cast %swap3A_491 : i32 to index
          %swap3A_493 = arith.constant 112 : index
          %swap3A_494 = tpu.vector_load %arg10[%swap3A_492, %swap3A_493] {strides = array<i32>} : memref<2x128xi32, #tpu.memory_space<vmem>>, vector<16xi32>,
          tpu.vector_store %arg10[%swap3A_492, %swap3A_493], %add3A_490 {strides = array<i32>} : memref<2x128xi32, #tpu.memory_space<vmem>>, vector<16xi32>,
          %dma_start3A_495 = arith.constant 0 : i32
          %dma_start3A_496 = arith.constant 0 : i32
          %dma_start3A_497 = arith.constant 0 : i32
          %dma_start3A_498 = arith.constant 0 : i32
          %dma_start3A_499 = tpu.memref_slice %arg11[%dma_start3A_496, %dma_start3A_497, %dma_start3A_498] : memref<2x128x64xf32, #tpu.memory_space<vmem>> -> memref<1x128x64xf32, #tpu.memory_space<vmem>>
          %dma_start3A_500 = tpu.memref_squeeze %dma_start3A_499 : memref<1x128x64xf32, #tpu.memory_space<vmem>> -> memref<128x64xf32, #tpu.memory_space<vmem>>
          %dma_start3A_501 = arith.constant 0 : i32
          %dma_start3A_502 = tpu.memref_slice %arg9[%dma_start3A_495, %dma_start3A_501] : memref<2x128xi32, #tpu.memory_space<vmem>> -> memref<1x128xi32, #tpu.memory_space<vmem>>
          %dma_start3A_503 = tpu.memref_squeeze %dma_start3A_502 : memref<1x128xi32, #tpu.memory_space<vmem>> -> memref<128xi32, #tpu.memory_space<vmem>>
          %dma_start3A_504 = arith.constant 0 : i32
          %dma_start3A_505 = arith.constant 0 : i32
          %dma_start3A_506 = tpu.memref_slice %arg4[%dma_start3A_504, %dma_start3A_505] : memref<500000x64xf32, #tpu.memory_space<hbm>> -> memref<500000x64xf32, #tpu.memory_space<hbm>>
          tpu.enqueue_indirect_dma source(%dma_start3A_506 : memref<500000x64xf32, #tpu.memory_space<hbm>>) target(%dma_start3A_500 : memref<128x64xf32, #tpu.memory_space<vmem>>) offsets(%dma_start3A_503 : memref<128xi32, #tpu.memory_space<vmem>>) semaphore(%arg13 : memref<!tpu.dma_semaphore, #tpu.memory_space<semaphore_mem>>)
          %dma_wait3A = arith.constant 1 : i32
          %dma_wait3A_507 = arith.constant 1 : i32
          %dma_wait3A_508 = arith.constant 0 : i32
          %dma_wait3A_509 = arith.constant 0 : i32
          %dma_wait3A_510 = tpu.memref_slice %arg11[%dma_wait3A_507, %dma_wait3A_508, %dma_wait3A_509] : memref<2x128x64xf32, #tpu.memory_space<vmem>> -> memref<1x128x64xf32, #tpu.memory_space<vmem>>
          %dma_wait3A_511 = tpu.memref_squeeze %dma_wait3A_510 : memref<1x128x64xf32, #tpu.memory_space<vmem>> -> memref<128x64xf32, #tpu.memory_space<vmem>>
          %dma_wait3A_512 = arith.constant 0 : i32
          %dma_wait3A_513 = tpu.memref_slice %arg9[%dma_wait3A, %dma_wait3A_512] : memref<2x128xi32, #tpu.memory_space<vmem>> -> memref<1x128xi32, #tpu.memory_space<vmem>>
          %dma_wait3A_514 = tpu.memref_squeeze %dma_wait3A_513 : memref<1x128xi32, #tpu.memory_space<vmem>> -> memref<128xi32, #tpu.memory_space<vmem>>
          %dma_wait3A_515 = arith.constant 0 : i32
          %dma_wait3A_516 = arith.constant 0 : i32
          %dma_wait3A_517 = tpu.memref_slice %arg4[%dma_wait3A_515, %dma_wait3A_516] : memref<500000x64xf32, #tpu.memory_space<hbm>> -> memref<500000x64xf32, #tpu.memory_space<hbm>>
          tpu.wait_indirect_dma semaphore(%arg14 : memref<!tpu.dma_semaphore, #tpu.memory_space<semaphore_mem>>) src(%dma_wait3A_517 : memref<500000x64xf32, #tpu.memory_space<hbm>>) dst(%dma_wait3A_511 : memref<128x64xf32, #tpu.memory_space<vmem>>)
          %dma_start3A_518 = arith.constant 1 : i32
          %dma_start3A_519 = arith.constant 1 : i32
          %dma_start3A_520 = arith.constant 0 : i32
          %dma_start3A_521 = arith.constant 0 : i32
          %dma_start3A_522 = tpu.memref_slice %arg11[%dma_start3A_518, %dma_start3A_520, %dma_start3A_521] : memref<2x128x64xf32, #tpu.memory_space<vmem>> -> memref<1x128x64xf32, #tpu.memory_space<vmem>>
          %dma_start3A_523 = tpu.memref_squeeze %dma_start3A_522 : memref<1x128x64xf32, #tpu.memory_space<vmem>> -> memref<128x64xf32, #tpu.memory_space<vmem>>
          %dma_start3A_524 = arith.constant 0 : i32
          %dma_start3A_525 = tpu.memref_slice %arg10[%dma_start3A_519, %dma_start3A_524] : memref<2x128xi32, #tpu.memory_space<vmem>> -> memref<1x128xi32, #tpu.memory_space<vmem>>
          %dma_start3A_526 = tpu.memref_squeeze %dma_start3A_525 : memref<1x128xi32, #tpu.memory_space<vmem>> -> memref<128xi32, #tpu.memory_space<vmem>>
          %dma_start3A_527 = arith.constant 0 : i32
          %dma_start3A_528 = arith.constant 0 : i32
          %dma_start3A_529 = tpu.memref_slice %arg5[%dma_start3A_527, %dma_start3A_528] : memref<819200x64xf32, #tpu.memory_space<hbm>> -> memref<819200x64xf32, #tpu.memory_space<hbm>>
          tpu.enqueue_indirect_dma source(%dma_start3A_523 : memref<128x64xf32, #tpu.memory_space<vmem>>) target(%dma_start3A_529 : memref<819200x64xf32, #tpu.memory_space<hbm>>) offsets(%dma_start3A_526 : memref<128xi32, #tpu.memory_space<vmem>>) semaphore(%arg16 : memref<!tpu.dma_semaphore, #tpu.memory_space<semaphore_mem>>)
        } else {
        }
        %jit3A_307 = arith.constant 2 : i32
        %eq3A_308 = arith.constant 0 : i32
        %eq3A_309 = arith.cmpi eq, %jit3A_307, %eq3A_308 : i32
        %jit3A_310 = arith.constant 1 : i32
        %select_n3A_311 = arith.select %eq3A_309, %jit3A_310, %jit3A_307 : i32
        %rem3A_312 = arith.remsi %while3A_284, %select_n3A_311 : i32
        %ne3A_313 = arith.constant 0 : i32
        %ne3A_314 = arith.cmpi ne, %rem3A_312, %ne3A_313 : i32
        %lt3A_315 = arith.constant 0 : i32
        %lt3A_316 = arith.cmpi slt, %rem3A_312, %lt3A_315 : i32
        %lt3A_317 = arith.constant 0 : i32
        %lt3A_318 = arith.cmpi slt, %select_n3A_311, %lt3A_317 : i32
        %ne3A_319 = arith.xori %lt3A_316, %lt3A_318 : i1
        %and3A_320 = arith.andi %ne3A_319, %ne3A_314 : i1
        %add3A_321 = arith.addi %rem3A_312, %select_n3A_311 : i32
        %select_n3A_322 = arith.select %and3A_320, %add3A_321, %rem3A_312 : i32
        %eq3A_323 = arith.constant 1 : i32
        %eq3A_324 = arith.cmpi eq, %select_n3A_322, %eq3A_323 : i32
        %convert_element_type3A_325 = arith.extui %eq3A_324 : i1 to i32
        %cond3A_326 = arith.constant 0 : i32
        %cond3A_327 = arith.cmpi ne, %convert_element_type3A_325, %cond3A_326 : i32
        scf.if %cond3A_327 {
          %ge3A = arith.constant 2 : i32
          %ge3A_329 = arith.cmpi sge, %while3A_284, %ge3A : i32
          %convert_element_type3A_330 = arith.extui %ge3A_329 : i1 to i32
          %cond3A_331 = arith.constant 0 : i32
          %cond3A_332 = arith.cmpi ne, %convert_element_type3A_330, %cond3A_331 : i32
          scf.if %cond3A_332 {
            %dma_wait3A_530 = arith.constant 1 : i32
            %dma_wait3A_531 = arith.constant 1 : i32
            %dma_wait3A_532 = arith.constant 0 : i32
            %dma_wait3A_533 = arith.constant 0 : i32
            %dma_wait3A_534 = tpu.memref_slice %arg11[%dma_wait3A_530, %dma_wait3A_532, %dma_wait3A_533] : memref<2x128x64xf32, #tpu.memory_space<vmem>> -> memref<1x128x64xf32, #tpu.memory_space<vmem>>
            %dma_wait3A_535 = tpu.memref_squeeze %dma_wait3A_534 : memref<1x128x64xf32, #tpu.memory_space<vmem>> -> memref<128x64xf32, #tpu.memory_space<vmem>>
            %dma_wait3A_536 = arith.constant 0 : i32
            %dma_wait3A_537 = tpu.memref_slice %arg10[%dma_wait3A_531, %dma_wait3A_536] : memref<2x128xi32, #tpu.memory_space<vmem>> -> memref<1x128xi32, #tpu.memory_space<vmem>>
            %dma_wait3A_538 = tpu.memref_squeeze %dma_wait3A_537 : memref<1x128xi32, #tpu.memory_space<vmem>> -> memref<128xi32, #tpu.memory_space<vmem>>
            %dma_wait3A_539 = arith.constant 0 : i32
            %dma_wait3A_540 = arith.constant 0 : i32
            %dma_wait3A_541 = tpu.memref_slice %arg5[%dma_wait3A_539, %dma_wait3A_540] : memref<819200x64xf32, #tpu.memory_space<hbm>> -> memref<819200x64xf32, #tpu.memory_space<hbm>>
            tpu.wait_indirect_dma semaphore(%arg16 : memref<!tpu.dma_semaphore, #tpu.memory_space<semaphore_mem>>) src(%dma_wait3A_535 : memref<128x64xf32, #tpu.memory_space<vmem>>) dst(%dma_wait3A_541 : memref<819200x64xf32, #tpu.memory_space<hbm>>)
          } else {
          }
          %mul3A_333 = arith.constant 128 : i32
          %mul3A_334 = arith.muli %while3A_284, %mul3A_333 : i32
          %iota3A_335 = tpu.iota {dimensions = array<i32: 0>} : vector<16xi32>
          %add3A_336 = arith.constant 0 : i32
          %add3A_337 = arith.addi %mul3A_334, %add3A_336 : i32
          %add3A_338 = vector.broadcast %add3A_337 : i32 to vector<16xi32>
          %add3A_339 = arith.addi %iota3A_335, %add3A_338 : vector<16xi32>
          %gather3A_340 = tpu.vector_load_idx %arg8[%add3A_339] : memref<25744xi32, #tpu.memory_space<vmem>>[vector<16xi32>], vector<16xi32>,
          %gather3A_341 = tpu.vector_load_idx %arg6[%gather3A_340] : memref<25600xi32, #tpu.memory_space<vmem>>[vector<16xi32>], vector<16xi32>,
          %sub3A_342 = arith.constant 500000 : i32
          %sub3A_343 = vector.broadcast %sub3A_342 : i32 to vector<16xi32>
          %sub3A_344 = arith.subi %gather3A_341, %sub3A_343 : vector<16xi32>
          %swap3A_345 = arith.constant 1 : i32
          %swap3A_346 = arith.index_cast %swap3A_345 : i32 to index
          %swap3A_347 = arith.constant 0 : index
          %swap3A_348 = tpu.vector_load %arg9[%swap3A_346, %swap3A_347] {strides = array<i32>} : memref<2x128xi32, #tpu.memory_space<vmem>>, vector<16xi32>,
          tpu.vector_store %arg9[%swap3A_346, %swap3A_347], %sub3A_344 {strides = array<i32>} : memref<2x128xi32, #tpu.memory_space<vmem>>, vector<16xi32>,
          %add3A_349 = vector.broadcast %mul3A_2 : i32 to vector<16xi32>
          %add3A_350 = arith.addi %gather3A_340, %add3A_349 : vector<16xi32>
          %swap3A_351 = arith.constant 1 : i32
          %swap3A_352 = arith.index_cast %swap3A_351 : i32 to index
          %swap3A_353 = arith.constant 0 : index
          %swap3A_354 = tpu.vector_load %arg10[%swap3A_352, %swap3A_353] {strides = array<i32>} : memref<2x128xi32, #tpu.memory_space<vmem>>, vector<16xi32>,
          tpu.vector_store %arg10[%swap3A_352, %swap3A_353], %add3A_350 {strides = array<i32>} : memref<2x128xi32, #tpu.memory_space<vmem>>, vector<16xi32>,
          %iota3A_355 = tpu.iota {dimensions = array<i32: 0>} : vector<16xi32>
          %add3A_356 = arith.constant 16 : i32
          %add3A_357 = arith.addi %mul3A_334, %add3A_356 : i32
          %add3A_358 = vector.broadcast %add3A_357 : i32 to vector<16xi32>
          %add3A_359 = arith.addi %iota3A_355, %add3A_358 : vector<16xi32>
          %gather3A_360 = tpu.vector_load_idx %arg8[%add3A_359] : memref<25744xi32, #tpu.memory_space<vmem>>[vector<16xi32>], vector<16xi32>,
          %gather3A_361 = tpu.vector_load_idx %arg6[%gather3A_360] : memref<25600xi32, #tpu.memory_space<vmem>>[vector<16xi32>], vector<16xi32>,
          %sub3A_362 = arith.constant 500000 : i32
          %sub3A_363 = vector.broadcast %sub3A_362 : i32 to vector<16xi32>
          %sub3A_364 = arith.subi %gather3A_361, %sub3A_363 : vector<16xi32>
          %swap3A_365 = arith.constant 1 : i32
          %swap3A_366 = arith.index_cast %swap3A_365 : i32 to index
          %swap3A_367 = arith.constant 16 : index
          %swap3A_368 = tpu.vector_load %arg9[%swap3A_366, %swap3A_367] {strides = array<i32>} : memref<2x128xi32, #tpu.memory_space<vmem>>, vector<16xi32>,
          tpu.vector_store %arg9[%swap3A_366, %swap3A_367], %sub3A_364 {strides = array<i32>} : memref<2x128xi32, #tpu.memory_space<vmem>>, vector<16xi32>,
          %add3A_369 = vector.broadcast %mul3A_2 : i32 to vector<16xi32>
          %add3A_370 = arith.addi %gather3A_360, %add3A_369 : vector<16xi32>
          %swap3A_371 = arith.constant 1 : i32
          %swap3A_372 = arith.index_cast %swap3A_371 : i32 to index
          %swap3A_373 = arith.constant 16 : index
          %swap3A_374 = tpu.vector_load %arg10[%swap3A_372, %swap3A_373] {strides = array<i32>} : memref<2x128xi32, #tpu.memory_space<vmem>>, vector<16xi32>,
          tpu.vector_store %arg10[%swap3A_372, %swap3A_373], %add3A_370 {strides = array<i32>} : memref<2x128xi32, #tpu.memory_space<vmem>>, vector<16xi32>,
          %iota3A_375 = tpu.iota {dimensions = array<i32: 0>} : vector<16xi32>
          %add3A_376 = arith.constant 32 : i32
          %add3A_377 = arith.addi %mul3A_334, %add3A_376 : i32
          %add3A_378 = vector.broadcast %add3A_377 : i32 to vector<16xi32>
          %add3A_379 = arith.addi %iota3A_375, %add3A_378 : vector<16xi32>
          %gather3A_380 = tpu.vector_load_idx %arg8[%add3A_379] : memref<25744xi32, #tpu.memory_space<vmem>>[vector<16xi32>], vector<16xi32>,
          %gather3A_381 = tpu.vector_load_idx %arg6[%gather3A_380] : memref<25600xi32, #tpu.memory_space<vmem>>[vector<16xi32>], vector<16xi32>,
          %sub3A_382 = arith.constant 500000 : i32
          %sub3A_383 = vector.broadcast %sub3A_382 : i32 to vector<16xi32>
          %sub3A_384 = arith.subi %gather3A_381, %sub3A_383 : vector<16xi32>
          %swap3A_385 = arith.constant 1 : i32
          %swap3A_386 = arith.index_cast %swap3A_385 : i32 to index
          %swap3A_387 = arith.constant 32 : index
          %swap3A_388 = tpu.vector_load %arg9[%swap3A_386, %swap3A_387] {strides = array<i32>} : memref<2x128xi32, #tpu.memory_space<vmem>>, vector<16xi32>,
          tpu.vector_store %arg9[%swap3A_386, %swap3A_387], %sub3A_384 {strides = array<i32>} : memref<2x128xi32, #tpu.memory_space<vmem>>, vector<16xi32>,
          %add3A_389 = vector.broadcast %mul3A_2 : i32 to vector<16xi32>
          %add3A_390 = arith.addi %gather3A_380, %add3A_389 : vector<16xi32>
          %swap3A_391 = arith.constant 1 : i32
          %swap3A_392 = arith.index_cast %swap3A_391 : i32 to index
          %swap3A_393 = arith.constant 32 : index
          %swap3A_394 = tpu.vector_load %arg10[%swap3A_392, %swap3A_393] {strides = array<i32>} : memref<2x128xi32, #tpu.memory_space<vmem>>, vector<16xi32>,
          tpu.vector_store %arg10[%swap3A_392, %swap3A_393], %add3A_390 {strides = array<i32>} : memref<2x128xi32, #tpu.memory_space<vmem>>, vector<16xi32>,
          %iota3A_395 = tpu.iota {dimensions = array<i32: 0>} : vector<16xi32>
          %add3A_396 = arith.constant 48 : i32
          %add3A_397 = arith.addi %mul3A_334, %add3A_396 : i32
          %add3A_398 = vector.broadcast %add3A_397 : i32 to vector<16xi32>
          %add3A_399 = arith.addi %iota3A_395, %add3A_398 : vector<16xi32>
          %gather3A_400 = tpu.vector_load_idx %arg8[%add3A_399] : memref<25744xi32, #tpu.memory_space<vmem>>[vector<16xi32>], vector<16xi32>,
          %gather3A_401 = tpu.vector_load_idx %arg6[%gather3A_400] : memref<25600xi32, #tpu.memory_space<vmem>>[vector<16xi32>], vector<16xi32>,
          %sub3A_402 = arith.constant 500000 : i32
          %sub3A_403 = vector.broadcast %sub3A_402 : i32 to vector<16xi32>
          %sub3A_404 = arith.subi %gather3A_401, %sub3A_403 : vector<16xi32>
          %swap3A_405 = arith.constant 1 : i32
          %swap3A_406 = arith.index_cast %swap3A_405 : i32 to index
          %swap3A_407 = arith.constant 48 : index
          %swap3A_408 = tpu.vector_load %arg9[%swap3A_406, %swap3A_407] {strides = array<i32>} : memref<2x128xi32, #tpu.memory_space<vmem>>, vector<16xi32>,
          tpu.vector_store %arg9[%swap3A_406, %swap3A_407], %sub3A_404 {strides = array<i32>} : memref<2x128xi32, #tpu.memory_space<vmem>>, vector<16xi32>,
          %add3A_409 = vector.broadcast %mul3A_2 : i32 to vector<16xi32>
          %add3A_410 = arith.addi %gather3A_400, %add3A_409 : vector<16xi32>
          %swap3A_411 = arith.constant 1 : i32
          %swap3A_412 = arith.index_cast %swap3A_411 : i32 to index
          %swap3A_413 = arith.constant 48 : index
          %swap3A_414 = tpu.vector_load %arg10[%swap3A_412, %swap3A_413] {strides = array<i32>} : memref<2x128xi32, #tpu.memory_space<vmem>>, vector<16xi32>,
          tpu.vector_store %arg10[%swap3A_412, %swap3A_413], %add3A_410 {strides = array<i32>} : memref<2x128xi32, #tpu.memory_space<vmem>>, vector<16xi32>,
          %iota3A_415 = tpu.iota {dimensions = array<i32: 0>} : vector<16xi32>
          %add3A_416 = arith.constant 64 : i32
          %add3A_417 = arith.addi %mul3A_334, %add3A_416 : i32
          %add3A_418 = vector.broadcast %add3A_417 : i32 to vector<16xi32>
          %add3A_419 = arith.addi %iota3A_415, %add3A_418 : vector<16xi32>
          %gather3A_420 = tpu.vector_load_idx %arg8[%add3A_419] : memref<25744xi32, #tpu.memory_space<vmem>>[vector<16xi32>], vector<16xi32>,
          %gather3A_421 = tpu.vector_load_idx %arg6[%gather3A_420] : memref<25600xi32, #tpu.memory_space<vmem>>[vector<16xi32>], vector<16xi32>,
          %sub3A_422 = arith.constant 500000 : i32
          %sub3A_423 = vector.broadcast %sub3A_422 : i32 to vector<16xi32>
          %sub3A_424 = arith.subi %gather3A_421, %sub3A_423 : vector<16xi32>
          %swap3A_425 = arith.constant 1 : i32
          %swap3A_426 = arith.index_cast %swap3A_425 : i32 to index
          %swap3A_427 = arith.constant 64 : index
          %swap3A_428 = tpu.vector_load %arg9[%swap3A_426, %swap3A_427] {strides = array<i32>} : memref<2x128xi32, #tpu.memory_space<vmem>>, vector<16xi32>,
          tpu.vector_store %arg9[%swap3A_426, %swap3A_427], %sub3A_424 {strides = array<i32>} : memref<2x128xi32, #tpu.memory_space<vmem>>, vector<16xi32>,
          %add3A_429 = vector.broadcast %mul3A_2 : i32 to vector<16xi32>
          %add3A_430 = arith.addi %gather3A_420, %add3A_429 : vector<16xi32>
          %swap3A_431 = arith.constant 1 : i32
          %swap3A_432 = arith.index_cast %swap3A_431 : i32 to index
          %swap3A_433 = arith.constant 64 : index
          %swap3A_434 = tpu.vector_load %arg10[%swap3A_432, %swap3A_433] {strides = array<i32>} : memref<2x128xi32, #tpu.memory_space<vmem>>, vector<16xi32>,
          tpu.vector_store %arg10[%swap3A_432, %swap3A_433], %add3A_430 {strides = array<i32>} : memref<2x128xi32, #tpu.memory_space<vmem>>, vector<16xi32>,
          %iota3A_435 = tpu.iota {dimensions = array<i32: 0>} : vector<16xi32>
          %add3A_436 = arith.constant 80 : i32
          %add3A_437 = arith.addi %mul3A_334, %add3A_436 : i32
          %add3A_438 = vector.broadcast %add3A_437 : i32 to vector<16xi32>
          %add3A_439 = arith.addi %iota3A_435, %add3A_438 : vector<16xi32>
          %gather3A_440 = tpu.vector_load_idx %arg8[%add3A_439] : memref<25744xi32, #tpu.memory_space<vmem>>[vector<16xi32>], vector<16xi32>,
          %gather3A_441 = tpu.vector_load_idx %arg6[%gather3A_440] : memref<25600xi32, #tpu.memory_space<vmem>>[vector<16xi32>], vector<16xi32>,
          %sub3A_442 = arith.constant 500000 : i32
          %sub3A_443 = vector.broadcast %sub3A_442 : i32 to vector<16xi32>
          %sub3A_444 = arith.subi %gather3A_441, %sub3A_443 : vector<16xi32>
          %swap3A_445 = arith.constant 1 : i32
          %swap3A_446 = arith.index_cast %swap3A_445 : i32 to index
          %swap3A_447 = arith.constant 80 : index
          %swap3A_448 = tpu.vector_load %arg9[%swap3A_446, %swap3A_447] {strides = array<i32>} : memref<2x128xi32, #tpu.memory_space<vmem>>, vector<16xi32>,
          tpu.vector_store %arg9[%swap3A_446, %swap3A_447], %sub3A_444 {strides = array<i32>} : memref<2x128xi32, #tpu.memory_space<vmem>>, vector<16xi32>,
          %add3A_449 = vector.broadcast %mul3A_2 : i32 to vector<16xi32>
          %add3A_450 = arith.addi %gather3A_440, %add3A_449 : vector<16xi32>
          %swap3A_451 = arith.constant 1 : i32
          %swap3A_452 = arith.index_cast %swap3A_451 : i32 to index
          %swap3A_453 = arith.constant 80 : index
          %swap3A_454 = tpu.vector_load %arg10[%swap3A_452, %swap3A_453] {strides = array<i32>} : memref<2x128xi32, #tpu.memory_space<vmem>>, vector<16xi32>,
          tpu.vector_store %arg10[%swap3A_452, %swap3A_453], %add3A_450 {strides = array<i32>} : memref<2x128xi32, #tpu.memory_space<vmem>>, vector<16xi32>,
          %iota3A_455 = tpu.iota {dimensions = array<i32: 0>} : vector<16xi32>
          %add3A_456 = arith.constant 96 : i32
          %add3A_457 = arith.addi %mul3A_334, %add3A_456 : i32
          %add3A_458 = vector.broadcast %add3A_457 : i32 to vector<16xi32>
          %add3A_459 = arith.addi %iota3A_455, %add3A_458 : vector<16xi32>
          %gather3A_460 = tpu.vector_load_idx %arg8[%add3A_459] : memref<25744xi32, #tpu.memory_space<vmem>>[vector<16xi32>], vector<16xi32>,
          %gather3A_461 = tpu.vector_load_idx %arg6[%gather3A_460] : memref<25600xi32, #tpu.memory_space<vmem>>[vector<16xi32>], vector<16xi32>,
          %sub3A_462 = arith.constant 500000 : i32
          %sub3A_463 = vector.broadcast %sub3A_462 : i32 to vector<16xi32>
          %sub3A_464 = arith.subi %gather3A_461, %sub3A_463 : vector<16xi32>
          %swap3A_465 = arith.constant 1 : i32
          %swap3A_466 = arith.index_cast %swap3A_465 : i32 to index
          %swap3A_467 = arith.constant 96 : index
          %swap3A_468 = tpu.vector_load %arg9[%swap3A_466, %swap3A_467] {strides = array<i32>} : memref<2x128xi32, #tpu.memory_space<vmem>>, vector<16xi32>,
          tpu.vector_store %arg9[%swap3A_466, %swap3A_467], %sub3A_464 {strides = array<i32>} : memref<2x128xi32, #tpu.memory_space<vmem>>, vector<16xi32>,
          %add3A_469 = vector.broadcast %mul3A_2 : i32 to vector<16xi32>
          %add3A_470 = arith.addi %gather3A_460, %add3A_469 : vector<16xi32>
          %swap3A_471 = arith.constant 1 : i32
          %swap3A_472 = arith.index_cast %swap3A_471 : i32 to index
          %swap3A_473 = arith.constant 96 : index
          %swap3A_474 = tpu.vector_load %arg10[%swap3A_472, %swap3A_473] {strides = array<i32>} : memref<2x128xi32, #tpu.memory_space<vmem>>, vector<16xi32>,
          tpu.vector_store %arg10[%swap3A_472, %swap3A_473], %add3A_470 {strides = array<i32>} : memref<2x128xi32, #tpu.memory_space<vmem>>, vector<16xi32>,
          %iota3A_475 = tpu.iota {dimensions = array<i32: 0>} : vector<16xi32>
          %add3A_476 = arith.constant 112 : i32
          %add3A_477 = arith.addi %mul3A_334, %add3A_476 : i32
          %add3A_478 = vector.broadcast %add3A_477 : i32 to vector<16xi32>
          %add3A_479 = arith.addi %iota3A_475, %add3A_478 : vector<16xi32>
          %gather3A_480 = tpu.vector_load_idx %arg8[%add3A_479] : memref<25744xi32, #tpu.memory_space<vmem>>[vector<16xi32>], vector<16xi32>,
          %gather3A_481 = tpu.vector_load_idx %arg6[%gather3A_480] : memref<25600xi32, #tpu.memory_space<vmem>>[vector<16xi32>], vector<16xi32>,
          %sub3A_482 = arith.constant 500000 : i32
          %sub3A_483 = vector.broadcast %sub3A_482 : i32 to vector<16xi32>
          %sub3A_484 = arith.subi %gather3A_481, %sub3A_483 : vector<16xi32>
          %swap3A_485 = arith.constant 1 : i32
          %swap3A_486 = arith.index_cast %swap3A_485 : i32 to index
          %swap3A_487 = arith.constant 112 : index
          %swap3A_488 = tpu.vector_load %arg9[%swap3A_486, %swap3A_487] {strides = array<i32>} : memref<2x128xi32, #tpu.memory_space<vmem>>, vector<16xi32>,
          tpu.vector_store %arg9[%swap3A_486, %swap3A_487], %sub3A_484 {strides = array<i32>} : memref<2x128xi32, #tpu.memory_space<vmem>>, vector<16xi32>,
          %add3A_489 = vector.broadcast %mul3A_2 : i32 to vector<16xi32>
          %add3A_490 = arith.addi %gather3A_480, %add3A_489 : vector<16xi32>
          %swap3A_491 = arith.constant 1 : i32
          %swap3A_492 = arith.index_cast %swap3A_491 : i32 to index
          %swap3A_493 = arith.constant 112 : index
          %swap3A_494 = tpu.vector_load %arg10[%swap3A_492, %swap3A_493] {strides = array<i32>} : memref<2x128xi32, #tpu.memory_space<vmem>>, vector<16xi32>,
          tpu.vector_store %arg10[%swap3A_492, %swap3A_493], %add3A_490 {strides = array<i32>} : memref<2x128xi32, #tpu.memory_space<vmem>>, vector<16xi32>,
          %dma_start3A_495 = arith.constant 1 : i32
          %dma_start3A_496 = arith.constant 1 : i32
          %dma_start3A_497 = arith.constant 0 : i32
          %dma_start3A_498 = arith.constant 0 : i32
          %dma_start3A_499 = tpu.memref_slice %arg11[%dma_start3A_496, %dma_start3A_497, %dma_start3A_498] : memref<2x128x64xf32, #tpu.memory_space<vmem>> -> memref<1x128x64xf32, #tpu.memory_space<vmem>>
          %dma_start3A_500 = tpu.memref_squeeze %dma_start3A_499 : memref<1x128x64xf32, #tpu.memory_space<vmem>> -> memref<128x64xf32, #tpu.memory_space<vmem>>
          %dma_start3A_501 = arith.constant 0 : i32
          %dma_start3A_502 = tpu.memref_slice %arg9[%dma_start3A_495, %dma_start3A_501] : memref<2x128xi32, #tpu.memory_space<vmem>> -> memref<1x128xi32, #tpu.memory_space<vmem>>
          %dma_start3A_503 = tpu.memref_squeeze %dma_start3A_502 : memref<1x128xi32, #tpu.memory_space<vmem>> -> memref<128xi32, #tpu.memory_space<vmem>>
          %dma_start3A_504 = arith.constant 0 : i32
          %dma_start3A_505 = arith.constant 0 : i32
          %dma_start3A_506 = tpu.memref_slice %arg4[%dma_start3A_504, %dma_start3A_505] : memref<500000x64xf32, #tpu.memory_space<hbm>> -> memref<500000x64xf32, #tpu.memory_space<hbm>>
          tpu.enqueue_indirect_dma source(%dma_start3A_506 : memref<500000x64xf32, #tpu.memory_space<hbm>>) target(%dma_start3A_500 : memref<128x64xf32, #tpu.memory_space<vmem>>) offsets(%dma_start3A_503 : memref<128xi32, #tpu.memory_space<vmem>>) semaphore(%arg14 : memref<!tpu.dma_semaphore, #tpu.memory_space<semaphore_mem>>)
          %dma_wait3A = arith.constant 0 : i32
          %dma_wait3A_507 = arith.constant 0 : i32
          %dma_wait3A_508 = arith.constant 0 : i32
          %dma_wait3A_509 = arith.constant 0 : i32
          %dma_wait3A_510 = tpu.memref_slice %arg11[%dma_wait3A_507, %dma_wait3A_508, %dma_wait3A_509] : memref<2x128x64xf32, #tpu.memory_space<vmem>> -> memref<1x128x64xf32, #tpu.memory_space<vmem>>
          %dma_wait3A_511 = tpu.memref_squeeze %dma_wait3A_510 : memref<1x128x64xf32, #tpu.memory_space<vmem>> -> memref<128x64xf32, #tpu.memory_space<vmem>>
          %dma_wait3A_512 = arith.constant 0 : i32
          %dma_wait3A_513 = tpu.memref_slice %arg9[%dma_wait3A, %dma_wait3A_512] : memref<2x128xi32, #tpu.memory_space<vmem>> -> memref<1x128xi32, #tpu.memory_space<vmem>>
          %dma_wait3A_514 = tpu.memref_squeeze %dma_wait3A_513 : memref<1x128xi32, #tpu.memory_space<vmem>> -> memref<128xi32, #tpu.memory_space<vmem>>
          %dma_wait3A_515 = arith.constant 0 : i32
          %dma_wait3A_516 = arith.constant 0 : i32
          %dma_wait3A_517 = tpu.memref_slice %arg4[%dma_wait3A_515, %dma_wait3A_516] : memref<500000x64xf32, #tpu.memory_space<hbm>> -> memref<500000x64xf32, #tpu.memory_space<hbm>>
          tpu.wait_indirect_dma semaphore(%arg13 : memref<!tpu.dma_semaphore, #tpu.memory_space<semaphore_mem>>) src(%dma_wait3A_517 : memref<500000x64xf32, #tpu.memory_space<hbm>>) dst(%dma_wait3A_511 : memref<128x64xf32, #tpu.memory_space<vmem>>)
          %dma_start3A_518 = arith.constant 0 : i32
          %dma_start3A_519 = arith.constant 0 : i32
          %dma_start3A_520 = arith.constant 0 : i32
          %dma_start3A_521 = arith.constant 0 : i32
          %dma_start3A_522 = tpu.memref_slice %arg11[%dma_start3A_518, %dma_start3A_520, %dma_start3A_521] : memref<2x128x64xf32, #tpu.memory_space<vmem>> -> memref<1x128x64xf32, #tpu.memory_space<vmem>>
          %dma_start3A_523 = tpu.memref_squeeze %dma_start3A_522 : memref<1x128x64xf32, #tpu.memory_space<vmem>> -> memref<128x64xf32, #tpu.memory_space<vmem>>
          %dma_start3A_524 = arith.constant 0 : i32
          %dma_start3A_525 = tpu.memref_slice %arg10[%dma_start3A_519, %dma_start3A_524] : memref<2x128xi32, #tpu.memory_space<vmem>> -> memref<1x128xi32, #tpu.memory_space<vmem>>
          %dma_start3A_526 = tpu.memref_squeeze %dma_start3A_525 : memref<1x128xi32, #tpu.memory_space<vmem>> -> memref<128xi32, #tpu.memory_space<vmem>>
          %dma_start3A_527 = arith.constant 0 : i32
          %dma_start3A_528 = arith.constant 0 : i32
          %dma_start3A_529 = tpu.memref_slice %arg5[%dma_start3A_527, %dma_start3A_528] : memref<819200x64xf32, #tpu.memory_space<hbm>> -> memref<819200x64xf32, #tpu.memory_space<hbm>>
          tpu.enqueue_indirect_dma source(%dma_start3A_523 : memref<128x64xf32, #tpu.memory_space<vmem>>) target(%dma_start3A_529 : memref<819200x64xf32, #tpu.memory_space<hbm>>) offsets(%dma_start3A_526 : memref<128xi32, #tpu.memory_space<vmem>>) semaphore(%arg15 : memref<!tpu.dma_semaphore, #tpu.memory_space<semaphore_mem>>)
        } else {
        }
        %while3A_328 = arith.constant 0 : i32
        scf.yield %while3A_328 : i32
      }
      %while3A_256 = arith.constant 1 : i32
      %while3A_257 = scf.for %while3A_284 = %while3A_253 to %while3A_249 step %while3A_256 iter_args(%while3A_285 = %while3A_255) -> (i32)  : i32 {
        %jit3A_286 = arith.constant 2 : i32
        %eq3A_287 = arith.constant 0 : i32
        %eq3A_288 = arith.cmpi eq, %jit3A_286, %eq3A_287 : i32
        %jit3A_289 = arith.constant 1 : i32
        %select_n3A_290 = arith.select %eq3A_288, %jit3A_289, %jit3A_286 : i32
        %rem3A_291 = arith.remsi %while3A_284, %select_n3A_290 : i32
        %ne3A_292 = arith.constant 0 : i32
        %ne3A_293 = arith.cmpi ne, %rem3A_291, %ne3A_292 : i32
        %lt3A_294 = arith.constant 0 : i32
        %lt3A_295 = arith.cmpi slt, %rem3A_291, %lt3A_294 : i32
        %lt3A_296 = arith.constant 0 : i32
        %lt3A_297 = arith.cmpi slt, %select_n3A_290, %lt3A_296 : i32
        %ne3A_298 = arith.xori %lt3A_295, %lt3A_297 : i1
        %and3A_299 = arith.andi %ne3A_298, %ne3A_293 : i1
        %add3A_300 = arith.addi %rem3A_291, %select_n3A_290 : i32
        %select_n3A_301 = arith.select %and3A_299, %add3A_300, %rem3A_291 : i32
        %eq3A_302 = arith.constant 0 : i32
        %eq3A_303 = arith.cmpi eq, %select_n3A_301, %eq3A_302 : i32
        %convert_element_type3A_304 = arith.extui %eq3A_303 : i1 to i32
        %cond3A_305 = arith.constant 0 : i32
        %cond3A_306 = arith.cmpi ne, %convert_element_type3A_304, %cond3A_305 : i32
        scf.if %cond3A_306 {
          %ge3A = arith.constant 2 : i32
          %ge3A_329 = arith.cmpi sge, %while3A_284, %ge3A : i32
          %convert_element_type3A_330 = arith.extui %ge3A_329 : i1 to i32
          %cond3A_331 = arith.constant 0 : i32
          %cond3A_332 = arith.cmpi ne, %convert_element_type3A_330, %cond3A_331 : i32
          scf.if %cond3A_332 {
            %dma_wait3A_530 = arith.constant 0 : i32
            %dma_wait3A_531 = arith.constant 0 : i32
            %dma_wait3A_532 = arith.constant 0 : i32
            %dma_wait3A_533 = arith.constant 0 : i32
            %dma_wait3A_534 = tpu.memref_slice %arg11[%dma_wait3A_530, %dma_wait3A_532, %dma_wait3A_533] : memref<2x128x64xf32, #tpu.memory_space<vmem>> -> memref<1x128x64xf32, #tpu.memory_space<vmem>>
            %dma_wait3A_535 = tpu.memref_squeeze %dma_wait3A_534 : memref<1x128x64xf32, #tpu.memory_space<vmem>> -> memref<128x64xf32, #tpu.memory_space<vmem>>
            %dma_wait3A_536 = arith.constant 0 : i32
            %dma_wait3A_537 = tpu.memref_slice %arg10[%dma_wait3A_531, %dma_wait3A_536] : memref<2x128xi32, #tpu.memory_space<vmem>> -> memref<1x128xi32, #tpu.memory_space<vmem>>
            %dma_wait3A_538 = tpu.memref_squeeze %dma_wait3A_537 : memref<1x128xi32, #tpu.memory_space<vmem>> -> memref<128xi32, #tpu.memory_space<vmem>>
            %dma_wait3A_539 = arith.constant 0 : i32
            %dma_wait3A_540 = arith.constant 0 : i32
            %dma_wait3A_541 = tpu.memref_slice %arg5[%dma_wait3A_539, %dma_wait3A_540] : memref<819200x64xf32, #tpu.memory_space<hbm>> -> memref<819200x64xf32, #tpu.memory_space<hbm>>
            tpu.wait_indirect_dma semaphore(%arg15 : memref<!tpu.dma_semaphore, #tpu.memory_space<semaphore_mem>>) src(%dma_wait3A_535 : memref<128x64xf32, #tpu.memory_space<vmem>>) dst(%dma_wait3A_541 : memref<819200x64xf32, #tpu.memory_space<hbm>>)
          } else {
          }
          %mul3A_333 = arith.constant 128 : i32
          %mul3A_334 = arith.muli %while3A_284, %mul3A_333 : i32
          %iota3A_335 = tpu.iota {dimensions = array<i32: 0>} : vector<16xi32>
          %add3A_336 = arith.constant 0 : i32
          %add3A_337 = arith.addi %mul3A_334, %add3A_336 : i32
          %add3A_338 = vector.broadcast %add3A_337 : i32 to vector<16xi32>
          %add3A_339 = arith.addi %iota3A_335, %add3A_338 : vector<16xi32>
          %gather3A_340 = tpu.vector_load_idx %arg8[%add3A_339] : memref<25744xi32, #tpu.memory_space<vmem>>[vector<16xi32>], vector<16xi32>,
          %gather3A_341 = tpu.vector_load_idx %arg6[%gather3A_340] : memref<25600xi32, #tpu.memory_space<vmem>>[vector<16xi32>], vector<16xi32>,
          %sub3A_342 = arith.constant 500000 : i32
          %sub3A_343 = vector.broadcast %sub3A_342 : i32 to vector<16xi32>
          %sub3A_344 = arith.subi %gather3A_341, %sub3A_343 : vector<16xi32>
          %swap3A_345 = arith.constant 0 : i32
          %swap3A_346 = arith.index_cast %swap3A_345 : i32 to index
          %swap3A_347 = arith.constant 0 : index
          %swap3A_348 = tpu.vector_load %arg9[%swap3A_346, %swap3A_347] {strides = array<i32>} : memref<2x128xi32, #tpu.memory_space<vmem>>, vector<16xi32>,
          tpu.vector_store %arg9[%swap3A_346, %swap3A_347], %sub3A_344 {strides = array<i32>} : memref<2x128xi32, #tpu.memory_space<vmem>>, vector<16xi32>,
          %add3A_349 = vector.broadcast %mul3A_2 : i32 to vector<16xi32>
          %add3A_350 = arith.addi %gather3A_340, %add3A_349 : vector<16xi32>
          %swap3A_351 = arith.constant 0 : i32
          %swap3A_352 = arith.index_cast %swap3A_351 : i32 to index
          %swap3A_353 = arith.constant 0 : index
          %swap3A_354 = tpu.vector_load %arg10[%swap3A_352, %swap3A_353] {strides = array<i32>} : memref<2x128xi32, #tpu.memory_space<vmem>>, vector<16xi32>,
          tpu.vector_store %arg10[%swap3A_352, %swap3A_353], %add3A_350 {strides = array<i32>} : memref<2x128xi32, #tpu.memory_space<vmem>>, vector<16xi32>,
          %iota3A_355 = tpu.iota {dimensions = array<i32: 0>} : vector<16xi32>
          %add3A_356 = arith.constant 16 : i32
          %add3A_357 = arith.addi %mul3A_334, %add3A_356 : i32
          %add3A_358 = vector.broadcast %add3A_357 : i32 to vector<16xi32>
          %add3A_359 = arith.addi %iota3A_355, %add3A_358 : vector<16xi32>
          %gather3A_360 = tpu.vector_load_idx %arg8[%add3A_359] : memref<25744xi32, #tpu.memory_space<vmem>>[vector<16xi32>], vector<16xi32>,
          %gather3A_361 = tpu.vector_load_idx %arg6[%gather3A_360] : memref<25600xi32, #tpu.memory_space<vmem>>[vector<16xi32>], vector<16xi32>,
          %sub3A_362 = arith.constant 500000 : i32
          %sub3A_363 = vector.broadcast %sub3A_362 : i32 to vector<16xi32>
          %sub3A_364 = arith.subi %gather3A_361, %sub3A_363 : vector<16xi32>
          %swap3A_365 = arith.constant 0 : i32
          %swap3A_366 = arith.index_cast %swap3A_365 : i32 to index
          %swap3A_367 = arith.constant 16 : index
          %swap3A_368 = tpu.vector_load %arg9[%swap3A_366, %swap3A_367] {strides = array<i32>} : memref<2x128xi32, #tpu.memory_space<vmem>>, vector<16xi32>,
          tpu.vector_store %arg9[%swap3A_366, %swap3A_367], %sub3A_364 {strides = array<i32>} : memref<2x128xi32, #tpu.memory_space<vmem>>, vector<16xi32>,
          %add3A_369 = vector.broadcast %mul3A_2 : i32 to vector<16xi32>
          %add3A_370 = arith.addi %gather3A_360, %add3A_369 : vector<16xi32>
          %swap3A_371 = arith.constant 0 : i32
          %swap3A_372 = arith.index_cast %swap3A_371 : i32 to index
          %swap3A_373 = arith.constant 16 : index
          %swap3A_374 = tpu.vector_load %arg10[%swap3A_372, %swap3A_373] {strides = array<i32>} : memref<2x128xi32, #tpu.memory_space<vmem>>, vector<16xi32>,
          tpu.vector_store %arg10[%swap3A_372, %swap3A_373], %add3A_370 {strides = array<i32>} : memref<2x128xi32, #tpu.memory_space<vmem>>, vector<16xi32>,
          %iota3A_375 = tpu.iota {dimensions = array<i32: 0>} : vector<16xi32>
          %add3A_376 = arith.constant 32 : i32
          %add3A_377 = arith.addi %mul3A_334, %add3A_376 : i32
          %add3A_378 = vector.broadcast %add3A_377 : i32 to vector<16xi32>
          %add3A_379 = arith.addi %iota3A_375, %add3A_378 : vector<16xi32>
          %gather3A_380 = tpu.vector_load_idx %arg8[%add3A_379] : memref<25744xi32, #tpu.memory_space<vmem>>[vector<16xi32>], vector<16xi32>,
          %gather3A_381 = tpu.vector_load_idx %arg6[%gather3A_380] : memref<25600xi32, #tpu.memory_space<vmem>>[vector<16xi32>], vector<16xi32>,
          %sub3A_382 = arith.constant 500000 : i32
          %sub3A_383 = vector.broadcast %sub3A_382 : i32 to vector<16xi32>
          %sub3A_384 = arith.subi %gather3A_381, %sub3A_383 : vector<16xi32>
          %swap3A_385 = arith.constant 0 : i32
          %swap3A_386 = arith.index_cast %swap3A_385 : i32 to index
          %swap3A_387 = arith.constant 32 : index
          %swap3A_388 = tpu.vector_load %arg9[%swap3A_386, %swap3A_387] {strides = array<i32>} : memref<2x128xi32, #tpu.memory_space<vmem>>, vector<16xi32>,
          tpu.vector_store %arg9[%swap3A_386, %swap3A_387], %sub3A_384 {strides = array<i32>} : memref<2x128xi32, #tpu.memory_space<vmem>>, vector<16xi32>,
          %add3A_389 = vector.broadcast %mul3A_2 : i32 to vector<16xi32>
          %add3A_390 = arith.addi %gather3A_380, %add3A_389 : vector<16xi32>
          %swap3A_391 = arith.constant 0 : i32
          %swap3A_392 = arith.index_cast %swap3A_391 : i32 to index
          %swap3A_393 = arith.constant 32 : index
          %swap3A_394 = tpu.vector_load %arg10[%swap3A_392, %swap3A_393] {strides = array<i32>} : memref<2x128xi32, #tpu.memory_space<vmem>>, vector<16xi32>,
          tpu.vector_store %arg10[%swap3A_392, %swap3A_393], %add3A_390 {strides = array<i32>} : memref<2x128xi32, #tpu.memory_space<vmem>>, vector<16xi32>,
          %iota3A_395 = tpu.iota {dimensions = array<i32: 0>} : vector<16xi32>
          %add3A_396 = arith.constant 48 : i32
          %add3A_397 = arith.addi %mul3A_334, %add3A_396 : i32
          %add3A_398 = vector.broadcast %add3A_397 : i32 to vector<16xi32>
          %add3A_399 = arith.addi %iota3A_395, %add3A_398 : vector<16xi32>
          %gather3A_400 = tpu.vector_load_idx %arg8[%add3A_399] : memref<25744xi32, #tpu.memory_space<vmem>>[vector<16xi32>], vector<16xi32>,
          %gather3A_401 = tpu.vector_load_idx %arg6[%gather3A_400] : memref<25600xi32, #tpu.memory_space<vmem>>[vector<16xi32>], vector<16xi32>,
          %sub3A_402 = arith.constant 500000 : i32
          %sub3A_403 = vector.broadcast %sub3A_402 : i32 to vector<16xi32>
          %sub3A_404 = arith.subi %gather3A_401, %sub3A_403 : vector<16xi32>
          %swap3A_405 = arith.constant 0 : i32
          %swap3A_406 = arith.index_cast %swap3A_405 : i32 to index
          %swap3A_407 = arith.constant 48 : index
          %swap3A_408 = tpu.vector_load %arg9[%swap3A_406, %swap3A_407] {strides = array<i32>} : memref<2x128xi32, #tpu.memory_space<vmem>>, vector<16xi32>,
          tpu.vector_store %arg9[%swap3A_406, %swap3A_407], %sub3A_404 {strides = array<i32>} : memref<2x128xi32, #tpu.memory_space<vmem>>, vector<16xi32>,
          %add3A_409 = vector.broadcast %mul3A_2 : i32 to vector<16xi32>
          %add3A_410 = arith.addi %gather3A_400, %add3A_409 : vector<16xi32>
          %swap3A_411 = arith.constant 0 : i32
          %swap3A_412 = arith.index_cast %swap3A_411 : i32 to index
          %swap3A_413 = arith.constant 48 : index
          %swap3A_414 = tpu.vector_load %arg10[%swap3A_412, %swap3A_413] {strides = array<i32>} : memref<2x128xi32, #tpu.memory_space<vmem>>, vector<16xi32>,
          tpu.vector_store %arg10[%swap3A_412, %swap3A_413], %add3A_410 {strides = array<i32>} : memref<2x128xi32, #tpu.memory_space<vmem>>, vector<16xi32>,
          %iota3A_415 = tpu.iota {dimensions = array<i32: 0>} : vector<16xi32>
          %add3A_416 = arith.constant 64 : i32
          %add3A_417 = arith.addi %mul3A_334, %add3A_416 : i32
          %add3A_418 = vector.broadcast %add3A_417 : i32 to vector<16xi32>
          %add3A_419 = arith.addi %iota3A_415, %add3A_418 : vector<16xi32>
          %gather3A_420 = tpu.vector_load_idx %arg8[%add3A_419] : memref<25744xi32, #tpu.memory_space<vmem>>[vector<16xi32>], vector<16xi32>,
          %gather3A_421 = tpu.vector_load_idx %arg6[%gather3A_420] : memref<25600xi32, #tpu.memory_space<vmem>>[vector<16xi32>], vector<16xi32>,
          %sub3A_422 = arith.constant 500000 : i32
          %sub3A_423 = vector.broadcast %sub3A_422 : i32 to vector<16xi32>
          %sub3A_424 = arith.subi %gather3A_421, %sub3A_423 : vector<16xi32>
          %swap3A_425 = arith.constant 0 : i32
          %swap3A_426 = arith.index_cast %swap3A_425 : i32 to index
          %swap3A_427 = arith.constant 64 : index
          %swap3A_428 = tpu.vector_load %arg9[%swap3A_426, %swap3A_427] {strides = array<i32>} : memref<2x128xi32, #tpu.memory_space<vmem>>, vector<16xi32>,
          tpu.vector_store %arg9[%swap3A_426, %swap3A_427], %sub3A_424 {strides = array<i32>} : memref<2x128xi32, #tpu.memory_space<vmem>>, vector<16xi32>,
          %add3A_429 = vector.broadcast %mul3A_2 : i32 to vector<16xi32>
          %add3A_430 = arith.addi %gather3A_420, %add3A_429 : vector<16xi32>
          %swap3A_431 = arith.constant 0 : i32
          %swap3A_432 = arith.index_cast %swap3A_431 : i32 to index
          %swap3A_433 = arith.constant 64 : index
          %swap3A_434 = tpu.vector_load %arg10[%swap3A_432, %swap3A_433] {strides = array<i32>} : memref<2x128xi32, #tpu.memory_space<vmem>>, vector<16xi32>,
          tpu.vector_store %arg10[%swap3A_432, %swap3A_433], %add3A_430 {strides = array<i32>} : memref<2x128xi32, #tpu.memory_space<vmem>>, vector<16xi32>,
          %iota3A_435 = tpu.iota {dimensions = array<i32: 0>} : vector<16xi32>
          %add3A_436 = arith.constant 80 : i32
          %add3A_437 = arith.addi %mul3A_334, %add3A_436 : i32
          %add3A_438 = vector.broadcast %add3A_437 : i32 to vector<16xi32>
          %add3A_439 = arith.addi %iota3A_435, %add3A_438 : vector<16xi32>
          %gather3A_440 = tpu.vector_load_idx %arg8[%add3A_439] : memref<25744xi32, #tpu.memory_space<vmem>>[vector<16xi32>], vector<16xi32>,
          %gather3A_441 = tpu.vector_load_idx %arg6[%gather3A_440] : memref<25600xi32, #tpu.memory_space<vmem>>[vector<16xi32>], vector<16xi32>,
          %sub3A_442 = arith.constant 500000 : i32
          %sub3A_443 = vector.broadcast %sub3A_442 : i32 to vector<16xi32>
          %sub3A_444 = arith.subi %gather3A_441, %sub3A_443 : vector<16xi32>
          %swap3A_445 = arith.constant 0 : i32
          %swap3A_446 = arith.index_cast %swap3A_445 : i32 to index
          %swap3A_447 = arith.constant 80 : index
          %swap3A_448 = tpu.vector_load %arg9[%swap3A_446, %swap3A_447] {strides = array<i32>} : memref<2x128xi32, #tpu.memory_space<vmem>>, vector<16xi32>,
          tpu.vector_store %arg9[%swap3A_446, %swap3A_447], %sub3A_444 {strides = array<i32>} : memref<2x128xi32, #tpu.memory_space<vmem>>, vector<16xi32>,
          %add3A_449 = vector.broadcast %mul3A_2 : i32 to vector<16xi32>
          %add3A_450 = arith.addi %gather3A_440, %add3A_449 : vector<16xi32>
          %swap3A_451 = arith.constant 0 : i32
          %swap3A_452 = arith.index_cast %swap3A_451 : i32 to index
          %swap3A_453 = arith.constant 80 : index
          %swap3A_454 = tpu.vector_load %arg10[%swap3A_452, %swap3A_453] {strides = array<i32>} : memref<2x128xi32, #tpu.memory_space<vmem>>, vector<16xi32>,
          tpu.vector_store %arg10[%swap3A_452, %swap3A_453], %add3A_450 {strides = array<i32>} : memref<2x128xi32, #tpu.memory_space<vmem>>, vector<16xi32>,
          %iota3A_455 = tpu.iota {dimensions = array<i32: 0>} : vector<16xi32>
          %add3A_456 = arith.constant 96 : i32
          %add3A_457 = arith.addi %mul3A_334, %add3A_456 : i32
          %add3A_458 = vector.broadcast %add3A_457 : i32 to vector<16xi32>
          %add3A_459 = arith.addi %iota3A_455, %add3A_458 : vector<16xi32>
          %gather3A_460 = tpu.vector_load_idx %arg8[%add3A_459] : memref<25744xi32, #tpu.memory_space<vmem>>[vector<16xi32>], vector<16xi32>,
          %gather3A_461 = tpu.vector_load_idx %arg6[%gather3A_460] : memref<25600xi32, #tpu.memory_space<vmem>>[vector<16xi32>], vector<16xi32>,
          %sub3A_462 = arith.constant 500000 : i32
          %sub3A_463 = vector.broadcast %sub3A_462 : i32 to vector<16xi32>
          %sub3A_464 = arith.subi %gather3A_461, %sub3A_463 : vector<16xi32>
          %swap3A_465 = arith.constant 0 : i32
          %swap3A_466 = arith.index_cast %swap3A_465 : i32 to index
          %swap3A_467 = arith.constant 96 : index
          %swap3A_468 = tpu.vector_load %arg9[%swap3A_466, %swap3A_467] {strides = array<i32>} : memref<2x128xi32, #tpu.memory_space<vmem>>, vector<16xi32>,
          tpu.vector_store %arg9[%swap3A_466, %swap3A_467], %sub3A_464 {strides = array<i32>} : memref<2x128xi32, #tpu.memory_space<vmem>>, vector<16xi32>,
          %add3A_469 = vector.broadcast %mul3A_2 : i32 to vector<16xi32>
          %add3A_470 = arith.addi %gather3A_460, %add3A_469 : vector<16xi32>
          %swap3A_471 = arith.constant 0 : i32
          %swap3A_472 = arith.index_cast %swap3A_471 : i32 to index
          %swap3A_473 = arith.constant 96 : index
          %swap3A_474 = tpu.vector_load %arg10[%swap3A_472, %swap3A_473] {strides = array<i32>} : memref<2x128xi32, #tpu.memory_space<vmem>>, vector<16xi32>,
          tpu.vector_store %arg10[%swap3A_472, %swap3A_473], %add3A_470 {strides = array<i32>} : memref<2x128xi32, #tpu.memory_space<vmem>>, vector<16xi32>,
          %iota3A_475 = tpu.iota {dimensions = array<i32: 0>} : vector<16xi32>
          %add3A_476 = arith.constant 112 : i32
          %add3A_477 = arith.addi %mul3A_334, %add3A_476 : i32
          %add3A_478 = vector.broadcast %add3A_477 : i32 to vector<16xi32>
          %add3A_479 = arith.addi %iota3A_475, %add3A_478 : vector<16xi32>
          %gather3A_480 = tpu.vector_load_idx %arg8[%add3A_479] : memref<25744xi32, #tpu.memory_space<vmem>>[vector<16xi32>], vector<16xi32>,
          %gather3A_481 = tpu.vector_load_idx %arg6[%gather3A_480] : memref<25600xi32, #tpu.memory_space<vmem>>[vector<16xi32>], vector<16xi32>,
          %sub3A_482 = arith.constant 500000 : i32
          %sub3A_483 = vector.broadcast %sub3A_482 : i32 to vector<16xi32>
          %sub3A_484 = arith.subi %gather3A_481, %sub3A_483 : vector<16xi32>
          %swap3A_485 = arith.constant 0 : i32
          %swap3A_486 = arith.index_cast %swap3A_485 : i32 to index
          %swap3A_487 = arith.constant 112 : index
          %swap3A_488 = tpu.vector_load %arg9[%swap3A_486, %swap3A_487] {strides = array<i32>} : memref<2x128xi32, #tpu.memory_space<vmem>>, vector<16xi32>,
          tpu.vector_store %arg9[%swap3A_486, %swap3A_487], %sub3A_484 {strides = array<i32>} : memref<2x128xi32, #tpu.memory_space<vmem>>, vector<16xi32>,
          %add3A_489 = vector.broadcast %mul3A_2 : i32 to vector<16xi32>
          %add3A_490 = arith.addi %gather3A_480, %add3A_489 : vector<16xi32>
          %swap3A_491 = arith.constant 0 : i32
          %swap3A_492 = arith.index_cast %swap3A_491 : i32 to index
          %swap3A_493 = arith.constant 112 : index
          %swap3A_494 = tpu.vector_load %arg10[%swap3A_492, %swap3A_493] {strides = array<i32>} : memref<2x128xi32, #tpu.memory_space<vmem>>, vector<16xi32>,
          tpu.vector_store %arg10[%swap3A_492, %swap3A_493], %add3A_490 {strides = array<i32>} : memref<2x128xi32, #tpu.memory_space<vmem>>, vector<16xi32>,
          %dma_start3A_495 = arith.constant 0 : i32
          %dma_start3A_496 = arith.constant 0 : i32
          %dma_start3A_497 = arith.constant 0 : i32
          %dma_start3A_498 = arith.constant 0 : i32
          %dma_start3A_499 = tpu.memref_slice %arg11[%dma_start3A_496, %dma_start3A_497, %dma_start3A_498] : memref<2x128x64xf32, #tpu.memory_space<vmem>> -> memref<1x128x64xf32, #tpu.memory_space<vmem>>
          %dma_start3A_500 = tpu.memref_squeeze %dma_start3A_499 : memref<1x128x64xf32, #tpu.memory_space<vmem>> -> memref<128x64xf32, #tpu.memory_space<vmem>>
          %dma_start3A_501 = arith.constant 0 : i32
          %dma_start3A_502 = tpu.memref_slice %arg9[%dma_start3A_495, %dma_start3A_501] : memref<2x128xi32, #tpu.memory_space<vmem>> -> memref<1x128xi32, #tpu.memory_space<vmem>>
          %dma_start3A_503 = tpu.memref_squeeze %dma_start3A_502 : memref<1x128xi32, #tpu.memory_space<vmem>> -> memref<128xi32, #tpu.memory_space<vmem>>
          %dma_start3A_504 = arith.constant 0 : i32
          %dma_start3A_505 = arith.constant 0 : i32
          %dma_start3A_506 = tpu.memref_slice %arg4[%dma_start3A_504, %dma_start3A_505] : memref<500000x64xf32, #tpu.memory_space<hbm>> -> memref<500000x64xf32, #tpu.memory_space<hbm>>
          tpu.enqueue_indirect_dma source(%dma_start3A_506 : memref<500000x64xf32, #tpu.memory_space<hbm>>) target(%dma_start3A_500 : memref<128x64xf32, #tpu.memory_space<vmem>>) offsets(%dma_start3A_503 : memref<128xi32, #tpu.memory_space<vmem>>) semaphore(%arg13 : memref<!tpu.dma_semaphore, #tpu.memory_space<semaphore_mem>>)
          %dma_wait3A = arith.constant 1 : i32
          %dma_wait3A_507 = arith.constant 1 : i32
          %dma_wait3A_508 = arith.constant 0 : i32
          %dma_wait3A_509 = arith.constant 0 : i32
          %dma_wait3A_510 = tpu.memref_slice %arg11[%dma_wait3A_507, %dma_wait3A_508, %dma_wait3A_509] : memref<2x128x64xf32, #tpu.memory_space<vmem>> -> memref<1x128x64xf32, #tpu.memory_space<vmem>>
          %dma_wait3A_511 = tpu.memref_squeeze %dma_wait3A_510 : memref<1x128x64xf32, #tpu.memory_space<vmem>> -> memref<128x64xf32, #tpu.memory_space<vmem>>
          %dma_wait3A_512 = arith.constant 0 : i32
          %dma_wait3A_513 = tpu.memref_slice %arg9[%dma_wait3A, %dma_wait3A_512] : memref<2x128xi32, #tpu.memory_space<vmem>> -> memref<1x128xi32, #tpu.memory_space<vmem>>
          %dma_wait3A_514 = tpu.memref_squeeze %dma_wait3A_513 : memref<1x128xi32, #tpu.memory_space<vmem>> -> memref<128xi32, #tpu.memory_space<vmem>>
          %dma_wait3A_515 = arith.constant 0 : i32
          %dma_wait3A_516 = arith.constant 0 : i32
          %dma_wait3A_517 = tpu.memref_slice %arg4[%dma_wait3A_515, %dma_wait3A_516] : memref<500000x64xf32, #tpu.memory_space<hbm>> -> memref<500000x64xf32, #tpu.memory_space<hbm>>
          tpu.wait_indirect_dma semaphore(%arg14 : memref<!tpu.dma_semaphore, #tpu.memory_space<semaphore_mem>>) src(%dma_wait3A_517 : memref<500000x64xf32, #tpu.memory_space<hbm>>) dst(%dma_wait3A_511 : memref<128x64xf32, #tpu.memory_space<vmem>>)
          %dma_start3A_518 = arith.constant 1 : i32
          %dma_start3A_519 = arith.constant 1 : i32
          %dma_start3A_520 = arith.constant 0 : i32
          %dma_start3A_521 = arith.constant 0 : i32
          %dma_start3A_522 = tpu.memref_slice %arg11[%dma_start3A_518, %dma_start3A_520, %dma_start3A_521] : memref<2x128x64xf32, #tpu.memory_space<vmem>> -> memref<1x128x64xf32, #tpu.memory_space<vmem>>
          %dma_start3A_523 = tpu.memref_squeeze %dma_start3A_522 : memref<1x128x64xf32, #tpu.memory_space<vmem>> -> memref<128x64xf32, #tpu.memory_space<vmem>>
          %dma_start3A_524 = arith.constant 0 : i32
          %dma_start3A_525 = tpu.memref_slice %arg10[%dma_start3A_519, %dma_start3A_524] : memref<2x128xi32, #tpu.memory_space<vmem>> -> memref<1x128xi32, #tpu.memory_space<vmem>>
          %dma_start3A_526 = tpu.memref_squeeze %dma_start3A_525 : memref<1x128xi32, #tpu.memory_space<vmem>> -> memref<128xi32, #tpu.memory_space<vmem>>
          %dma_start3A_527 = arith.constant 0 : i32
          %dma_start3A_528 = arith.constant 0 : i32
          %dma_start3A_529 = tpu.memref_slice %arg5[%dma_start3A_527, %dma_start3A_528] : memref<819200x64xf32, #tpu.memory_space<hbm>> -> memref<819200x64xf32, #tpu.memory_space<hbm>>
          tpu.enqueue_indirect_dma source(%dma_start3A_523 : memref<128x64xf32, #tpu.memory_space<vmem>>) target(%dma_start3A_529 : memref<819200x64xf32, #tpu.memory_space<hbm>>) offsets(%dma_start3A_526 : memref<128xi32, #tpu.memory_space<vmem>>) semaphore(%arg16 : memref<!tpu.dma_semaphore, #tpu.memory_space<semaphore_mem>>)
        } else {
        }
        %jit3A_307 = arith.constant 2 : i32
        %eq3A_308 = arith.constant 0 : i32
        %eq3A_309 = arith.cmpi eq, %jit3A_307, %eq3A_308 : i32
        %jit3A_310 = arith.constant 1 : i32
        %select_n3A_311 = arith.select %eq3A_309, %jit3A_310, %jit3A_307 : i32
        %rem3A_312 = arith.remsi %while3A_284, %select_n3A_311 : i32
        %ne3A_313 = arith.constant 0 : i32
        %ne3A_314 = arith.cmpi ne, %rem3A_312, %ne3A_313 : i32
        %lt3A_315 = arith.constant 0 : i32
        %lt3A_316 = arith.cmpi slt, %rem3A_312, %lt3A_315 : i32
        %lt3A_317 = arith.constant 0 : i32
        %lt3A_318 = arith.cmpi slt, %select_n3A_311, %lt3A_317 : i32
        %ne3A_319 = arith.xori %lt3A_316, %lt3A_318 : i1
        %and3A_320 = arith.andi %ne3A_319, %ne3A_314 : i1
        %add3A_321 = arith.addi %rem3A_312, %select_n3A_311 : i32
        %select_n3A_322 = arith.select %and3A_320, %add3A_321, %rem3A_312 : i32
        %eq3A_323 = arith.constant 1 : i32
        %eq3A_324 = arith.cmpi eq, %select_n3A_322, %eq3A_323 : i32
        %convert_element_type3A_325 = arith.extui %eq3A_324 : i1 to i32
        %cond3A_326 = arith.constant 0 : i32
        %cond3A_327 = arith.cmpi ne, %convert_element_type3A_325, %cond3A_326 : i32
        scf.if %cond3A_327 {
          %ge3A = arith.constant 2 : i32
          %ge3A_329 = arith.cmpi sge, %while3A_284, %ge3A : i32
          %convert_element_type3A_330 = arith.extui %ge3A_329 : i1 to i32
          %cond3A_331 = arith.constant 0 : i32
          %cond3A_332 = arith.cmpi ne, %convert_element_type3A_330, %cond3A_331 : i32
          scf.if %cond3A_332 {
            %dma_wait3A_530 = arith.constant 1 : i32
            %dma_wait3A_531 = arith.constant 1 : i32
            %dma_wait3A_532 = arith.constant 0 : i32
            %dma_wait3A_533 = arith.constant 0 : i32
            %dma_wait3A_534 = tpu.memref_slice %arg11[%dma_wait3A_530, %dma_wait3A_532, %dma_wait3A_533] : memref<2x128x64xf32, #tpu.memory_space<vmem>> -> memref<1x128x64xf32, #tpu.memory_space<vmem>>
            %dma_wait3A_535 = tpu.memref_squeeze %dma_wait3A_534 : memref<1x128x64xf32, #tpu.memory_space<vmem>> -> memref<128x64xf32, #tpu.memory_space<vmem>>
            %dma_wait3A_536 = arith.constant 0 : i32
            %dma_wait3A_537 = tpu.memref_slice %arg10[%dma_wait3A_531, %dma_wait3A_536] : memref<2x128xi32, #tpu.memory_space<vmem>> -> memref<1x128xi32, #tpu.memory_space<vmem>>
            %dma_wait3A_538 = tpu.memref_squeeze %dma_wait3A_537 : memref<1x128xi32, #tpu.memory_space<vmem>> -> memref<128xi32, #tpu.memory_space<vmem>>
            %dma_wait3A_539 = arith.constant 0 : i32
            %dma_wait3A_540 = arith.constant 0 : i32
            %dma_wait3A_541 = tpu.memref_slice %arg5[%dma_wait3A_539, %dma_wait3A_540] : memref<819200x64xf32, #tpu.memory_space<hbm>> -> memref<819200x64xf32, #tpu.memory_space<hbm>>
            tpu.wait_indirect_dma semaphore(%arg16 : memref<!tpu.dma_semaphore, #tpu.memory_space<semaphore_mem>>) src(%dma_wait3A_535 : memref<128x64xf32, #tpu.memory_space<vmem>>) dst(%dma_wait3A_541 : memref<819200x64xf32, #tpu.memory_space<hbm>>)
          } else {
          }
          %mul3A_333 = arith.constant 128 : i32
          %mul3A_334 = arith.muli %while3A_284, %mul3A_333 : i32
          %iota3A_335 = tpu.iota {dimensions = array<i32: 0>} : vector<16xi32>
          %add3A_336 = arith.constant 0 : i32
          %add3A_337 = arith.addi %mul3A_334, %add3A_336 : i32
          %add3A_338 = vector.broadcast %add3A_337 : i32 to vector<16xi32>
          %add3A_339 = arith.addi %iota3A_335, %add3A_338 : vector<16xi32>
          %gather3A_340 = tpu.vector_load_idx %arg8[%add3A_339] : memref<25744xi32, #tpu.memory_space<vmem>>[vector<16xi32>], vector<16xi32>,
          %gather3A_341 = tpu.vector_load_idx %arg6[%gather3A_340] : memref<25600xi32, #tpu.memory_space<vmem>>[vector<16xi32>], vector<16xi32>,
          %sub3A_342 = arith.constant 500000 : i32
          %sub3A_343 = vector.broadcast %sub3A_342 : i32 to vector<16xi32>
          %sub3A_344 = arith.subi %gather3A_341, %sub3A_343 : vector<16xi32>
          %swap3A_345 = arith.constant 1 : i32
          %swap3A_346 = arith.index_cast %swap3A_345 : i32 to index
          %swap3A_347 = arith.constant 0 : index
          %swap3A_348 = tpu.vector_load %arg9[%swap3A_346, %swap3A_347] {strides = array<i32>} : memref<2x128xi32, #tpu.memory_space<vmem>>, vector<16xi32>,
          tpu.vector_store %arg9[%swap3A_346, %swap3A_347], %sub3A_344 {strides = array<i32>} : memref<2x128xi32, #tpu.memory_space<vmem>>, vector<16xi32>,
          %add3A_349 = vector.broadcast %mul3A_2 : i32 to vector<16xi32>
          %add3A_350 = arith.addi %gather3A_340, %add3A_349 : vector<16xi32>
          %swap3A_351 = arith.constant 1 : i32
          %swap3A_352 = arith.index_cast %swap3A_351 : i32 to index
          %swap3A_353 = arith.constant 0 : index
          %swap3A_354 = tpu.vector_load %arg10[%swap3A_352, %swap3A_353] {strides = array<i32>} : memref<2x128xi32, #tpu.memory_space<vmem>>, vector<16xi32>,
          tpu.vector_store %arg10[%swap3A_352, %swap3A_353], %add3A_350 {strides = array<i32>} : memref<2x128xi32, #tpu.memory_space<vmem>>, vector<16xi32>,
          %iota3A_355 = tpu.iota {dimensions = array<i32: 0>} : vector<16xi32>
          %add3A_356 = arith.constant 16 : i32
          %add3A_357 = arith.addi %mul3A_334, %add3A_356 : i32
          %add3A_358 = vector.broadcast %add3A_357 : i32 to vector<16xi32>
          %add3A_359 = arith.addi %iota3A_355, %add3A_358 : vector<16xi32>
          %gather3A_360 = tpu.vector_load_idx %arg8[%add3A_359] : memref<25744xi32, #tpu.memory_space<vmem>>[vector<16xi32>], vector<16xi32>,
          %gather3A_361 = tpu.vector_load_idx %arg6[%gather3A_360] : memref<25600xi32, #tpu.memory_space<vmem>>[vector<16xi32>], vector<16xi32>,
          %sub3A_362 = arith.constant 500000 : i32
          %sub3A_363 = vector.broadcast %sub3A_362 : i32 to vector<16xi32>
          %sub3A_364 = arith.subi %gather3A_361, %sub3A_363 : vector<16xi32>
          %swap3A_365 = arith.constant 1 : i32
          %swap3A_366 = arith.index_cast %swap3A_365 : i32 to index
          %swap3A_367 = arith.constant 16 : index
          %swap3A_368 = tpu.vector_load %arg9[%swap3A_366, %swap3A_367] {strides = array<i32>} : memref<2x128xi32, #tpu.memory_space<vmem>>, vector<16xi32>,
          tpu.vector_store %arg9[%swap3A_366, %swap3A_367], %sub3A_364 {strides = array<i32>} : memref<2x128xi32, #tpu.memory_space<vmem>>, vector<16xi32>,
          %add3A_369 = vector.broadcast %mul3A_2 : i32 to vector<16xi32>
          %add3A_370 = arith.addi %gather3A_360, %add3A_369 : vector<16xi32>
          %swap3A_371 = arith.constant 1 : i32
          %swap3A_372 = arith.index_cast %swap3A_371 : i32 to index
          %swap3A_373 = arith.constant 16 : index
          %swap3A_374 = tpu.vector_load %arg10[%swap3A_372, %swap3A_373] {strides = array<i32>} : memref<2x128xi32, #tpu.memory_space<vmem>>, vector<16xi32>,
          tpu.vector_store %arg10[%swap3A_372, %swap3A_373], %add3A_370 {strides = array<i32>} : memref<2x128xi32, #tpu.memory_space<vmem>>, vector<16xi32>,
          %iota3A_375 = tpu.iota {dimensions = array<i32: 0>} : vector<16xi32>
          %add3A_376 = arith.constant 32 : i32
          %add3A_377 = arith.addi %mul3A_334, %add3A_376 : i32
          %add3A_378 = vector.broadcast %add3A_377 : i32 to vector<16xi32>
          %add3A_379 = arith.addi %iota3A_375, %add3A_378 : vector<16xi32>
          %gather3A_380 = tpu.vector_load_idx %arg8[%add3A_379] : memref<25744xi32, #tpu.memory_space<vmem>>[vector<16xi32>], vector<16xi32>,
          %gather3A_381 = tpu.vector_load_idx %arg6[%gather3A_380] : memref<25600xi32, #tpu.memory_space<vmem>>[vector<16xi32>], vector<16xi32>,
          %sub3A_382 = arith.constant 500000 : i32
          %sub3A_383 = vector.broadcast %sub3A_382 : i32 to vector<16xi32>
          %sub3A_384 = arith.subi %gather3A_381, %sub3A_383 : vector<16xi32>
          %swap3A_385 = arith.constant 1 : i32
          %swap3A_386 = arith.index_cast %swap3A_385 : i32 to index
          %swap3A_387 = arith.constant 32 : index
          %swap3A_388 = tpu.vector_load %arg9[%swap3A_386, %swap3A_387] {strides = array<i32>} : memref<2x128xi32, #tpu.memory_space<vmem>>, vector<16xi32>,
          tpu.vector_store %arg9[%swap3A_386, %swap3A_387], %sub3A_384 {strides = array<i32>} : memref<2x128xi32, #tpu.memory_space<vmem>>, vector<16xi32>,
          %add3A_389 = vector.broadcast %mul3A_2 : i32 to vector<16xi32>
          %add3A_390 = arith.addi %gather3A_380, %add3A_389 : vector<16xi32>
          %swap3A_391 = arith.constant 1 : i32
          %swap3A_392 = arith.index_cast %swap3A_391 : i32 to index
          %swap3A_393 = arith.constant 32 : index
          %swap3A_394 = tpu.vector_load %arg10[%swap3A_392, %swap3A_393] {strides = array<i32>} : memref<2x128xi32, #tpu.memory_space<vmem>>, vector<16xi32>,
          tpu.vector_store %arg10[%swap3A_392, %swap3A_393], %add3A_390 {strides = array<i32>} : memref<2x128xi32, #tpu.memory_space<vmem>>, vector<16xi32>,
          %iota3A_395 = tpu.iota {dimensions = array<i32: 0>} : vector<16xi32>
          %add3A_396 = arith.constant 48 : i32
          %add3A_397 = arith.addi %mul3A_334, %add3A_396 : i32
          %add3A_398 = vector.broadcast %add3A_397 : i32 to vector<16xi32>
          %add3A_399 = arith.addi %iota3A_395, %add3A_398 : vector<16xi32>
          %gather3A_400 = tpu.vector_load_idx %arg8[%add3A_399] : memref<25744xi32, #tpu.memory_space<vmem>>[vector<16xi32>], vector<16xi32>,
          %gather3A_401 = tpu.vector_load_idx %arg6[%gather3A_400] : memref<25600xi32, #tpu.memory_space<vmem>>[vector<16xi32>], vector<16xi32>,
          %sub3A_402 = arith.constant 500000 : i32
          %sub3A_403 = vector.broadcast %sub3A_402 : i32 to vector<16xi32>
          %sub3A_404 = arith.subi %gather3A_401, %sub3A_403 : vector<16xi32>
          %swap3A_405 = arith.constant 1 : i32
          %swap3A_406 = arith.index_cast %swap3A_405 : i32 to index
          %swap3A_407 = arith.constant 48 : index
          %swap3A_408 = tpu.vector_load %arg9[%swap3A_406, %swap3A_407] {strides = array<i32>} : memref<2x128xi32, #tpu.memory_space<vmem>>, vector<16xi32>,
          tpu.vector_store %arg9[%swap3A_406, %swap3A_407], %sub3A_404 {strides = array<i32>} : memref<2x128xi32, #tpu.memory_space<vmem>>, vector<16xi32>,
          %add3A_409 = vector.broadcast %mul3A_2 : i32 to vector<16xi32>
          %add3A_410 = arith.addi %gather3A_400, %add3A_409 : vector<16xi32>
          %swap3A_411 = arith.constant 1 : i32
          %swap3A_412 = arith.index_cast %swap3A_411 : i32 to index
          %swap3A_413 = arith.constant 48 : index
          %swap3A_414 = tpu.vector_load %arg10[%swap3A_412, %swap3A_413] {strides = array<i32>} : memref<2x128xi32, #tpu.memory_space<vmem>>, vector<16xi32>,
          tpu.vector_store %arg10[%swap3A_412, %swap3A_413], %add3A_410 {strides = array<i32>} : memref<2x128xi32, #tpu.memory_space<vmem>>, vector<16xi32>,
          %iota3A_415 = tpu.iota {dimensions = array<i32: 0>} : vector<16xi32>
          %add3A_416 = arith.constant 64 : i32
          %add3A_417 = arith.addi %mul3A_334, %add3A_416 : i32
          %add3A_418 = vector.broadcast %add3A_417 : i32 to vector<16xi32>
          %add3A_419 = arith.addi %iota3A_415, %add3A_418 : vector<16xi32>
          %gather3A_420 = tpu.vector_load_idx %arg8[%add3A_419] : memref<25744xi32, #tpu.memory_space<vmem>>[vector<16xi32>], vector<16xi32>,
          %gather3A_421 = tpu.vector_load_idx %arg6[%gather3A_420] : memref<25600xi32, #tpu.memory_space<vmem>>[vector<16xi32>], vector<16xi32>,
          %sub3A_422 = arith.constant 500000 : i32
          %sub3A_423 = vector.broadcast %sub3A_422 : i32 to vector<16xi32>
          %sub3A_424 = arith.subi %gather3A_421, %sub3A_423 : vector<16xi32>
          %swap3A_425 = arith.constant 1 : i32
          %swap3A_426 = arith.index_cast %swap3A_425 : i32 to index
          %swap3A_427 = arith.constant 64 : index
          %swap3A_428 = tpu.vector_load %arg9[%swap3A_426, %swap3A_427] {strides = array<i32>} : memref<2x128xi32, #tpu.memory_space<vmem>>, vector<16xi32>,
          tpu.vector_store %arg9[%swap3A_426, %swap3A_427], %sub3A_424 {strides = array<i32>} : memref<2x128xi32, #tpu.memory_space<vmem>>, vector<16xi32>,
          %add3A_429 = vector.broadcast %mul3A_2 : i32 to vector<16xi32>
          %add3A_430 = arith.addi %gather3A_420, %add3A_429 : vector<16xi32>
          %swap3A_431 = arith.constant 1 : i32
          %swap3A_432 = arith.index_cast %swap3A_431 : i32 to index
          %swap3A_433 = arith.constant 64 : index
          %swap3A_434 = tpu.vector_load %arg10[%swap3A_432, %swap3A_433] {strides = array<i32>} : memref<2x128xi32, #tpu.memory_space<vmem>>, vector<16xi32>,
          tpu.vector_store %arg10[%swap3A_432, %swap3A_433], %add3A_430 {strides = array<i32>} : memref<2x128xi32, #tpu.memory_space<vmem>>, vector<16xi32>,
          %iota3A_435 = tpu.iota {dimensions = array<i32: 0>} : vector<16xi32>
          %add3A_436 = arith.constant 80 : i32
          %add3A_437 = arith.addi %mul3A_334, %add3A_436 : i32
          %add3A_438 = vector.broadcast %add3A_437 : i32 to vector<16xi32>
          %add3A_439 = arith.addi %iota3A_435, %add3A_438 : vector<16xi32>
          %gather3A_440 = tpu.vector_load_idx %arg8[%add3A_439] : memref<25744xi32, #tpu.memory_space<vmem>>[vector<16xi32>], vector<16xi32>,
          %gather3A_441 = tpu.vector_load_idx %arg6[%gather3A_440] : memref<25600xi32, #tpu.memory_space<vmem>>[vector<16xi32>], vector<16xi32>,
          %sub3A_442 = arith.constant 500000 : i32
          %sub3A_443 = vector.broadcast %sub3A_442 : i32 to vector<16xi32>
          %sub3A_444 = arith.subi %gather3A_441, %sub3A_443 : vector<16xi32>
          %swap3A_445 = arith.constant 1 : i32
          %swap3A_446 = arith.index_cast %swap3A_445 : i32 to index
          %swap3A_447 = arith.constant 80 : index
          %swap3A_448 = tpu.vector_load %arg9[%swap3A_446, %swap3A_447] {strides = array<i32>} : memref<2x128xi32, #tpu.memory_space<vmem>>, vector<16xi32>,
          tpu.vector_store %arg9[%swap3A_446, %swap3A_447], %sub3A_444 {strides = array<i32>} : memref<2x128xi32, #tpu.memory_space<vmem>>, vector<16xi32>,
          %add3A_449 = vector.broadcast %mul3A_2 : i32 to vector<16xi32>
          %add3A_450 = arith.addi %gather3A_440, %add3A_449 : vector<16xi32>
          %swap3A_451 = arith.constant 1 : i32
          %swap3A_452 = arith.index_cast %swap3A_451 : i32 to index
          %swap3A_453 = arith.constant 80 : index
          %swap3A_454 = tpu.vector_load %arg10[%swap3A_452, %swap3A_453] {strides = array<i32>} : memref<2x128xi32, #tpu.memory_space<vmem>>, vector<16xi32>,
          tpu.vector_store %arg10[%swap3A_452, %swap3A_453], %add3A_450 {strides = array<i32>} : memref<2x128xi32, #tpu.memory_space<vmem>>, vector<16xi32>,
          %iota3A_455 = tpu.iota {dimensions = array<i32: 0>} : vector<16xi32>
          %add3A_456 = arith.constant 96 : i32
          %add3A_457 = arith.addi %mul3A_334, %add3A_456 : i32
          %add3A_458 = vector.broadcast %add3A_457 : i32 to vector<16xi32>
          %add3A_459 = arith.addi %iota3A_455, %add3A_458 : vector<16xi32>
          %gather3A_460 = tpu.vector_load_idx %arg8[%add3A_459] : memref<25744xi32, #tpu.memory_space<vmem>>[vector<16xi32>], vector<16xi32>,
          %gather3A_461 = tpu.vector_load_idx %arg6[%gather3A_460] : memref<25600xi32, #tpu.memory_space<vmem>>[vector<16xi32>], vector<16xi32>,
          %sub3A_462 = arith.constant 500000 : i32
          %sub3A_463 = vector.broadcast %sub3A_462 : i32 to vector<16xi32>
          %sub3A_464 = arith.subi %gather3A_461, %sub3A_463 : vector<16xi32>
          %swap3A_465 = arith.constant 1 : i32
          %swap3A_466 = arith.index_cast %swap3A_465 : i32 to index
          %swap3A_467 = arith.constant 96 : index
          %swap3A_468 = tpu.vector_load %arg9[%swap3A_466, %swap3A_467] {strides = array<i32>} : memref<2x128xi32, #tpu.memory_space<vmem>>, vector<16xi32>,
          tpu.vector_store %arg9[%swap3A_466, %swap3A_467], %sub3A_464 {strides = array<i32>} : memref<2x128xi32, #tpu.memory_space<vmem>>, vector<16xi32>,
          %add3A_469 = vector.broadcast %mul3A_2 : i32 to vector<16xi32>
          %add3A_470 = arith.addi %gather3A_460, %add3A_469 : vector<16xi32>
          %swap3A_471 = arith.constant 1 : i32
          %swap3A_472 = arith.index_cast %swap3A_471 : i32 to index
          %swap3A_473 = arith.constant 96 : index
          %swap3A_474 = tpu.vector_load %arg10[%swap3A_472, %swap3A_473] {strides = array<i32>} : memref<2x128xi32, #tpu.memory_space<vmem>>, vector<16xi32>,
          tpu.vector_store %arg10[%swap3A_472, %swap3A_473], %add3A_470 {strides = array<i32>} : memref<2x128xi32, #tpu.memory_space<vmem>>, vector<16xi32>,
          %iota3A_475 = tpu.iota {dimensions = array<i32: 0>} : vector<16xi32>
          %add3A_476 = arith.constant 112 : i32
          %add3A_477 = arith.addi %mul3A_334, %add3A_476 : i32
          %add3A_478 = vector.broadcast %add3A_477 : i32 to vector<16xi32>
          %add3A_479 = arith.addi %iota3A_475, %add3A_478 : vector<16xi32>
          %gather3A_480 = tpu.vector_load_idx %arg8[%add3A_479] : memref<25744xi32, #tpu.memory_space<vmem>>[vector<16xi32>], vector<16xi32>,
          %gather3A_481 = tpu.vector_load_idx %arg6[%gather3A_480] : memref<25600xi32, #tpu.memory_space<vmem>>[vector<16xi32>], vector<16xi32>,
          %sub3A_482 = arith.constant 500000 : i32
          %sub3A_483 = vector.broadcast %sub3A_482 : i32 to vector<16xi32>
          %sub3A_484 = arith.subi %gather3A_481, %sub3A_483 : vector<16xi32>
          %swap3A_485 = arith.constant 1 : i32
          %swap3A_486 = arith.index_cast %swap3A_485 : i32 to index
          %swap3A_487 = arith.constant 112 : index
          %swap3A_488 = tpu.vector_load %arg9[%swap3A_486, %swap3A_487] {strides = array<i32>} : memref<2x128xi32, #tpu.memory_space<vmem>>, vector<16xi32>,
          tpu.vector_store %arg9[%swap3A_486, %swap3A_487], %sub3A_484 {strides = array<i32>} : memref<2x128xi32, #tpu.memory_space<vmem>>, vector<16xi32>,
          %add3A_489 = vector.broadcast %mul3A_2 : i32 to vector<16xi32>
          %add3A_490 = arith.addi %gather3A_480, %add3A_489 : vector<16xi32>
          %swap3A_491 = arith.constant 1 : i32
          %swap3A_492 = arith.index_cast %swap3A_491 : i32 to index
          %swap3A_493 = arith.constant 112 : index
          %swap3A_494 = tpu.vector_load %arg10[%swap3A_492, %swap3A_493] {strides = array<i32>} : memref<2x128xi32, #tpu.memory_space<vmem>>, vector<16xi32>,
          tpu.vector_store %arg10[%swap3A_492, %swap3A_493], %add3A_490 {strides = array<i32>} : memref<2x128xi32, #tpu.memory_space<vmem>>, vector<16xi32>,
          %dma_start3A_495 = arith.constant 1 : i32
          %dma_start3A_496 = arith.constant 1 : i32
          %dma_start3A_497 = arith.constant 0 : i32
          %dma_start3A_498 = arith.constant 0 : i32
          %dma_start3A_499 = tpu.memref_slice %arg11[%dma_start3A_496, %dma_start3A_497, %dma_start3A_498] : memref<2x128x64xf32, #tpu.memory_space<vmem>> -> memref<1x128x64xf32, #tpu.memory_space<vmem>>
          %dma_start3A_500 = tpu.memref_squeeze %dma_start3A_499 : memref<1x128x64xf32, #tpu.memory_space<vmem>> -> memref<128x64xf32, #tpu.memory_space<vmem>>
          %dma_start3A_501 = arith.constant 0 : i32
          %dma_start3A_502 = tpu.memref_slice %arg9[%dma_start3A_495, %dma_start3A_501] : memref<2x128xi32, #tpu.memory_space<vmem>> -> memref<1x128xi32, #tpu.memory_space<vmem>>
          %dma_start3A_503 = tpu.memref_squeeze %dma_start3A_502 : memref<1x128xi32, #tpu.memory_space<vmem>> -> memref<128xi32, #tpu.memory_space<vmem>>
          %dma_start3A_504 = arith.constant 0 : i32
          %dma_start3A_505 = arith.constant 0 : i32
          %dma_start3A_506 = tpu.memref_slice %arg4[%dma_start3A_504, %dma_start3A_505] : memref<500000x64xf32, #tpu.memory_space<hbm>> -> memref<500000x64xf32, #tpu.memory_space<hbm>>
          tpu.enqueue_indirect_dma source(%dma_start3A_506 : memref<500000x64xf32, #tpu.memory_space<hbm>>) target(%dma_start3A_500 : memref<128x64xf32, #tpu.memory_space<vmem>>) offsets(%dma_start3A_503 : memref<128xi32, #tpu.memory_space<vmem>>) semaphore(%arg14 : memref<!tpu.dma_semaphore, #tpu.memory_space<semaphore_mem>>)
          %dma_wait3A = arith.constant 0 : i32
          %dma_wait3A_507 = arith.constant 0 : i32
          %dma_wait3A_508 = arith.constant 0 : i32
          %dma_wait3A_509 = arith.constant 0 : i32
          %dma_wait3A_510 = tpu.memref_slice %arg11[%dma_wait3A_507, %dma_wait3A_508, %dma_wait3A_509] : memref<2x128x64xf32, #tpu.memory_space<vmem>> -> memref<1x128x64xf32, #tpu.memory_space<vmem>>
          %dma_wait3A_511 = tpu.memref_squeeze %dma_wait3A_510 : memref<1x128x64xf32, #tpu.memory_space<vmem>> -> memref<128x64xf32, #tpu.memory_space<vmem>>
          %dma_wait3A_512 = arith.constant 0 : i32
          %dma_wait3A_513 = tpu.memref_slice %arg9[%dma_wait3A, %dma_wait3A_512] : memref<2x128xi32, #tpu.memory_space<vmem>> -> memref<1x128xi32, #tpu.memory_space<vmem>>
          %dma_wait3A_514 = tpu.memref_squeeze %dma_wait3A_513 : memref<1x128xi32, #tpu.memory_space<vmem>> -> memref<128xi32, #tpu.memory_space<vmem>>
          %dma_wait3A_515 = arith.constant 0 : i32
          %dma_wait3A_516 = arith.constant 0 : i32
          %dma_wait3A_517 = tpu.memref_slice %arg4[%dma_wait3A_515, %dma_wait3A_516] : memref<500000x64xf32, #tpu.memory_space<hbm>> -> memref<500000x64xf32, #tpu.memory_space<hbm>>
          tpu.wait_indirect_dma semaphore(%arg13 : memref<!tpu.dma_semaphore, #tpu.memory_space<semaphore_mem>>) src(%dma_wait3A_517 : memref<500000x64xf32, #tpu.memory_space<hbm>>) dst(%dma_wait3A_511 : memref<128x64xf32, #tpu.memory_space<vmem>>)
          %dma_start3A_518 = arith.constant 0 : i32
          %dma_start3A_519 = arith.constant 0 : i32
          %dma_start3A_520 = arith.constant 0 : i32
          %dma_start3A_521 = arith.constant 0 : i32
          %dma_start3A_522 = tpu.memref_slice %arg11[%dma_start3A_518, %dma_start3A_520, %dma_start3A_521] : memref<2x128x64xf32, #tpu.memory_space<vmem>> -> memref<1x128x64xf32, #tpu.memory_space<vmem>>
          %dma_start3A_523 = tpu.memref_squeeze %dma_start3A_522 : memref<1x128x64xf32, #tpu.memory_space<vmem>> -> memref<128x64xf32, #tpu.memory_space<vmem>>
          %dma_start3A_524 = arith.constant 0 : i32
          %dma_start3A_525 = tpu.memref_slice %arg10[%dma_start3A_519, %dma_start3A_524] : memref<2x128xi32, #tpu.memory_space<vmem>> -> memref<1x128xi32, #tpu.memory_space<vmem>>
          %dma_start3A_526 = tpu.memref_squeeze %dma_start3A_525 : memref<1x128xi32, #tpu.memory_space<vmem>> -> memref<128xi32, #tpu.memory_space<vmem>>
          %dma_start3A_527 = arith.constant 0 : i32
          %dma_start3A_528 = arith.constant 0 : i32
          %dma_start3A_529 = tpu.memref_slice %arg5[%dma_start3A_527, %dma_start3A_528] : memref<819200x64xf32, #tpu.memory_space<hbm>> -> memref<819200x64xf32, #tpu.memory_space<hbm>>
          tpu.enqueue_indirect_dma source(%dma_start3A_523 : memref<128x64xf32, #tpu.memory_space<vmem>>) target(%dma_start3A_529 : memref<819200x64xf32, #tpu.memory_space<hbm>>) offsets(%dma_start3A_526 : memref<128xi32, #tpu.memory_space<vmem>>) semaphore(%arg15 : memref<!tpu.dma_semaphore, #tpu.memory_space<semaphore_mem>>)
        } else {
        }
        %while3A_328 = arith.constant 0 : i32
        scf.yield %while3A_328 : i32
      }
      %sub3A_258 = arith.constant 1 : i32
      %sub3A_259 = arith.subi %select_n3A_80, %sub3A_258 : i32
      %jit3A_260 = arith.constant 2 : i32
      %eq3A = arith.constant 0 : i32
      %eq3A_261 = arith.cmpi eq, %jit3A_260, %eq3A : i32
      %jit3A_262 = arith.constant 1 : i32
      %select_n3A_263 = arith.select %eq3A_261, %jit3A_262, %jit3A_260 : i32
      %rem3A_264 = arith.remsi %sub3A_259, %select_n3A_263 : i32
      %ne3A_265 = arith.constant 0 : i32
      %ne3A_266 = arith.cmpi ne, %rem3A_264, %ne3A_265 : i32
      %lt3A = arith.constant 0 : i32
      %lt3A_267 = arith.cmpi slt, %rem3A_264, %lt3A : i32
      %lt3A_268 = arith.constant 0 : i32
      %lt3A_269 = arith.cmpi slt, %select_n3A_263, %lt3A_268 : i32
      %ne3A_270 = arith.xori %lt3A_267, %lt3A_269 : i1
      %and3A_271 = arith.andi %ne3A_270, %ne3A_266 : i1
      %add3A_272 = arith.addi %rem3A_264, %select_n3A_263 : i32
      %select_n3A_273 = arith.select %and3A_271, %add3A_272, %rem3A_264 : i32
      %eq3A_274 = arith.constant 0 : i32
      %eq3A_275 = arith.cmpi eq, %select_n3A_273, %eq3A_274 : i32
      %convert_element_type3A_276 = arith.extui %eq3A_275 : i1 to i32
      %cond3A_277 = arith.constant 0 : i32
      %cond3A_278 = arith.cmpi ne, %convert_element_type3A_276, %cond3A_277 : i32
      scf.if %cond3A_278 {
        %dma_wait3A = arith.constant 0 : i32
        %dma_wait3A_284 = arith.constant 0 : i32
        %dma_wait3A_285 = arith.constant 0 : i32
        %dma_wait3A_286 = arith.constant 0 : i32
        %dma_wait3A_287 = tpu.memref_slice %arg11[%dma_wait3A_284, %dma_wait3A_285, %dma_wait3A_286] : memref<2x128x64xf32, #tpu.memory_space<vmem>> -> memref<1x128x64xf32, #tpu.memory_space<vmem>>
        %dma_wait3A_288 = tpu.memref_squeeze %dma_wait3A_287 : memref<1x128x64xf32, #tpu.memory_space<vmem>> -> memref<128x64xf32, #tpu.memory_space<vmem>>
        %dma_wait3A_289 = arith.constant 0 : i32
        %dma_wait3A_290 = tpu.memref_slice %arg9[%dma_wait3A, %dma_wait3A_289] : memref<2x128xi32, #tpu.memory_space<vmem>> -> memref<1x128xi32, #tpu.memory_space<vmem>>
        %dma_wait3A_291 = tpu.memref_squeeze %dma_wait3A_290 : memref<1x128xi32, #tpu.memory_space<vmem>> -> memref<128xi32, #tpu.memory_space<vmem>>
        %dma_wait3A_292 = arith.constant 0 : i32
        %dma_wait3A_293 = arith.constant 0 : i32
        %dma_wait3A_294 = tpu.memref_slice %arg4[%dma_wait3A_292, %dma_wait3A_293] : memref<500000x64xf32, #tpu.memory_space<hbm>> -> memref<500000x64xf32, #tpu.memory_space<hbm>>
        tpu.wait_indirect_dma semaphore(%arg13 : memref<!tpu.dma_semaphore, #tpu.memory_space<semaphore_mem>>) src(%dma_wait3A_294 : memref<500000x64xf32, #tpu.memory_space<hbm>>) dst(%dma_wait3A_288 : memref<128x64xf32, #tpu.memory_space<vmem>>)
        %dma_start3A_295 = arith.constant 0 : i32
        %dma_start3A_296 = arith.constant 0 : i32
        %dma_start3A_297 = arith.constant 0 : i32
        %dma_start3A_298 = arith.constant 0 : i32
        %dma_start3A_299 = tpu.memref_slice %arg11[%dma_start3A_295, %dma_start3A_297, %dma_start3A_298] : memref<2x128x64xf32, #tpu.memory_space<vmem>> -> memref<1x128x64xf32, #tpu.memory_space<vmem>>
        %dma_start3A_300 = tpu.memref_squeeze %dma_start3A_299 : memref<1x128x64xf32, #tpu.memory_space<vmem>> -> memref<128x64xf32, #tpu.memory_space<vmem>>
        %dma_start3A_301 = arith.constant 0 : i32
        %dma_start3A_302 = tpu.memref_slice %arg10[%dma_start3A_296, %dma_start3A_301] : memref<2x128xi32, #tpu.memory_space<vmem>> -> memref<1x128xi32, #tpu.memory_space<vmem>>
        %dma_start3A_303 = tpu.memref_squeeze %dma_start3A_302 : memref<1x128xi32, #tpu.memory_space<vmem>> -> memref<128xi32, #tpu.memory_space<vmem>>
        %dma_start3A_304 = arith.constant 0 : i32
        %dma_start3A_305 = arith.constant 0 : i32
        %dma_start3A_306 = tpu.memref_slice %arg5[%dma_start3A_304, %dma_start3A_305] : memref<819200x64xf32, #tpu.memory_space<hbm>> -> memref<819200x64xf32, #tpu.memory_space<hbm>>
        tpu.enqueue_indirect_dma source(%dma_start3A_300 : memref<128x64xf32, #tpu.memory_space<vmem>>) target(%dma_start3A_306 : memref<819200x64xf32, #tpu.memory_space<hbm>>) offsets(%dma_start3A_303 : memref<128xi32, #tpu.memory_space<vmem>>) semaphore(%arg15 : memref<!tpu.dma_semaphore, #tpu.memory_space<semaphore_mem>>)
        %ge3A = arith.constant 2 : i32
        %ge3A_307 = arith.cmpi sge, %select_n3A_80, %ge3A : i32
        %convert_element_type3A_308 = arith.extui %ge3A_307 : i1 to i32
        %cond3A_309 = arith.constant 0 : i32
        %cond3A_310 = arith.cmpi ne, %convert_element_type3A_308, %cond3A_309 : i32
        scf.if %cond3A_310 {
          %dma_wait3A_323 = arith.constant 1 : i32
          %dma_wait3A_324 = arith.constant 1 : i32
          %dma_wait3A_325 = arith.constant 0 : i32
          %dma_wait3A_326 = arith.constant 0 : i32
          %dma_wait3A_327 = tpu.memref_slice %arg11[%dma_wait3A_323, %dma_wait3A_325, %dma_wait3A_326] : memref<2x128x64xf32, #tpu.memory_space<vmem>> -> memref<1x128x64xf32, #tpu.memory_space<vmem>>
          %dma_wait3A_328 = tpu.memref_squeeze %dma_wait3A_327 : memref<1x128x64xf32, #tpu.memory_space<vmem>> -> memref<128x64xf32, #tpu.memory_space<vmem>>
          %dma_wait3A_329 = arith.constant 0 : i32
          %dma_wait3A_330 = tpu.memref_slice %arg10[%dma_wait3A_324, %dma_wait3A_329] : memref<2x128xi32, #tpu.memory_space<vmem>> -> memref<1x128xi32, #tpu.memory_space<vmem>>
          %dma_wait3A_331 = tpu.memref_squeeze %dma_wait3A_330 : memref<1x128xi32, #tpu.memory_space<vmem>> -> memref<128xi32, #tpu.memory_space<vmem>>
          %dma_wait3A_332 = arith.constant 0 : i32
          %dma_wait3A_333 = arith.constant 0 : i32
          %dma_wait3A_334 = tpu.memref_slice %arg5[%dma_wait3A_332, %dma_wait3A_333] : memref<819200x64xf32, #tpu.memory_space<hbm>> -> memref<819200x64xf32, #tpu.memory_space<hbm>>
          tpu.wait_indirect_dma semaphore(%arg16 : memref<!tpu.dma_semaphore, #tpu.memory_space<semaphore_mem>>) src(%dma_wait3A_328 : memref<128x64xf32, #tpu.memory_space<vmem>>) dst(%dma_wait3A_334 : memref<819200x64xf32, #tpu.memory_space<hbm>>)
        } else {
        }
        %dma_wait3A_311 = arith.constant 0 : i32
        %dma_wait3A_312 = arith.constant 0 : i32
        %dma_wait3A_313 = arith.constant 0 : i32
        %dma_wait3A_314 = arith.constant 0 : i32
        %dma_wait3A_315 = tpu.memref_slice %arg11[%dma_wait3A_311, %dma_wait3A_313, %dma_wait3A_314] : memref<2x128x64xf32, #tpu.memory_space<vmem>> -> memref<1x128x64xf32, #tpu.memory_space<vmem>>
        %dma_wait3A_316 = tpu.memref_squeeze %dma_wait3A_315 : memref<1x128x64xf32, #tpu.memory_space<vmem>> -> memref<128x64xf32, #tpu.memory_space<vmem>>
        %dma_wait3A_317 = arith.constant 0 : i32
        %dma_wait3A_318 = tpu.memref_slice %arg10[%dma_wait3A_312, %dma_wait3A_317] : memref<2x128xi32, #tpu.memory_space<vmem>> -> memref<1x128xi32, #tpu.memory_space<vmem>>
        %dma_wait3A_319 = tpu.memref_squeeze %dma_wait3A_318 : memref<1x128xi32, #tpu.memory_space<vmem>> -> memref<128xi32, #tpu.memory_space<vmem>>
        %dma_wait3A_320 = arith.constant 0 : i32
        %dma_wait3A_321 = arith.constant 0 : i32
        %dma_wait3A_322 = tpu.memref_slice %arg5[%dma_wait3A_320, %dma_wait3A_321] : memref<819200x64xf32, #tpu.memory_space<hbm>> -> memref<819200x64xf32, #tpu.memory_space<hbm>>
        tpu.wait_indirect_dma semaphore(%arg15 : memref<!tpu.dma_semaphore, #tpu.memory_space<semaphore_mem>>) src(%dma_wait3A_316 : memref<128x64xf32, #tpu.memory_space<vmem>>) dst(%dma_wait3A_322 : memref<819200x64xf32, #tpu.memory_space<hbm>>)
      } else {
      }
      %eq3A_279 = arith.constant 1 : i32
      %eq3A_280 = arith.cmpi eq, %select_n3A_273, %eq3A_279 : i32
      %convert_element_type3A_281 = arith.extui %eq3A_280 : i1 to i32
      %cond3A_282 = arith.constant 0 : i32
      %cond3A_283 = arith.cmpi ne, %convert_element_type3A_281, %cond3A_282 : i32
      scf.if %cond3A_283 {
        %dma_wait3A = arith.constant 1 : i32
        %dma_wait3A_284 = arith.constant 1 : i32
        %dma_wait3A_285 = arith.constant 0 : i32
        %dma_wait3A_286 = arith.constant 0 : i32
        %dma_wait3A_287 = tpu.memref_slice %arg11[%dma_wait3A_284, %dma_wait3A_285, %dma_wait3A_286] : memref<2x128x64xf32, #tpu.memory_space<vmem>> -> memref<1x128x64xf32, #tpu.memory_space<vmem>>
        %dma_wait3A_288 = tpu.memref_squeeze %dma_wait3A_287 : memref<1x128x64xf32, #tpu.memory_space<vmem>> -> memref<128x64xf32, #tpu.memory_space<vmem>>
        %dma_wait3A_289 = arith.constant 0 : i32
        %dma_wait3A_290 = tpu.memref_slice %arg9[%dma_wait3A, %dma_wait3A_289] : memref<2x128xi32, #tpu.memory_space<vmem>> -> memref<1x128xi32, #tpu.memory_space<vmem>>
        %dma_wait3A_291 = tpu.memref_squeeze %dma_wait3A_290 : memref<1x128xi32, #tpu.memory_space<vmem>> -> memref<128xi32, #tpu.memory_space<vmem>>
        %dma_wait3A_292 = arith.constant 0 : i32
        %dma_wait3A_293 = arith.constant 0 : i32
        %dma_wait3A_294 = tpu.memref_slice %arg4[%dma_wait3A_292, %dma_wait3A_293] : memref<500000x64xf32, #tpu.memory_space<hbm>> -> memref<500000x64xf32, #tpu.memory_space<hbm>>
        tpu.wait_indirect_dma semaphore(%arg14 : memref<!tpu.dma_semaphore, #tpu.memory_space<semaphore_mem>>) src(%dma_wait3A_294 : memref<500000x64xf32, #tpu.memory_space<hbm>>) dst(%dma_wait3A_288 : memref<128x64xf32, #tpu.memory_space<vmem>>)
        %dma_start3A_295 = arith.constant 1 : i32
        %dma_start3A_296 = arith.constant 1 : i32
        %dma_start3A_297 = arith.constant 0 : i32
        %dma_start3A_298 = arith.constant 0 : i32
        %dma_start3A_299 = tpu.memref_slice %arg11[%dma_start3A_295, %dma_start3A_297, %dma_start3A_298] : memref<2x128x64xf32, #tpu.memory_space<vmem>> -> memref<1x128x64xf32, #tpu.memory_space<vmem>>
        %dma_start3A_300 = tpu.memref_squeeze %dma_start3A_299 : memref<1x128x64xf32, #tpu.memory_space<vmem>> -> memref<128x64xf32, #tpu.memory_space<vmem>>
        %dma_start3A_301 = arith.constant 0 : i32
        %dma_start3A_302 = tpu.memref_slice %arg10[%dma_start3A_296, %dma_start3A_301] : memref<2x128xi32, #tpu.memory_space<vmem>> -> memref<1x128xi32, #tpu.memory_space<vmem>>
        %dma_start3A_303 = tpu.memref_squeeze %dma_start3A_302 : memref<1x128xi32, #tpu.memory_space<vmem>> -> memref<128xi32, #tpu.memory_space<vmem>>
        %dma_start3A_304 = arith.constant 0 : i32
        %dma_start3A_305 = arith.constant 0 : i32
        %dma_start3A_306 = tpu.memref_slice %arg5[%dma_start3A_304, %dma_start3A_305] : memref<819200x64xf32, #tpu.memory_space<hbm>> -> memref<819200x64xf32, #tpu.memory_space<hbm>>
        tpu.enqueue_indirect_dma source(%dma_start3A_300 : memref<128x64xf32, #tpu.memory_space<vmem>>) target(%dma_start3A_306 : memref<819200x64xf32, #tpu.memory_space<hbm>>) offsets(%dma_start3A_303 : memref<128xi32, #tpu.memory_space<vmem>>) semaphore(%arg16 : memref<!tpu.dma_semaphore, #tpu.memory_space<semaphore_mem>>)
        %ge3A = arith.constant 2 : i32
        %ge3A_307 = arith.cmpi sge, %select_n3A_80, %ge3A : i32
        %convert_element_type3A_308 = arith.extui %ge3A_307 : i1 to i32
        %cond3A_309 = arith.constant 0 : i32
        %cond3A_310 = arith.cmpi ne, %convert_element_type3A_308, %cond3A_309 : i32
        scf.if %cond3A_310 {
          %dma_wait3A_323 = arith.constant 0 : i32
          %dma_wait3A_324 = arith.constant 0 : i32
          %dma_wait3A_325 = arith.constant 0 : i32
          %dma_wait3A_326 = arith.constant 0 : i32
          %dma_wait3A_327 = tpu.memref_slice %arg11[%dma_wait3A_323, %dma_wait3A_325, %dma_wait3A_326] : memref<2x128x64xf32, #tpu.memory_space<vmem>> -> memref<1x128x64xf32, #tpu.memory_space<vmem>>
          %dma_wait3A_328 = tpu.memref_squeeze %dma_wait3A_327 : memref<1x128x64xf32, #tpu.memory_space<vmem>> -> memref<128x64xf32, #tpu.memory_space<vmem>>
          %dma_wait3A_329 = arith.constant 0 : i32
          %dma_wait3A_330 = tpu.memref_slice %arg10[%dma_wait3A_324, %dma_wait3A_329] : memref<2x128xi32, #tpu.memory_space<vmem>> -> memref<1x128xi32, #tpu.memory_space<vmem>>
          %dma_wait3A_331 = tpu.memref_squeeze %dma_wait3A_330 : memref<1x128xi32, #tpu.memory_space<vmem>> -> memref<128xi32, #tpu.memory_space<vmem>>
          %dma_wait3A_332 = arith.constant 0 : i32
          %dma_wait3A_333 = arith.constant 0 : i32
          %dma_wait3A_334 = tpu.memref_slice %arg5[%dma_wait3A_332, %dma_wait3A_333] : memref<819200x64xf32, #tpu.memory_space<hbm>> -> memref<819200x64xf32, #tpu.memory_space<hbm>>
          tpu.wait_indirect_dma semaphore(%arg15 : memref<!tpu.dma_semaphore, #tpu.memory_space<semaphore_mem>>) src(%dma_wait3A_328 : memref<128x64xf32, #tpu.memory_space<vmem>>) dst(%dma_wait3A_334 : memref<819200x64xf32, #tpu.memory_space<hbm>>)
        } else {
        }
        %dma_wait3A_311 = arith.constant 1 : i32
        %dma_wait3A_312 = arith.constant 1 : i32
        %dma_wait3A_313 = arith.constant 0 : i32
        %dma_wait3A_314 = arith.constant 0 : i32
        %dma_wait3A_315 = tpu.memref_slice %arg11[%dma_wait3A_311, %dma_wait3A_313, %dma_wait3A_314] : memref<2x128x64xf32, #tpu.memory_space<vmem>> -> memref<1x128x64xf32, #tpu.memory_space<vmem>>
        %dma_wait3A_316 = tpu.memref_squeeze %dma_wait3A_315 : memref<1x128x64xf32, #tpu.memory_space<vmem>> -> memref<128x64xf32, #tpu.memory_space<vmem>>
        %dma_wait3A_317 = arith.constant 0 : i32
        %dma_wait3A_318 = tpu.memref_slice %arg10[%dma_wait3A_312, %dma_wait3A_317] : memref<2x128xi32, #tpu.memory_space<vmem>> -> memref<1x128xi32, #tpu.memory_space<vmem>>
        %dma_wait3A_319 = tpu.memref_squeeze %dma_wait3A_318 : memref<1x128xi32, #tpu.memory_space<vmem>> -> memref<128xi32, #tpu.memory_space<vmem>>
        %dma_wait3A_320 = arith.constant 0 : i32
        %dma_wait3A_321 = arith.constant 0 : i32
        %dma_wait3A_322 = tpu.memref_slice %arg5[%dma_wait3A_320, %dma_wait3A_321] : memref<819200x64xf32, #tpu.memory_space<hbm>> -> memref<819200x64xf32, #tpu.memory_space<hbm>>
        tpu.wait_indirect_dma semaphore(%arg16 : memref<!tpu.dma_semaphore, #tpu.memory_space<semaphore_mem>>) src(%dma_wait3A_316 : memref<128x64xf32, #tpu.memory_space<vmem>>) dst(%dma_wait3A_322 : memref<819200x64xf32, #tpu.memory_space<hbm>>)
      } else {
      }
    } else {
    }
    return
  }
}

</mosaic_0001>

<sc_bundles>
// kernel: kernel.3.cloned.1.call-start
scs
__scs_entry_jumppad:
0x0: {  	(pc) =	sbr.rel $0x88, $3  }
0x1: {  	(tag) =	ssettag $0x0;
	lr =	simm.s32 $0x1  }
0x2: {  	[smem:$0x3F9E] =	sst lr;
	_ =	strace $0xD0000000  }
0x3: {  	_ = 	snop  }
0x4: {  	_ = 	snop  }
0x5: {  	_ = 	snop  }
0x6: {  	_ = 	snop  }
0x7: {  	_ = 	snop  }
__scs_overlays_trampoline_lowered:
0x8: {  	[smem:$0x3FAD] =	sst s0  }
0x9: {  	[smem:$0x3FAE] =	sst s1  }
0xa: {  	[smem:$0x3FAF] =	sst s2  }
0xb: {  	[smem:$0x3FB0] =	sst s3  }
0xc: {  	[smem:$0x3FB1] =	sst s4  }
0xd: {  	[smem:$0x3FB2] =	sst s5  }
0xe: {  	[smem:$0x3FB3] =	sst s6  }
0xf: {  	[smem:$0x3FB4] =	sst s7  }
0x10: {  	[smem:$0x3FB5] =	sst s8  }
0x11: {  	[smem:$0x3FB6] =	sst s9;
	s0 =	simm.s32 @!p0 $0x0  }
0x12: {  	s1 =	sld [smem:$0x3F9C];
	s0 =	simm.s32 @p0 $0x1  }
0x13: {  	[smem:$0x3FB7] =	sst s0;
	s0 =	simm.s32 @!p1 $0x0  }
0x14: {  	s2 =	sld [smem:$0x3F9B];
	s0 =	simm.s32 @p1 $0x1  }
0x15: {  	[smem:$0x3FB8] =	sst s0;
	s0 =	simm.s32 @!p2 $0x0  }
0x16: {  	s3 =	sld [smem:$0x3FDB];
	s0 =	simm.s32 @p2 $0x1  }
0x17: {  	s4 =	simm.s32 $0x1BF5;
	[smem:$0x3FBA] =	sst s0  }
0x18: {  	s0 =	sld [smem:$0x3F9D];
	_ =	swait.ge [sflag:s4], $0x0  }
0x19: {  	s7 =	sld [smem:$0x3F9E]  }
0x1a: {  	s8 =	sadd.s32 $0xFFFFE003, lr  }
0x1b: {  	s9 =	sadd.s32 $0xFFFFFEF7, lr;
	s5 =	simm.s32 $0xFFFFFFFF;
	p2 =	slt.u32 s8, $0xFFFFF086  }
0x1c: {  	p1 =	slt.u32 s9, $0xF7A;
	s5 =	simm.s32 @!p2 $0x0  }
0x1d: {  	s5 =	simm.s32 @p1 $0x1;
	p0 =	seq.s32 s7, s2  }
0x1e: {  	s7 =	smul.u32 @!p0 $0xF7A, s2;
	p2 =	seq.s32 @!p0 s5, $0x0  }
0x1f: {  	s9 =	smul.u32 $0xF7A, s1;
	s8 =	simm.s32 @!p0 $0x1BF5;
	p2 =	por !p2, p0  }
0x20: {  	[sflag:s8] =	ssyncset.s32 @!p0 $0xFFFFF086;
	s6 =	sadd.s32 @!p0 s3, s7;
	s7 =	simm.s32 @!p0 $0x108  }
0x21: {  	s3 =	sadd.s32 s3, s9;
	s6 =	sadd.s32 @!p0 $0x88, s6;
	s7 =	simm.s32 @p2 $0x1082  }
0x22: {  	[simem:s7], [sflag:s8] =	dma.local @!p0 [hbm:s6], $0xF7A  }
0x23: {  	s9 =	sor.u32 $0xD0000000, s2;
	s6 =	simm.s32 $0x108;
	_ =	swait.ge @!p0 [sflag:s8], $0x0  }
0x24: {  	s3 =	sadd.s32 $0x88, s3;
	s6 =	simm.s32 @!p1 $0x1082;
	[sflag:s4] =	ssyncset.s32 $0xFFFFF086  }
0x25: {  	[simem:s6], [sflag:s4] =	dma.local [hbm:s3], $0xF7A  }
0x26: {  	[smem:$0x3F9E] =	sst s1;
	(tag) =	ssettag s2;
	_ =	strace s9  }
0x27: {  	s1 =	sld [smem:$0x3FAE]  }
0x28: {  	s2 =	sld [smem:$0x3FAF]  }
0x29: {  	s4 =	sld [smem:$0x3FB1]  }
0x2a: {  	p0 =	seq.s32 s5, $0x0;
	s5 =	sld [smem:$0x3FB2]  }
0x2b: {  	s6 =	sld [smem:$0x3FB3]  }
0x2c: {  	s7 =	sld [smem:$0x3FB4]  }
0x2d: {  	s3 =	simm.s32 $0x108;
	s8 =	sld [smem:$0x3FB5]  }
0x2e: {  	s3 =	simm.s32 @!p0 $0x1082;
	s9 =	sld [smem:$0x3FB6]  }
0x2f: {  	lr =	sadd.s32 s0, s3;
	s0 =	sld [smem:$0x3FAD]  }
0x30: {  	s3 =	sld [smem:$0x3FB0]  }
0x31: {  	[smem:$0x3FB9] =	sst s10  }
0x32: {  	s10 =	sld [smem:$0x3FB7];
	_ =	sdelay $0x3  }
0x33: {  	p0 =	seq.s32 s10, $0x1;
	s10 =	sld [smem:$0x3FB9];
	_ =	sdelay $0x3  }
0x34: {  	[smem:$0x3FB9] =	sst s10  }
0x35: {  	s10 =	sld [smem:$0x3FB8];
	_ =	sdelay $0x3  }
0x36: {  	p1 =	seq.s32 s10, $0x1;
	s10 =	sld [smem:$0x3FB9];
	_ =	sdelay $0x3  }
0x37: {  	[smem:$0x3FB9] =	sst s10  }
0x38: {  	s10 =	sld [smem:$0x3FBA]  }
0x39: {  	_ = 	snop;
	(pc) =	sbr.ind lr, $3  }
0x3a: {  	_ = 	snop  }
0x3b: {  	_ = 	snop  }
0x3c: {  	p2 =	seq.s32 s10, $0x1;
	s10 =	sld [smem:$0x3FB9]  }
0x3d: {  	_ =	shalt  }
0x3e: {  	_ =	shalt  }
0x3f: {  	_ =	shalt  }
0x40: {  	_ =	shalt  }
0x41: {  	_ =	shalt  }
0x42: {  	_ =	shalt  }
0x43: {  	_ =	shalt  }
0x44: {  	_ =	shalt  }
0x45: {  	_ =	shalt  }
0x46: {  	_ =	shalt  }
0x47: {  	_ =	shalt  }
0x48: {  	_ =	shalt  }
0x49: {  	_ =	shalt  }
0x4a: {  	_ =	shalt  }
0x4b: {  	_ =	shalt  }
0x4c: {  	_ =	shalt  }
0x4d: {  	_ =	shalt  }
0x4e: {  	_ =	shalt  }
0x4f: {  	_ =	shalt  }
0x50: {  	_ =	shalt  }
0x51: {  	_ =	shalt  }
0x52: {  	_ =	shalt  }
0x53: {  	_ =	shalt  }
0x54: {  	_ =	shalt  }
0x55: {  	_ =	shalt  }
0x56: {  	_ =	shalt  }
0x57: {  	_ =	shalt  }
0x58: {  	_ =	shalt  }
0x59: {  	_ =	shalt  }
0x5a: {  	_ =	shalt  }
0x5b: {  	_ =	shalt  }
0x5c: {  	_ =	shalt  }
0x5d: {  	_ =	shalt  }
0x5e: {  	_ =	shalt  }
0x5f: {  	_ =	shalt  }
0x60: {  	_ =	shalt  }
0x61: {  	_ =	shalt  }
0x62: {  	_ =	shalt  }
0x63: {  	_ =	shalt  }
0x64: {  	_ =	shalt  }
0x65: {  	_ =	shalt  }
0x66: {  	_ =	shalt  }
0x67: {  	_ =	shalt  }
0x68: {  	_ =	shalt  }
0x69: {  	_ =	shalt  }
0x6a: {  	_ =	shalt  }
0x6b: {  	_ =	shalt  }
0x6c: {  	_ =	shalt  }
0x6d: {  	_ =	shalt  }
0x6e: {  	_ =	shalt  }
0x6f: {  	_ =	shalt  }
0x70: {  	_ =	shalt  }
0x71: {  	_ =	shalt  }
0x72: {  	_ =	shalt  }
0x73: {  	_ =	shalt  }
0x74: {  	_ =	shalt  }
0x75: {  	_ =	shalt  }
0x76: {  	_ =	shalt  }
0x77: {  	_ =	shalt  }
0x78: {  	_ =	shalt  }
0x79: {  	_ =	shalt  }
0x7a: {  	_ =	shalt  }
0x7b: {  	_ =	shalt  }
0x7c: {  	_ =	shalt  }
0x7d: {  	_ =	shalt  }
0x7e: {  	_ =	shalt  }
0x7f: {  	_ =	shalt  }
0x80: {  	_ =	shalt  }
0x81: {  	_ =	shalt  }
0x82: {  	_ =	shalt  }
0x83: {  	_ =	shalt  }
0x84: {  	_ =	shalt  }
0x85: {  	_ =	shalt  }
0x86: {  	_ =	shalt  }
0x87: {  	_ =	shalt  }
.Lfunc_end0:
.L_simem_size_0:
called_computation.1_lowered:
.L_overlay_start_0:
0x88: {  	s2 =	sld [smem:$0x3FD9]  }
0x89: {  	s3 =	sld [smem:$0x3FFE];
	_ =	sdelay $0x1  }
0x8a: {  	s1 =	srdreg.scid  }
0x8b: {  	s0 =	sand.u32 $0x1, s1  }
0x8c: {  	s17 =	sshll.u32 s0, $0xA;
	s2 =	sadd.s32 s3, s2  }
0x8d: {  	s2 =	sadd.s32 s2, s17  }
0x8e: {  	[smem:$0x3FC5] =	sst s2  }
0x8f: {  	_ = 	snop  }
0x90: {  	s2 =	sld [smem:$0x3FC9]  }
0x91: {  	s18 =	sld [smem:$0x3FD0];
	(tm) =	ssettm $0x1  }
0x92: {  	s4 =	sld [smem:$0x3FFB];
	_ =	sdelay $0x3  }
0x93: {  	_ =	strace s4  }
0x94: {  	s4 =	sld [smem:$0x3FFC];
	_ =	sdelay $0x3  }
0x95: {  	_ =	strace s4  }
0x96: {  	s4 =	sld [smem:$0x3FFD];
	_ =	sdelay $0x3  }
0x97: {  	_ =	strace s4  }
0x98: {  	_ =	strace $0x8FFFFFFF  }
0x99: {  	s19 =	sld [smem:$0x3FDB];
	_ =	sdelay $0x1  }
0x9a: {  	s5 =	simm.s32 $_scs_section_size  }
0x9b: {  	s6 =	simm.s32 $_size__tile_overlayer_lowered;
	s7 =	simm.s32 $_tile_overlayer_lowered  }
0x9c: {  	s22 =	simm.s32 $0x1BFF;
	s21 =	sshll.u32 s7, $0x1;
	s4 =	sadd.s32 s5, s19  }
0x9d: {  	s8 =	simm.s32 $0x0;
	s20 =	sshll.u32 s6, $0x1;
	s6 =	sadd.s32 s21, s4  }
0x9e: {  	[timem:s8], [sflag:s22] =	dma.local [hbm:s6], s20  }
0x9f: {  	_ =	swait.ge [sflag:s22], s20  }
0xa0: {  	s5 =	ssub.s32 $0x0, s20;
	[sflag:s22] =	ssyncset.done $0x0  }
0xa1: {  	[sflag:s22] =	ssyncadd.s32 s5;
	_ =	sdelay $0x1  }
0xa2: {  	s23 =	simm.s32 $0x1B8B  }
0xa3: {  	_ =	swait.ge [sflag:s23], $0x1  }
0xa4: {  	[sflag:s23] =	ssyncset.done $0x0  }
0xa5: {  	s25 =	simm.s32 $0x1B8E;
	s24 =	sld [smem:$0x3FFE];
	[sflag:s23] =	ssyncadd.s32 $0xFFFFFFFF  }
0xa6: {  	s26 =	simm.s32 $execute0_lowered;
	[smem:$0x3FD2] =	sst s25  }
0xa7: {  	s6 =	sshll.u32 s26, $0x1;
	_ =	strace $0x80000046;
	[dreg:$0x1] =	wrdreg $0xFFFFFFFF  }
0xa8: {  	s28 =	simm.s32 $_size_execute0_lowered;
	s4 =	sadd.s32 s4, s6;
	[dreg:$0x0] =	wrdreg $0x0  }
0xa9: {  	s6 =	sshll.u32 s28, $0x1;
	[dreg:$0x2] =	wrdreg s4  }
0xaa: {  	[dreg:$0x3] =	wrdreg s6  }
0xab: {  	[dreg:$0x4] =	wrdreg $0xC0  }
0xac: {  	_ =	task [dreg:s8], $0x5FFFF  }
0xad: {  	[dreg:$0x1] =	wrdreg $0xFFFFFFFF  }
0xae: {  	[dreg:$0x0] =	wrdreg $0x60  }
0xaf: {  	[dreg:$0x2] =	wrdreg s2  }
0xb0: {  	[dreg:$0x3] =	wrdreg s24  }
0xb1: {  	[dreg:$0x4] =	wrdreg s18  }
0xb2: {  	[dreg:$0x5] =	wrdreg $0x9  }
0xb3: {  	_ =	task.clear_ibuf [dreg:s8], $0x6FFFF;
	_ =	strace $0x90000046  }
0xb4: {  	s29 =	simm.s32 $0x9;
	_ =	strace $0x80000048  }
0xb5: {  	_ =	swait.ge [sflag:s29], $0x1  }
0xb6: {  	[sflag:s29] =	ssyncadd.s32 $0xFFFFFFFF  }
0xb7: {  	_ =	strace $0x90000048  }
0xb8: {  	_ =	sfence  }
0xb9: {  	s30 =	sld [smem:$0x0];
	_ =	sdelay $0x2  }
0xba: {  	s31 =	sshll.u32 s1, $0xD;
	s1 =	sshrl.u32 s1, $0x2  }
0xbb: {  	s3 =	sand.u32 $0x4000, s31;
	s1 =	sadd.s32 s1, s30  }
0xbc: {  	s0 =	sor.u32 s3, s0;
	s1 =	sshll.u32 s1, $0x11  }
0xbd: {  	s0 =	sor.u32 s1, s0  }
0xbe: {  	s0 =	sadd.s32 $0x8F2B, s0  }
0xbf: {  	[sflag:s0] =	ssyncadd.remote.s32 $0x1  }
0xc0: {  	_ =	sfence.sel $0xFFFF  }
0xc1: {  	[dreg:$0x0] =	wrdreg $0xFFFFFFFF;
	(pc) =	sbr.abs _section_cstart, $3  }
0xc2: {  	[dreg:$0x1] =	wrdreg $0xFFFFFFFF  }
0xc3: {  	_ =	task.clear_ibuf [dreg:s8], $0x2FFFF;
	_ =	strace $0x9FFFFFFF  }
0xc4: {  	(tm) =	ssettm $0x7FFFFFFF  }
0xc5: {  	_ =	shalt  }
tec
execute0_lowered:
.L_overlay_start_1:
0x0: {  	(tag) =	ssettag $0x1  }
0x1: {  	s6 =	rddreg [dreg:$0x0]  }
0x2: {  	s5 =	rddreg [dreg:$0x1];
	s1 =	srdreg.scid  }
0x3: {  	s0 =	stileid.u32;
	s2 =	rddreg [dreg:$0x2];
	s3 =	simm.s32 $0x0  }
0x4: {  	s11 =	simm.s32 $0x1;
	s12 =	simm.s32 $0x80;
	s13 =	simm.s32 $0x12D20  }
0x5: {  	s14 =	simm.s32 $0x12F20;
	s15 =	simm.s32 $0x12E20;
	s16 =	simm.s32 $0x12DA0  }
0x6: {  	s17 =	simm.s32 $0x14F20;
	s4 =	sand.u32 $0x1, s1;
	s1 =	rddreg [dreg:$0x3]  }
0x7: {  	s18 =	simm.s32 $0x0;
	s7 =	sshll.u32 s0, $0x1;
	[smem:$0x7FF] =	sst s3  }
.Ltmp0:
0x8: {  	s7 =	sor.u32 s4, s7;
	s31 =	ssub.s32 $0x2, s4;
	(pc) =	sbr.rel .LBB2_1-.Ltmp0, $4  }
0x9: {  	v0 =	vlaneseq.u32;
	_ =	strace $0x80000047;
	s10 =	smul.u32 $0x6400, s7;
	s8 =	sshrl.u32 s31, $0x1  }
0xa: {  	v2 =	vimm.s32 $0x0;
	v3 =	vor.u32 $0x10, v0;
	v4 =	vor.u32 $0x20, v0;
	s4 =	sadd.s32 $0x7A1A00, s5;
	s5 =	sadd.s32 $0xB72400, s5;
	s7 =	ssub.s32 s31, s8  }
0xb: {  	v5 =	vor.u32 $0x30, v0;
	v6 =	vor.u32 $0x40, v0;
	v7 =	vor.u32 $0x50, v0;
	s8 =	simm.s32 $0x5;
	s9 =	sshrl.u32 s10, $0x3;
	s7 =	smax.u32 s7, $0x1  }
0xc: {  	v8 =	vor.u32 $0x60, v0;
	v9 =	vor.u32 $0x70, v0;
	v1 =	vmov s10;
	s10 =	simm.s32 $0xC890;
	s6 =	sadd.s32 s6, s9;
	s9 =	simm.s32 $0x6400  }
.LBB2_19:
0xd: {  	_ =	swait.ge [sflag:s11], $0x2000  }
0xe: {  	[sflag:s11] =	ssyncset.done $0x0  }
0xf: {  	s19 =	simm.s32 $0x3;
	[sflag:s11] =	ssyncadd.s32 $0xFFFFE000  }
0x10: {  	[hbm4b:s2+s12] =	stream.indirect.scatter [tilespmem:s14], [sflag:$0x3], $0x40, s15, s12, $0xb8;
	[tilespmem:$0x16F20] =	vst v63  }
.LBB2_20:
0x11: {  	_ =	swait.ge [sflag:s19], $0x2000  }
0x12: {  	[sflag:s19] =	ssyncset.done $0x0  }
0x13: {  	[sflag:s19] =	ssyncadd.s32 $0xFFFFE000  }
.LBB2_21:
0x14: {  	s18 =	sadd.s32 $0x1, s18  }
0x15: {  	p0 =	sne.s32 s18, s7  }
.Ltmp1:
0x16: {  	_ = 	snop;
	(pc) =	sbr.rel @!p0 .LBB2_22-.Ltmp1, $1  }
0x17: {  	_ =	sdelay $0x3  }
.LBB2_1:
0x18: {  	[tilespmem:s3], [sflag:$0x5] =	stream.linear.gather [hbm4b:s6+s3], $0x6400, $0x38;
	[tilespmem:$0x16F20] =	vst v63  }
0x19: {  	_ =	swait.ge [sflag:s8], $0x6400  }
0x1a: {  	[sflag:s8] =	ssyncset.done $0x0  }
0x1b: {  	[sflag:s8] =	ssyncadd.s32 $0xFFFF9C00  }
0x1c: {  	v10 =	vld [tilespmem:s3+$0x0];
	_ =	sdelay $0x4  }
0x1d: {  	vm0 =	vlt.s32 v10, $0x7A120  }
0x1e: {  	vm1 =	vge.s32 v10, $0x7A120;
	v10 =	vsel vm0, $0x1, v2  }
0x1f: {  	v11 =	vsel vm1, $0x1, v2;
	(xrf0) =	vadd.scan.msk.s32 $0xffff, v10  }
0x20: {  	(xrf0) =	vadd.scan.msk.s32 $0xffff, v11;
	_ =	sdelay $0x2  }
0x21: {  	s19 =	simm.s32 $0x10;
	s24 =	simm.s32 $0x20;
	s21 =	simm.s32 $0x0  }
0x22: {  	s20 =	simm.s32 $0x0;
	s23 =	simm.s32 $0x0;
	s22 =	simm.s32 $0x0  }
.LBB2_2:
0x23: {  	p0 =	sne.s32 s24, $0x63F0;
	v10 =	vsel vm0, $0xFFFFFFFF, v2;
	v11, _, _ =	vpop (xrf0)  }
0x24: {  	v12 =	vsel vm1, $0xFFFFFFFF, v2;
	v10 =	vadd.s32 s21, v10;
	(v2sf) =	vpush v11, $0xF;
	v13, _, _ =	vpop (xrf0)  }
0x25: {  	v10 =	vadd.s32 v11, v10;
	v11 =	vadd.s32 v12, v13;
	(v2sf) =	vpush v13, $0xF  }
0x26: {  	v11 =	vadd.s32 s20, v11;
	_ =	sdelay $0x2  }
0x27: {  	v12 =	vor.u32 s23, v0;
	s23 =	smov.u32 s19;
	s19 =	smov.u32 s24  }
0x28: {  	[tilespmem:v10+s9+$0x0] =	vst.idx.msk vm0, v12  }
0x29: {  	s22 =	sadd.s32 $0x10, s22;
	[tilespmem:v11+s10+$0x0] =	vst.idx.msk vm1, v12  }
0x2a: {  	v10 =	vld [tilespmem:s22+$0x0];
	_ =	sdelay $0x4  }
0x2b: {  	vm0 =	vlt.s32 v10, $0x7A120  }
0x2c: {  	vm1 =	vge.s32 v10, $0x7A120;
	v10 =	vsel vm0, $0x1, v2  }
0x2d: {  	v11 =	vsel vm1, $0x1, v2;
	(xrf0) =	vadd.scan.msk.s32 $0xffff, v10;
	s25 =	spop (v2sf)  }
.Ltmp2:
0x2e: {  	(xrf0) =	vadd.scan.msk.s32 $0xffff, v11;
	s21 =	sadd.s32 s21, s25;
	s25 =	spop (v2sf);
	(pc) =	sbr.rel @p0 .LBB2_2-.Ltmp2, $3  }
0x2f: {  	[smem:$0x0] =	sst s21;
	s20 =	sadd.s32 s20, s25  }
0x30: {  	[smem:$0x1] =	sst s20;
	_ =	sdelay $0x1  }
0x31: {  	s24 =	sadd.s32 $0x10, s24  }
0x32: {  	v10 =	vsel vm0, $0xFFFFFFFF, v2;
	v11, _, _ =	vpop (xrf0)  }
0x33: {  	v12 =	vsel vm1, $0xFFFFFFFF, v2;
	v10 =	vadd.s32 s21, v10;
	v13, _, _ =	vpop (xrf0)  }
0x34: {  	v10 =	vadd.s32 v11, v10;
	v12 =	vadd.s32 v12, v13  }
0x35: {  	v12 =	vadd.s32 s20, v12;
	_ =	sdelay $0x2  }
0x36: {  	v14 =	vor.u32 s23, v0  }
0x37: {  	[tilespmem:v10+s9+$0x0] =	vst.idx.msk vm0, v14  }
0x38: {  	s22 =	sadd.s32 $0x10, s22;
	[tilespmem:v12+s10+$0x0] =	vst.idx.msk vm1, v14  }
0x39: {  	v10 =	vld [tilespmem:s22+$0x0];
	_ =	sdelay $0x4  }
0x3a: {  	vm14 =	vlt.s32 v10, $0x7A120  }
0x3b: {  	v60 =	vsel vm14, $0x1, v2  }
0x3c: {  	(xrf0) =	vadd.scan.msk.s32 $0xffff, v60;
	_ =	sdelay $0x4  }
0x3d: {  	(v2sf) =	vpush v11, $0xF  }
0x3e: {  	(v2sf) =	vpush v13, $0xF;
	v11, _, _ =	vpop (xrf0)  }
0x3f: {  	(v2sf) =	vpush v11, $0xF;
	_ =	sdelay $0x3  }
0x40: {  	vm15 =	vge.s32 v10, $0x7A120  }
0x41: {  	v10 =	vsel vm15, $0x1, v2  }
0x42: {  	(xrf0) =	vadd.scan.msk.s32 $0xffff, v10;
	_ =	sdelay $0x5  }
0x43: {  	v10, _, _ =	vpop (xrf0)  }
0x44: {  	s26 =	spop (v2sf);
	(v2sf) =	vpush v10, $0xF  }
0x45: {  	s28 =	spop (v2sf)  }
0x46: {  	v61 =	vsel vm14, $0xFFFFFFFF, v2;
	s22 =	sadd.s32 s21, s26;
	s29 =	spop (v2sf)  }
0x47: {  	v62 =	vsel vm15, $0xFFFFFFFF, v2;
	v12 =	vadd.s32 s22, v61;
	s21 =	sadd.s32 s22, s29  }
0x48: {  	s30 =	sadd.s32 s20, s28;
	v11 =	vadd.s32 v11, v12;
	v10 =	vadd.s32 v62, v10;
	p1 =	slt.s32 s21, $0x1  }
0x49: {  	v10 =	vadd.s32 s30, v10;
	s23 =	sadd.s32 @!p1 $0xFFFFFFFF, s21  }
0x4a: {  	v12 =	vmov @!p1 s23;
	_ =	sdelay $0x1  }
0x4b: {  	v63 =	vor.u32 s19, v0  }
0x4c: {  	[tilespmem:v11+s9+$0x0] =	vst.idx.msk vm14, v63  }
0x4d: {  	[tilespmem:v10+s10+$0x0] =	vst.idx.msk vm15, v63;
	s19 =	simm.s32 @!p1 $0x6400;
	v10 =	vlaneseq.u32 @!p1  }
0x4e: {  	s23 =	sadd.s32 @!p1 $0x10, s21;
	v11 =	vld.idx.msk @!p1 [tilespmem:v12+s19+$0x0], $0xffff;
	v12 =	vadd.s32 @!p1 s21, v10  }
0x4f: {  	v13 =	vadd.s32 @!p1 s23, v10;
	s23 =	sadd.s32 @!p1 $0x20, s21  }
0x50: {  	v14 =	vadd.s32 @!p1 s23, v10;
	s23 =	sadd.s32 @!p1 $0x30, s21  }
0x51: {  	v15 =	vadd.s32 @!p1 s23, v10;
	s23 =	sadd.s32 @!p1 $0x40, s21  }
0x52: {  	s24 =	spop (v2sf);
	v16 =	vadd.s32 @!p1 s23, v10;
	s23 =	sadd.s32 @!p1 $0x50, s21  }
0x53: {  	s24 =	sadd.s32 s30, s24;
	[tilespmem:v12+s19+$0x0] =	vst.idx.msk @!p1 $0xffff, v11;
	v12 =	vadd.s32 @!p1 s23, v10;
	s23 =	sadd.s32 @!p1 $0x60, s21  }
0x54: {  	p0 =	slt.s32 s24, $0x1;
	[tilespmem:v13+s19+$0x0] =	vst.idx.msk @!p1 $0xffff, v11;
	v13 =	vadd.s32 @!p1 s23, v10;
	s23 =	sadd.s32 @!p1 $0x70, s21  }
0x55: {  	[tilespmem:v14+s19+$0x0] =	vst.idx.msk @!p1 $0xffff, v11;
	v10 =	vadd.s32 @!p1 s23, v10;
	s23 =	sadd.s32 @!p0 $0xFFFFFFFF, s24  }
0x56: {  	[tilespmem:v15+s19+$0x0] =	vst.idx.msk @!p1 $0xffff, v11;
	v14 =	vmov @!p0 s23  }
0x57: {  	[tilespmem:v16+s19+$0x0] =	vst.idx.msk @!p1 $0xffff, v11  }
0x58: {  	[tilespmem:v12+s19+$0x0] =	vst.idx.msk @!p1 $0xffff, v11  }
0x59: {  	[tilespmem:v13+s19+$0x0] =	vst.idx.msk @!p1 $0xffff, v11  }
0x5a: {  	s23 =	simm.s32 @!p0 $0xC890;
	[tilespmem:v10+s19+$0x0] =	vst.idx.msk @!p1 $0xffff, v11;
	v10 =	vlaneseq.u32 @!p0  }
0x5b: {  	s19 =	sadd.s32 @!p0 $0x10, s24;
	v11 =	vld.idx.msk @!p0 [tilespmem:v14+s23+$0x0], $0xffff;
	v12 =	vadd.s32 @!p0 s24, v10  }
0x5c: {  	v13 =	vadd.s32 @!p0 s19, v10;
	s19 =	sadd.s32 @!p0 $0x20, s24  }
0x5d: {  	v14 =	vadd.s32 @!p0 s19, v10;
	s19 =	sadd.s32 @!p0 $0x30, s24  }
0x5e: {  	s25 =	sadd.s32 $0x7F, s21;
	v15 =	vadd.s32 @!p0 s19, v10;
	s19 =	sadd.s32 @!p0 $0x40, s24  }
0x5f: {  	s28 =	sand.u32 $0x7F, s25;
	s31 =	sshra.s32 s25, $0x1F;
	v16 =	vadd.s32 @!p0 s19, v10;
	s19 =	sadd.s32 @!p0 $0x50, s24  }
0x60: {  	p2 =	slt.s32 s25, $0x1;
	p6 =	sne.s32 s28, $0x0;
	[tilespmem:v12+s23+$0x0] =	vst.idx.msk @!p0 $0xffff, v11;
	v12 =	vadd.s32 @!p0 s19, v10;
	s19 =	sadd.s32 @!p0 $0x60, s24  }
0x61: {  	p1 =	por !p2, !p6;
	v17 =	vadd.s32 @!p0 s19, v10;
	s19 =	sshrl.u32 s31, $0x19  }
0x62: {  	p1 =	por !p1, !p1;
	s19 =	sadd.s32 s19, s25;
	s25 =	simm.s32 $0x1  }
0x63: {  	s19 =	sshra.s32 s19, $0x7;
	s25 =	simm.s32 @!p1 $0x0  }
0x64: {  	s26 =	sadd.s32 @!p0 $0x70, s24;
	[tilespmem:v13+s23+$0x0] =	vst.idx.msk @!p0 $0xffff, v11;
	s19 =	ssub.s32 s19, s25  }
0x65: {  	v10 =	vadd.s32 @!p0 s26, v10;
	[tilespmem:v14+s23+$0x0] =	vst.idx.msk @!p0 $0xffff, v11;
	p1 =	slt.s32 s19, $0x1  }
.Ltmp3:
0x66: {  	[tilespmem:v15+s23+$0x0] =	vst.idx.msk @!p0 $0xffff, v11;
	(pc) =	sbr.rel @p1 .LBB2_12-.Ltmp3, $4  }
0x67: {  	[smem:$0x0] =	sst s22;
	[tilespmem:v16+s23+$0x0] =	vst.idx.msk @!p0 $0xffff, v11  }
0x68: {  	[smem:$0x1] =	sst s30;
	[tilespmem:v12+s23+$0x0] =	vst.idx.msk @!p0 $0xffff, v11  }
0x69: {  	[smem:$0x0] =	sst s21;
	[tilespmem:v17+s23+$0x0] =	vst.idx.msk @!p0 $0xffff, v11  }
0x6a: {  	[smem:$0x1] =	sst s24;
	[tilespmem:v10+s23+$0x0] =	vst.idx.msk @!p0 $0xffff, v11  }
0x6b: {  	_ =	sdelay $0x3  }
0x6c: {  	v10 =	vld.idx.msk [tilespmem:v0+s9+$0x0], $0xffff;
	_ =	sdelay $0x7  }
0x6d: {  	v11 =	vld.idx.msk [tilespmem:v10+s3+$0x0], $0xffff;
	_ =	sdelay $0x2  }
0x6e: {  	v10 =	vadd.s32 v1, v10  }
0x6f: {  	[tilespmem:$0x12E20] =	vst v10  }
0x70: {  	[tilespmem:$0x12D20] =	vst v11  }
0x71: {  	v10 =	vld.idx.msk [tilespmem:v3+s9+$0x0], $0xffff;
	_ =	sdelay $0x7  }
0x72: {  	v11 =	vld.idx.msk [tilespmem:v10+s3+$0x0], $0xffff;
	_ =	sdelay $0x2  }
0x73: {  	v10 =	vadd.s32 v1, v10  }
0x74: {  	[tilespmem:$0x12E30] =	vst v10  }
0x75: {  	[tilespmem:$0x12D30] =	vst v11  }
0x76: {  	v10 =	vld.idx.msk [tilespmem:v4+s9+$0x0], $0xffff;
	_ =	sdelay $0x7  }
0x77: {  	v11 =	vld.idx.msk [tilespmem:v10+s3+$0x0], $0xffff;
	_ =	sdelay $0x2  }
0x78: {  	v10 =	vadd.s32 v1, v10  }
0x79: {  	[tilespmem:$0x12E40] =	vst v10  }
0x7a: {  	[tilespmem:$0x12D40] =	vst v11  }
0x7b: {  	v10 =	vld.idx.msk [tilespmem:v5+s9+$0x0], $0xffff;
	_ =	sdelay $0x7  }
0x7c: {  	v11 =	vld.idx.msk [tilespmem:v10+s3+$0x0], $0xffff;
	_ =	sdelay $0x2  }
0x7d: {  	v10 =	vadd.s32 v1, v10  }
0x7e: {  	[tilespmem:$0x12E50] =	vst v10  }
0x7f: {  	[tilespmem:$0x12D50] =	vst v11  }
0x80: {  	v10 =	vld.idx.msk [tilespmem:v6+s9+$0x0], $0xffff;
	_ =	sdelay $0x7  }
0x81: {  	v11 =	vld.idx.msk [tilespmem:v10+s3+$0x0], $0xffff;
	_ =	sdelay $0x2  }
0x82: {  	v10 =	vadd.s32 v1, v10  }
0x83: {  	[tilespmem:$0x12E60] =	vst v10  }
0x84: {  	[tilespmem:$0x12D60] =	vst v11  }
0x85: {  	v10 =	vld.idx.msk [tilespmem:v7+s9+$0x0], $0xffff;
	_ =	sdelay $0x7  }
0x86: {  	v11 =	vld.idx.msk [tilespmem:v10+s3+$0x0], $0xffff;
	_ =	sdelay $0x2  }
0x87: {  	v10 =	vadd.s32 v1, v10  }
0x88: {  	[tilespmem:$0x12E70] =	vst v10  }
0x89: {  	[tilespmem:$0x12D70] =	vst v11  }
0x8a: {  	v10 =	vld.idx.msk [tilespmem:v8+s9+$0x0], $0xffff;
	_ =	sdelay $0x7  }
0x8b: {  	v11 =	vld.idx.msk [tilespmem:v10+s3+$0x0], $0xffff;
	_ =	sdelay $0x2  }
0x8c: {  	v10 =	vadd.s32 v1, v10  }
0x8d: {  	[tilespmem:$0x12E80] =	vst v10  }
0x8e: {  	[tilespmem:$0x12D80] =	vst v11  }
0x8f: {  	v10 =	vld.idx.msk [tilespmem:v9+s9+$0x0], $0xffff;
	_ =	sdelay $0x7  }
0x90: {  	v11 =	vld.idx.msk [tilespmem:v10+s3+$0x0], $0xffff  }
0x91: {  	p0 =	seq.s32 s19, $0x1  }
.Ltmp4:
0x92: {  	_ = 	snop;
	(pc) =	sbr.rel @!p0 .LBB2_5-.Ltmp4, $4  }
0x93: {  	v10 =	vadd.s32 v1, v10  }
0x94: {  	[tilespmem:$0x12E90] =	vst v10  }
0x95: {  	[tilespmem:$0x12D90] =	vst v11  }
0x96: {  	[tilespmem:s14], [sflag:$0x1] =	stream.indirect.gather [hbm4b:s4+s12], $0x40, s13, s12, $0xb8;
	[tilespmem:$0x16F20] =	vst v63  }
.Ltmp5:
0x97: {  	(pc) =	sbr.rel .LBB2_11-.Ltmp5, $4  }
0x98: {  	_ =	swait.ge [sflag:s11], $0x2000  }
0x99: {  	[sflag:s11] =	ssyncset.done $0x0  }
0x9a: {  	s19 =	simm.s32 $0x3;
	[sflag:s11] =	ssyncadd.s32 $0xFFFFE000  }
0x9b: {  	[hbm4b:s2+s12] =	stream.indirect.scatter [tilespmem:s14], [sflag:$0x3], $0x40, s15, s12, $0xb8;
	[tilespmem:$0x16F20] =	vst v63  }
.LBB2_5:
.Ltmp6:
0x9c: {  	(pc) =	sbr.rel .LBB2_6-.Ltmp6, $2  }
0x9d: {  	_ =	sdelay $0x2  }
0x9e: {  	s20 =	simm.s32 $0x1;
	s21 =	simm.s32 $0xF0  }
.LBB2_8:
0x9f: {  	s20 =	sadd.s32 $0x1, s20  }
0xa0: {  	p0 =	sne.s32 s19, s20  }
.Ltmp7:
0xa1: {  	_ = 	snop;
	(pc) =	sbr.rel @!p0 .LBB2_9-.Ltmp7, $2  }
0xa2: {  	_ =	sdelay $0x2  }
0xa3: {  	s21 =	sadd.s32 $0x80, s21  }
.LBB2_6:
0xa4: {  	s22 =	sand.u32 $0x1, s20  }
0xa5: {  	p0 =	seq.s32 s22, $0x1  }
0xa6: {  	p1 =	slt.u32 @!p0 s20, $0x2;
	s23 =	sadd.s32 @!p0 $0xFFFFFF90, s21;
	v10 =	vlaneseq.u32 @!p0  }
0xa7: {  	p1 =	por p1, p0;
	v11 =	vor.u32 @!p0 s23, v10  }
0xa8: {  	s23 =	simm.s32 @!p1 $0x3  }
0xa9: {  	_ =	swait.ge @!p1 [sflag:s23], $0x2000  }
0xaa: {  	[sflag:s23] =	ssyncset.done @!p1 $0x0  }
0xab: {  	[sflag:s23] =	ssyncadd.s32 @!p1 $0xFFFFE000;
	s23 =	simm.s32 @!p0 $0x6400  }
0xac: {  	v11 =	vld.idx.msk @!p0 [tilespmem:v11+s23+$0x0], $0xffff;
	_ =	sdelay $0x6  }
0xad: {  	s24 =	simm.s32 @!p0 $0x0  }
0xae: {  	s25 =	sadd.s32 @!p0 $0xFFFFFFA0, s21;
	v12 =	vld.idx.msk @!p0 [tilespmem:v11+s24+$0x0], $0xffff  }
0xaf: {  	v13 =	vor.u32 @!p0 s25, v10;
	_ =	sdelay $0x1  }
0xb0: {  	v11 =	vadd.s32 @!p0 v1, v11  }
0xb1: {  	[tilespmem:$0x12E20] =	vst @!p0 v11  }
0xb2: {  	[tilespmem:$0x12D20] =	vst @!p0 v12  }
0xb3: {  	v11 =	vld.idx.msk @!p0 [tilespmem:v13+s23+$0x0], $0xffff;
	_ =	sdelay $0x7  }
0xb4: {  	s25 =	sadd.s32 @!p0 $0xFFFFFFB0, s21;
	v12 =	vld.idx.msk @!p0 [tilespmem:v11+s24+$0x0], $0xffff  }
0xb5: {  	v13 =	vor.u32 @!p0 s25, v10;
	_ =	sdelay $0x1  }
0xb6: {  	v11 =	vadd.s32 @!p0 v1, v11  }
0xb7: {  	[tilespmem:$0x12E30] =	vst @!p0 v11  }
0xb8: {  	[tilespmem:$0x12D30] =	vst @!p0 v12  }
0xb9: {  	v11 =	vld.idx.msk @!p0 [tilespmem:v13+s23+$0x0], $0xffff;
	_ =	sdelay $0x7  }
0xba: {  	s25 =	sadd.s32 @!p0 $0xFFFFFFC0, s21;
	v12 =	vld.idx.msk @!p0 [tilespmem:v11+s24+$0x0], $0xffff  }
0xbb: {  	v13 =	vor.u32 @!p0 s25, v10;
	_ =	sdelay $0x1  }
0xbc: {  	v11 =	vadd.s32 @!p0 v1, v11  }
0xbd: {  	[tilespmem:$0x12E40] =	vst @!p0 v11  }
0xbe: {  	[tilespmem:$0x12D40] =	vst @!p0 v12  }
0xbf: {  	v11 =	vld.idx.msk @!p0 [tilespmem:v13+s23+$0x0], $0xffff;
	_ =	sdelay $0x7  }
0xc0: {  	s25 =	sadd.s32 @!p0 $0xFFFFFFD0, s21;
	v12 =	vld.idx.msk @!p0 [tilespmem:v11+s24+$0x0], $0xffff  }
0xc1: {  	v13 =	vor.u32 @!p0 s25, v10;
	_ =	sdelay $0x1  }
0xc2: {  	v11 =	vadd.s32 @!p0 v1, v11  }
0xc3: {  	[tilespmem:$0x12E50] =	vst @!p0 v11  }
0xc4: {  	[tilespmem:$0x12D50] =	vst @!p0 v12  }
0xc5: {  	v11 =	vld.idx.msk @!p0 [tilespmem:v13+s23+$0x0], $0xffff;
	_ =	sdelay $0x7  }
0xc6: {  	s25 =	sadd.s32 @!p0 $0xFFFFFFE0, s21;
	v12 =	vld.idx.msk @!p0 [tilespmem:v11+s24+$0x0], $0xffff  }
0xc7: {  	v13 =	vor.u32 @!p0 s25, v10;
	_ =	sdelay $0x1  }
0xc8: {  	v11 =	vadd.s32 @!p0 v1, v11  }
0xc9: {  	[tilespmem:$0x12E60] =	vst @!p0 v11  }
0xca: {  	[tilespmem:$0x12D60] =	vst @!p0 v12  }
0xcb: {  	v11 =	vld.idx.msk @!p0 [tilespmem:v13+s23+$0x0], $0xffff;
	_ =	sdelay $0x7  }
0xcc: {  	s25 =	sadd.s32 @!p0 $0xFFFFFFF0, s21;
	v12 =	vld.idx.msk @!p0 [tilespmem:v11+s24+$0x0], $0xffff  }
0xcd: {  	v13 =	vor.u32 @!p0 s25, v10;
	_ =	sdelay $0x1  }
0xce: {  	v11 =	vadd.s32 @!p0 v1, v11  }
0xcf: {  	[tilespmem:$0x12E70] =	vst @!p0 v11  }
0xd0: {  	[tilespmem:$0x12D70] =	vst @!p0 v12  }
0xd1: {  	v11 =	vld.idx.msk @!p0 [tilespmem:v13+s23+$0x0], $0xffff;
	_ =	sdelay $0x7  }
0xd2: {  	v12 =	vld.idx.msk @!p0 [tilespmem:v11+s24+$0x0], $0xffff  }
0xd3: {  	v10 =	vor.u32 @!p0 s21, v10;
	_ =	sdelay $0x1  }
0xd4: {  	v11 =	vadd.s32 @!p0 v1, v11  }
0xd5: {  	[tilespmem:$0x12E80] =	vst @!p0 v11  }
0xd6: {  	[tilespmem:$0x12D80] =	vst @!p0 v12  }
0xd7: {  	v10 =	vld.idx.msk @!p0 [tilespmem:v10+s23+$0x0], $0xffff;
	_ =	sdelay $0x7  }
0xd8: {  	v11 =	vld.idx.msk @!p0 [tilespmem:v10+s24+$0x0], $0xffff;
	_ =	sdelay $0x2  }
0xd9: {  	v10 =	vadd.s32 @!p0 v1, v10  }
0xda: {  	[tilespmem:$0x12E90] =	vst @!p0 v10  }
0xdb: {  	s25 =	simm.s32 @!p0 $0x12F20;
	s23 =	simm.s32 @!p0 $0x80;
	s24 =	simm.s32 @!p0 $0x12D20;
	[tilespmem:$0x12D90] =	vst @!p0 v11  }
0xdc: {  	[tilespmem:s25], [sflag:$0x1] =	stream.indirect.gather @!p0 [hbm4b:s4+s23], $0x40, s24, s23, $0xb8;
	[tilespmem:$0x16F20] =	vst v63  }
0xdd: {  	s24 =	simm.s32 @!p0 $0x2  }
0xde: {  	_ =	swait.ge @!p0 [sflag:s24], $0x2000  }
0xdf: {  	p1 =	seq.s32 @!p0 s22, $0x0;
	[sflag:s24] =	ssyncset.done @!p0 $0x0  }
0xe0: {  	s25 =	simm.s32 @!p0 $0x14F20;
	[sflag:s24] =	ssyncadd.s32 @!p0 $0xFFFFE000;
	s24 =	simm.s32 @!p0 $0x12EA0  }
0xe1: {  	[hbm4b:s2+s23] =	stream.indirect.scatter @!p0 [tilespmem:s25], [sflag:$0x4], $0x40, s24, s23, $0xb8;
	[tilespmem:$0x16F20] =	vst v63  }
0xe2: {  	p0 =	por p0, !p1  }
.Ltmp8:
0xe3: {  	_ = 	snop;
	(pc) =	sbr.rel @!p0 .LBB2_8-.Ltmp8, $1  }
0xe4: {  	_ =	sdelay $0x3  }
0xe5: {  	s22 =	sadd.s32 $0xFFFFFF90, s21  }
0xe6: {  	p0 =	slt.u32 s20, $0x2;
	v10 =	vor.u32 s22, v0  }
0xe7: {  	s22 =	simm.s32 @!p0 $0x4  }
0xe8: {  	_ =	swait.ge @!p0 [sflag:s22], $0x2000  }
0xe9: {  	[sflag:s22] =	ssyncset.done @!p0 $0x0  }
0xea: {  	[sflag:s22] =	ssyncadd.s32 @!p0 $0xFFFFE000  }
0xeb: {  	v10 =	vld.idx.msk [tilespmem:v10+s9+$0x0], $0xffff;
	_ =	sdelay $0x7  }
0xec: {  	s25 =	sadd.s32 $0xFFFFFFA0, s21;
	v11 =	vld.idx.msk [tilespmem:v10+s3+$0x0], $0xffff  }
0xed: {  	v12 =	vor.u32 s25, v0;
	_ =	sdelay $0x1  }
0xee: {  	v10 =	vadd.s32 v1, v10  }
0xef: {  	[tilespmem:$0x12EA0] =	vst v10  }
0xf0: {  	[tilespmem:$0x12DA0] =	vst v11  }
0xf1: {  	v10 =	vld.idx.msk [tilespmem:v12+s9+$0x0], $0xffff;
	_ =	sdelay $0x7  }
0xf2: {  	s26 =	sadd.s32 $0xFFFFFFB0, s21;
	v11 =	vld.idx.msk [tilespmem:v10+s3+$0x0], $0xffff  }
0xf3: {  	v58 =	vor.u32 s26, v0;
	_ =	sdelay $0x1  }
0xf4: {  	v10 =	vadd.s32 v1, v10  }
0xf5: {  	[tilespmem:$0x12EB0] =	vst v10  }
0xf6: {  	[tilespmem:$0x12DB0] =	vst v11  }
0xf7: {  	v10 =	vld.idx.msk [tilespmem:v58+s9+$0x0], $0xffff;
	_ =	sdelay $0x7  }
0xf8: {  	s28 =	sadd.s32 $0xFFFFFFC0, s21;
	v11 =	vld.idx.msk [tilespmem:v10+s3+$0x0], $0xffff  }
0xf9: {  	v59 =	vor.u32 s28, v0;
	_ =	sdelay $0x1  }
0xfa: {  	v10 =	vadd.s32 v1, v10  }
0xfb: {  	[tilespmem:$0x12EC0] =	vst v10  }
0xfc: {  	[tilespmem:$0x12DC0] =	vst v11  }
0xfd: {  	v10 =	vld.idx.msk [tilespmem:v59+s9+$0x0], $0xffff;
	_ =	sdelay $0x7  }
0xfe: {  	s29 =	sadd.s32 $0xFFFFFFD0, s21;
	v11 =	vld.idx.msk [tilespmem:v10+s3+$0x0], $0xffff  }
0xff: {  	v60 =	vor.u32 s29, v0;
	_ =	sdelay $0x1  }
0x100: {  	v10 =	vadd.s32 v1, v10  }
0x101: {  	[tilespmem:$0x12ED0] =	vst v10  }
0x102: {  	[tilespmem:$0x12DD0] =	vst v11  }
0x103: {  	v10 =	vld.idx.msk [tilespmem:v60+s9+$0x0], $0xffff;
	_ =	sdelay $0x7  }
0x104: {  	s30 =	sadd.s32 $0xFFFFFFE0, s21;
	v11 =	vld.idx.msk [tilespmem:v10+s3+$0x0], $0xffff  }
0x105: {  	v61 =	vor.u32 s30, v0;
	_ =	sdelay $0x1  }
0x106: {  	v10 =	vadd.s32 v1, v10  }
0x107: {  	[tilespmem:$0x12EE0] =	vst v10  }
0x108: {  	[tilespmem:$0x12DE0] =	vst v11  }
0x109: {  	v10 =	vld.idx.msk [tilespmem:v61+s9+$0x0], $0xffff;
	_ =	sdelay $0x7  }
0x10a: {  	s31 =	sadd.s32 $0xFFFFFFF0, s21;
	v11 =	vld.idx.msk [tilespmem:v10+s3+$0x0], $0xffff  }
0x10b: {  	v62 =	vor.u32 s31, v0;
	_ =	sdelay $0x1  }
0x10c: {  	v10 =	vadd.s32 v1, v10  }
0x10d: {  	[tilespmem:$0x12EF0] =	vst v10  }
0x10e: {  	[tilespmem:$0x12DF0] =	vst v11  }
0x10f: {  	v10 =	vld.idx.msk [tilespmem:v62+s9+$0x0], $0xffff;
	_ =	sdelay $0x7  }
0x110: {  	v11 =	vld.idx.msk [tilespmem:v10+s3+$0x0], $0xffff  }
0x111: {  	v63 =	vor.u32 s21, v0;
	_ =	sdelay $0x1  }
0x112: {  	v10 =	vadd.s32 v1, v10  }
0x113: {  	[tilespmem:$0x12F00] =	vst v10  }
0x114: {  	[tilespmem:$0x12E00] =	vst v11  }
0x115: {  	v10 =	vld.idx.msk [tilespmem:v63+s9+$0x0], $0xffff;
	_ =	sdelay $0x7  }
0x116: {  	v11 =	vld.idx.msk [tilespmem:v10+s3+$0x0], $0xffff;
	_ =	sdelay $0x2  }
0x117: {  	v10 =	vadd.s32 v1, v10  }
0x118: {  	[tilespmem:$0x12F10] =	vst v10  }
0x119: {  	[tilespmem:$0x12E10] =	vst v11  }
0x11a: {  	[tilespmem:s17], [sflag:$0x2] =	stream.indirect.gather [hbm4b:s4+s12], $0x40, s16, s12, $0xb8;
	[tilespmem:$0x16F20] =	vst v63  }
.Ltmp9:
0x11b: {  	_ = 	snop;
	(pc) =	sbr.rel .LBB2_8-.Ltmp9, $4  }
0x11c: {  	_ =	swait.ge [sflag:s11], $0x2000  }
0x11d: {  	[sflag:s11] =	ssyncset.done $0x0  }
0x11e: {  	[sflag:s11] =	ssyncadd.s32 $0xFFFFE000  }
0x11f: {  	[hbm4b:s2+s12] =	stream.indirect.scatter [tilespmem:s14], [sflag:$0x3], $0x40, s15, s12, $0xb8;
	[tilespmem:$0x16F20] =	vst v63  }
.LBB2_9:
0x120: {  	s19 =	sand.u32 $0x1, s19  }
0x121: {  	p0 =	seq.s32 s19, $0x0  }
0x122: {  	s19 =	simm.s32 @p0 $0x2  }
0x123: {  	_ =	swait.ge @p0 [sflag:s19], $0x2000  }
0x124: {  	s20 =	simm.s32 @p0 $0x12EA0;
	[sflag:s19] =	ssyncset.done @p0 $0x0  }
0x125: {  	s21 =	simm.s32 @p0 $0x14F20;
	[sflag:s19] =	ssyncadd.s32 @p0 $0xFFFFE000;
	s19 =	simm.s32 @p0 $0x80  }
0x126: {  	[hbm4b:s2+s19] =	stream.indirect.scatter @p0 [tilespmem:s21], [sflag:$0x4], $0x40, s20, s19, $0xb8;
	[tilespmem:$0x16F20] =	vst v63  }
0x127: {  	s19 =	simm.s32 @p0 $0x3  }
0x128: {  	_ =	swait.ge @p0 [sflag:s19], $0x2000  }
0x129: {  	[sflag:s19] =	ssyncset.done @p0 $0x0  }
0x12a: {  	[sflag:s19] =	ssyncadd.s32 @p0 $0xFFFFE000;
	s19 =	simm.s32 @!p0 $0x1  }
0x12b: {  	_ =	swait.ge @!p0 [sflag:s19], $0x2000  }
0x12c: {  	s20 =	simm.s32 @!p0 $0x12E20;
	[sflag:s19] =	ssyncset.done @!p0 $0x0  }
0x12d: {  	s21 =	simm.s32 @!p0 $0x12F20;
	[sflag:s19] =	ssyncadd.s32 @!p0 $0xFFFFE000;
	s19 =	simm.s32 @!p0 $0x80  }
0x12e: {  	[hbm4b:s2+s19] =	stream.indirect.scatter @!p0 [tilespmem:s21], [sflag:$0x3], $0x40, s20, s19, $0xb8;
	[tilespmem:$0x16F20] =	vst v63  }
0x12f: {  	s20 =	simm.s32 @!p0 $0x4  }
0x130: {  	_ =	swait.ge @!p0 [sflag:s20], $0x2000  }
0x131: {  	s19 =	simm.s32 @!p0 $0x3;
	[sflag:s20] =	ssyncset.done @!p0 $0x0  }
0x132: {  	s19 =	simm.s32 @p0 $0x4;
	[sflag:s20] =	ssyncadd.s32 @!p0 $0xFFFFE000  }
.LBB2_11:
0x133: {  	_ =	swait.ge [sflag:s19], $0x2000  }
0x134: {  	[sflag:s19] =	ssyncset.done $0x0  }
0x135: {  	[sflag:s19] =	ssyncadd.s32 $0xFFFFE000  }
.LBB2_12:
0x136: {  	[bflag:$0x0] =	sbarrier.arrive $0xFFFF  }
0x137: {  	s19 =	sld [smem:$0x1];
	_ =	sdelay $0x2  }
0x138: {  	s19 =	sadd.s32 $0x7F, s19  }
0x139: {  	s20 =	sand.u32 $0x7F, s19  }
0x13a: {  	s31 =	sshra.s32 s19, $0x1F;
	p1 =	slt.s32 s19, $0x1;
	p0 =	sne.s32 s20, $0x0  }
0x13b: {  	s20 =	sshrl.u32 s31, $0x19;
	p0 =	por !p1, !p0  }
0x13c: {  	s19 =	sadd.s32 s20, s19;
	s20 =	simm.s32 $0x1;
	p0 =	por !p0, !p0  }
0x13d: {  	s19 =	sshra.s32 s19, $0x7;
	s20 =	simm.s32 @!p0 $0x0  }
0x13e: {  	s19 =	ssub.s32 s19, s20  }
0x13f: {  	p0 =	slt.s32 s19, $0x1  }
.Ltmp10:
0x140: {  	_ = 	snop;
	(pc) =	sbr.rel @p0 .LBB2_21-.Ltmp10, $1  }
0x141: {  	_ =	sdelay $0x3  }
0x142: {  	_ =	sdelay $0x3  }
0x143: {  	v10 =	vld.idx.msk [tilespmem:v0+s10+$0x0], $0xffff;
	_ =	sdelay $0x7  }
0x144: {  	v11 =	vld.idx.msk [tilespmem:v10+s3+$0x0], $0xffff;
	_ =	sdelay $0x3  }
0x145: {  	v10 =	vadd.s32 v1, v10  }
0x146: {  	[tilespmem:$0x12E20] =	vst v10;
	v11 =	vadd.s32 $0xFFF85EE0, v11  }
0x147: {  	[tilespmem:$0x12D20] =	vst v11  }
0x148: {  	v10 =	vld.idx.msk [tilespmem:v3+s10+$0x0], $0xffff;
	_ =	sdelay $0x7  }
0x149: {  	v11 =	vld.idx.msk [tilespmem:v10+s3+$0x0], $0xffff;
	_ =	sdelay $0x3  }
0x14a: {  	v10 =	vadd.s32 v1, v10  }
0x14b: {  	[tilespmem:$0x12E30] =	vst v10;
	v11 =	vadd.s32 $0xFFF85EE0, v11  }
0x14c: {  	[tilespmem:$0x12D30] =	vst v11  }
0x14d: {  	v10 =	vld.idx.msk [tilespmem:v4+s10+$0x0], $0xffff;
	_ =	sdelay $0x7  }
0x14e: {  	v11 =	vld.idx.msk [tilespmem:v10+s3+$0x0], $0xffff;
	_ =	sdelay $0x3  }
0x14f: {  	v10 =	vadd.s32 v1, v10  }
0x150: {  	[tilespmem:$0x12E40] =	vst v10;
	v11 =	vadd.s32 $0xFFF85EE0, v11  }
0x151: {  	[tilespmem:$0x12D40] =	vst v11  }
0x152: {  	v10 =	vld.idx.msk [tilespmem:v5+s10+$0x0], $0xffff;
	_ =	sdelay $0x7  }
0x153: {  	v11 =	vld.idx.msk [tilespmem:v10+s3+$0x0], $0xffff;
	_ =	sdelay $0x3  }
0x154: {  	v10 =	vadd.s32 v1, v10  }
0x155: {  	[tilespmem:$0x12E50] =	vst v10;
	v11 =	vadd.s32 $0xFFF85EE0, v11  }
0x156: {  	[tilespmem:$0x12D50] =	vst v11  }
0x157: {  	v10 =	vld.idx.msk [tilespmem:v6+s10+$0x0], $0xffff;
	_ =	sdelay $0x7  }
0x158: {  	v11 =	vld.idx.msk [tilespmem:v10+s3+$0x0], $0xffff;
	_ =	sdelay $0x3  }
0x159: {  	v10 =	vadd.s32 v1, v10  }
0x15a: {  	[tilespmem:$0x12E60] =	vst v10;
	v11 =	vadd.s32 $0xFFF85EE0, v11  }
0x15b: {  	[tilespmem:$0x12D60] =	vst v11  }
0x15c: {  	v10 =	vld.idx.msk [tilespmem:v7+s10+$0x0], $0xffff;
	_ =	sdelay $0x7  }
0x15d: {  	v11 =	vld.idx.msk [tilespmem:v10+s3+$0x0], $0xffff;
	_ =	sdelay $0x3  }
0x15e: {  	v10 =	vadd.s32 v1, v10  }
0x15f: {  	[tilespmem:$0x12E70] =	vst v10;
	v11 =	vadd.s32 $0xFFF85EE0, v11  }
0x160: {  	[tilespmem:$0x12D70] =	vst v11  }
0x161: {  	v10 =	vld.idx.msk [tilespmem:v8+s10+$0x0], $0xffff;
	_ =	sdelay $0x7  }
0x162: {  	v11 =	vld.idx.msk [tilespmem:v10+s3+$0x0], $0xffff;
	_ =	sdelay $0x3  }
0x163: {  	v10 =	vadd.s32 v1, v10  }
0x164: {  	[tilespmem:$0x12E80] =	vst v10;
	v11 =	vadd.s32 $0xFFF85EE0, v11  }
0x165: {  	[tilespmem:$0x12D80] =	vst v11  }
0x166: {  	v10 =	vld.idx.msk [tilespmem:v9+s10+$0x0], $0xffff;
	_ =	sdelay $0x7  }
0x167: {  	v11 =	vld.idx.msk [tilespmem:v10+s3+$0x0], $0xffff;
	_ =	sdelay $0x1  }
0x168: {  	p0 =	seq.s32 s19, $0x1  }
.Ltmp11:
0x169: {  	_ = 	snop;
	(pc) =	sbr.rel @p0 .LBB2_19-.Ltmp11, $4  }
0x16a: {  	v10 =	vadd.s32 v1, v10  }
0x16b: {  	[tilespmem:$0x12E90] =	vst v10;
	v11 =	vadd.s32 $0xFFF85EE0, v11  }
0x16c: {  	[tilespmem:$0x12D90] =	vst v11  }
0x16d: {  	[tilespmem:s14], [sflag:$0x1] =	stream.indirect.gather [hbm4b:s5+s12], $0x40, s13, s12, $0xb8;
	[tilespmem:$0x16F20] =	vst v63  }
.Ltmp12:
0x16e: {  	(pc) =	sbr.rel .LBB2_15-.Ltmp12, $2  }
0x16f: {  	_ =	sdelay $0x2  }
0x170: {  	s20 =	simm.s32 $0x1;
	s21 =	simm.s32 $0xF0  }
.LBB2_17:
0x171: {  	s20 =	sadd.s32 $0x1, s20  }
0x172: {  	p0 =	sne.s32 s19, s20  }
.Ltmp13:
0x173: {  	_ = 	snop;
	(pc) =	sbr.rel @!p0 .LBB2_18-.Ltmp13, $2  }
0x174: {  	_ =	sdelay $0x2  }
0x175: {  	s21 =	sadd.s32 $0x80, s21  }
.LBB2_15:
0x176: {  	s22 =	sand.u32 $0x1, s20  }
0x177: {  	p0 =	seq.s32 s22, $0x1  }
0x178: {  	p1 =	slt.u32 @!p0 s20, $0x2;
	s23 =	sadd.s32 @!p0 $0xFFFFFF90, s21;
	v10 =	vlaneseq.u32 @!p0  }
0x179: {  	p1 =	por p1, p0;
	v11 =	vor.u32 @!p0 s23, v10  }
0x17a: {  	s23 =	simm.s32 @!p1 $0x3  }
0x17b: {  	_ =	swait.ge @!p1 [sflag:s23], $0x2000  }
0x17c: {  	[sflag:s23] =	ssyncset.done @!p1 $0x0  }
0x17d: {  	[sflag:s23] =	ssyncadd.s32 @!p1 $0xFFFFE000;
	s23 =	simm.s32 @!p0 $0xC890  }
0x17e: {  	v11 =	vld.idx.msk @!p0 [tilespmem:v11+s23+$0x0], $0xffff;
	_ =	sdelay $0x6  }
0x17f: {  	s24 =	simm.s32 @!p0 $0x0  }
0x180: {  	v12 =	vld.idx.msk @!p0 [tilespmem:v11+s24+$0x0], $0xffff  }
0x181: {  	s25 =	sadd.s32 @!p0 $0xFFFFFFA0, s21  }
0x182: {  	v13 =	vor.u32 @!p0 s25, v10;
	_ =	sdelay $0x1  }
0x183: {  	v11 =	vadd.s32 @!p0 v1, v11  }
0x184: {  	[tilespmem:$0x12E20] =	vst @!p0 v11;
	v12 =	vadd.s32 @!p0 $0xFFF85EE0, v12  }
0x185: {  	[tilespmem:$0x12D20] =	vst @!p0 v12  }
0x186: {  	v11 =	vld.idx.msk @!p0 [tilespmem:v13+s23+$0x0], $0xffff;
	_ =	sdelay $0x7  }
0x187: {  	v12 =	vld.idx.msk @!p0 [tilespmem:v11+s24+$0x0], $0xffff  }
0x188: {  	s25 =	sadd.s32 @!p0 $0xFFFFFFB0, s21  }
0x189: {  	v13 =	vor.u32 @!p0 s25, v10;
	_ =	sdelay $0x1  }
0x18a: {  	v11 =	vadd.s32 @!p0 v1, v11  }
0x18b: {  	[tilespmem:$0x12E30] =	vst @!p0 v11;
	v12 =	vadd.s32 @!p0 $0xFFF85EE0, v12  }
0x18c: {  	[tilespmem:$0x12D30] =	vst @!p0 v12  }
0x18d: {  	v11 =	vld.idx.msk @!p0 [tilespmem:v13+s23+$0x0], $0xffff;
	_ =	sdelay $0x7  }
0x18e: {  	v12 =	vld.idx.msk @!p0 [tilespmem:v11+s24+$0x0], $0xffff  }
0x18f: {  	s25 =	sadd.s32 @!p0 $0xFFFFFFC0, s21  }
0x190: {  	v13 =	vor.u32 @!p0 s25, v10;
	_ =	sdelay $0x1  }
0x191: {  	v11 =	vadd.s32 @!p0 v1, v11  }
0x192: {  	[tilespmem:$0x12E40] =	vst @!p0 v11;
	v12 =	vadd.s32 @!p0 $0xFFF85EE0, v12  }
0x193: {  	[tilespmem:$0x12D40] =	vst @!p0 v12  }
0x194: {  	v11 =	vld.idx.msk @!p0 [tilespmem:v13+s23+$0x0], $0xffff;
	_ =	sdelay $0x7  }
0x195: {  	v12 =	vld.idx.msk @!p0 [tilespmem:v11+s24+$0x0], $0xffff  }
0x196: {  	s25 =	sadd.s32 @!p0 $0xFFFFFFD0, s21  }
0x197: {  	v13 =	vor.u32 @!p0 s25, v10;
	_ =	sdelay $0x1  }
0x198: {  	v11 =	vadd.s32 @!p0 v1, v11  }
0x199: {  	[tilespmem:$0x12E50] =	vst @!p0 v11;
	v12 =	vadd.s32 @!p0 $0xFFF85EE0, v12  }
0x19a: {  	[tilespmem:$0x12D50] =	vst @!p0 v12  }
0x19b: {  	v11 =	vld.idx.msk @!p0 [tilespmem:v13+s23+$0x0], $0xffff;
	_ =	sdelay $0x7  }
0x19c: {  	v12 =	vld.idx.msk @!p0 [tilespmem:v11+s24+$0x0], $0xffff  }
0x19d: {  	s25 =	sadd.s32 @!p0 $0xFFFFFFE0, s21  }
0x19e: {  	v13 =	vor.u32 @!p0 s25, v10;
	_ =	sdelay $0x1  }
0x19f: {  	v11 =	vadd.s32 @!p0 v1, v11  }
0x1a0: {  	[tilespmem:$0x12E60] =	vst @!p0 v11;
	v12 =	vadd.s32 @!p0 $0xFFF85EE0, v12  }
0x1a1: {  	[tilespmem:$0x12D60] =	vst @!p0 v12  }
0x1a2: {  	v11 =	vld.idx.msk @!p0 [tilespmem:v13+s23+$0x0], $0xffff;
	_ =	sdelay $0x7  }
0x1a3: {  	v12 =	vld.idx.msk @!p0 [tilespmem:v11+s24+$0x0], $0xffff  }
0x1a4: {  	s25 =	sadd.s32 @!p0 $0xFFFFFFF0, s21  }
0x1a5: {  	v13 =	vor.u32 @!p0 s25, v10;
	_ =	sdelay $0x1  }
0x1a6: {  	v11 =	vadd.s32 @!p0 v1, v11  }
0x1a7: {  	[tilespmem:$0x12E70] =	vst @!p0 v11;
	v12 =	vadd.s32 @!p0 $0xFFF85EE0, v12  }
0x1a8: {  	[tilespmem:$0x12D70] =	vst @!p0 v12  }
0x1a9: {  	v11 =	vld.idx.msk @!p0 [tilespmem:v13+s23+$0x0], $0xffff;
	_ =	sdelay $0x7  }
0x1aa: {  	v12 =	vld.idx.msk @!p0 [tilespmem:v11+s24+$0x0], $0xffff;
	_ =	sdelay $0x1  }
0x1ab: {  	v10 =	vor.u32 @!p0 s21, v10;
	_ =	sdelay $0x1  }
0x1ac: {  	v11 =	vadd.s32 @!p0 v1, v11  }
0x1ad: {  	[tilespmem:$0x12E80] =	vst @!p0 v11;
	v12 =	vadd.s32 @!p0 $0xFFF85EE0, v12  }
0x1ae: {  	[tilespmem:$0x12D80] =	vst @!p0 v12  }
0x1af: {  	v10 =	vld.idx.msk @!p0 [tilespmem:v10+s23+$0x0], $0xffff;
	_ =	sdelay $0x7  }
0x1b0: {  	v11 =	vld.idx.msk @!p0 [tilespmem:v10+s24+$0x0], $0xffff;
	_ =	sdelay $0x3  }
0x1b1: {  	v10 =	vadd.s32 @!p0 v1, v10  }
0x1b2: {  	[tilespmem:$0x12E90] =	vst @!p0 v10;
	v11 =	vadd.s32 @!p0 $0xFFF85EE0, v11  }
0x1b3: {  	s25 =	simm.s32 @!p0 $0x12F20;
	s23 =	simm.s32 @!p0 $0x80;
	s24 =	simm.s32 @!p0 $0x12D20;
	[tilespmem:$0x12D90] =	vst @!p0 v11  }
0x1b4: {  	[tilespmem:s25], [sflag:$0x1] =	stream.indirect.gather @!p0 [hbm4b:s5+s23], $0x40, s24, s23, $0xb8;
	[tilespmem:$0x16F20] =	vst v63  }
0x1b5: {  	s24 =	simm.s32 @!p0 $0x2  }
0x1b6: {  	_ =	swait.ge @!p0 [sflag:s24], $0x2000  }
0x1b7: {  	p1 =	seq.s32 @!p0 s22, $0x0;
	[sflag:s24] =	ssyncset.done @!p0 $0x0  }
0x1b8: {  	s25 =	simm.s32 @!p0 $0x14F20;
	[sflag:s24] =	ssyncadd.s32 @!p0 $0xFFFFE000;
	s24 =	simm.s32 @!p0 $0x12EA0  }
0x1b9: {  	[hbm4b:s2+s23] =	stream.indirect.scatter @!p0 [tilespmem:s25], [sflag:$0x4], $0x40, s24, s23, $0xb8;
	[tilespmem:$0x16F20] =	vst v63  }
0x1ba: {  	p0 =	por p0, !p1  }
.Ltmp14:
0x1bb: {  	_ = 	snop;
	(pc) =	sbr.rel @!p0 .LBB2_17-.Ltmp14, $1  }
0x1bc: {  	_ =	sdelay $0x3  }
0x1bd: {  	s22 =	sadd.s32 $0xFFFFFF90, s21  }
0x1be: {  	p0 =	slt.u32 s20, $0x2;
	v10 =	vor.u32 s22, v0  }
0x1bf: {  	s22 =	simm.s32 @!p0 $0x4  }
0x1c0: {  	_ =	swait.ge @!p0 [sflag:s22], $0x2000  }
0x1c1: {  	[sflag:s22] =	ssyncset.done @!p0 $0x0  }
0x1c2: {  	[sflag:s22] =	ssyncadd.s32 @!p0 $0xFFFFE000  }
0x1c3: {  	v10 =	vld.idx.msk [tilespmem:v10+s10+$0x0], $0xffff;
	_ =	sdelay $0x7  }
0x1c4: {  	v11 =	vld.idx.msk [tilespmem:v10+s3+$0x0], $0xffff  }
0x1c5: {  	s25 =	sadd.s32 $0xFFFFFFA0, s21  }
0x1c6: {  	v12 =	vor.u32 s25, v0;
	_ =	sdelay $0x1  }
0x1c7: {  	v10 =	vadd.s32 v1, v10  }
0x1c8: {  	[tilespmem:$0x12EA0] =	vst v10;
	v11 =	vadd.s32 $0xFFF85EE0, v11  }
0x1c9: {  	[tilespmem:$0x12DA0] =	vst v11  }
0x1ca: {  	v10 =	vld.idx.msk [tilespmem:v12+s10+$0x0], $0xffff;
	_ =	sdelay $0x7  }
0x1cb: {  	v11 =	vld.idx.msk [tilespmem:v10+s3+$0x0], $0xffff  }
0x1cc: {  	s26 =	sadd.s32 $0xFFFFFFB0, s21  }
0x1cd: {  	v58 =	vor.u32 s26, v0;
	_ =	sdelay $0x1  }
0x1ce: {  	v10 =	vadd.s32 v1, v10  }
0x1cf: {  	[tilespmem:$0x12EB0] =	vst v10;
	v11 =	vadd.s32 $0xFFF85EE0, v11  }
0x1d0: {  	[tilespmem:$0x12DB0] =	vst v11  }
0x1d1: {  	v10 =	vld.idx.msk [tilespmem:v58+s10+$0x0], $0xffff;
	_ =	sdelay $0x7  }
0x1d2: {  	v11 =	vld.idx.msk [tilespmem:v10+s3+$0x0], $0xffff  }
0x1d3: {  	s28 =	sadd.s32 $0xFFFFFFC0, s21  }
0x1d4: {  	v59 =	vor.u32 s28, v0;
	_ =	sdelay $0x1  }
0x1d5: {  	v10 =	vadd.s32 v1, v10  }
0x1d6: {  	[tilespmem:$0x12EC0] =	vst v10;
	v11 =	vadd.s32 $0xFFF85EE0, v11  }
0x1d7: {  	[tilespmem:$0x12DC0] =	vst v11  }
0x1d8: {  	v10 =	vld.idx.msk [tilespmem:v59+s10+$0x0], $0xffff;
	_ =	sdelay $0x7  }
0x1d9: {  	v11 =	vld.idx.msk [tilespmem:v10+s3+$0x0], $0xffff  }
0x1da: {  	s29 =	sadd.s32 $0xFFFFFFD0, s21  }
0x1db: {  	v60 =	vor.u32 s29, v0;
	_ =	sdelay $0x1  }
0x1dc: {  	v10 =	vadd.s32 v1, v10  }
0x1dd: {  	[tilespmem:$0x12ED0] =	vst v10;
	v11 =	vadd.s32 $0xFFF85EE0, v11  }
0x1de: {  	[tilespmem:$0x12DD0] =	vst v11  }
0x1df: {  	v10 =	vld.idx.msk [tilespmem:v60+s10+$0x0], $0xffff;
	_ =	sdelay $0x7  }
0x1e0: {  	v11 =	vld.idx.msk [tilespmem:v10+s3+$0x0], $0xffff  }
0x1e1: {  	s30 =	sadd.s32 $0xFFFFFFE0, s21  }
0x1e2: {  	v61 =	vor.u32 s30, v0;
	_ =	sdelay $0x1  }
0x1e3: {  	v10 =	vadd.s32 v1, v10  }
0x1e4: {  	[tilespmem:$0x12EE0] =	vst v10;
	v11 =	vadd.s32 $0xFFF85EE0, v11  }
0x1e5: {  	[tilespmem:$0x12DE0] =	vst v11  }
0x1e6: {  	v10 =	vld.idx.msk [tilespmem:v61+s10+$0x0], $0xffff;
	_ =	sdelay $0x7  }
0x1e7: {  	v11 =	vld.idx.msk [tilespmem:v10+s3+$0x0], $0xffff  }
0x1e8: {  	s31 =	sadd.s32 $0xFFFFFFF0, s21  }
0x1e9: {  	v62 =	vor.u32 s31, v0;
	_ =	sdelay $0x1  }
0x1ea: {  	v10 =	vadd.s32 v1, v10  }
0x1eb: {  	[tilespmem:$0x12EF0] =	vst v10;
	v11 =	vadd.s32 $0xFFF85EE0, v11  }
0x1ec: {  	[tilespmem:$0x12DF0] =	vst v11  }
0x1ed: {  	v10 =	vld.idx.msk [tilespmem:v62+s10+$0x0], $0xffff;
	_ =	sdelay $0x7  }
0x1ee: {  	v11 =	vld.idx.msk [tilespmem:v10+s3+$0x0], $0xffff;
	_ =	sdelay $0x1  }
0x1ef: {  	v63 =	vor.u32 s21, v0;
	_ =	sdelay $0x1  }
0x1f0: {  	v10 =	vadd.s32 v1, v10  }
0x1f1: {  	[tilespmem:$0x12F00] =	vst v10;
	v11 =	vadd.s32 $0xFFF85EE0, v11  }
0x1f2: {  	[tilespmem:$0x12E00] =	vst v11  }
0x1f3: {  	v10 =	vld.idx.msk [tilespmem:v63+s10+$0x0], $0xffff;
	_ =	sdelay $0x7  }
0x1f4: {  	v11 =	vld.idx.msk [tilespmem:v10+s3+$0x0], $0xffff;
	_ =	sdelay $0x3  }
0x1f5: {  	v10 =	vadd.s32 v1, v10  }
0x1f6: {  	[tilespmem:$0x12F10] =	vst v10;
	v11 =	vadd.s32 $0xFFF85EE0, v11  }
0x1f7: {  	[tilespmem:$0x12E10] =	vst v11  }
0x1f8: {  	[tilespmem:s17], [sflag:$0x2] =	stream.indirect.gather [hbm4b:s5+s12], $0x40, s16, s12, $0xb8;
	[tilespmem:$0x16F20] =	vst v63  }
.Ltmp15:
0x1f9: {  	_ = 	snop;
	(pc) =	sbr.rel .LBB2_17-.Ltmp15, $4  }
0x1fa: {  	_ =	swait.ge [sflag:s11], $0x2000  }
0x1fb: {  	[sflag:s11] =	ssyncset.done $0x0  }
0x1fc: {  	[sflag:s11] =	ssyncadd.s32 $0xFFFFE000  }
0x1fd: {  	[hbm4b:s2+s12] =	stream.indirect.scatter [tilespmem:s14], [sflag:$0x3], $0x40, s15, s12, $0xb8;
	[tilespmem:$0x16F20] =	vst v63  }
.LBB2_18:
0x1fe: {  	s19 =	sand.u32 $0x1, s19  }
0x1ff: {  	p0 =	seq.s32 s19, $0x0  }
0x200: {  	s19 =	simm.s32 @p0 $0x2  }
0x201: {  	_ =	swait.ge @p0 [sflag:s19], $0x2000  }
0x202: {  	s20 =	simm.s32 @p0 $0x12EA0;
	[sflag:s19] =	ssyncset.done @p0 $0x0  }
0x203: {  	s21 =	simm.s32 @p0 $0x14F20;
	[sflag:s19] =	ssyncadd.s32 @p0 $0xFFFFE000;
	s19 =	simm.s32 @p0 $0x80  }
0x204: {  	[hbm4b:s2+s19] =	stream.indirect.scatter @p0 [tilespmem:s21], [sflag:$0x4], $0x40, s20, s19, $0xb8;
	[tilespmem:$0x16F20] =	vst v63  }
0x205: {  	s19 =	simm.s32 @p0 $0x3  }
0x206: {  	_ =	swait.ge @p0 [sflag:s19], $0x2000  }
0x207: {  	[sflag:s19] =	ssyncset.done @p0 $0x0  }
0x208: {  	[sflag:s19] =	ssyncadd.s32 @p0 $0xFFFFE000;
	s19 =	simm.s32 @!p0 $0x1  }
0x209: {  	_ =	swait.ge @!p0 [sflag:s19], $0x2000  }
0x20a: {  	s20 =	simm.s32 @!p0 $0x12E20;
	[sflag:s19] =	ssyncset.done @!p0 $0x0  }
0x20b: {  	s21 =	simm.s32 @!p0 $0x12F20;
	[sflag:s19] =	ssyncadd.s32 @!p0 $0xFFFFE000;
	s19 =	simm.s32 @!p0 $0x80  }
0x20c: {  	[hbm4b:s2+s19] =	stream.indirect.scatter @!p0 [tilespmem:s21], [sflag:$0x3], $0x40, s20, s19, $0xb8;
	[tilespmem:$0x16F20] =	vst v63  }
.Ltmp16:
0x20d: {  	_ = 	snop;
	(pc) =	sbr.rel .LBB2_20-.Ltmp16, $4  }
0x20e: {  	s20 =	simm.s32 @!p0 $0x4  }
0x20f: {  	_ =	swait.ge @!p0 [sflag:s20], $0x2000  }
0x210: {  	s19 =	simm.s32 @!p0 $0x3;
	[sflag:s20] =	ssyncset.done @!p0 $0x0  }
0x211: {  	s19 =	simm.s32 @p0 $0x4;
	[sflag:s20] =	ssyncadd.s32 @!p0 $0xFFFFE000  }
.LBB2_22:
0x212: {  	_ =	sfence.sel $0x180000  }
0x213: {  	[bflag:$0x0] =	sbarrier.arrive $0xFFFF  }
0x214: {  	p0 =	sne.s32 s0, $0x0;
	_ =	strace $0x90000047  }
0x215: {  	s0 =	sadd.s32 @!p0 $0x100000, s1;
	[bflag:$0x2] =	sbarrier.arrive $0xFFFF  }
0x216: {  	[sflag:s0] =	ssyncadd.tile.s32 @!p0 $0x1;
	_ =	shalt  }
.Lfunc_end2:
_tile_overlayer_lowered:
.L_overlay_start_2:
0x217: {  	(tag) =	ssettag $0x2  }
0x218: {  	s0 =	rddreg [dreg:$0x0];
	s2 =	stileid.u32  }
0x219: {  	s1 =	rddreg [dreg:$0x1];
	p0 =	sne.s32 s2, $0x0  }
0x21a: {  	s3 =	rddreg [dreg:$0x2];
	[bflag:$0x3] =	sbarrier.arrive $0xFFFF;
	s2 =	simm.s32 @!p0 $0x1C05  }
0x21b: {  	[timem:s3], [sflag:s2] =	dma.local @!p0 [hbm:s0], s1  }
0x21c: {  	s0 =	simm.s32 @!p0 $0x5  }
0x21d: {  	_ =	swait.ge @!p0 [sflag:s0], s1  }
0x21e: {  	s1 =	ssub.s32 @!p0 $0x0, s1;
	[sflag:s0] =	ssyncset.done @!p0 $0x0  }
0x21f: {  	[sflag:s0] =	ssyncadd.s32 @!p0 s1  }
0x220: {  	[bflag:$0x3] =	sbarrier.arrive $0xFFFF  }
0x221: {  	_ =	shalt  }

// kernel: sparse-core-data-format-call.cloned.1.call-start
scs
called_computation_lowered:
.L_overlay_start_0:
0x0: {  	s2 =	sld [smem:$0x3FD9]  }
0x1: {  	s3 =	sld [smem:$0x3FFE];
	_ =	sdelay $0x1  }
0x2: {  	s1 =	srdreg.scid  }
0x3: {  	s0 =	sand.u32 $0x1, s1  }
0x4: {  	s18 =	sshll.u32 s0, $0xA;
	s2 =	sadd.s32 s3, s2  }
0x5: {  	s2 =	sadd.s32 s2, s18  }
0x6: {  	[smem:$0x3FC5] =	sst s2  }
0x7: {  	_ = 	snop  }
0x8: {  	s2 =	sld [smem:$0x3FD0];
	(tm) =	ssettm $0x1  }
0x9: {  	s19 =	sld [smem:$0x3FFB];
	_ =	sdelay $0x3  }
0xa: {  	_ =	strace s19  }
0xb: {  	s3 =	sld [smem:$0x3FFC];
	_ =	sdelay $0x3  }
0xc: {  	_ =	strace s3  }
0xd: {  	s3 =	sld [smem:$0x3FFD];
	_ =	sdelay $0x3  }
0xe: {  	_ =	strace s3  }
0xf: {  	_ =	strace $0x8FFFFFFF  }
0x10: {  	s20 =	sld [smem:$0x3FDB];
	_ =	sdelay $0x1  }
0x11: {  	s4 =	simm.s32 $_scs_section_size  }
0x12: {  	s5 =	simm.s32 $_size__tile_overlayer_lowered;
	s6 =	simm.s32 $_tile_overlayer_lowered  }
0x13: {  	s23 =	simm.s32 $0x1BFF;
	s22 =	sshll.u32 s6, $0x1;
	s3 =	sadd.s32 s4, s20  }
0x14: {  	s7 =	simm.s32 $0x0;
	s21 =	sshll.u32 s5, $0x1;
	s5 =	sadd.s32 s22, s3  }
0x15: {  	[timem:s7], [sflag:s23] =	dma.local [hbm:s5], s21  }
0x16: {  	_ =	swait.ge [sflag:s23], s21  }
0x17: {  	s4 =	ssub.s32 $0x0, s21;
	[sflag:s23] =	ssyncset.done $0x0  }
0x18: {  	[sflag:s23] =	ssyncadd.s32 s4;
	_ =	sdelay $0x1  }
0x19: {  	s24 =	simm.s32 $0x1B8B  }
0x1a: {  	_ =	swait.ge [sflag:s24], $0x1  }
0x1b: {  	[sflag:s24] =	ssyncset.done $0x0  }
0x1c: {  	s26 =	simm.s32 $0x1B8E;
	s25 =	sld [smem:$0x3FFE];
	[sflag:s24] =	ssyncadd.s32 $0xFFFFFFFF  }
0x1d: {  	s27 =	simm.s32 $execute0_lowered;
	[smem:$0x3FD2] =	sst s26  }
0x1e: {  	s5 =	sshll.u32 s27, $0x1;
	_ =	strace $0x80000049;
	[dreg:$0x1] =	wrdreg $0xFFFFFFFF  }
0x1f: {  	s28 =	simm.s32 $_size_execute0_lowered;
	s3 =	sadd.s32 s3, s5;
	[dreg:$0x0] =	wrdreg $0x0  }
0x20: {  	s5 =	sshll.u32 s28, $0x1;
	[dreg:$0x2] =	wrdreg s3  }
0x21: {  	[dreg:$0x3] =	wrdreg s5  }
0x22: {  	[dreg:$0x4] =	wrdreg $0xC0  }
0x23: {  	_ =	task [dreg:s7], $0x5FFFF  }
0x24: {  	[dreg:$0x1] =	wrdreg $0xFFFFFFFF  }
0x25: {  	[dreg:$0x0] =	wrdreg $0x60  }
0x26: {  	[dreg:$0x2] =	wrdreg s25  }
0x27: {  	[dreg:$0x3] =	wrdreg s2  }
0x28: {  	[dreg:$0x4] =	wrdreg $0x9  }
0x29: {  	_ =	task.clear_ibuf [dreg:s7], $0x5FFFF;
	_ =	strace $0x90000049  }
0x2a: {  	s29 =	simm.s32 $0x9;
	_ =	strace $0x8000004B  }
0x2b: {  	_ =	swait.ge [sflag:s29], $0x1  }
0x2c: {  	[sflag:s29] =	ssyncadd.s32 $0xFFFFFFFF  }
0x2d: {  	_ =	strace $0x9000004B  }
0x2e: {  	_ =	sfence  }
0x2f: {  	s30 =	sld [smem:$0x0];
	_ =	sdelay $0x2  }
0x30: {  	s31 =	sshll.u32 s1, $0xD;
	s1 =	sshrl.u32 s1, $0x2  }
0x31: {  	s3 =	sand.u32 $0x4000, s31;
	s1 =	sadd.s32 s1, s30  }
0x32: {  	s0 =	sor.u32 s3, s0;
	s1 =	sshll.u32 s1, $0x11  }
0x33: {  	s0 =	sor.u32 s1, s0  }
0x34: {  	s0 =	sadd.s32 $0x8F2B, s0  }
0x35: {  	[sflag:s0] =	ssyncadd.remote.s32 $0x1  }
0x36: {  	_ =	sfence.sel $0xFFFF  }
0x37: {  	[dreg:$0x0] =	wrdreg $0xFFFFFFFF;
	(pc) =	sbr.abs _section_cstart, $3  }
0x38: {  	[dreg:$0x1] =	wrdreg $0xFFFFFFFF  }
0x39: {  	_ =	task.clear_ibuf [dreg:s7], $0x2FFFF;
	_ =	strace $0x9FFFFFFF  }
0x3a: {  	(tm) =	ssettm $0x7FFFFFFF  }
0x3b: {  	_ =	shalt  }
tec
execute0_lowered:
.L_overlay_start_1:
0x0: {  	(tag) =	ssettag $0x1  }
0x1: {  	s0 =	srdreg.scid  }
0x2: {  	s1 =	sshll.u32 s0, $0x4  }
0x3: {  	s4 =	rddreg [dreg:$0x0];
	s0 =	stileid.u32;
	s1 =	sand.u32 $0x10, s1  }
0x4: {  	s2 =	rddreg [dreg:$0x1];
	s7 =	simm.s32 $0x1;
	s1 =	sor.u32 s0, s1  }
0x5: {  	s8 =	simm.s32 $0x2;
	s11 =	simm.s32 $0x0;
	s3 =	sshll.u32 s1, $0x7  }
0x6: {  	s10 =	simm.s32 $0x0;
	s4 =	sadd.s32 $0x800, s4;
	s6 =	ssub.s32 $0xC8000, s3  }
.Ltmp0:
0x7: {  	s1 =	rddreg [dreg:$0x2];
	s5 =	sand.u32 $0xF80, s6;
	(pc) =	sbr.rel .LBB1_1-.Ltmp0, $4  }
0x8: {  	_ =	strace $0x8000004A;
	s9 =	smov.u32 s3;
	p0 =	sne.s32 s5, $0x0  }
0x9: {  	s6 =	sshrl.u32 s6, $0xC;
	s5 =	simm.s32 $0x1;
	s7 =	simm.s32 @!p0 $0x0  }
0xa: {  	[sflag:s5] =	ssyncpa.u1 $0x0;
	p0 =	por $0x0, $0x0;
	s6 =	sadd.s32 s7, s6  }
0xb: {  	[sflag:s8] =	ssyncpa.u1 $0x0;
	s8 =	simm.s32 $0x640000;
	s7 =	sadd.s32 $0x1, s6  }
.LBB1_4:
0xc: {  	s14 =	sshll.u32 s11, $0x3  }
0xd: {  	s30 =	sand.u32 $0x7F, s11;
	s15 =	sand.u32 $0xFFFFFC00, s14  }
0xe: {  	s11 =	sor.u32 s30, s15  }
0xf: {  	s15 =	smulhi.u32 $0x51EB851F, s11  }
0x10: {  	s14 =	smulhi.u32 $0x51EB851F, s14  }
0x11: {  	s15 =	sshrl.u32 s15, $0x12  }
0x12: {  	s14 =	sshrl.u32 s14, $0x12;
	s15 =	smul.u32 $0xC8000, s15  }
0x13: {  	s14 =	sand.u32 $0x3F, s14  }
0x14: {  	s14 =	smul.u32 $0x19000, s14;
	s11 =	ssub.s32 s11, s15  }
0x15: {  	[tilespmem:s13+$0x810 ss:$0x81] =	vst.msk $0xffff, v2;
	s15 =	sand.u32 $0x7, s11  }
0x16: {  	[tilespmem:s13+$0x1020 ss:$0x81] =	vst.msk $0xffff, v0;
	s14 =	sadd.s32 s2, s14;
	s11 =	sshrl.u32 s11, $0x3;
	s15 =	sshll.u32 s15, $0x12  }
0x17: {  	[tilespmem:s13+$0x0 ss:$0x81] =	vst.msk $0xffff, v1;
	s11 =	sadd.s32 s11, s14;
	s31 =	sor.u32 $0x400, s15  }
0x18: {  	[hbm4b:s11+s31] =	stream.strided.scatter [tilespmem:s12], [sflag:$0x2], $0x2000, s8, s31, $0x20;
	[tilespmem:$0x8080] =	vst v63  }
.LBB1_5:
0x19: {  	s13 =	sadd.s32 $0x1000, s9  }
0x1a: {  	p2 =	sgt.s32 s13, $0xC7FFF  }
0x1b: {  	s13 =	smov.u32 @p2 s3;
	p2 =	sne.s32 s10, s7  }
.Ltmp1:
0x1c: {  	p1 =	slt.u32 s10, $0x2;
	(pc) =	sbr.rel @!p2 .LBB1_6-.Ltmp1, $4  }
0x1d: {  	s12 =	simm.s32 @!p1 $0x2  }
0x1e: {  	s14 =	sadd.s32 $0x1, s10;
	_ =	swait.ge @!p1 [sflag:s12], $0x2000  }
0x1f: {  	s11 =	smov.u32 s9;
	p0 =	por !p0, !p0;
	[sflag:s12] =	ssyncset.done @!p1 $0x0  }
0x20: {  	s10 =	smov.u32 s14;
	s9 =	smov.u32 s13;
	[sflag:s12] =	ssyncadd.s32 @!p1 $0xFFFFE000  }
.LBB1_1:
0x21: {  	p1 =	sge.u32 s10, s6  }
0x22: {  	s12 =	sand.u32 @!p1 $0x1FFFFFF, s9  }
0x23: {  	s13 =	smulhi.u32 @!p1 $0x147AE15, s12;
	_ =	sdelay $0x1  }
0x24: {  	s13 =	sshrl.u32 @!p1 s13, $0xC  }
0x25: {  	s13 =	smul.u32 @!p1 $0xC8000, s13;
	_ =	sdelay $0x1  }
0x26: {  	s31 =	sadd.s32 $0xFFFFFFFF, s10;
	s14 =	sxor.u32 @!p1 $0xFFFFFFFF, s10;
	s12 =	ssub.s32 @!p1 s12, s13  }
0x27: {  	s15 =	simm.s32 @!p1 $0x80;
	s14 =	sshll.u32 @!p1 s14, $0xD;
	s12 =	sshll.u32 @!p1 s12, $0x4  }
0x28: {  	s13 =	sand.u32 @!p1 $0x2000, s14;
	s14 =	simm.s32 @!p1 $0x40;
	s12 =	sadd.s32 @!p1 s4, s12  }
0x29: {  	[tilespmem:s13], [sflag:$0x1] =	stream.strided.gather @!p1 [hbm4b:s12+s14], $0x2000, s15, s14, $0x38;
	[tilespmem:$0x8080] =	vst v63  }
0x2a: {  	p1 =	sge.u32 s31, s6  }
.Ltmp2:
0x2b: {  	_ = 	snop;
	(pc) =	sbr.rel @p1 .LBB1_5-.Ltmp2, $1  }
0x2c: {  	_ =	sdelay $0x3  }
0x2d: {  	s12 =	simm.s32 $0x1  }
0x2e: {  	_ =	swait.ge [sflag:s5], $0x2000;
	s12 =	simm.s32 @!p0 $0x0  }
0x2f: {  	[sflag:s5] =	ssyncset.done $0x0;
	s13 =	sshll.u32 s12, $0xD  }
0x30: {  	[sflag:s5] =	ssyncadd.s32 $0xFFFFE000;
	s16 =	sor.u32 $0x20, s13  }
0x31: {  	s12 =	smul.u32 $0x8100, s12;
	v3 =	vld [tilespmem:s16+$0x10]  }
0x32: {  	s30 =	sand.u32 $0x1, s10;
	v2 =	vld [tilespmem:s16+$0xFFFFFFF0]  }
0x33: {  	s13 =	smul.u32 $0x8100, s30;
	s12 =	sshrl.u32 s12, $0x2;
	v0 =	vld [tilespmem:s16+$0x0]  }
0x34: {  	v1 =	vld [tilespmem:s16+$0xFFFFFFE0];
	s14 =	sor.u32 $0x4000, s12  }
0x35: {  	s31 =	sshrl.u32 s13, $0x2;
	s13 =	sadd.s32 $0x0, s14  }
0x36: {  	s15 =	simm.s32 $0x4;
	s16 =	sadd.s32 $0x40, s16;
	s12 =	sor.u32 $0x4000, s31;
	[tilespmem:s13+$0x1830 ss:$0x81] =	vst.msk $0xffff, v3  }
.LBB1_3:
0x37: {  	v3 =	vld [tilespmem:s16+$0x10];
	p1 =	sne.s32 s15, $0x1FC;
	[tilespmem:s13+$0x810 ss:$0x81] =	vst.msk $0xffff, v2;
	s17 =	smov.u32 s15;
	s15 =	sadd.s32 $0x4, s15  }
.Ltmp3:
0x38: {  	v2 =	vld [tilespmem:s16+$0xFFFFFFF0];
	[tilespmem:s13+$0x1020 ss:$0x81] =	vst.msk $0xffff, v0;
	(pc) =	sbr.rel @p1 .LBB1_3-.Ltmp3, $4  }
0x39: {  	v0 =	vld [tilespmem:s16+$0x0];
	[tilespmem:s13+$0x0 ss:$0x81] =	vst.msk $0xffff, v1  }
0x3a: {  	s13 =	sshra.s32 s17, $0x2;
	v1 =	vld [tilespmem:s16+$0xFFFFFFE0]  }
0x3b: {  	s13 =	sadd.s32 s13, s14  }
0x3c: {  	s16 =	sadd.s32 $0x40, s16;
	[tilespmem:s13+$0x1830 ss:$0x81] =	vst.msk $0xffff, v3  }
.Ltmp4:
0x3d: {  	_ = 	snop;
	(pc) =	sbr.rel .LBB1_4-.Ltmp4, $1  }
0x3e: {  	_ =	sdelay $0x3  }
.LBB1_6:
0x3f: {  	_ =	sfence.sel $0x180000  }
0x40: {  	s2 =	simm.s32 $0x1;
	[bflag:$0x0] =	sbarrier.arrive $0xFFFF  }
0x41: {  	s31 =	simm.s32 $0x2;
	[sflag:s2] =	ssyncpa.u1 $0x1  }
0x42: {  	[sflag:s31] =	ssyncpa.u1 $0x1  }
0x43: {  	p0 =	sne.s32 s0, $0x0;
	_ =	strace $0x9000004A  }
0x44: {  	s0 =	sadd.s32 @!p0 $0x100000, s1;
	[bflag:$0x2] =	sbarrier.arrive $0xFFFF  }
0x45: {  	[sflag:s0] =	ssyncadd.tile.s32 @!p0 $0x1;
	_ =	shalt  }
.Lfunc_end1:
_tile_overlayer_lowered:
.L_overlay_start_2:
0x46: {  	(tag) =	ssettag $0x2  }
0x47: {  	s0 =	rddreg [dreg:$0x0];
	s2 =	stileid.u32  }
0x48: {  	s1 =	rddreg [dreg:$0x1];
	p0 =	sne.s32 s2, $0x0  }
0x49: {  	s3 =	rddreg [dreg:$0x2];
	[bflag:$0x3] =	sbarrier.arrive $0xFFFF;
	s2 =	simm.s32 @!p0 $0x1C01  }
0x4a: {  	[timem:s3], [sflag:s2] =	dma.local @!p0 [hbm:s0], s1  }
0x4b: {  	s0 =	simm.s32 @!p0 $0x1  }
0x4c: {  	_ =	swait.ge @!p0 [sflag:s0], s1  }
0x4d: {  	s1 =	ssub.s32 @!p0 $0x0, s1;
	[sflag:s0] =	ssyncset.done @!p0 $0x0  }
0x4e: {  	[sflag:s0] =	ssyncadd.s32 @!p0 s1  }
0x4f: {  	[bflag:$0x3] =	sbarrier.arrive $0xFFFF  }
0x50: {  	_ =	shalt  }

</sc_bundles>
